<compile_context>
chip_gen: v7x
topology: tpu7x:2x2x1
jax: 0.10.2.dev20260603
libtpu: 0.0.44.dev20260713+nightly
codegen_flags: <defaults>
</compile_context>

<pallas_src>
import functools

import jax
import jax.numpy as jnp
from jax import lax
from jax.experimental import pallas as pl
from jax.experimental.pallas import tpu as pltpu
from jax.experimental.pallas import tpu_sc as plsc

NUM_CATS = 16
EPS = 0.1
B, N, H, W = 4, 64, 256, 256
N_BLK = 64
HCHUNK = 64
NCHUNKS = H // HCHUNK
L = 16


def _reduce_body(p_ref, g_ref, w_ref, inter_ref, union_ref, gmax_ref):
    nb = pl.program_id(1)
    c = pl.program_id(2)
    p = p_ref[0]
    g = g_ref[0]
    w = w_ref[0]
    pg = p * g
    s = p + g
    inter = jnp.sum(pg * w, axis=(1, 2))
    union = jnp.sum(s * w, axis=(1, 2)) - inter
    gm = jnp.max(g, axis=(1, 2))

    @pl.when(c == 0)
    def _init():
        inter_ref[0, 0, 0, :] = inter
        union_ref[0, 0, 0, :] = union
        gmax_ref[0, 0, 0, :] = gm

    @pl.when(c != 0)
    def _acc():
        inter_ref[0, 0, 0, :] += inter
        union_ref[0, 0, 0, :] += union
        gmax_ref[0, 0, 0, :] = jnp.maximum(gmax_ref[0, 0, 0, :], gm)


def _spatial_reduce(pred, gt, weights):
    weights = weights.reshape(B, 1, H, W)
    out_sds = jax.ShapeDtypeStruct((B, N // N_BLK, 1, N_BLK), jnp.float32)
    io_spec = pl.BlockSpec((1, N_BLK, HCHUNK, W), lambda b, nb, c: (b, nb, c, 0))
    w_spec = pl.BlockSpec((1, 1, HCHUNK, W), lambda b, nb, c: (b, 0, c, 0))
    o_spec = pl.BlockSpec((1, 1, 1, N_BLK), lambda b, nb, c: (b, nb, 0, 0))
    return pl.pallas_call(
        _reduce_body,
        grid=(B, N // N_BLK, NCHUNKS),
        in_specs=[io_spec, io_spec, w_spec],
        out_specs=[o_spec, o_spec, o_spec],
        out_shape=[out_sds, out_sds, out_sds],
    )(pred, gt, weights)


def _lane_perm(x, perm):
    return lax.gather(
        x, perm[:, None],
        lax.GatherDimensionNumbers(offset_dims=(), collapsed_slice_dims=(0,),
                                   start_index_map=(0,)),
        (1,), mode=lax.GatherScatterMode.PROMISE_IN_BOUNDS)


def _vsum(x, li):
    for shift in (8, 4, 2, 1):
        x = x + _lane_perm(x, jnp.bitwise_and(li + shift, L - 1))
    return x


def _epilogue_body(inter_h, union_h, gmax_h, fg_h, cat_h, o0_h, o1_h,
                   inter_v, union_v, gmax_v, fg_v, cat_v, o0_v, o1_v, sem):
    cid = lax.axis_index("c")
    sid = lax.axis_index("s")

    @pl.when((cid == 0) & (sid == 0))
    def _():
        c1 = pltpu.async_copy(inter_h, inter_v, sem)
        c2 = pltpu.async_copy(union_h, union_v, sem)
        c3 = pltpu.async_copy(gmax_h, gmax_v, sem)
        c4 = pltpu.async_copy(fg_h, fg_v, sem)
        c5 = pltpu.async_copy(cat_h, cat_v, sem)
        c1.wait()
        c2.wait()
        c3.wait()
        c4.wait()
        c5.wait()

        part_num = [jnp.zeros((L,), jnp.float32) for _ in range(NUM_CATS)]
        part_den = [jnp.zeros((L,), jnp.float32) for _ in range(NUM_CATS)]
        zero = jnp.zeros((L,), jnp.float32)
        for i in range(B):
            for jj in range(N // L):
                nbi, j = divmod(jj * L, N_BLK)
                sl = pl.ds(j, L)
                it = inter_v[i, nbi, 0, sl]
                un = union_v[i, nbi, 0, sl]
                gm = gmax_v[i, nbi, 0, sl]
                fg = fg_v[i, pl.ds(jj * L, L)]
                kt = cat_v[i, pl.ds(jj * L, L)]
                iou = it / (un + 1e-6)
                x2 = iou * iou
                x4 = x2 * x2
                y = 1.0 - iou
                y2 = y * y
                y4 = y2 * y2
                tp = x4 / (x4 + y4)
                fp = 1.0 - tp
                gnz = jnp.where(gm > 0.0, 1.0, 0.0)
                tpi = tp * fg * gnz
                numt = tpi * iou
                dent = tpi + 0.5 * (fp * gnz) + 0.5 * ((1.0 - gnz) * fp * fg)
                for c in range(NUM_CATS):
                    m = kt == c
                    part_num[c] = part_num[c] + jnp.where(m, numt, zero)
                    part_den[c] = part_den[c] + jnp.where(m, dent, zero)

        li = lax.iota(jnp.int32, L)
        num_acc = jnp.zeros((L,), jnp.float32)
        den_acc = jnp.zeros((L,), jnp.float32)
        for c in range(NUM_CATS):
            num_acc = num_acc + jnp.where(li == c, _vsum(part_num[c], li), zero)
            den_acc = den_acc + jnp.where(li == c, _vsum(part_den[c], li), zero)

        validf = jnp.where(den_acc > 0.0, 1.0, 0.0)
        pq = (num_acc + EPS) / (den_acc + EPS)
        pqv = validf * pq
        n_valid = _vsum(validf, li)
        full_pq = _vsum(pqv, li) / n_valid
        o0_v[...] = 1.0 - full_pq
        o1_v[...] = pqv / (full_pq * n_valid + 1e-06)
        d1 = pltpu.async_copy(o0_v, o0_h, sem)
        d2 = pltpu.async_copy(o1_v, o1_h, sem)
        d1.wait()
        d2.wait()


@functools.lru_cache(maxsize=1)
def _build_epilogue():
    return functools.partial(
        pl.kernel,
        out_type=[jax.ShapeDtypeStruct((L,), jnp.float32),
                  jax.ShapeDtypeStruct((NUM_CATS,), jnp.float32)],
        mesh=plsc.VectorSubcoreMesh(core_axis_name="c", subcore_axis_name="s"),
        scratch_types=[pltpu.VMEM((B, N // N_BLK, 1, N_BLK), jnp.float32),
                       pltpu.VMEM((B, N // N_BLK, 1, N_BLK), jnp.float32),
                       pltpu.VMEM((B, N // N_BLK, 1, N_BLK), jnp.float32),
                       pltpu.VMEM((B, N), jnp.float32),
                       pltpu.VMEM((B, N), jnp.int32),
                       pltpu.VMEM((L,), jnp.float32),
                       pltpu.VMEM((L,), jnp.float32),
                       pltpu.SemaphoreType.DMA],
    )(_epilogue_body)


def kernel(pan_pred_batch, pan_gt_batch, weights, foreground_prob, category_ids):
    inter, union, gmax = _spatial_reduce(pan_pred_batch, pan_gt_batch, weights)
    o0, o1 = _build_epilogue()(inter, union, gmax, foreground_prob, category_ids)
    return (o0[0], o1)

# --- scband reference (transcript-rebuilt; emitter-appended) ---
"""Pipeline reference for scband-panoptic-quality-loss-37538014167510 (READ-ONLY COPY).

The authoritative reference and input builder live on the scoring server;
editing this copy changes nothing except your own understanding.
"""

import jax, jax.numpy as jnp
import numpy as np

NUM_CATS = 16
EPS = 0.1


def soft_threshold(x, threshold=0.5, beta=4.0):
    assert threshold == 0.5
    return jnp.power(x, beta) / (jnp.power(x, beta) + jnp.power(1.0 - x, beta))


def similarity_function(pred, gt, w, dims):
    # soft (weighted) IoU reduced over spatial dims
    inter = jnp.sum(pred * gt * w, axis=tuple(dims))
    union = jnp.sum((pred + gt - pred * gt) * w, axis=tuple(dims))
    return inter / (union + 1e-6)


def setup_inputs(seed: int = 0) -> dict:
    key = jax.random.key(seed)
    k1, k2, k3, k4, k5 = jax.random.split(key, 5)
    B, N, H, W = 4, 64, 256, 256
    return {
        "pan_pred_batch": jax.random.uniform(k1, (B, N, H, W), dtype=jnp.float32),
        "pan_gt_batch": jax.random.uniform(k2, (B, N, H, W), dtype=jnp.float32),
        "weights": jax.random.uniform(k3, (B, H, W), dtype=jnp.float32),
        "foreground_prob": jax.random.uniform(k4, (B, N), dtype=jnp.float32),
        "category_ids": jax.random.randint(k5, (B, N), 0, NUM_CATS, dtype=jnp.int64 if jax.config.read('jax_enable_x64') else jnp.int32),
    }


def reference(pan_pred_batch, pan_gt_batch, weights, foreground_prob, category_ids):
    # ious: [B, N]
    ious = similarity_function(pan_pred_batch, pan_gt_batch, weights[:, None, :, :], [2, 3])
    true_probability = soft_threshold(ious, threshold=0.5)
    false_probability = 1.0 - true_probability
    gt_non_zero_mask = jnp.any(jnp.any(pan_gt_batch > 0, axis=2), axis=2).astype(jnp.float32)

    tp_indicator = true_probability * foreground_prob * gt_non_zero_mask
    num_terms = tp_indicator * ious
    soft_fn = false_probability * gt_non_zero_mask
    soft_fp = (1.0 - gt_non_zero_mask) * false_probability * foreground_prob
    den_terms = tp_indicator + 0.5 * soft_fn + 0.5 * soft_fp

    # per-category segment reduction over all (batch, slot) pairs
    seg = category_ids.reshape(-1)
    numerator = jax.ops.segment_sum(num_terms.reshape(-1), seg, num_segments=NUM_CATS)
    denominator = jax.ops.segment_sum(den_terms.reshape(-1), seg, num_segments=NUM_CATS)

    valid = denominator > 0
    pq_per_cat = (numerator + EPS) / (denominator + EPS)
    n_valid = jnp.sum(valid.astype(jnp.float32))
    full_pq = jnp.sum(jnp.where(valid, pq_per_cat, 0.0)) / n_valid
    log_frac_pq_per_cat = jnp.where(valid, pq_per_cat, 0.0) / (full_pq * n_valid + 1e-06)
    return (1.0 - full_pq, log_frac_pq_per_cat)

if __name__ == "__main__":
    import jax
    _d = setup_inputs()
    print(jax.jit(kernel)(*tuple(_d.values())))

</pallas_src>

<mosaic_0001>
#map = affine_map<(d0, d1) -> (0, 0, 0, 0)>
#map1 = affine_map<(d0, d1) -> (0, 0)>
#map2 = affine_map<(d0, d1) -> (0)>
module attributes {stable_mosaic.version = 14 : i64} {
  func.func @_epilogue_body(%arg0: i32, %arg1: i32, %arg2: memref<4x1x1x64xf32, #tpu.memory_space<hbm>>, %arg3: memref<4x1x1x64xf32, #tpu.memory_space<hbm>>, %arg4: memref<4x1x1x64xf32, #tpu.memory_space<hbm>>, %arg5: memref<4x64xf32, #tpu.memory_space<hbm>>, %arg6: memref<4x64xi32, #tpu.memory_space<hbm>>, %arg7: memref<16xf32, #tpu.memory_space<hbm>>, %arg8: memref<16xf32, #tpu.memory_space<hbm>>, %arg9: memref<4x1x1x64xf32, #tpu.memory_space<vmem>>, %arg10: memref<4x1x1x64xf32, #tpu.memory_space<vmem>>, %arg11: memref<4x1x1x64xf32, #tpu.memory_space<vmem>>, %arg12: memref<4x64xf32, #tpu.memory_space<vmem>>, %arg13: memref<4x64xi32, #tpu.memory_space<vmem>>, %arg14: memref<16xf32, #tpu.memory_space<vmem>>, %arg15: memref<16xf32, #tpu.memory_space<vmem>>, %arg16: memref<!tpu.dma_semaphore, #tpu.memory_space<semaphore_mem>>) attributes {dimension_semantics = [#tpu.dimension_semantics<core_parallel>, #tpu.dimension_semantics<subcore_parallel>], iteration_bounds = array<i64: 2, 16>, scalar_prefetch = 0 : i64, scratch_operands = 8 : i64, tpu.core_type = #tpu.core_type<sc_vector_subcore>, window_params = [{transform_indices = #map}, {transform_indices = #map}, {transform_indices = #map}, {transform_indices = #map1}, {transform_indices = #map1}, {transform_indices = #map2}, {transform_indices = #map2}]} {
    %eq3A = arith.constant 0 : i32
    %eq3A_0 = arith.cmpi eq, %arg0, %eq3A : i32
    %eq3A_1 = arith.constant 0 : i32
    %eq3A_2 = arith.cmpi eq, %arg1, %eq3A_1 : i32
    %and3A = arith.andi %eq3A_0, %eq3A_2 : i1
    %convert_element_type3A = arith.extui %and3A : i1 to i32
    %cond3A = arith.constant 0 : i32
    %cond3A_3 = arith.cmpi ne, %convert_element_type3A, %cond3A : i32
    scf.if %cond3A_3 {
      tpu.enqueue_dma source(%arg2 : memref<4x1x1x64xf32, #tpu.memory_space<hbm>>) target(%arg9 : memref<4x1x1x64xf32, #tpu.memory_space<vmem>>) target_semaphore(%arg16 : memref<!tpu.dma_semaphore, #tpu.memory_space<semaphore_mem>>)
      tpu.enqueue_dma source(%arg3 : memref<4x1x1x64xf32, #tpu.memory_space<hbm>>) target(%arg10 : memref<4x1x1x64xf32, #tpu.memory_space<vmem>>) target_semaphore(%arg16 : memref<!tpu.dma_semaphore, #tpu.memory_space<semaphore_mem>>)
      tpu.enqueue_dma source(%arg4 : memref<4x1x1x64xf32, #tpu.memory_space<hbm>>) target(%arg11 : memref<4x1x1x64xf32, #tpu.memory_space<vmem>>) target_semaphore(%arg16 : memref<!tpu.dma_semaphore, #tpu.memory_space<semaphore_mem>>)
      tpu.enqueue_dma source(%arg5 : memref<4x64xf32, #tpu.memory_space<hbm>>) target(%arg12 : memref<4x64xf32, #tpu.memory_space<vmem>>) target_semaphore(%arg16 : memref<!tpu.dma_semaphore, #tpu.memory_space<semaphore_mem>>)
      tpu.enqueue_dma source(%arg6 : memref<4x64xi32, #tpu.memory_space<hbm>>) target(%arg13 : memref<4x64xi32, #tpu.memory_space<vmem>>) target_semaphore(%arg16 : memref<!tpu.dma_semaphore, #tpu.memory_space<semaphore_mem>>)
      tpu.wait_dma2 semaphore(%arg16 : memref<!tpu.dma_semaphore, #tpu.memory_space<semaphore_mem>>) src(%arg2 : memref<4x1x1x64xf32, #tpu.memory_space<hbm>>) dst(%arg9 : memref<4x1x1x64xf32, #tpu.memory_space<vmem>>)
      tpu.wait_dma2 semaphore(%arg16 : memref<!tpu.dma_semaphore, #tpu.memory_space<semaphore_mem>>) src(%arg3 : memref<4x1x1x64xf32, #tpu.memory_space<hbm>>) dst(%arg10 : memref<4x1x1x64xf32, #tpu.memory_space<vmem>>)
      tpu.wait_dma2 semaphore(%arg16 : memref<!tpu.dma_semaphore, #tpu.memory_space<semaphore_mem>>) src(%arg4 : memref<4x1x1x64xf32, #tpu.memory_space<hbm>>) dst(%arg11 : memref<4x1x1x64xf32, #tpu.memory_space<vmem>>)
      tpu.wait_dma2 semaphore(%arg16 : memref<!tpu.dma_semaphore, #tpu.memory_space<semaphore_mem>>) src(%arg5 : memref<4x64xf32, #tpu.memory_space<hbm>>) dst(%arg12 : memref<4x64xf32, #tpu.memory_space<vmem>>)
      tpu.wait_dma2 semaphore(%arg16 : memref<!tpu.dma_semaphore, #tpu.memory_space<semaphore_mem>>) src(%arg6 : memref<4x64xi32, #tpu.memory_space<hbm>>) dst(%arg13 : memref<4x64xi32, #tpu.memory_space<vmem>>)
      %broadcast_in_dim3A = arith.constant 0.000000e+00 : f32
      %broadcast_in_dim3A_4 = vector.broadcast %broadcast_in_dim3A : f32 to vector<16xf32>
      %broadcast_in_dim3A_5 = arith.constant 0.000000e+00 : f32
      %broadcast_in_dim3A_6 = vector.broadcast %broadcast_in_dim3A_5 : f32 to vector<16xf32>
      %broadcast_in_dim3A_7 = arith.constant 0.000000e+00 : f32
      %broadcast_in_dim3A_8 = vector.broadcast %broadcast_in_dim3A_7 : f32 to vector<16xf32>
      %broadcast_in_dim3A_9 = arith.constant 0.000000e+00 : f32
      %broadcast_in_dim3A_10 = vector.broadcast %broadcast_in_dim3A_9 : f32 to vector<16xf32>
      %broadcast_in_dim3A_11 = arith.constant 0.000000e+00 : f32
      %broadcast_in_dim3A_12 = vector.broadcast %broadcast_in_dim3A_11 : f32 to vector<16xf32>
      %broadcast_in_dim3A_13 = arith.constant 0.000000e+00 : f32
      %broadcast_in_dim3A_14 = vector.broadcast %broadcast_in_dim3A_13 : f32 to vector<16xf32>
      %broadcast_in_dim3A_15 = arith.constant 0.000000e+00 : f32
      %broadcast_in_dim3A_16 = vector.broadcast %broadcast_in_dim3A_15 : f32 to vector<16xf32>
      %broadcast_in_dim3A_17 = arith.constant 0.000000e+00 : f32
      %broadcast_in_dim3A_18 = vector.broadcast %broadcast_in_dim3A_17 : f32 to vector<16xf32>
      %broadcast_in_dim3A_19 = arith.constant 0.000000e+00 : f32
      %broadcast_in_dim3A_20 = vector.broadcast %broadcast_in_dim3A_19 : f32 to vector<16xf32>
      %broadcast_in_dim3A_21 = arith.constant 0.000000e+00 : f32
      %broadcast_in_dim3A_22 = vector.broadcast %broadcast_in_dim3A_21 : f32 to vector<16xf32>
      %broadcast_in_dim3A_23 = arith.constant 0.000000e+00 : f32
      %broadcast_in_dim3A_24 = vector.broadcast %broadcast_in_dim3A_23 : f32 to vector<16xf32>
      %broadcast_in_dim3A_25 = arith.constant 0.000000e+00 : f32
      %broadcast_in_dim3A_26 = vector.broadcast %broadcast_in_dim3A_25 : f32 to vector<16xf32>
      %broadcast_in_dim3A_27 = arith.constant 0.000000e+00 : f32
      %broadcast_in_dim3A_28 = vector.broadcast %broadcast_in_dim3A_27 : f32 to vector<16xf32>
      %broadcast_in_dim3A_29 = arith.constant 0.000000e+00 : f32
      %broadcast_in_dim3A_30 = vector.broadcast %broadcast_in_dim3A_29 : f32 to vector<16xf32>
      %broadcast_in_dim3A_31 = arith.constant 0.000000e+00 : f32
      %broadcast_in_dim3A_32 = vector.broadcast %broadcast_in_dim3A_31 : f32 to vector<16xf32>
      %broadcast_in_dim3A_33 = arith.constant 0.000000e+00 : f32
      %broadcast_in_dim3A_34 = vector.broadcast %broadcast_in_dim3A_33 : f32 to vector<16xf32>
      %broadcast_in_dim3A_35 = arith.constant 0.000000e+00 : f32
      %broadcast_in_dim3A_36 = vector.broadcast %broadcast_in_dim3A_35 : f32 to vector<16xf32>
      %broadcast_in_dim3A_37 = arith.constant 0.000000e+00 : f32
      %broadcast_in_dim3A_38 = vector.broadcast %broadcast_in_dim3A_37 : f32 to vector<16xf32>
      %broadcast_in_dim3A_39 = arith.constant 0.000000e+00 : f32
      %broadcast_in_dim3A_40 = vector.broadcast %broadcast_in_dim3A_39 : f32 to vector<16xf32>
      %broadcast_in_dim3A_41 = arith.constant 0.000000e+00 : f32
      %broadcast_in_dim3A_42 = vector.broadcast %broadcast_in_dim3A_41 : f32 to vector<16xf32>
      %broadcast_in_dim3A_43 = arith.constant 0.000000e+00 : f32
      %broadcast_in_dim3A_44 = vector.broadcast %broadcast_in_dim3A_43 : f32 to vector<16xf32>
      %broadcast_in_dim3A_45 = arith.constant 0.000000e+00 : f32
      %broadcast_in_dim3A_46 = vector.broadcast %broadcast_in_dim3A_45 : f32 to vector<16xf32>
      %broadcast_in_dim3A_47 = arith.constant 0.000000e+00 : f32
      %broadcast_in_dim3A_48 = vector.broadcast %broadcast_in_dim3A_47 : f32 to vector<16xf32>
      %broadcast_in_dim3A_49 = arith.constant 0.000000e+00 : f32
      %broadcast_in_dim3A_50 = vector.broadcast %broadcast_in_dim3A_49 : f32 to vector<16xf32>
      %broadcast_in_dim3A_51 = arith.constant 0.000000e+00 : f32
      %broadcast_in_dim3A_52 = vector.broadcast %broadcast_in_dim3A_51 : f32 to vector<16xf32>
      %broadcast_in_dim3A_53 = arith.constant 0.000000e+00 : f32
      %broadcast_in_dim3A_54 = vector.broadcast %broadcast_in_dim3A_53 : f32 to vector<16xf32>
      %broadcast_in_dim3A_55 = arith.constant 0.000000e+00 : f32
      %broadcast_in_dim3A_56 = vector.broadcast %broadcast_in_dim3A_55 : f32 to vector<16xf32>
      %broadcast_in_dim3A_57 = arith.constant 0.000000e+00 : f32
      %broadcast_in_dim3A_58 = vector.broadcast %broadcast_in_dim3A_57 : f32 to vector<16xf32>
      %broadcast_in_dim3A_59 = arith.constant 0.000000e+00 : f32
      %broadcast_in_dim3A_60 = vector.broadcast %broadcast_in_dim3A_59 : f32 to vector<16xf32>
      %broadcast_in_dim3A_61 = arith.constant 0.000000e+00 : f32
      %broadcast_in_dim3A_62 = vector.broadcast %broadcast_in_dim3A_61 : f32 to vector<16xf32>
      %broadcast_in_dim3A_63 = arith.constant 0.000000e+00 : f32
      %broadcast_in_dim3A_64 = vector.broadcast %broadcast_in_dim3A_63 : f32 to vector<16xf32>
      %broadcast_in_dim3A_65 = arith.constant 0.000000e+00 : f32
      %broadcast_in_dim3A_66 = vector.broadcast %broadcast_in_dim3A_65 : f32 to vector<16xf32>
      %broadcast_in_dim3A_67 = arith.constant 0.000000e+00 : f32
      %broadcast_in_dim3A_68 = vector.broadcast %broadcast_in_dim3A_67 : f32 to vector<16xf32>
      %get3A = arith.constant 0 : i32
      %get3A_69 = arith.constant 0 : i32
      %get3A_70 = arith.constant 0 : i32
      %get3A_71 = arith.index_cast %get3A : i32 to index
      %get3A_72 = arith.index_cast %get3A_69 : i32 to index
      %get3A_73 = arith.index_cast %get3A_70 : i32 to index
      %get3A_74 = arith.constant 0 : index
      %get3A_75 = tpu.vector_load %arg9[%get3A_71, %get3A_72, %get3A_73, %get3A_74] {strides = array<i32>} : memref<4x1x1x64xf32, #tpu.memory_space<vmem>>, vector<1x1x1x16xf32>,
      %get3A_76 = vector.shape_cast %get3A_75 : vector<1x1x1x16xf32> to vector<16xf32>
      %get3A_77 = arith.constant 0 : i32
      %get3A_78 = arith.constant 0 : i32
      %get3A_79 = arith.constant 0 : i32
      %get3A_80 = arith.index_cast %get3A_77 : i32 to index
      %get3A_81 = arith.index_cast %get3A_78 : i32 to index
      %get3A_82 = arith.index_cast %get3A_79 : i32 to index
      %get3A_83 = arith.constant 0 : index
      %get3A_84 = tpu.vector_load %arg10[%get3A_80, %get3A_81, %get3A_82, %get3A_83] {strides = array<i32>} : memref<4x1x1x64xf32, #tpu.memory_space<vmem>>, vector<1x1x1x16xf32>,
      %get3A_85 = vector.shape_cast %get3A_84 : vector<1x1x1x16xf32> to vector<16xf32>
      %get3A_86 = arith.constant 0 : i32
      %get3A_87 = arith.constant 0 : i32
      %get3A_88 = arith.constant 0 : i32
      %get3A_89 = arith.index_cast %get3A_86 : i32 to index
      %get3A_90 = arith.index_cast %get3A_87 : i32 to index
      %get3A_91 = arith.index_cast %get3A_88 : i32 to index
      %get3A_92 = arith.constant 0 : index
      %get3A_93 = tpu.vector_load %arg11[%get3A_89, %get3A_90, %get3A_91, %get3A_92] {strides = array<i32>} : memref<4x1x1x64xf32, #tpu.memory_space<vmem>>, vector<1x1x1x16xf32>,
      %get3A_94 = vector.shape_cast %get3A_93 : vector<1x1x1x16xf32> to vector<16xf32>
      %get3A_95 = arith.constant 0 : i32
      %get3A_96 = arith.index_cast %get3A_95 : i32 to index
      %get3A_97 = arith.constant 0 : index
      %get3A_98 = tpu.vector_load %arg12[%get3A_96, %get3A_97] {strides = array<i32>} : memref<4x64xf32, #tpu.memory_space<vmem>>, vector<1x16xf32>,
      %get3A_99 = vector.shape_cast %get3A_98 : vector<1x16xf32> to vector<16xf32>
      %get3A_100 = arith.constant 0 : i32
      %get3A_101 = arith.index_cast %get3A_100 : i32 to index
      %get3A_102 = arith.constant 0 : index
      %get3A_103 = tpu.vector_load %arg13[%get3A_101, %get3A_102] {strides = array<i32>} : memref<4x64xi32, #tpu.memory_space<vmem>>, vector<1x16xi32>,
      %get3A_104 = vector.shape_cast %get3A_103 : vector<1x16xi32> to vector<16xi32>
      %add3A = arith.constant 9.99999997E-7 : f32
      %add3A_105 = vector.broadcast %add3A : f32 to vector<16xf32>
      %add3A_106 = arith.addf %get3A_85, %add3A_105 : vector<16xf32>
      %div3A = arith.divf %get3A_76, %add3A_106 : vector<16xf32>
      %mul3A = arith.mulf %div3A, %div3A : vector<16xf32>
      %mul3A_107 = arith.mulf %mul3A, %mul3A : vector<16xf32>
      %sub3A = arith.constant 1.000000e+00 : f32
      %sub3A_108 = vector.broadcast %sub3A : f32 to vector<16xf32>
      %sub3A_109 = arith.subf %sub3A_108, %div3A : vector<16xf32>
      %mul3A_110 = arith.mulf %sub3A_109, %sub3A_109 : vector<16xf32>
      %mul3A_111 = arith.mulf %mul3A_110, %mul3A_110 : vector<16xf32>
      %add3A_112 = arith.addf %mul3A_107, %mul3A_111 : vector<16xf32>
      %div3A_113 = arith.divf %mul3A_107, %add3A_112 : vector<16xf32>
      %sub3A_114 = arith.constant 1.000000e+00 : f32
      %sub3A_115 = vector.broadcast %sub3A_114 : f32 to vector<16xf32>
      %sub3A_116 = arith.subf %sub3A_115, %div3A_113 : vector<16xf32>
      %gt3A = arith.constant 0.000000e+00 : f32
      %gt3A_117 = vector.broadcast %gt3A : f32 to vector<16xf32>
      %gt3A_118 = arith.cmpf ogt, %get3A_94, %gt3A_117 : vector<16xf32>
      %jit3A = arith.constant 1.000000e+00 : f32
      %jit3A_119 = arith.constant 0.000000e+00 : f32
      %broadcast_in_dim3A_120 = vector.broadcast %jit3A : f32 to vector<16xf32>
      %broadcast_in_dim3A_121 = vector.broadcast %jit3A_119 : f32 to vector<16xf32>
      %select_n3A = arith.select %gt3A_118, %broadcast_in_dim3A_120, %broadcast_in_dim3A_121 : vector<16xi1>, vector<16xf32>
      %mul3A_122 = arith.mulf %div3A_113, %get3A_99 : vector<16xf32>
      %mul3A_123 = arith.mulf %mul3A_122, %select_n3A : vector<16xf32>
      %mul3A_124 = arith.mulf %mul3A_123, %div3A : vector<16xf32>
      %mul3A_125 = arith.mulf %sub3A_116, %select_n3A : vector<16xf32>
      %mul3A_126 = arith.constant 5.000000e-01 : f32
      %mul3A_127 = vector.broadcast %mul3A_126 : f32 to vector<16xf32>
      %mul3A_128 = arith.mulf %mul3A_127, %mul3A_125 : vector<16xf32>
      %add3A_129 = arith.addf %mul3A_123, %mul3A_128 : vector<16xf32>
      %sub3A_130 = arith.constant 1.000000e+00 : f32
      %sub3A_131 = vector.broadcast %sub3A_130 : f32 to vector<16xf32>
      %sub3A_132 = arith.subf %sub3A_131, %select_n3A : vector<16xf32>
      %mul3A_133 = arith.mulf %sub3A_132, %sub3A_116 : vector<16xf32>
      %mul3A_134 = arith.mulf %mul3A_133, %get3A_99 : vector<16xf32>
      %mul3A_135 = arith.constant 5.000000e-01 : f32
      %mul3A_136 = vector.broadcast %mul3A_135 : f32 to vector<16xf32>
      %mul3A_137 = arith.mulf %mul3A_136, %mul3A_134 : vector<16xf32>
      %add3A_138 = arith.addf %add3A_129, %mul3A_137 : vector<16xf32>
      %eq3A_139 = arith.constant 0 : i32
      %eq3A_140 = vector.broadcast %eq3A_139 : i32 to vector<16xi32>
      %eq3A_141 = arith.cmpi eq, %get3A_104, %eq3A_140 : vector<16xi32>
      %select_n3A_142 = arith.select %eq3A_141, %mul3A_124, %broadcast_in_dim3A_68 : vector<16xi1>, vector<16xf32>
      %add3A_143 = arith.addf %broadcast_in_dim3A_4, %select_n3A_142 : vector<16xf32>
      %select_n3A_144 = arith.select %eq3A_141, %add3A_138, %broadcast_in_dim3A_68 : vector<16xi1>, vector<16xf32>
      %add3A_145 = arith.addf %broadcast_in_dim3A_36, %select_n3A_144 : vector<16xf32>
      %eq3A_146 = arith.constant 1 : i32
      %eq3A_147 = vector.broadcast %eq3A_146 : i32 to vector<16xi32>
      %eq3A_148 = arith.cmpi eq, %get3A_104, %eq3A_147 : vector<16xi32>
      %select_n3A_149 = arith.select %eq3A_148, %mul3A_124, %broadcast_in_dim3A_68 : vector<16xi1>, vector<16xf32>
      %add3A_150 = arith.addf %broadcast_in_dim3A_6, %select_n3A_149 : vector<16xf32>
      %select_n3A_151 = arith.select %eq3A_148, %add3A_138, %broadcast_in_dim3A_68 : vector<16xi1>, vector<16xf32>
      %add3A_152 = arith.addf %broadcast_in_dim3A_38, %select_n3A_151 : vector<16xf32>
      %eq3A_153 = arith.constant 2 : i32
      %eq3A_154 = vector.broadcast %eq3A_153 : i32 to vector<16xi32>
      %eq3A_155 = arith.cmpi eq, %get3A_104, %eq3A_154 : vector<16xi32>
      %select_n3A_156 = arith.select %eq3A_155, %mul3A_124, %broadcast_in_dim3A_68 : vector<16xi1>, vector<16xf32>
      %add3A_157 = arith.addf %broadcast_in_dim3A_8, %select_n3A_156 : vector<16xf32>
      %select_n3A_158 = arith.select %eq3A_155, %add3A_138, %broadcast_in_dim3A_68 : vector<16xi1>, vector<16xf32>
      %add3A_159 = arith.addf %broadcast_in_dim3A_40, %select_n3A_158 : vector<16xf32>
      %eq3A_160 = arith.constant 3 : i32
      %eq3A_161 = vector.broadcast %eq3A_160 : i32 to vector<16xi32>
      %eq3A_162 = arith.cmpi eq, %get3A_104, %eq3A_161 : vector<16xi32>
      %select_n3A_163 = arith.select %eq3A_162, %mul3A_124, %broadcast_in_dim3A_68 : vector<16xi1>, vector<16xf32>
      %add3A_164 = arith.addf %broadcast_in_dim3A_10, %select_n3A_163 : vector<16xf32>
      %select_n3A_165 = arith.select %eq3A_162, %add3A_138, %broadcast_in_dim3A_68 : vector<16xi1>, vector<16xf32>
      %add3A_166 = arith.addf %broadcast_in_dim3A_42, %select_n3A_165 : vector<16xf32>
      %eq3A_167 = arith.constant 4 : i32
      %eq3A_168 = vector.broadcast %eq3A_167 : i32 to vector<16xi32>
      %eq3A_169 = arith.cmpi eq, %get3A_104, %eq3A_168 : vector<16xi32>
      %select_n3A_170 = arith.select %eq3A_169, %mul3A_124, %broadcast_in_dim3A_68 : vector<16xi1>, vector<16xf32>
      %add3A_171 = arith.addf %broadcast_in_dim3A_12, %select_n3A_170 : vector<16xf32>
      %select_n3A_172 = arith.select %eq3A_169, %add3A_138, %broadcast_in_dim3A_68 : vector<16xi1>, vector<16xf32>
      %add3A_173 = arith.addf %broadcast_in_dim3A_44, %select_n3A_172 : vector<16xf32>
      %eq3A_174 = arith.constant 5 : i32
      %eq3A_175 = vector.broadcast %eq3A_174 : i32 to vector<16xi32>
      %eq3A_176 = arith.cmpi eq, %get3A_104, %eq3A_175 : vector<16xi32>
      %select_n3A_177 = arith.select %eq3A_176, %mul3A_124, %broadcast_in_dim3A_68 : vector<16xi1>, vector<16xf32>
      %add3A_178 = arith.addf %broadcast_in_dim3A_14, %select_n3A_177 : vector<16xf32>
      %select_n3A_179 = arith.select %eq3A_176, %add3A_138, %broadcast_in_dim3A_68 : vector<16xi1>, vector<16xf32>
      %add3A_180 = arith.addf %broadcast_in_dim3A_46, %select_n3A_179 : vector<16xf32>
      %eq3A_181 = arith.constant 6 : i32
      %eq3A_182 = vector.broadcast %eq3A_181 : i32 to vector<16xi32>
      %eq3A_183 = arith.cmpi eq, %get3A_104, %eq3A_182 : vector<16xi32>
      %select_n3A_184 = arith.select %eq3A_183, %mul3A_124, %broadcast_in_dim3A_68 : vector<16xi1>, vector<16xf32>
      %add3A_185 = arith.addf %broadcast_in_dim3A_16, %select_n3A_184 : vector<16xf32>
      %select_n3A_186 = arith.select %eq3A_183, %add3A_138, %broadcast_in_dim3A_68 : vector<16xi1>, vector<16xf32>
      %add3A_187 = arith.addf %broadcast_in_dim3A_48, %select_n3A_186 : vector<16xf32>
      %eq3A_188 = arith.constant 7 : i32
      %eq3A_189 = vector.broadcast %eq3A_188 : i32 to vector<16xi32>
      %eq3A_190 = arith.cmpi eq, %get3A_104, %eq3A_189 : vector<16xi32>
      %select_n3A_191 = arith.select %eq3A_190, %mul3A_124, %broadcast_in_dim3A_68 : vector<16xi1>, vector<16xf32>
      %add3A_192 = arith.addf %broadcast_in_dim3A_18, %select_n3A_191 : vector<16xf32>
      %select_n3A_193 = arith.select %eq3A_190, %add3A_138, %broadcast_in_dim3A_68 : vector<16xi1>, vector<16xf32>
      %add3A_194 = arith.addf %broadcast_in_dim3A_50, %select_n3A_193 : vector<16xf32>
      %eq3A_195 = arith.constant 8 : i32
      %eq3A_196 = vector.broadcast %eq3A_195 : i32 to vector<16xi32>
      %eq3A_197 = arith.cmpi eq, %get3A_104, %eq3A_196 : vector<16xi32>
      %select_n3A_198 = arith.select %eq3A_197, %mul3A_124, %broadcast_in_dim3A_68 : vector<16xi1>, vector<16xf32>
      %add3A_199 = arith.addf %broadcast_in_dim3A_20, %select_n3A_198 : vector<16xf32>
      %select_n3A_200 = arith.select %eq3A_197, %add3A_138, %broadcast_in_dim3A_68 : vector<16xi1>, vector<16xf32>
      %add3A_201 = arith.addf %broadcast_in_dim3A_52, %select_n3A_200 : vector<16xf32>
      %eq3A_202 = arith.constant 9 : i32
      %eq3A_203 = vector.broadcast %eq3A_202 : i32 to vector<16xi32>
      %eq3A_204 = arith.cmpi eq, %get3A_104, %eq3A_203 : vector<16xi32>
      %select_n3A_205 = arith.select %eq3A_204, %mul3A_124, %broadcast_in_dim3A_68 : vector<16xi1>, vector<16xf32>
      %add3A_206 = arith.addf %broadcast_in_dim3A_22, %select_n3A_205 : vector<16xf32>
      %select_n3A_207 = arith.select %eq3A_204, %add3A_138, %broadcast_in_dim3A_68 : vector<16xi1>, vector<16xf32>
      %add3A_208 = arith.addf %broadcast_in_dim3A_54, %select_n3A_207 : vector<16xf32>
      %eq3A_209 = arith.constant 10 : i32
      %eq3A_210 = vector.broadcast %eq3A_209 : i32 to vector<16xi32>
      %eq3A_211 = arith.cmpi eq, %get3A_104, %eq3A_210 : vector<16xi32>
      %select_n3A_212 = arith.select %eq3A_211, %mul3A_124, %broadcast_in_dim3A_68 : vector<16xi1>, vector<16xf32>
      %add3A_213 = arith.addf %broadcast_in_dim3A_24, %select_n3A_212 : vector<16xf32>
      %select_n3A_214 = arith.select %eq3A_211, %add3A_138, %broadcast_in_dim3A_68 : vector<16xi1>, vector<16xf32>
      %add3A_215 = arith.addf %broadcast_in_dim3A_56, %select_n3A_214 : vector<16xf32>
      %eq3A_216 = arith.constant 11 : i32
      %eq3A_217 = vector.broadcast %eq3A_216 : i32 to vector<16xi32>
      %eq3A_218 = arith.cmpi eq, %get3A_104, %eq3A_217 : vector<16xi32>
      %select_n3A_219 = arith.select %eq3A_218, %mul3A_124, %broadcast_in_dim3A_68 : vector<16xi1>, vector<16xf32>
      %add3A_220 = arith.addf %broadcast_in_dim3A_26, %select_n3A_219 : vector<16xf32>
      %select_n3A_221 = arith.select %eq3A_218, %add3A_138, %broadcast_in_dim3A_68 : vector<16xi1>, vector<16xf32>
      %add3A_222 = arith.addf %broadcast_in_dim3A_58, %select_n3A_221 : vector<16xf32>
      %eq3A_223 = arith.constant 12 : i32
      %eq3A_224 = vector.broadcast %eq3A_223 : i32 to vector<16xi32>
      %eq3A_225 = arith.cmpi eq, %get3A_104, %eq3A_224 : vector<16xi32>
      %select_n3A_226 = arith.select %eq3A_225, %mul3A_124, %broadcast_in_dim3A_68 : vector<16xi1>, vector<16xf32>
      %add3A_227 = arith.addf %broadcast_in_dim3A_28, %select_n3A_226 : vector<16xf32>
      %select_n3A_228 = arith.select %eq3A_225, %add3A_138, %broadcast_in_dim3A_68 : vector<16xi1>, vector<16xf32>
      %add3A_229 = arith.addf %broadcast_in_dim3A_60, %select_n3A_228 : vector<16xf32>
      %eq3A_230 = arith.constant 13 : i32
      %eq3A_231 = vector.broadcast %eq3A_230 : i32 to vector<16xi32>
      %eq3A_232 = arith.cmpi eq, %get3A_104, %eq3A_231 : vector<16xi32>
      %select_n3A_233 = arith.select %eq3A_232, %mul3A_124, %broadcast_in_dim3A_68 : vector<16xi1>, vector<16xf32>
      %add3A_234 = arith.addf %broadcast_in_dim3A_30, %select_n3A_233 : vector<16xf32>
      %select_n3A_235 = arith.select %eq3A_232, %add3A_138, %broadcast_in_dim3A_68 : vector<16xi1>, vector<16xf32>
      %add3A_236 = arith.addf %broadcast_in_dim3A_62, %select_n3A_235 : vector<16xf32>
      %eq3A_237 = arith.constant 14 : i32
      %eq3A_238 = vector.broadcast %eq3A_237 : i32 to vector<16xi32>
      %eq3A_239 = arith.cmpi eq, %get3A_104, %eq3A_238 : vector<16xi32>
      %select_n3A_240 = arith.select %eq3A_239, %mul3A_124, %broadcast_in_dim3A_68 : vector<16xi1>, vector<16xf32>
      %add3A_241 = arith.addf %broadcast_in_dim3A_32, %select_n3A_240 : vector<16xf32>
      %select_n3A_242 = arith.select %eq3A_239, %add3A_138, %broadcast_in_dim3A_68 : vector<16xi1>, vector<16xf32>
      %add3A_243 = arith.addf %broadcast_in_dim3A_64, %select_n3A_242 : vector<16xf32>
      %eq3A_244 = arith.constant 15 : i32
      %eq3A_245 = vector.broadcast %eq3A_244 : i32 to vector<16xi32>
      %eq3A_246 = arith.cmpi eq, %get3A_104, %eq3A_245 : vector<16xi32>
      %select_n3A_247 = arith.select %eq3A_246, %mul3A_124, %broadcast_in_dim3A_68 : vector<16xi1>, vector<16xf32>
      %add3A_248 = arith.addf %broadcast_in_dim3A_34, %select_n3A_247 : vector<16xf32>
      %select_n3A_249 = arith.select %eq3A_246, %add3A_138, %broadcast_in_dim3A_68 : vector<16xi1>, vector<16xf32>
      %add3A_250 = arith.addf %broadcast_in_dim3A_66, %select_n3A_249 : vector<16xf32>
      %get3A_251 = arith.constant 0 : i32
      %get3A_252 = arith.constant 0 : i32
      %get3A_253 = arith.constant 0 : i32
      %get3A_254 = arith.index_cast %get3A_251 : i32 to index
      %get3A_255 = arith.index_cast %get3A_252 : i32 to index
      %get3A_256 = arith.index_cast %get3A_253 : i32 to index
      %get3A_257 = arith.constant 16 : index
      %get3A_258 = tpu.vector_load %arg9[%get3A_254, %get3A_255, %get3A_256, %get3A_257] {strides = array<i32>} : memref<4x1x1x64xf32, #tpu.memory_space<vmem>>, vector<1x1x1x16xf32>,
      %get3A_259 = vector.shape_cast %get3A_258 : vector<1x1x1x16xf32> to vector<16xf32>
      %get3A_260 = arith.constant 0 : i32
      %get3A_261 = arith.constant 0 : i32
      %get3A_262 = arith.constant 0 : i32
      %get3A_263 = arith.index_cast %get3A_260 : i32 to index
      %get3A_264 = arith.index_cast %get3A_261 : i32 to index
      %get3A_265 = arith.index_cast %get3A_262 : i32 to index
      %get3A_266 = arith.constant 16 : index
      %get3A_267 = tpu.vector_load %arg10[%get3A_263, %get3A_264, %get3A_265, %get3A_266] {strides = array<i32>} : memref<4x1x1x64xf32, #tpu.memory_space<vmem>>, vector<1x1x1x16xf32>,
      %get3A_268 = vector.shape_cast %get3A_267 : vector<1x1x1x16xf32> to vector<16xf32>
      %get3A_269 = arith.constant 0 : i32
      %get3A_270 = arith.constant 0 : i32
      %get3A_271 = arith.constant 0 : i32
      %get3A_272 = arith.index_cast %get3A_269 : i32 to index
      %get3A_273 = arith.index_cast %get3A_270 : i32 to index
      %get3A_274 = arith.index_cast %get3A_271 : i32 to index
      %get3A_275 = arith.constant 16 : index
      %get3A_276 = tpu.vector_load %arg11[%get3A_272, %get3A_273, %get3A_274, %get3A_275] {strides = array<i32>} : memref<4x1x1x64xf32, #tpu.memory_space<vmem>>, vector<1x1x1x16xf32>,
      %get3A_277 = vector.shape_cast %get3A_276 : vector<1x1x1x16xf32> to vector<16xf32>
      %get3A_278 = arith.constant 0 : i32
      %get3A_279 = arith.index_cast %get3A_278 : i32 to index
      %get3A_280 = arith.constant 16 : index
      %get3A_281 = tpu.vector_load %arg12[%get3A_279, %get3A_280] {strides = array<i32>} : memref<4x64xf32, #tpu.memory_space<vmem>>, vector<1x16xf32>,
      %get3A_282 = vector.shape_cast %get3A_281 : vector<1x16xf32> to vector<16xf32>
      %get3A_283 = arith.constant 0 : i32
      %get3A_284 = arith.index_cast %get3A_283 : i32 to index
      %get3A_285 = arith.constant 16 : index
      %get3A_286 = tpu.vector_load %arg13[%get3A_284, %get3A_285] {strides = array<i32>} : memref<4x64xi32, #tpu.memory_space<vmem>>, vector<1x16xi32>,
      %get3A_287 = vector.shape_cast %get3A_286 : vector<1x16xi32> to vector<16xi32>
      %add3A_288 = arith.constant 9.99999997E-7 : f32
      %add3A_289 = vector.broadcast %add3A_288 : f32 to vector<16xf32>
      %add3A_290 = arith.addf %get3A_268, %add3A_289 : vector<16xf32>
      %div3A_291 = arith.divf %get3A_259, %add3A_290 : vector<16xf32>
      %mul3A_292 = arith.mulf %div3A_291, %div3A_291 : vector<16xf32>
      %mul3A_293 = arith.mulf %mul3A_292, %mul3A_292 : vector<16xf32>
      %sub3A_294 = arith.constant 1.000000e+00 : f32
      %sub3A_295 = vector.broadcast %sub3A_294 : f32 to vector<16xf32>
      %sub3A_296 = arith.subf %sub3A_295, %div3A_291 : vector<16xf32>
      %mul3A_297 = arith.mulf %sub3A_296, %sub3A_296 : vector<16xf32>
      %mul3A_298 = arith.mulf %mul3A_297, %mul3A_297 : vector<16xf32>
      %add3A_299 = arith.addf %mul3A_293, %mul3A_298 : vector<16xf32>
      %div3A_300 = arith.divf %mul3A_293, %add3A_299 : vector<16xf32>
      %sub3A_301 = arith.constant 1.000000e+00 : f32
      %sub3A_302 = vector.broadcast %sub3A_301 : f32 to vector<16xf32>
      %sub3A_303 = arith.subf %sub3A_302, %div3A_300 : vector<16xf32>
      %gt3A_304 = arith.constant 0.000000e+00 : f32
      %gt3A_305 = vector.broadcast %gt3A_304 : f32 to vector<16xf32>
      %gt3A_306 = arith.cmpf ogt, %get3A_277, %gt3A_305 : vector<16xf32>
      %jit3A_307 = arith.constant 1.000000e+00 : f32
      %jit3A_308 = arith.constant 0.000000e+00 : f32
      %broadcast_in_dim3A_309 = vector.broadcast %jit3A_307 : f32 to vector<16xf32>
      %broadcast_in_dim3A_310 = vector.broadcast %jit3A_308 : f32 to vector<16xf32>
      %select_n3A_311 = arith.select %gt3A_306, %broadcast_in_dim3A_309, %broadcast_in_dim3A_310 : vector<16xi1>, vector<16xf32>
      %mul3A_312 = arith.mulf %div3A_300, %get3A_282 : vector<16xf32>
      %mul3A_313 = arith.mulf %mul3A_312, %select_n3A_311 : vector<16xf32>
      %mul3A_314 = arith.mulf %mul3A_313, %div3A_291 : vector<16xf32>
      %mul3A_315 = arith.mulf %sub3A_303, %select_n3A_311 : vector<16xf32>
      %mul3A_316 = arith.constant 5.000000e-01 : f32
      %mul3A_317 = vector.broadcast %mul3A_316 : f32 to vector<16xf32>
      %mul3A_318 = arith.mulf %mul3A_317, %mul3A_315 : vector<16xf32>
      %add3A_319 = arith.addf %mul3A_313, %mul3A_318 : vector<16xf32>
      %sub3A_320 = arith.constant 1.000000e+00 : f32
      %sub3A_321 = vector.broadcast %sub3A_320 : f32 to vector<16xf32>
      %sub3A_322 = arith.subf %sub3A_321, %select_n3A_311 : vector<16xf32>
      %mul3A_323 = arith.mulf %sub3A_322, %sub3A_303 : vector<16xf32>
      %mul3A_324 = arith.mulf %mul3A_323, %get3A_282 : vector<16xf32>
      %mul3A_325 = arith.constant 5.000000e-01 : f32
      %mul3A_326 = vector.broadcast %mul3A_325 : f32 to vector<16xf32>
      %mul3A_327 = arith.mulf %mul3A_326, %mul3A_324 : vector<16xf32>
      %add3A_328 = arith.addf %add3A_319, %mul3A_327 : vector<16xf32>
      %eq3A_329 = arith.constant 0 : i32
      %eq3A_330 = vector.broadcast %eq3A_329 : i32 to vector<16xi32>
      %eq3A_331 = arith.cmpi eq, %get3A_287, %eq3A_330 : vector<16xi32>
      %select_n3A_332 = arith.select %eq3A_331, %mul3A_314, %broadcast_in_dim3A_68 : vector<16xi1>, vector<16xf32>
      %add3A_333 = arith.addf %add3A_143, %select_n3A_332 : vector<16xf32>
      %select_n3A_334 = arith.select %eq3A_331, %add3A_328, %broadcast_in_dim3A_68 : vector<16xi1>, vector<16xf32>
      %add3A_335 = arith.addf %add3A_145, %select_n3A_334 : vector<16xf32>
      %eq3A_336 = arith.constant 1 : i32
      %eq3A_337 = vector.broadcast %eq3A_336 : i32 to vector<16xi32>
      %eq3A_338 = arith.cmpi eq, %get3A_287, %eq3A_337 : vector<16xi32>
      %select_n3A_339 = arith.select %eq3A_338, %mul3A_314, %broadcast_in_dim3A_68 : vector<16xi1>, vector<16xf32>
      %add3A_340 = arith.addf %add3A_150, %select_n3A_339 : vector<16xf32>
      %select_n3A_341 = arith.select %eq3A_338, %add3A_328, %broadcast_in_dim3A_68 : vector<16xi1>, vector<16xf32>
      %add3A_342 = arith.addf %add3A_152, %select_n3A_341 : vector<16xf32>
      %eq3A_343 = arith.constant 2 : i32
      %eq3A_344 = vector.broadcast %eq3A_343 : i32 to vector<16xi32>
      %eq3A_345 = arith.cmpi eq, %get3A_287, %eq3A_344 : vector<16xi32>
      %select_n3A_346 = arith.select %eq3A_345, %mul3A_314, %broadcast_in_dim3A_68 : vector<16xi1>, vector<16xf32>
      %add3A_347 = arith.addf %add3A_157, %select_n3A_346 : vector<16xf32>
      %select_n3A_348 = arith.select %eq3A_345, %add3A_328, %broadcast_in_dim3A_68 : vector<16xi1>, vector<16xf32>
      %add3A_349 = arith.addf %add3A_159, %select_n3A_348 : vector<16xf32>
      %eq3A_350 = arith.constant 3 : i32
      %eq3A_351 = vector.broadcast %eq3A_350 : i32 to vector<16xi32>
      %eq3A_352 = arith.cmpi eq, %get3A_287, %eq3A_351 : vector<16xi32>
      %select_n3A_353 = arith.select %eq3A_352, %mul3A_314, %broadcast_in_dim3A_68 : vector<16xi1>, vector<16xf32>
      %add3A_354 = arith.addf %add3A_164, %select_n3A_353 : vector<16xf32>
      %select_n3A_355 = arith.select %eq3A_352, %add3A_328, %broadcast_in_dim3A_68 : vector<16xi1>, vector<16xf32>
      %add3A_356 = arith.addf %add3A_166, %select_n3A_355 : vector<16xf32>
      %eq3A_357 = arith.constant 4 : i32
      %eq3A_358 = vector.broadcast %eq3A_357 : i32 to vector<16xi32>
      %eq3A_359 = arith.cmpi eq, %get3A_287, %eq3A_358 : vector<16xi32>
      %select_n3A_360 = arith.select %eq3A_359, %mul3A_314, %broadcast_in_dim3A_68 : vector<16xi1>, vector<16xf32>
      %add3A_361 = arith.addf %add3A_171, %select_n3A_360 : vector<16xf32>
      %select_n3A_362 = arith.select %eq3A_359, %add3A_328, %broadcast_in_dim3A_68 : vector<16xi1>, vector<16xf32>
      %add3A_363 = arith.addf %add3A_173, %select_n3A_362 : vector<16xf32>
      %eq3A_364 = arith.constant 5 : i32
      %eq3A_365 = vector.broadcast %eq3A_364 : i32 to vector<16xi32>
      %eq3A_366 = arith.cmpi eq, %get3A_287, %eq3A_365 : vector<16xi32>
      %select_n3A_367 = arith.select %eq3A_366, %mul3A_314, %broadcast_in_dim3A_68 : vector<16xi1>, vector<16xf32>
      %add3A_368 = arith.addf %add3A_178, %select_n3A_367 : vector<16xf32>
      %select_n3A_369 = arith.select %eq3A_366, %add3A_328, %broadcast_in_dim3A_68 : vector<16xi1>, vector<16xf32>
      %add3A_370 = arith.addf %add3A_180, %select_n3A_369 : vector<16xf32>
      %eq3A_371 = arith.constant 6 : i32
      %eq3A_372 = vector.broadcast %eq3A_371 : i32 to vector<16xi32>
      %eq3A_373 = arith.cmpi eq, %get3A_287, %eq3A_372 : vector<16xi32>
      %select_n3A_374 = arith.select %eq3A_373, %mul3A_314, %broadcast_in_dim3A_68 : vector<16xi1>, vector<16xf32>
      %add3A_375 = arith.addf %add3A_185, %select_n3A_374 : vector<16xf32>
      %select_n3A_376 = arith.select %eq3A_373, %add3A_328, %broadcast_in_dim3A_68 : vector<16xi1>, vector<16xf32>
      %add3A_377 = arith.addf %add3A_187, %select_n3A_376 : vector<16xf32>
      %eq3A_378 = arith.constant 7 : i32
      %eq3A_379 = vector.broadcast %eq3A_378 : i32 to vector<16xi32>
      %eq3A_380 = arith.cmpi eq, %get3A_287, %eq3A_379 : vector<16xi32>
      %select_n3A_381 = arith.select %eq3A_380, %mul3A_314, %broadcast_in_dim3A_68 : vector<16xi1>, vector<16xf32>
      %add3A_382 = arith.addf %add3A_192, %select_n3A_381 : vector<16xf32>
      %select_n3A_383 = arith.select %eq3A_380, %add3A_328, %broadcast_in_dim3A_68 : vector<16xi1>, vector<16xf32>
      %add3A_384 = arith.addf %add3A_194, %select_n3A_383 : vector<16xf32>
      %eq3A_385 = arith.constant 8 : i32
      %eq3A_386 = vector.broadcast %eq3A_385 : i32 to vector<16xi32>
      %eq3A_387 = arith.cmpi eq, %get3A_287, %eq3A_386 : vector<16xi32>
      %select_n3A_388 = arith.select %eq3A_387, %mul3A_314, %broadcast_in_dim3A_68 : vector<16xi1>, vector<16xf32>
      %add3A_389 = arith.addf %add3A_199, %select_n3A_388 : vector<16xf32>
      %select_n3A_390 = arith.select %eq3A_387, %add3A_328, %broadcast_in_dim3A_68 : vector<16xi1>, vector<16xf32>
      %add3A_391 = arith.addf %add3A_201, %select_n3A_390 : vector<16xf32>
      %eq3A_392 = arith.constant 9 : i32
      %eq3A_393 = vector.broadcast %eq3A_392 : i32 to vector<16xi32>
      %eq3A_394 = arith.cmpi eq, %get3A_287, %eq3A_393 : vector<16xi32>
      %select_n3A_395 = arith.select %eq3A_394, %mul3A_314, %broadcast_in_dim3A_68 : vector<16xi1>, vector<16xf32>
      %add3A_396 = arith.addf %add3A_206, %select_n3A_395 : vector<16xf32>
      %select_n3A_397 = arith.select %eq3A_394, %add3A_328, %broadcast_in_dim3A_68 : vector<16xi1>, vector<16xf32>
      %add3A_398 = arith.addf %add3A_208, %select_n3A_397 : vector<16xf32>
      %eq3A_399 = arith.constant 10 : i32
      %eq3A_400 = vector.broadcast %eq3A_399 : i32 to vector<16xi32>
      %eq3A_401 = arith.cmpi eq, %get3A_287, %eq3A_400 : vector<16xi32>
      %select_n3A_402 = arith.select %eq3A_401, %mul3A_314, %broadcast_in_dim3A_68 : vector<16xi1>, vector<16xf32>
      %add3A_403 = arith.addf %add3A_213, %select_n3A_402 : vector<16xf32>
      %select_n3A_404 = arith.select %eq3A_401, %add3A_328, %broadcast_in_dim3A_68 : vector<16xi1>, vector<16xf32>
      %add3A_405 = arith.addf %add3A_215, %select_n3A_404 : vector<16xf32>
      %eq3A_406 = arith.constant 11 : i32
      %eq3A_407 = vector.broadcast %eq3A_406 : i32 to vector<16xi32>
      %eq3A_408 = arith.cmpi eq, %get3A_287, %eq3A_407 : vector<16xi32>
      %select_n3A_409 = arith.select %eq3A_408, %mul3A_314, %broadcast_in_dim3A_68 : vector<16xi1>, vector<16xf32>
      %add3A_410 = arith.addf %add3A_220, %select_n3A_409 : vector<16xf32>
      %select_n3A_411 = arith.select %eq3A_408, %add3A_328, %broadcast_in_dim3A_68 : vector<16xi1>, vector<16xf32>
      %add3A_412 = arith.addf %add3A_222, %select_n3A_411 : vector<16xf32>
      %eq3A_413 = arith.constant 12 : i32
      %eq3A_414 = vector.broadcast %eq3A_413 : i32 to vector<16xi32>
      %eq3A_415 = arith.cmpi eq, %get3A_287, %eq3A_414 : vector<16xi32>
      %select_n3A_416 = arith.select %eq3A_415, %mul3A_314, %broadcast_in_dim3A_68 : vector<16xi1>, vector<16xf32>
      %add3A_417 = arith.addf %add3A_227, %select_n3A_416 : vector<16xf32>
      %select_n3A_418 = arith.select %eq3A_415, %add3A_328, %broadcast_in_dim3A_68 : vector<16xi1>, vector<16xf32>
      %add3A_419 = arith.addf %add3A_229, %select_n3A_418 : vector<16xf32>
      %eq3A_420 = arith.constant 13 : i32
      %eq3A_421 = vector.broadcast %eq3A_420 : i32 to vector<16xi32>
      %eq3A_422 = arith.cmpi eq, %get3A_287, %eq3A_421 : vector<16xi32>
      %select_n3A_423 = arith.select %eq3A_422, %mul3A_314, %broadcast_in_dim3A_68 : vector<16xi1>, vector<16xf32>
      %add3A_424 = arith.addf %add3A_234, %select_n3A_423 : vector<16xf32>
      %select_n3A_425 = arith.select %eq3A_422, %add3A_328, %broadcast_in_dim3A_68 : vector<16xi1>, vector<16xf32>
      %add3A_426 = arith.addf %add3A_236, %select_n3A_425 : vector<16xf32>
      %eq3A_427 = arith.constant 14 : i32
      %eq3A_428 = vector.broadcast %eq3A_427 : i32 to vector<16xi32>
      %eq3A_429 = arith.cmpi eq, %get3A_287, %eq3A_428 : vector<16xi32>
      %select_n3A_430 = arith.select %eq3A_429, %mul3A_314, %broadcast_in_dim3A_68 : vector<16xi1>, vector<16xf32>
      %add3A_431 = arith.addf %add3A_241, %select_n3A_430 : vector<16xf32>
      %select_n3A_432 = arith.select %eq3A_429, %add3A_328, %broadcast_in_dim3A_68 : vector<16xi1>, vector<16xf32>
      %add3A_433 = arith.addf %add3A_243, %select_n3A_432 : vector<16xf32>
      %eq3A_434 = arith.constant 15 : i32
      %eq3A_435 = vector.broadcast %eq3A_434 : i32 to vector<16xi32>
      %eq3A_436 = arith.cmpi eq, %get3A_287, %eq3A_435 : vector<16xi32>
      %select_n3A_437 = arith.select %eq3A_436, %mul3A_314, %broadcast_in_dim3A_68 : vector<16xi1>, vector<16xf32>
      %add3A_438 = arith.addf %add3A_248, %select_n3A_437 : vector<16xf32>
      %select_n3A_439 = arith.select %eq3A_436, %add3A_328, %broadcast_in_dim3A_68 : vector<16xi1>, vector<16xf32>
      %add3A_440 = arith.addf %add3A_250, %select_n3A_439 : vector<16xf32>
      %get3A_441 = arith.constant 0 : i32
      %get3A_442 = arith.constant 0 : i32
      %get3A_443 = arith.constant 0 : i32
      %get3A_444 = arith.index_cast %get3A_441 : i32 to index
      %get3A_445 = arith.index_cast %get3A_442 : i32 to index
      %get3A_446 = arith.index_cast %get3A_443 : i32 to index
      %get3A_447 = arith.constant 32 : index
      %get3A_448 = tpu.vector_load %arg9[%get3A_444, %get3A_445, %get3A_446, %get3A_447] {strides = array<i32>} : memref<4x1x1x64xf32, #tpu.memory_space<vmem>>, vector<1x1x1x16xf32>,
      %get3A_449 = vector.shape_cast %get3A_448 : vector<1x1x1x16xf32> to vector<16xf32>
      %get3A_450 = arith.constant 0 : i32
      %get3A_451 = arith.constant 0 : i32
      %get3A_452 = arith.constant 0 : i32
      %get3A_453 = arith.index_cast %get3A_450 : i32 to index
      %get3A_454 = arith.index_cast %get3A_451 : i32 to index
      %get3A_455 = arith.index_cast %get3A_452 : i32 to index
      %get3A_456 = arith.constant 32 : index
      %get3A_457 = tpu.vector_load %arg10[%get3A_453, %get3A_454, %get3A_455, %get3A_456] {strides = array<i32>} : memref<4x1x1x64xf32, #tpu.memory_space<vmem>>, vector<1x1x1x16xf32>,
      %get3A_458 = vector.shape_cast %get3A_457 : vector<1x1x1x16xf32> to vector<16xf32>
      %get3A_459 = arith.constant 0 : i32
      %get3A_460 = arith.constant 0 : i32
      %get3A_461 = arith.constant 0 : i32
      %get3A_462 = arith.index_cast %get3A_459 : i32 to index
      %get3A_463 = arith.index_cast %get3A_460 : i32 to index
      %get3A_464 = arith.index_cast %get3A_461 : i32 to index
      %get3A_465 = arith.constant 32 : index
      %get3A_466 = tpu.vector_load %arg11[%get3A_462, %get3A_463, %get3A_464, %get3A_465] {strides = array<i32>} : memref<4x1x1x64xf32, #tpu.memory_space<vmem>>, vector<1x1x1x16xf32>,
      %get3A_467 = vector.shape_cast %get3A_466 : vector<1x1x1x16xf32> to vector<16xf32>
      %get3A_468 = arith.constant 0 : i32
      %get3A_469 = arith.index_cast %get3A_468 : i32 to index
      %get3A_470 = arith.constant 32 : index
      %get3A_471 = tpu.vector_load %arg12[%get3A_469, %get3A_470] {strides = array<i32>} : memref<4x64xf32, #tpu.memory_space<vmem>>, vector<1x16xf32>,
      %get3A_472 = vector.shape_cast %get3A_471 : vector<1x16xf32> to vector<16xf32>
      %get3A_473 = arith.constant 0 : i32
      %get3A_474 = arith.index_cast %get3A_473 : i32 to index
      %get3A_475 = arith.constant 32 : index
      %get3A_476 = tpu.vector_load %arg13[%get3A_474, %get3A_475] {strides = array<i32>} : memref<4x64xi32, #tpu.memory_space<vmem>>, vector<1x16xi32>,
      %get3A_477 = vector.shape_cast %get3A_476 : vector<1x16xi32> to vector<16xi32>
      %add3A_478 = arith.constant 9.99999997E-7 : f32
      %add3A_479 = vector.broadcast %add3A_478 : f32 to vector<16xf32>
      %add3A_480 = arith.addf %get3A_458, %add3A_479 : vector<16xf32>
      %div3A_481 = arith.divf %get3A_449, %add3A_480 : vector<16xf32>
      %mul3A_482 = arith.mulf %div3A_481, %div3A_481 : vector<16xf32>
      %mul3A_483 = arith.mulf %mul3A_482, %mul3A_482 : vector<16xf32>
      %sub3A_484 = arith.constant 1.000000e+00 : f32
      %sub3A_485 = vector.broadcast %sub3A_484 : f32 to vector<16xf32>
      %sub3A_486 = arith.subf %sub3A_485, %div3A_481 : vector<16xf32>
      %mul3A_487 = arith.mulf %sub3A_486, %sub3A_486 : vector<16xf32>
      %mul3A_488 = arith.mulf %mul3A_487, %mul3A_487 : vector<16xf32>
      %add3A_489 = arith.addf %mul3A_483, %mul3A_488 : vector<16xf32>
      %div3A_490 = arith.divf %mul3A_483, %add3A_489 : vector<16xf32>
      %sub3A_491 = arith.constant 1.000000e+00 : f32
      %sub3A_492 = vector.broadcast %sub3A_491 : f32 to vector<16xf32>
      %sub3A_493 = arith.subf %sub3A_492, %div3A_490 : vector<16xf32>
      %gt3A_494 = arith.constant 0.000000e+00 : f32
      %gt3A_495 = vector.broadcast %gt3A_494 : f32 to vector<16xf32>
      %gt3A_496 = arith.cmpf ogt, %get3A_467, %gt3A_495 : vector<16xf32>
      %jit3A_497 = arith.constant 1.000000e+00 : f32
      %jit3A_498 = arith.constant 0.000000e+00 : f32
      %broadcast_in_dim3A_499 = vector.broadcast %jit3A_497 : f32 to vector<16xf32>
      %broadcast_in_dim3A_500 = vector.broadcast %jit3A_498 : f32 to vector<16xf32>
      %select_n3A_501 = arith.select %gt3A_496, %broadcast_in_dim3A_499, %broadcast_in_dim3A_500 : vector<16xi1>, vector<16xf32>
      %mul3A_502 = arith.mulf %div3A_490, %get3A_472 : vector<16xf32>
      %mul3A_503 = arith.mulf %mul3A_502, %select_n3A_501 : vector<16xf32>
      %mul3A_504 = arith.mulf %mul3A_503, %div3A_481 : vector<16xf32>
      %mul3A_505 = arith.mulf %sub3A_493, %select_n3A_501 : vector<16xf32>
      %mul3A_506 = arith.constant 5.000000e-01 : f32
      %mul3A_507 = vector.broadcast %mul3A_506 : f32 to vector<16xf32>
      %mul3A_508 = arith.mulf %mul3A_507, %mul3A_505 : vector<16xf32>
      %add3A_509 = arith.addf %mul3A_503, %mul3A_508 : vector<16xf32>
      %sub3A_510 = arith.constant 1.000000e+00 : f32
      %sub3A_511 = vector.broadcast %sub3A_510 : f32 to vector<16xf32>
      %sub3A_512 = arith.subf %sub3A_511, %select_n3A_501 : vector<16xf32>
      %mul3A_513 = arith.mulf %sub3A_512, %sub3A_493 : vector<16xf32>
      %mul3A_514 = arith.mulf %mul3A_513, %get3A_472 : vector<16xf32>
      %mul3A_515 = arith.constant 5.000000e-01 : f32
      %mul3A_516 = vector.broadcast %mul3A_515 : f32 to vector<16xf32>
      %mul3A_517 = arith.mulf %mul3A_516, %mul3A_514 : vector<16xf32>
      %add3A_518 = arith.addf %add3A_509, %mul3A_517 : vector<16xf32>
      %eq3A_519 = arith.constant 0 : i32
      %eq3A_520 = vector.broadcast %eq3A_519 : i32 to vector<16xi32>
      %eq3A_521 = arith.cmpi eq, %get3A_477, %eq3A_520 : vector<16xi32>
      %select_n3A_522 = arith.select %eq3A_521, %mul3A_504, %broadcast_in_dim3A_68 : vector<16xi1>, vector<16xf32>
      %add3A_523 = arith.addf %add3A_333, %select_n3A_522 : vector<16xf32>
      %select_n3A_524 = arith.select %eq3A_521, %add3A_518, %broadcast_in_dim3A_68 : vector<16xi1>, vector<16xf32>
      %add3A_525 = arith.addf %add3A_335, %select_n3A_524 : vector<16xf32>
      %eq3A_526 = arith.constant 1 : i32
      %eq3A_527 = vector.broadcast %eq3A_526 : i32 to vector<16xi32>
      %eq3A_528 = arith.cmpi eq, %get3A_477, %eq3A_527 : vector<16xi32>
      %select_n3A_529 = arith.select %eq3A_528, %mul3A_504, %broadcast_in_dim3A_68 : vector<16xi1>, vector<16xf32>
      %add3A_530 = arith.addf %add3A_340, %select_n3A_529 : vector<16xf32>
      %select_n3A_531 = arith.select %eq3A_528, %add3A_518, %broadcast_in_dim3A_68 : vector<16xi1>, vector<16xf32>
      %add3A_532 = arith.addf %add3A_342, %select_n3A_531 : vector<16xf32>
      %eq3A_533 = arith.constant 2 : i32
      %eq3A_534 = vector.broadcast %eq3A_533 : i32 to vector<16xi32>
      %eq3A_535 = arith.cmpi eq, %get3A_477, %eq3A_534 : vector<16xi32>
      %select_n3A_536 = arith.select %eq3A_535, %mul3A_504, %broadcast_in_dim3A_68 : vector<16xi1>, vector<16xf32>
      %add3A_537 = arith.addf %add3A_347, %select_n3A_536 : vector<16xf32>
      %select_n3A_538 = arith.select %eq3A_535, %add3A_518, %broadcast_in_dim3A_68 : vector<16xi1>, vector<16xf32>
      %add3A_539 = arith.addf %add3A_349, %select_n3A_538 : vector<16xf32>
      %eq3A_540 = arith.constant 3 : i32
      %eq3A_541 = vector.broadcast %eq3A_540 : i32 to vector<16xi32>
      %eq3A_542 = arith.cmpi eq, %get3A_477, %eq3A_541 : vector<16xi32>
      %select_n3A_543 = arith.select %eq3A_542, %mul3A_504, %broadcast_in_dim3A_68 : vector<16xi1>, vector<16xf32>
      %add3A_544 = arith.addf %add3A_354, %select_n3A_543 : vector<16xf32>
      %select_n3A_545 = arith.select %eq3A_542, %add3A_518, %broadcast_in_dim3A_68 : vector<16xi1>, vector<16xf32>
      %add3A_546 = arith.addf %add3A_356, %select_n3A_545 : vector<16xf32>
      %eq3A_547 = arith.constant 4 : i32
      %eq3A_548 = vector.broadcast %eq3A_547 : i32 to vector<16xi32>
      %eq3A_549 = arith.cmpi eq, %get3A_477, %eq3A_548 : vector<16xi32>
      %select_n3A_550 = arith.select %eq3A_549, %mul3A_504, %broadcast_in_dim3A_68 : vector<16xi1>, vector<16xf32>
      %add3A_551 = arith.addf %add3A_361, %select_n3A_550 : vector<16xf32>
      %select_n3A_552 = arith.select %eq3A_549, %add3A_518, %broadcast_in_dim3A_68 : vector<16xi1>, vector<16xf32>
      %add3A_553 = arith.addf %add3A_363, %select_n3A_552 : vector<16xf32>
      %eq3A_554 = arith.constant 5 : i32
      %eq3A_555 = vector.broadcast %eq3A_554 : i32 to vector<16xi32>
      %eq3A_556 = arith.cmpi eq, %get3A_477, %eq3A_555 : vector<16xi32>
      %select_n3A_557 = arith.select %eq3A_556, %mul3A_504, %broadcast_in_dim3A_68 : vector<16xi1>, vector<16xf32>
      %add3A_558 = arith.addf %add3A_368, %select_n3A_557 : vector<16xf32>
      %select_n3A_559 = arith.select %eq3A_556, %add3A_518, %broadcast_in_dim3A_68 : vector<16xi1>, vector<16xf32>
      %add3A_560 = arith.addf %add3A_370, %select_n3A_559 : vector<16xf32>
      %eq3A_561 = arith.constant 6 : i32
      %eq3A_562 = vector.broadcast %eq3A_561 : i32 to vector<16xi32>
      %eq3A_563 = arith.cmpi eq, %get3A_477, %eq3A_562 : vector<16xi32>
      %select_n3A_564 = arith.select %eq3A_563, %mul3A_504, %broadcast_in_dim3A_68 : vector<16xi1>, vector<16xf32>
      %add3A_565 = arith.addf %add3A_375, %select_n3A_564 : vector<16xf32>
      %select_n3A_566 = arith.select %eq3A_563, %add3A_518, %broadcast_in_dim3A_68 : vector<16xi1>, vector<16xf32>
      %add3A_567 = arith.addf %add3A_377, %select_n3A_566 : vector<16xf32>
      %eq3A_568 = arith.constant 7 : i32
      %eq3A_569 = vector.broadcast %eq3A_568 : i32 to vector<16xi32>
      %eq3A_570 = arith.cmpi eq, %get3A_477, %eq3A_569 : vector<16xi32>
      %select_n3A_571 = arith.select %eq3A_570, %mul3A_504, %broadcast_in_dim3A_68 : vector<16xi1>, vector<16xf32>
      %add3A_572 = arith.addf %add3A_382, %select_n3A_571 : vector<16xf32>
      %select_n3A_573 = arith.select %eq3A_570, %add3A_518, %broadcast_in_dim3A_68 : vector<16xi1>, vector<16xf32>
      %add3A_574 = arith.addf %add3A_384, %select_n3A_573 : vector<16xf32>
      %eq3A_575 = arith.constant 8 : i32
      %eq3A_576 = vector.broadcast %eq3A_575 : i32 to vector<16xi32>
      %eq3A_577 = arith.cmpi eq, %get3A_477, %eq3A_576 : vector<16xi32>
      %select_n3A_578 = arith.select %eq3A_577, %mul3A_504, %broadcast_in_dim3A_68 : vector<16xi1>, vector<16xf32>
      %add3A_579 = arith.addf %add3A_389, %select_n3A_578 : vector<16xf32>
      %select_n3A_580 = arith.select %eq3A_577, %add3A_518, %broadcast_in_dim3A_68 : vector<16xi1>, vector<16xf32>
      %add3A_581 = arith.addf %add3A_391, %select_n3A_580 : vector<16xf32>
      %eq3A_582 = arith.constant 9 : i32
      %eq3A_583 = vector.broadcast %eq3A_582 : i32 to vector<16xi32>
      %eq3A_584 = arith.cmpi eq, %get3A_477, %eq3A_583 : vector<16xi32>
      %select_n3A_585 = arith.select %eq3A_584, %mul3A_504, %broadcast_in_dim3A_68 : vector<16xi1>, vector<16xf32>
      %add3A_586 = arith.addf %add3A_396, %select_n3A_585 : vector<16xf32>
      %select_n3A_587 = arith.select %eq3A_584, %add3A_518, %broadcast_in_dim3A_68 : vector<16xi1>, vector<16xf32>
      %add3A_588 = arith.addf %add3A_398, %select_n3A_587 : vector<16xf32>
      %eq3A_589 = arith.constant 10 : i32
      %eq3A_590 = vector.broadcast %eq3A_589 : i32 to vector<16xi32>
      %eq3A_591 = arith.cmpi eq, %get3A_477, %eq3A_590 : vector<16xi32>
      %select_n3A_592 = arith.select %eq3A_591, %mul3A_504, %broadcast_in_dim3A_68 : vector<16xi1>, vector<16xf32>
      %add3A_593 = arith.addf %add3A_403, %select_n3A_592 : vector<16xf32>
      %select_n3A_594 = arith.select %eq3A_591, %add3A_518, %broadcast_in_dim3A_68 : vector<16xi1>, vector<16xf32>
      %add3A_595 = arith.addf %add3A_405, %select_n3A_594 : vector<16xf32>
      %eq3A_596 = arith.constant 11 : i32
      %eq3A_597 = vector.broadcast %eq3A_596 : i32 to vector<16xi32>
      %eq3A_598 = arith.cmpi eq, %get3A_477, %eq3A_597 : vector<16xi32>
      %select_n3A_599 = arith.select %eq3A_598, %mul3A_504, %broadcast_in_dim3A_68 : vector<16xi1>, vector<16xf32>
      %add3A_600 = arith.addf %add3A_410, %select_n3A_599 : vector<16xf32>
      %select_n3A_601 = arith.select %eq3A_598, %add3A_518, %broadcast_in_dim3A_68 : vector<16xi1>, vector<16xf32>
      %add3A_602 = arith.addf %add3A_412, %select_n3A_601 : vector<16xf32>
      %eq3A_603 = arith.constant 12 : i32
      %eq3A_604 = vector.broadcast %eq3A_603 : i32 to vector<16xi32>
      %eq3A_605 = arith.cmpi eq, %get3A_477, %eq3A_604 : vector<16xi32>
      %select_n3A_606 = arith.select %eq3A_605, %mul3A_504, %broadcast_in_dim3A_68 : vector<16xi1>, vector<16xf32>
      %add3A_607 = arith.addf %add3A_417, %select_n3A_606 : vector<16xf32>
      %select_n3A_608 = arith.select %eq3A_605, %add3A_518, %broadcast_in_dim3A_68 : vector<16xi1>, vector<16xf32>
      %add3A_609 = arith.addf %add3A_419, %select_n3A_608 : vector<16xf32>
      %eq3A_610 = arith.constant 13 : i32
      %eq3A_611 = vector.broadcast %eq3A_610 : i32 to vector<16xi32>
      %eq3A_612 = arith.cmpi eq, %get3A_477, %eq3A_611 : vector<16xi32>
      %select_n3A_613 = arith.select %eq3A_612, %mul3A_504, %broadcast_in_dim3A_68 : vector<16xi1>, vector<16xf32>
      %add3A_614 = arith.addf %add3A_424, %select_n3A_613 : vector<16xf32>
      %select_n3A_615 = arith.select %eq3A_612, %add3A_518, %broadcast_in_dim3A_68 : vector<16xi1>, vector<16xf32>
      %add3A_616 = arith.addf %add3A_426, %select_n3A_615 : vector<16xf32>
      %eq3A_617 = arith.constant 14 : i32
      %eq3A_618 = vector.broadcast %eq3A_617 : i32 to vector<16xi32>
      %eq3A_619 = arith.cmpi eq, %get3A_477, %eq3A_618 : vector<16xi32>
      %select_n3A_620 = arith.select %eq3A_619, %mul3A_504, %broadcast_in_dim3A_68 : vector<16xi1>, vector<16xf32>
      %add3A_621 = arith.addf %add3A_431, %select_n3A_620 : vector<16xf32>
      %select_n3A_622 = arith.select %eq3A_619, %add3A_518, %broadcast_in_dim3A_68 : vector<16xi1>, vector<16xf32>
      %add3A_623 = arith.addf %add3A_433, %select_n3A_622 : vector<16xf32>
      %eq3A_624 = arith.constant 15 : i32
      %eq3A_625 = vector.broadcast %eq3A_624 : i32 to vector<16xi32>
      %eq3A_626 = arith.cmpi eq, %get3A_477, %eq3A_625 : vector<16xi32>
      %select_n3A_627 = arith.select %eq3A_626, %mul3A_504, %broadcast_in_dim3A_68 : vector<16xi1>, vector<16xf32>
      %add3A_628 = arith.addf %add3A_438, %select_n3A_627 : vector<16xf32>
      %select_n3A_629 = arith.select %eq3A_626, %add3A_518, %broadcast_in_dim3A_68 : vector<16xi1>, vector<16xf32>
      %add3A_630 = arith.addf %add3A_440, %select_n3A_629 : vector<16xf32>
      %get3A_631 = arith.constant 0 : i32
      %get3A_632 = arith.constant 0 : i32
      %get3A_633 = arith.constant 0 : i32
      %get3A_634 = arith.index_cast %get3A_631 : i32 to index
      %get3A_635 = arith.index_cast %get3A_632 : i32 to index
      %get3A_636 = arith.index_cast %get3A_633 : i32 to index
      %get3A_637 = arith.constant 48 : index
      %get3A_638 = tpu.vector_load %arg9[%get3A_634, %get3A_635, %get3A_636, %get3A_637] {strides = array<i32>} : memref<4x1x1x64xf32, #tpu.memory_space<vmem>>, vector<1x1x1x16xf32>,
      %get3A_639 = vector.shape_cast %get3A_638 : vector<1x1x1x16xf32> to vector<16xf32>
      %get3A_640 = arith.constant 0 : i32
      %get3A_641 = arith.constant 0 : i32
      %get3A_642 = arith.constant 0 : i32
      %get3A_643 = arith.index_cast %get3A_640 : i32 to index
      %get3A_644 = arith.index_cast %get3A_641 : i32 to index
      %get3A_645 = arith.index_cast %get3A_642 : i32 to index
      %get3A_646 = arith.constant 48 : index
      %get3A_647 = tpu.vector_load %arg10[%get3A_643, %get3A_644, %get3A_645, %get3A_646] {strides = array<i32>} : memref<4x1x1x64xf32, #tpu.memory_space<vmem>>, vector<1x1x1x16xf32>,
      %get3A_648 = vector.shape_cast %get3A_647 : vector<1x1x1x16xf32> to vector<16xf32>
      %get3A_649 = arith.constant 0 : i32
      %get3A_650 = arith.constant 0 : i32
      %get3A_651 = arith.constant 0 : i32
      %get3A_652 = arith.index_cast %get3A_649 : i32 to index
      %get3A_653 = arith.index_cast %get3A_650 : i32 to index
      %get3A_654 = arith.index_cast %get3A_651 : i32 to index
      %get3A_655 = arith.constant 48 : index
      %get3A_656 = tpu.vector_load %arg11[%get3A_652, %get3A_653, %get3A_654, %get3A_655] {strides = array<i32>} : memref<4x1x1x64xf32, #tpu.memory_space<vmem>>, vector<1x1x1x16xf32>,
      %get3A_657 = vector.shape_cast %get3A_656 : vector<1x1x1x16xf32> to vector<16xf32>
      %get3A_658 = arith.constant 0 : i32
      %get3A_659 = arith.index_cast %get3A_658 : i32 to index
      %get3A_660 = arith.constant 48 : index
      %get3A_661 = tpu.vector_load %arg12[%get3A_659, %get3A_660] {strides = array<i32>} : memref<4x64xf32, #tpu.memory_space<vmem>>, vector<1x16xf32>,
      %get3A_662 = vector.shape_cast %get3A_661 : vector<1x16xf32> to vector<16xf32>
      %get3A_663 = arith.constant 0 : i32
      %get3A_664 = arith.index_cast %get3A_663 : i32 to index
      %get3A_665 = arith.constant 48 : index
      %get3A_666 = tpu.vector_load %arg13[%get3A_664, %get3A_665] {strides = array<i32>} : memref<4x64xi32, #tpu.memory_space<vmem>>, vector<1x16xi32>,
      %get3A_667 = vector.shape_cast %get3A_666 : vector<1x16xi32> to vector<16xi32>
      %add3A_668 = arith.constant 9.99999997E-7 : f32
      %add3A_669 = vector.broadcast %add3A_668 : f32 to vector<16xf32>
      %add3A_670 = arith.addf %get3A_648, %add3A_669 : vector<16xf32>
      %div3A_671 = arith.divf %get3A_639, %add3A_670 : vector<16xf32>
      %mul3A_672 = arith.mulf %div3A_671, %div3A_671 : vector<16xf32>
      %mul3A_673 = arith.mulf %mul3A_672, %mul3A_672 : vector<16xf32>
      %sub3A_674 = arith.constant 1.000000e+00 : f32
      %sub3A_675 = vector.broadcast %sub3A_674 : f32 to vector<16xf32>
      %sub3A_676 = arith.subf %sub3A_675, %div3A_671 : vector<16xf32>
      %mul3A_677 = arith.mulf %sub3A_676, %sub3A_676 : vector<16xf32>
      %mul3A_678 = arith.mulf %mul3A_677, %mul3A_677 : vector<16xf32>
      %add3A_679 = arith.addf %mul3A_673, %mul3A_678 : vector<16xf32>
      %div3A_680 = arith.divf %mul3A_673, %add3A_679 : vector<16xf32>
      %sub3A_681 = arith.constant 1.000000e+00 : f32
      %sub3A_682 = vector.broadcast %sub3A_681 : f32 to vector<16xf32>
      %sub3A_683 = arith.subf %sub3A_682, %div3A_680 : vector<16xf32>
      %gt3A_684 = arith.constant 0.000000e+00 : f32
      %gt3A_685 = vector.broadcast %gt3A_684 : f32 to vector<16xf32>
      %gt3A_686 = arith.cmpf ogt, %get3A_657, %gt3A_685 : vector<16xf32>
      %jit3A_687 = arith.constant 1.000000e+00 : f32
      %jit3A_688 = arith.constant 0.000000e+00 : f32
      %broadcast_in_dim3A_689 = vector.broadcast %jit3A_687 : f32 to vector<16xf32>
      %broadcast_in_dim3A_690 = vector.broadcast %jit3A_688 : f32 to vector<16xf32>
      %select_n3A_691 = arith.select %gt3A_686, %broadcast_in_dim3A_689, %broadcast_in_dim3A_690 : vector<16xi1>, vector<16xf32>
      %mul3A_692 = arith.mulf %div3A_680, %get3A_662 : vector<16xf32>
      %mul3A_693 = arith.mulf %mul3A_692, %select_n3A_691 : vector<16xf32>
      %mul3A_694 = arith.mulf %mul3A_693, %div3A_671 : vector<16xf32>
      %mul3A_695 = arith.mulf %sub3A_683, %select_n3A_691 : vector<16xf32>
      %mul3A_696 = arith.constant 5.000000e-01 : f32
      %mul3A_697 = vector.broadcast %mul3A_696 : f32 to vector<16xf32>
      %mul3A_698 = arith.mulf %mul3A_697, %mul3A_695 : vector<16xf32>
      %add3A_699 = arith.addf %mul3A_693, %mul3A_698 : vector<16xf32>
      %sub3A_700 = arith.constant 1.000000e+00 : f32
      %sub3A_701 = vector.broadcast %sub3A_700 : f32 to vector<16xf32>
      %sub3A_702 = arith.subf %sub3A_701, %select_n3A_691 : vector<16xf32>
      %mul3A_703 = arith.mulf %sub3A_702, %sub3A_683 : vector<16xf32>
      %mul3A_704 = arith.mulf %mul3A_703, %get3A_662 : vector<16xf32>
      %mul3A_705 = arith.constant 5.000000e-01 : f32
      %mul3A_706 = vector.broadcast %mul3A_705 : f32 to vector<16xf32>
      %mul3A_707 = arith.mulf %mul3A_706, %mul3A_704 : vector<16xf32>
      %add3A_708 = arith.addf %add3A_699, %mul3A_707 : vector<16xf32>
      %eq3A_709 = arith.constant 0 : i32
      %eq3A_710 = vector.broadcast %eq3A_709 : i32 to vector<16xi32>
      %eq3A_711 = arith.cmpi eq, %get3A_667, %eq3A_710 : vector<16xi32>
      %select_n3A_712 = arith.select %eq3A_711, %mul3A_694, %broadcast_in_dim3A_68 : vector<16xi1>, vector<16xf32>
      %add3A_713 = arith.addf %add3A_523, %select_n3A_712 : vector<16xf32>
      %select_n3A_714 = arith.select %eq3A_711, %add3A_708, %broadcast_in_dim3A_68 : vector<16xi1>, vector<16xf32>
      %add3A_715 = arith.addf %add3A_525, %select_n3A_714 : vector<16xf32>
      %eq3A_716 = arith.constant 1 : i32
      %eq3A_717 = vector.broadcast %eq3A_716 : i32 to vector<16xi32>
      %eq3A_718 = arith.cmpi eq, %get3A_667, %eq3A_717 : vector<16xi32>
      %select_n3A_719 = arith.select %eq3A_718, %mul3A_694, %broadcast_in_dim3A_68 : vector<16xi1>, vector<16xf32>
      %add3A_720 = arith.addf %add3A_530, %select_n3A_719 : vector<16xf32>
      %select_n3A_721 = arith.select %eq3A_718, %add3A_708, %broadcast_in_dim3A_68 : vector<16xi1>, vector<16xf32>
      %add3A_722 = arith.addf %add3A_532, %select_n3A_721 : vector<16xf32>
      %eq3A_723 = arith.constant 2 : i32
      %eq3A_724 = vector.broadcast %eq3A_723 : i32 to vector<16xi32>
      %eq3A_725 = arith.cmpi eq, %get3A_667, %eq3A_724 : vector<16xi32>
      %select_n3A_726 = arith.select %eq3A_725, %mul3A_694, %broadcast_in_dim3A_68 : vector<16xi1>, vector<16xf32>
      %add3A_727 = arith.addf %add3A_537, %select_n3A_726 : vector<16xf32>
      %select_n3A_728 = arith.select %eq3A_725, %add3A_708, %broadcast_in_dim3A_68 : vector<16xi1>, vector<16xf32>
      %add3A_729 = arith.addf %add3A_539, %select_n3A_728 : vector<16xf32>
      %eq3A_730 = arith.constant 3 : i32
      %eq3A_731 = vector.broadcast %eq3A_730 : i32 to vector<16xi32>
      %eq3A_732 = arith.cmpi eq, %get3A_667, %eq3A_731 : vector<16xi32>
      %select_n3A_733 = arith.select %eq3A_732, %mul3A_694, %broadcast_in_dim3A_68 : vector<16xi1>, vector<16xf32>
      %add3A_734 = arith.addf %add3A_544, %select_n3A_733 : vector<16xf32>
      %select_n3A_735 = arith.select %eq3A_732, %add3A_708, %broadcast_in_dim3A_68 : vector<16xi1>, vector<16xf32>
      %add3A_736 = arith.addf %add3A_546, %select_n3A_735 : vector<16xf32>
      %eq3A_737 = arith.constant 4 : i32
      %eq3A_738 = vector.broadcast %eq3A_737 : i32 to vector<16xi32>
      %eq3A_739 = arith.cmpi eq, %get3A_667, %eq3A_738 : vector<16xi32>
      %select_n3A_740 = arith.select %eq3A_739, %mul3A_694, %broadcast_in_dim3A_68 : vector<16xi1>, vector<16xf32>
      %add3A_741 = arith.addf %add3A_551, %select_n3A_740 : vector<16xf32>
      %select_n3A_742 = arith.select %eq3A_739, %add3A_708, %broadcast_in_dim3A_68 : vector<16xi1>, vector<16xf32>
      %add3A_743 = arith.addf %add3A_553, %select_n3A_742 : vector<16xf32>
      %eq3A_744 = arith.constant 5 : i32
      %eq3A_745 = vector.broadcast %eq3A_744 : i32 to vector<16xi32>
      %eq3A_746 = arith.cmpi eq, %get3A_667, %eq3A_745 : vector<16xi32>
      %select_n3A_747 = arith.select %eq3A_746, %mul3A_694, %broadcast_in_dim3A_68 : vector<16xi1>, vector<16xf32>
      %add3A_748 = arith.addf %add3A_558, %select_n3A_747 : vector<16xf32>
      %select_n3A_749 = arith.select %eq3A_746, %add3A_708, %broadcast_in_dim3A_68 : vector<16xi1>, vector<16xf32>
      %add3A_750 = arith.addf %add3A_560, %select_n3A_749 : vector<16xf32>
      %eq3A_751 = arith.constant 6 : i32
      %eq3A_752 = vector.broadcast %eq3A_751 : i32 to vector<16xi32>
      %eq3A_753 = arith.cmpi eq, %get3A_667, %eq3A_752 : vector<16xi32>
      %select_n3A_754 = arith.select %eq3A_753, %mul3A_694, %broadcast_in_dim3A_68 : vector<16xi1>, vector<16xf32>
      %add3A_755 = arith.addf %add3A_565, %select_n3A_754 : vector<16xf32>
      %select_n3A_756 = arith.select %eq3A_753, %add3A_708, %broadcast_in_dim3A_68 : vector<16xi1>, vector<16xf32>
      %add3A_757 = arith.addf %add3A_567, %select_n3A_756 : vector<16xf32>
      %eq3A_758 = arith.constant 7 : i32
      %eq3A_759 = vector.broadcast %eq3A_758 : i32 to vector<16xi32>
      %eq3A_760 = arith.cmpi eq, %get3A_667, %eq3A_759 : vector<16xi32>
      %select_n3A_761 = arith.select %eq3A_760, %mul3A_694, %broadcast_in_dim3A_68 : vector<16xi1>, vector<16xf32>
      %add3A_762 = arith.addf %add3A_572, %select_n3A_761 : vector<16xf32>
      %select_n3A_763 = arith.select %eq3A_760, %add3A_708, %broadcast_in_dim3A_68 : vector<16xi1>, vector<16xf32>
      %add3A_764 = arith.addf %add3A_574, %select_n3A_763 : vector<16xf32>
      %eq3A_765 = arith.constant 8 : i32
      %eq3A_766 = vector.broadcast %eq3A_765 : i32 to vector<16xi32>
      %eq3A_767 = arith.cmpi eq, %get3A_667, %eq3A_766 : vector<16xi32>
      %select_n3A_768 = arith.select %eq3A_767, %mul3A_694, %broadcast_in_dim3A_68 : vector<16xi1>, vector<16xf32>
      %add3A_769 = arith.addf %add3A_579, %select_n3A_768 : vector<16xf32>
      %select_n3A_770 = arith.select %eq3A_767, %add3A_708, %broadcast_in_dim3A_68 : vector<16xi1>, vector<16xf32>
      %add3A_771 = arith.addf %add3A_581, %select_n3A_770 : vector<16xf32>
      %eq3A_772 = arith.constant 9 : i32
      %eq3A_773 = vector.broadcast %eq3A_772 : i32 to vector<16xi32>
      %eq3A_774 = arith.cmpi eq, %get3A_667, %eq3A_773 : vector<16xi32>
      %select_n3A_775 = arith.select %eq3A_774, %mul3A_694, %broadcast_in_dim3A_68 : vector<16xi1>, vector<16xf32>
      %add3A_776 = arith.addf %add3A_586, %select_n3A_775 : vector<16xf32>
      %select_n3A_777 = arith.select %eq3A_774, %add3A_708, %broadcast_in_dim3A_68 : vector<16xi1>, vector<16xf32>
      %add3A_778 = arith.addf %add3A_588, %select_n3A_777 : vector<16xf32>
      %eq3A_779 = arith.constant 10 : i32
      %eq3A_780 = vector.broadcast %eq3A_779 : i32 to vector<16xi32>
      %eq3A_781 = arith.cmpi eq, %get3A_667, %eq3A_780 : vector<16xi32>
      %select_n3A_782 = arith.select %eq3A_781, %mul3A_694, %broadcast_in_dim3A_68 : vector<16xi1>, vector<16xf32>
      %add3A_783 = arith.addf %add3A_593, %select_n3A_782 : vector<16xf32>
      %select_n3A_784 = arith.select %eq3A_781, %add3A_708, %broadcast_in_dim3A_68 : vector<16xi1>, vector<16xf32>
      %add3A_785 = arith.addf %add3A_595, %select_n3A_784 : vector<16xf32>
      %eq3A_786 = arith.constant 11 : i32
      %eq3A_787 = vector.broadcast %eq3A_786 : i32 to vector<16xi32>
      %eq3A_788 = arith.cmpi eq, %get3A_667, %eq3A_787 : vector<16xi32>
      %select_n3A_789 = arith.select %eq3A_788, %mul3A_694, %broadcast_in_dim3A_68 : vector<16xi1>, vector<16xf32>
      %add3A_790 = arith.addf %add3A_600, %select_n3A_789 : vector<16xf32>
      %select_n3A_791 = arith.select %eq3A_788, %add3A_708, %broadcast_in_dim3A_68 : vector<16xi1>, vector<16xf32>
      %add3A_792 = arith.addf %add3A_602, %select_n3A_791 : vector<16xf32>
      %eq3A_793 = arith.constant 12 : i32
      %eq3A_794 = vector.broadcast %eq3A_793 : i32 to vector<16xi32>
      %eq3A_795 = arith.cmpi eq, %get3A_667, %eq3A_794 : vector<16xi32>
      %select_n3A_796 = arith.select %eq3A_795, %mul3A_694, %broadcast_in_dim3A_68 : vector<16xi1>, vector<16xf32>
      %add3A_797 = arith.addf %add3A_607, %select_n3A_796 : vector<16xf32>
      %select_n3A_798 = arith.select %eq3A_795, %add3A_708, %broadcast_in_dim3A_68 : vector<16xi1>, vector<16xf32>
      %add3A_799 = arith.addf %add3A_609, %select_n3A_798 : vector<16xf32>
      %eq3A_800 = arith.constant 13 : i32
      %eq3A_801 = vector.broadcast %eq3A_800 : i32 to vector<16xi32>
      %eq3A_802 = arith.cmpi eq, %get3A_667, %eq3A_801 : vector<16xi32>
      %select_n3A_803 = arith.select %eq3A_802, %mul3A_694, %broadcast_in_dim3A_68 : vector<16xi1>, vector<16xf32>
      %add3A_804 = arith.addf %add3A_614, %select_n3A_803 : vector<16xf32>
      %select_n3A_805 = arith.select %eq3A_802, %add3A_708, %broadcast_in_dim3A_68 : vector<16xi1>, vector<16xf32>
      %add3A_806 = arith.addf %add3A_616, %select_n3A_805 : vector<16xf32>
      %eq3A_807 = arith.constant 14 : i32
      %eq3A_808 = vector.broadcast %eq3A_807 : i32 to vector<16xi32>
      %eq3A_809 = arith.cmpi eq, %get3A_667, %eq3A_808 : vector<16xi32>
      %select_n3A_810 = arith.select %eq3A_809, %mul3A_694, %broadcast_in_dim3A_68 : vector<16xi1>, vector<16xf32>
      %add3A_811 = arith.addf %add3A_621, %select_n3A_810 : vector<16xf32>
      %select_n3A_812 = arith.select %eq3A_809, %add3A_708, %broadcast_in_dim3A_68 : vector<16xi1>, vector<16xf32>
      %add3A_813 = arith.addf %add3A_623, %select_n3A_812 : vector<16xf32>
      %eq3A_814 = arith.constant 15 : i32
      %eq3A_815 = vector.broadcast %eq3A_814 : i32 to vector<16xi32>
      %eq3A_816 = arith.cmpi eq, %get3A_667, %eq3A_815 : vector<16xi32>
      %select_n3A_817 = arith.select %eq3A_816, %mul3A_694, %broadcast_in_dim3A_68 : vector<16xi1>, vector<16xf32>
      %add3A_818 = arith.addf %add3A_628, %select_n3A_817 : vector<16xf32>
      %select_n3A_819 = arith.select %eq3A_816, %add3A_708, %broadcast_in_dim3A_68 : vector<16xi1>, vector<16xf32>
      %add3A_820 = arith.addf %add3A_630, %select_n3A_819 : vector<16xf32>
      %get3A_821 = arith.constant 1 : i32
      %get3A_822 = arith.constant 0 : i32
      %get3A_823 = arith.constant 0 : i32
      %get3A_824 = arith.index_cast %get3A_821 : i32 to index
      %get3A_825 = arith.index_cast %get3A_822 : i32 to index
      %get3A_826 = arith.index_cast %get3A_823 : i32 to index
      %get3A_827 = arith.constant 0 : index
      %get3A_828 = tpu.vector_load %arg9[%get3A_824, %get3A_825, %get3A_826, %get3A_827] {strides = array<i32>} : memref<4x1x1x64xf32, #tpu.memory_space<vmem>>, vector<1x1x1x16xf32>,
      %get3A_829 = vector.shape_cast %get3A_828 : vector<1x1x1x16xf32> to vector<16xf32>
      %get3A_830 = arith.constant 1 : i32
      %get3A_831 = arith.constant 0 : i32
      %get3A_832 = arith.constant 0 : i32
      %get3A_833 = arith.index_cast %get3A_830 : i32 to index
      %get3A_834 = arith.index_cast %get3A_831 : i32 to index
      %get3A_835 = arith.index_cast %get3A_832 : i32 to index
      %get3A_836 = arith.constant 0 : index
      %get3A_837 = tpu.vector_load %arg10[%get3A_833, %get3A_834, %get3A_835, %get3A_836] {strides = array<i32>} : memref<4x1x1x64xf32, #tpu.memory_space<vmem>>, vector<1x1x1x16xf32>,
      %get3A_838 = vector.shape_cast %get3A_837 : vector<1x1x1x16xf32> to vector<16xf32>
      %get3A_839 = arith.constant 1 : i32
      %get3A_840 = arith.constant 0 : i32
      %get3A_841 = arith.constant 0 : i32
      %get3A_842 = arith.index_cast %get3A_839 : i32 to index
      %get3A_843 = arith.index_cast %get3A_840 : i32 to index
      %get3A_844 = arith.index_cast %get3A_841 : i32 to index
      %get3A_845 = arith.constant 0 : index
      %get3A_846 = tpu.vector_load %arg11[%get3A_842, %get3A_843, %get3A_844, %get3A_845] {strides = array<i32>} : memref<4x1x1x64xf32, #tpu.memory_space<vmem>>, vector<1x1x1x16xf32>,
      %get3A_847 = vector.shape_cast %get3A_846 : vector<1x1x1x16xf32> to vector<16xf32>
      %get3A_848 = arith.constant 1 : i32
      %get3A_849 = arith.index_cast %get3A_848 : i32 to index
      %get3A_850 = arith.constant 0 : index
      %get3A_851 = tpu.vector_load %arg12[%get3A_849, %get3A_850] {strides = array<i32>} : memref<4x64xf32, #tpu.memory_space<vmem>>, vector<1x16xf32>,
      %get3A_852 = vector.shape_cast %get3A_851 : vector<1x16xf32> to vector<16xf32>
      %get3A_853 = arith.constant 1 : i32
      %get3A_854 = arith.index_cast %get3A_853 : i32 to index
      %get3A_855 = arith.constant 0 : index
      %get3A_856 = tpu.vector_load %arg13[%get3A_854, %get3A_855] {strides = array<i32>} : memref<4x64xi32, #tpu.memory_space<vmem>>, vector<1x16xi32>,
      %get3A_857 = vector.shape_cast %get3A_856 : vector<1x16xi32> to vector<16xi32>
      %add3A_858 = arith.constant 9.99999997E-7 : f32
      %add3A_859 = vector.broadcast %add3A_858 : f32 to vector<16xf32>
      %add3A_860 = arith.addf %get3A_838, %add3A_859 : vector<16xf32>
      %div3A_861 = arith.divf %get3A_829, %add3A_860 : vector<16xf32>
      %mul3A_862 = arith.mulf %div3A_861, %div3A_861 : vector<16xf32>
      %mul3A_863 = arith.mulf %mul3A_862, %mul3A_862 : vector<16xf32>
      %sub3A_864 = arith.constant 1.000000e+00 : f32
      %sub3A_865 = vector.broadcast %sub3A_864 : f32 to vector<16xf32>
      %sub3A_866 = arith.subf %sub3A_865, %div3A_861 : vector<16xf32>
      %mul3A_867 = arith.mulf %sub3A_866, %sub3A_866 : vector<16xf32>
      %mul3A_868 = arith.mulf %mul3A_867, %mul3A_867 : vector<16xf32>
      %add3A_869 = arith.addf %mul3A_863, %mul3A_868 : vector<16xf32>
      %div3A_870 = arith.divf %mul3A_863, %add3A_869 : vector<16xf32>
      %sub3A_871 = arith.constant 1.000000e+00 : f32
      %sub3A_872 = vector.broadcast %sub3A_871 : f32 to vector<16xf32>
      %sub3A_873 = arith.subf %sub3A_872, %div3A_870 : vector<16xf32>
      %gt3A_874 = arith.constant 0.000000e+00 : f32
      %gt3A_875 = vector.broadcast %gt3A_874 : f32 to vector<16xf32>
      %gt3A_876 = arith.cmpf ogt, %get3A_847, %gt3A_875 : vector<16xf32>
      %jit3A_877 = arith.constant 1.000000e+00 : f32
      %jit3A_878 = arith.constant 0.000000e+00 : f32
      %broadcast_in_dim3A_879 = vector.broadcast %jit3A_877 : f32 to vector<16xf32>
      %broadcast_in_dim3A_880 = vector.broadcast %jit3A_878 : f32 to vector<16xf32>
      %select_n3A_881 = arith.select %gt3A_876, %broadcast_in_dim3A_879, %broadcast_in_dim3A_880 : vector<16xi1>, vector<16xf32>
      %mul3A_882 = arith.mulf %div3A_870, %get3A_852 : vector<16xf32>
      %mul3A_883 = arith.mulf %mul3A_882, %select_n3A_881 : vector<16xf32>
      %mul3A_884 = arith.mulf %mul3A_883, %div3A_861 : vector<16xf32>
      %mul3A_885 = arith.mulf %sub3A_873, %select_n3A_881 : vector<16xf32>
      %mul3A_886 = arith.constant 5.000000e-01 : f32
      %mul3A_887 = vector.broadcast %mul3A_886 : f32 to vector<16xf32>
      %mul3A_888 = arith.mulf %mul3A_887, %mul3A_885 : vector<16xf32>
      %add3A_889 = arith.addf %mul3A_883, %mul3A_888 : vector<16xf32>
      %sub3A_890 = arith.constant 1.000000e+00 : f32
      %sub3A_891 = vector.broadcast %sub3A_890 : f32 to vector<16xf32>
      %sub3A_892 = arith.subf %sub3A_891, %select_n3A_881 : vector<16xf32>
      %mul3A_893 = arith.mulf %sub3A_892, %sub3A_873 : vector<16xf32>
      %mul3A_894 = arith.mulf %mul3A_893, %get3A_852 : vector<16xf32>
      %mul3A_895 = arith.constant 5.000000e-01 : f32
      %mul3A_896 = vector.broadcast %mul3A_895 : f32 to vector<16xf32>
      %mul3A_897 = arith.mulf %mul3A_896, %mul3A_894 : vector<16xf32>
      %add3A_898 = arith.addf %add3A_889, %mul3A_897 : vector<16xf32>
      %eq3A_899 = arith.constant 0 : i32
      %eq3A_900 = vector.broadcast %eq3A_899 : i32 to vector<16xi32>
      %eq3A_901 = arith.cmpi eq, %get3A_857, %eq3A_900 : vector<16xi32>
      %select_n3A_902 = arith.select %eq3A_901, %mul3A_884, %broadcast_in_dim3A_68 : vector<16xi1>, vector<16xf32>
      %add3A_903 = arith.addf %add3A_713, %select_n3A_902 : vector<16xf32>
      %select_n3A_904 = arith.select %eq3A_901, %add3A_898, %broadcast_in_dim3A_68 : vector<16xi1>, vector<16xf32>
      %add3A_905 = arith.addf %add3A_715, %select_n3A_904 : vector<16xf32>
      %eq3A_906 = arith.constant 1 : i32
      %eq3A_907 = vector.broadcast %eq3A_906 : i32 to vector<16xi32>
      %eq3A_908 = arith.cmpi eq, %get3A_857, %eq3A_907 : vector<16xi32>
      %select_n3A_909 = arith.select %eq3A_908, %mul3A_884, %broadcast_in_dim3A_68 : vector<16xi1>, vector<16xf32>
      %add3A_910 = arith.addf %add3A_720, %select_n3A_909 : vector<16xf32>
      %select_n3A_911 = arith.select %eq3A_908, %add3A_898, %broadcast_in_dim3A_68 : vector<16xi1>, vector<16xf32>
      %add3A_912 = arith.addf %add3A_722, %select_n3A_911 : vector<16xf32>
      %eq3A_913 = arith.constant 2 : i32
      %eq3A_914 = vector.broadcast %eq3A_913 : i32 to vector<16xi32>
      %eq3A_915 = arith.cmpi eq, %get3A_857, %eq3A_914 : vector<16xi32>
      %select_n3A_916 = arith.select %eq3A_915, %mul3A_884, %broadcast_in_dim3A_68 : vector<16xi1>, vector<16xf32>
      %add3A_917 = arith.addf %add3A_727, %select_n3A_916 : vector<16xf32>
      %select_n3A_918 = arith.select %eq3A_915, %add3A_898, %broadcast_in_dim3A_68 : vector<16xi1>, vector<16xf32>
      %add3A_919 = arith.addf %add3A_729, %select_n3A_918 : vector<16xf32>
      %eq3A_920 = arith.constant 3 : i32
      %eq3A_921 = vector.broadcast %eq3A_920 : i32 to vector<16xi32>
      %eq3A_922 = arith.cmpi eq, %get3A_857, %eq3A_921 : vector<16xi32>
      %select_n3A_923 = arith.select %eq3A_922, %mul3A_884, %broadcast_in_dim3A_68 : vector<16xi1>, vector<16xf32>
      %add3A_924 = arith.addf %add3A_734, %select_n3A_923 : vector<16xf32>
      %select_n3A_925 = arith.select %eq3A_922, %add3A_898, %broadcast_in_dim3A_68 : vector<16xi1>, vector<16xf32>
      %add3A_926 = arith.addf %add3A_736, %select_n3A_925 : vector<16xf32>
      %eq3A_927 = arith.constant 4 : i32
      %eq3A_928 = vector.broadcast %eq3A_927 : i32 to vector<16xi32>
      %eq3A_929 = arith.cmpi eq, %get3A_857, %eq3A_928 : vector<16xi32>
      %select_n3A_930 = arith.select %eq3A_929, %mul3A_884, %broadcast_in_dim3A_68 : vector<16xi1>, vector<16xf32>
      %add3A_931 = arith.addf %add3A_741, %select_n3A_930 : vector<16xf32>
      %select_n3A_932 = arith.select %eq3A_929, %add3A_898, %broadcast_in_dim3A_68 : vector<16xi1>, vector<16xf32>
      %add3A_933 = arith.addf %add3A_743, %select_n3A_932 : vector<16xf32>
      %eq3A_934 = arith.constant 5 : i32
      %eq3A_935 = vector.broadcast %eq3A_934 : i32 to vector<16xi32>
      %eq3A_936 = arith.cmpi eq, %get3A_857, %eq3A_935 : vector<16xi32>
      %select_n3A_937 = arith.select %eq3A_936, %mul3A_884, %broadcast_in_dim3A_68 : vector<16xi1>, vector<16xf32>
      %add3A_938 = arith.addf %add3A_748, %select_n3A_937 : vector<16xf32>
      %select_n3A_939 = arith.select %eq3A_936, %add3A_898, %broadcast_in_dim3A_68 : vector<16xi1>, vector<16xf32>
      %add3A_940 = arith.addf %add3A_750, %select_n3A_939 : vector<16xf32>
      %eq3A_941 = arith.constant 6 : i32
      %eq3A_942 = vector.broadcast %eq3A_941 : i32 to vector<16xi32>
      %eq3A_943 = arith.cmpi eq, %get3A_857, %eq3A_942 : vector<16xi32>
      %select_n3A_944 = arith.select %eq3A_943, %mul3A_884, %broadcast_in_dim3A_68 : vector<16xi1>, vector<16xf32>
      %add3A_945 = arith.addf %add3A_755, %select_n3A_944 : vector<16xf32>
      %select_n3A_946 = arith.select %eq3A_943, %add3A_898, %broadcast_in_dim3A_68 : vector<16xi1>, vector<16xf32>
      %add3A_947 = arith.addf %add3A_757, %select_n3A_946 : vector<16xf32>
      %eq3A_948 = arith.constant 7 : i32
      %eq3A_949 = vector.broadcast %eq3A_948 : i32 to vector<16xi32>
      %eq3A_950 = arith.cmpi eq, %get3A_857, %eq3A_949 : vector<16xi32>
      %select_n3A_951 = arith.select %eq3A_950, %mul3A_884, %broadcast_in_dim3A_68 : vector<16xi1>, vector<16xf32>
      %add3A_952 = arith.addf %add3A_762, %select_n3A_951 : vector<16xf32>
      %select_n3A_953 = arith.select %eq3A_950, %add3A_898, %broadcast_in_dim3A_68 : vector<16xi1>, vector<16xf32>
      %add3A_954 = arith.addf %add3A_764, %select_n3A_953 : vector<16xf32>
      %eq3A_955 = arith.constant 8 : i32
      %eq3A_956 = vector.broadcast %eq3A_955 : i32 to vector<16xi32>
      %eq3A_957 = arith.cmpi eq, %get3A_857, %eq3A_956 : vector<16xi32>
      %select_n3A_958 = arith.select %eq3A_957, %mul3A_884, %broadcast_in_dim3A_68 : vector<16xi1>, vector<16xf32>
      %add3A_959 = arith.addf %add3A_769, %select_n3A_958 : vector<16xf32>
      %select_n3A_960 = arith.select %eq3A_957, %add3A_898, %broadcast_in_dim3A_68 : vector<16xi1>, vector<16xf32>
      %add3A_961 = arith.addf %add3A_771, %select_n3A_960 : vector<16xf32>
      %eq3A_962 = arith.constant 9 : i32
      %eq3A_963 = vector.broadcast %eq3A_962 : i32 to vector<16xi32>
      %eq3A_964 = arith.cmpi eq, %get3A_857, %eq3A_963 : vector<16xi32>
      %select_n3A_965 = arith.select %eq3A_964, %mul3A_884, %broadcast_in_dim3A_68 : vector<16xi1>, vector<16xf32>
      %add3A_966 = arith.addf %add3A_776, %select_n3A_965 : vector<16xf32>
      %select_n3A_967 = arith.select %eq3A_964, %add3A_898, %broadcast_in_dim3A_68 : vector<16xi1>, vector<16xf32>
      %add3A_968 = arith.addf %add3A_778, %select_n3A_967 : vector<16xf32>
      %eq3A_969 = arith.constant 10 : i32
      %eq3A_970 = vector.broadcast %eq3A_969 : i32 to vector<16xi32>
      %eq3A_971 = arith.cmpi eq, %get3A_857, %eq3A_970 : vector<16xi32>
      %select_n3A_972 = arith.select %eq3A_971, %mul3A_884, %broadcast_in_dim3A_68 : vector<16xi1>, vector<16xf32>
      %add3A_973 = arith.addf %add3A_783, %select_n3A_972 : vector<16xf32>
      %select_n3A_974 = arith.select %eq3A_971, %add3A_898, %broadcast_in_dim3A_68 : vector<16xi1>, vector<16xf32>
      %add3A_975 = arith.addf %add3A_785, %select_n3A_974 : vector<16xf32>
      %eq3A_976 = arith.constant 11 : i32
      %eq3A_977 = vector.broadcast %eq3A_976 : i32 to vector<16xi32>
      %eq3A_978 = arith.cmpi eq, %get3A_857, %eq3A_977 : vector<16xi32>
      %select_n3A_979 = arith.select %eq3A_978, %mul3A_884, %broadcast_in_dim3A_68 : vector<16xi1>, vector<16xf32>
      %add3A_980 = arith.addf %add3A_790, %select_n3A_979 : vector<16xf32>
      %select_n3A_981 = arith.select %eq3A_978, %add3A_898, %broadcast_in_dim3A_68 : vector<16xi1>, vector<16xf32>
      %add3A_982 = arith.addf %add3A_792, %select_n3A_981 : vector<16xf32>
      %eq3A_983 = arith.constant 12 : i32
      %eq3A_984 = vector.broadcast %eq3A_983 : i32 to vector<16xi32>
      %eq3A_985 = arith.cmpi eq, %get3A_857, %eq3A_984 : vector<16xi32>
      %select_n3A_986 = arith.select %eq3A_985, %mul3A_884, %broadcast_in_dim3A_68 : vector<16xi1>, vector<16xf32>
      %add3A_987 = arith.addf %add3A_797, %select_n3A_986 : vector<16xf32>
      %select_n3A_988 = arith.select %eq3A_985, %add3A_898, %broadcast_in_dim3A_68 : vector<16xi1>, vector<16xf32>
      %add3A_989 = arith.addf %add3A_799, %select_n3A_988 : vector<16xf32>
      %eq3A_990 = arith.constant 13 : i32
      %eq3A_991 = vector.broadcast %eq3A_990 : i32 to vector<16xi32>
      %eq3A_992 = arith.cmpi eq, %get3A_857, %eq3A_991 : vector<16xi32>
      %select_n3A_993 = arith.select %eq3A_992, %mul3A_884, %broadcast_in_dim3A_68 : vector<16xi1>, vector<16xf32>
      %add3A_994 = arith.addf %add3A_804, %select_n3A_993 : vector<16xf32>
      %select_n3A_995 = arith.select %eq3A_992, %add3A_898, %broadcast_in_dim3A_68 : vector<16xi1>, vector<16xf32>
      %add3A_996 = arith.addf %add3A_806, %select_n3A_995 : vector<16xf32>
      %eq3A_997 = arith.constant 14 : i32
      %eq3A_998 = vector.broadcast %eq3A_997 : i32 to vector<16xi32>
      %eq3A_999 = arith.cmpi eq, %get3A_857, %eq3A_998 : vector<16xi32>
      %select_n3A_1000 = arith.select %eq3A_999, %mul3A_884, %broadcast_in_dim3A_68 : vector<16xi1>, vector<16xf32>
      %add3A_1001 = arith.addf %add3A_811, %select_n3A_1000 : vector<16xf32>
      %select_n3A_1002 = arith.select %eq3A_999, %add3A_898, %broadcast_in_dim3A_68 : vector<16xi1>, vector<16xf32>
      %add3A_1003 = arith.addf %add3A_813, %select_n3A_1002 : vector<16xf32>
      %eq3A_1004 = arith.constant 15 : i32
      %eq3A_1005 = vector.broadcast %eq3A_1004 : i32 to vector<16xi32>
      %eq3A_1006 = arith.cmpi eq, %get3A_857, %eq3A_1005 : vector<16xi32>
      %select_n3A_1007 = arith.select %eq3A_1006, %mul3A_884, %broadcast_in_dim3A_68 : vector<16xi1>, vector<16xf32>
      %add3A_1008 = arith.addf %add3A_818, %select_n3A_1007 : vector<16xf32>
      %select_n3A_1009 = arith.select %eq3A_1006, %add3A_898, %broadcast_in_dim3A_68 : vector<16xi1>, vector<16xf32>
      %add3A_1010 = arith.addf %add3A_820, %select_n3A_1009 : vector<16xf32>
      %get3A_1011 = arith.constant 1 : i32
      %get3A_1012 = arith.constant 0 : i32
      %get3A_1013 = arith.constant 0 : i32
      %get3A_1014 = arith.index_cast %get3A_1011 : i32 to index
      %get3A_1015 = arith.index_cast %get3A_1012 : i32 to index
      %get3A_1016 = arith.index_cast %get3A_1013 : i32 to index
      %get3A_1017 = arith.constant 16 : index
      %get3A_1018 = tpu.vector_load %arg9[%get3A_1014, %get3A_1015, %get3A_1016, %get3A_1017] {strides = array<i32>} : memref<4x1x1x64xf32, #tpu.memory_space<vmem>>, vector<1x1x1x16xf32>,
      %get3A_1019 = vector.shape_cast %get3A_1018 : vector<1x1x1x16xf32> to vector<16xf32>
      %get3A_1020 = arith.constant 1 : i32
      %get3A_1021 = arith.constant 0 : i32
      %get3A_1022 = arith.constant 0 : i32
      %get3A_1023 = arith.index_cast %get3A_1020 : i32 to index
      %get3A_1024 = arith.index_cast %get3A_1021 : i32 to index
      %get3A_1025 = arith.index_cast %get3A_1022 : i32 to index
      %get3A_1026 = arith.constant 16 : index
      %get3A_1027 = tpu.vector_load %arg10[%get3A_1023, %get3A_1024, %get3A_1025, %get3A_1026] {strides = array<i32>} : memref<4x1x1x64xf32, #tpu.memory_space<vmem>>, vector<1x1x1x16xf32>,
      %get3A_1028 = vector.shape_cast %get3A_1027 : vector<1x1x1x16xf32> to vector<16xf32>
      %get3A_1029 = arith.constant 1 : i32
      %get3A_1030 = arith.constant 0 : i32
      %get3A_1031 = arith.constant 0 : i32
      %get3A_1032 = arith.index_cast %get3A_1029 : i32 to index
      %get3A_1033 = arith.index_cast %get3A_1030 : i32 to index
      %get3A_1034 = arith.index_cast %get3A_1031 : i32 to index
      %get3A_1035 = arith.constant 16 : index
      %get3A_1036 = tpu.vector_load %arg11[%get3A_1032, %get3A_1033, %get3A_1034, %get3A_1035] {strides = array<i32>} : memref<4x1x1x64xf32, #tpu.memory_space<vmem>>, vector<1x1x1x16xf32>,
      %get3A_1037 = vector.shape_cast %get3A_1036 : vector<1x1x1x16xf32> to vector<16xf32>
      %get3A_1038 = arith.constant 1 : i32
      %get3A_1039 = arith.index_cast %get3A_1038 : i32 to index
      %get3A_1040 = arith.constant 16 : index
      %get3A_1041 = tpu.vector_load %arg12[%get3A_1039, %get3A_1040] {strides = array<i32>} : memref<4x64xf32, #tpu.memory_space<vmem>>, vector<1x16xf32>,
      %get3A_1042 = vector.shape_cast %get3A_1041 : vector<1x16xf32> to vector<16xf32>
      %get3A_1043 = arith.constant 1 : i32
      %get3A_1044 = arith.index_cast %get3A_1043 : i32 to index
      %get3A_1045 = arith.constant 16 : index
      %get3A_1046 = tpu.vector_load %arg13[%get3A_1044, %get3A_1045] {strides = array<i32>} : memref<4x64xi32, #tpu.memory_space<vmem>>, vector<1x16xi32>,
      %get3A_1047 = vector.shape_cast %get3A_1046 : vector<1x16xi32> to vector<16xi32>
      %add3A_1048 = arith.constant 9.99999997E-7 : f32
      %add3A_1049 = vector.broadcast %add3A_1048 : f32 to vector<16xf32>
      %add3A_1050 = arith.addf %get3A_1028, %add3A_1049 : vector<16xf32>
      %div3A_1051 = arith.divf %get3A_1019, %add3A_1050 : vector<16xf32>
      %mul3A_1052 = arith.mulf %div3A_1051, %div3A_1051 : vector<16xf32>
      %mul3A_1053 = arith.mulf %mul3A_1052, %mul3A_1052 : vector<16xf32>
      %sub3A_1054 = arith.constant 1.000000e+00 : f32
      %sub3A_1055 = vector.broadcast %sub3A_1054 : f32 to vector<16xf32>
      %sub3A_1056 = arith.subf %sub3A_1055, %div3A_1051 : vector<16xf32>
      %mul3A_1057 = arith.mulf %sub3A_1056, %sub3A_1056 : vector<16xf32>
      %mul3A_1058 = arith.mulf %mul3A_1057, %mul3A_1057 : vector<16xf32>
      %add3A_1059 = arith.addf %mul3A_1053, %mul3A_1058 : vector<16xf32>
      %div3A_1060 = arith.divf %mul3A_1053, %add3A_1059 : vector<16xf32>
      %sub3A_1061 = arith.constant 1.000000e+00 : f32
      %sub3A_1062 = vector.broadcast %sub3A_1061 : f32 to vector<16xf32>
      %sub3A_1063 = arith.subf %sub3A_1062, %div3A_1060 : vector<16xf32>
      %gt3A_1064 = arith.constant 0.000000e+00 : f32
      %gt3A_1065 = vector.broadcast %gt3A_1064 : f32 to vector<16xf32>
      %gt3A_1066 = arith.cmpf ogt, %get3A_1037, %gt3A_1065 : vector<16xf32>
      %jit3A_1067 = arith.constant 1.000000e+00 : f32
      %jit3A_1068 = arith.constant 0.000000e+00 : f32
      %broadcast_in_dim3A_1069 = vector.broadcast %jit3A_1067 : f32 to vector<16xf32>
      %broadcast_in_dim3A_1070 = vector.broadcast %jit3A_1068 : f32 to vector<16xf32>
      %select_n3A_1071 = arith.select %gt3A_1066, %broadcast_in_dim3A_1069, %broadcast_in_dim3A_1070 : vector<16xi1>, vector<16xf32>
      %mul3A_1072 = arith.mulf %div3A_1060, %get3A_1042 : vector<16xf32>
      %mul3A_1073 = arith.mulf %mul3A_1072, %select_n3A_1071 : vector<16xf32>
      %mul3A_1074 = arith.mulf %mul3A_1073, %div3A_1051 : vector<16xf32>
      %mul3A_1075 = arith.mulf %sub3A_1063, %select_n3A_1071 : vector<16xf32>
      %mul3A_1076 = arith.constant 5.000000e-01 : f32
      %mul3A_1077 = vector.broadcast %mul3A_1076 : f32 to vector<16xf32>
      %mul3A_1078 = arith.mulf %mul3A_1077, %mul3A_1075 : vector<16xf32>
      %add3A_1079 = arith.addf %mul3A_1073, %mul3A_1078 : vector<16xf32>
      %sub3A_1080 = arith.constant 1.000000e+00 : f32
      %sub3A_1081 = vector.broadcast %sub3A_1080 : f32 to vector<16xf32>
      %sub3A_1082 = arith.subf %sub3A_1081, %select_n3A_1071 : vector<16xf32>
      %mul3A_1083 = arith.mulf %sub3A_1082, %sub3A_1063 : vector<16xf32>
      %mul3A_1084 = arith.mulf %mul3A_1083, %get3A_1042 : vector<16xf32>
      %mul3A_1085 = arith.constant 5.000000e-01 : f32
      %mul3A_1086 = vector.broadcast %mul3A_1085 : f32 to vector<16xf32>
      %mul3A_1087 = arith.mulf %mul3A_1086, %mul3A_1084 : vector<16xf32>
      %add3A_1088 = arith.addf %add3A_1079, %mul3A_1087 : vector<16xf32>
      %eq3A_1089 = arith.constant 0 : i32
      %eq3A_1090 = vector.broadcast %eq3A_1089 : i32 to vector<16xi32>
      %eq3A_1091 = arith.cmpi eq, %get3A_1047, %eq3A_1090 : vector<16xi32>
      %select_n3A_1092 = arith.select %eq3A_1091, %mul3A_1074, %broadcast_in_dim3A_68 : vector<16xi1>, vector<16xf32>
      %add3A_1093 = arith.addf %add3A_903, %select_n3A_1092 : vector<16xf32>
      %select_n3A_1094 = arith.select %eq3A_1091, %add3A_1088, %broadcast_in_dim3A_68 : vector<16xi1>, vector<16xf32>
      %add3A_1095 = arith.addf %add3A_905, %select_n3A_1094 : vector<16xf32>
      %eq3A_1096 = arith.constant 1 : i32
      %eq3A_1097 = vector.broadcast %eq3A_1096 : i32 to vector<16xi32>
      %eq3A_1098 = arith.cmpi eq, %get3A_1047, %eq3A_1097 : vector<16xi32>
      %select_n3A_1099 = arith.select %eq3A_1098, %mul3A_1074, %broadcast_in_dim3A_68 : vector<16xi1>, vector<16xf32>
      %add3A_1100 = arith.addf %add3A_910, %select_n3A_1099 : vector<16xf32>
      %select_n3A_1101 = arith.select %eq3A_1098, %add3A_1088, %broadcast_in_dim3A_68 : vector<16xi1>, vector<16xf32>
      %add3A_1102 = arith.addf %add3A_912, %select_n3A_1101 : vector<16xf32>
      %eq3A_1103 = arith.constant 2 : i32
      %eq3A_1104 = vector.broadcast %eq3A_1103 : i32 to vector<16xi32>
      %eq3A_1105 = arith.cmpi eq, %get3A_1047, %eq3A_1104 : vector<16xi32>
      %select_n3A_1106 = arith.select %eq3A_1105, %mul3A_1074, %broadcast_in_dim3A_68 : vector<16xi1>, vector<16xf32>
      %add3A_1107 = arith.addf %add3A_917, %select_n3A_1106 : vector<16xf32>
      %select_n3A_1108 = arith.select %eq3A_1105, %add3A_1088, %broadcast_in_dim3A_68 : vector<16xi1>, vector<16xf32>
      %add3A_1109 = arith.addf %add3A_919, %select_n3A_1108 : vector<16xf32>
      %eq3A_1110 = arith.constant 3 : i32
      %eq3A_1111 = vector.broadcast %eq3A_1110 : i32 to vector<16xi32>
      %eq3A_1112 = arith.cmpi eq, %get3A_1047, %eq3A_1111 : vector<16xi32>
      %select_n3A_1113 = arith.select %eq3A_1112, %mul3A_1074, %broadcast_in_dim3A_68 : vector<16xi1>, vector<16xf32>
      %add3A_1114 = arith.addf %add3A_924, %select_n3A_1113 : vector<16xf32>
      %select_n3A_1115 = arith.select %eq3A_1112, %add3A_1088, %broadcast_in_dim3A_68 : vector<16xi1>, vector<16xf32>
      %add3A_1116 = arith.addf %add3A_926, %select_n3A_1115 : vector<16xf32>
      %eq3A_1117 = arith.constant 4 : i32
      %eq3A_1118 = vector.broadcast %eq3A_1117 : i32 to vector<16xi32>
      %eq3A_1119 = arith.cmpi eq, %get3A_1047, %eq3A_1118 : vector<16xi32>
      %select_n3A_1120 = arith.select %eq3A_1119, %mul3A_1074, %broadcast_in_dim3A_68 : vector<16xi1>, vector<16xf32>
      %add3A_1121 = arith.addf %add3A_931, %select_n3A_1120 : vector<16xf32>
      %select_n3A_1122 = arith.select %eq3A_1119, %add3A_1088, %broadcast_in_dim3A_68 : vector<16xi1>, vector<16xf32>
      %add3A_1123 = arith.addf %add3A_933, %select_n3A_1122 : vector<16xf32>
      %eq3A_1124 = arith.constant 5 : i32
      %eq3A_1125 = vector.broadcast %eq3A_1124 : i32 to vector<16xi32>
      %eq3A_1126 = arith.cmpi eq, %get3A_1047, %eq3A_1125 : vector<16xi32>
      %select_n3A_1127 = arith.select %eq3A_1126, %mul3A_1074, %broadcast_in_dim3A_68 : vector<16xi1>, vector<16xf32>
      %add3A_1128 = arith.addf %add3A_938, %select_n3A_1127 : vector<16xf32>
      %select_n3A_1129 = arith.select %eq3A_1126, %add3A_1088, %broadcast_in_dim3A_68 : vector<16xi1>, vector<16xf32>
      %add3A_1130 = arith.addf %add3A_940, %select_n3A_1129 : vector<16xf32>
      %eq3A_1131 = arith.constant 6 : i32
      %eq3A_1132 = vector.broadcast %eq3A_1131 : i32 to vector<16xi32>
      %eq3A_1133 = arith.cmpi eq, %get3A_1047, %eq3A_1132 : vector<16xi32>
      %select_n3A_1134 = arith.select %eq3A_1133, %mul3A_1074, %broadcast_in_dim3A_68 : vector<16xi1>, vector<16xf32>
      %add3A_1135 = arith.addf %add3A_945, %select_n3A_1134 : vector<16xf32>
      %select_n3A_1136 = arith.select %eq3A_1133, %add3A_1088, %broadcast_in_dim3A_68 : vector<16xi1>, vector<16xf32>
      %add3A_1137 = arith.addf %add3A_947, %select_n3A_1136 : vector<16xf32>
      %eq3A_1138 = arith.constant 7 : i32
      %eq3A_1139 = vector.broadcast %eq3A_1138 : i32 to vector<16xi32>
      %eq3A_1140 = arith.cmpi eq, %get3A_1047, %eq3A_1139 : vector<16xi32>
      %select_n3A_1141 = arith.select %eq3A_1140, %mul3A_1074, %broadcast_in_dim3A_68 : vector<16xi1>, vector<16xf32>
      %add3A_1142 = arith.addf %add3A_952, %select_n3A_1141 : vector<16xf32>
      %select_n3A_1143 = arith.select %eq3A_1140, %add3A_1088, %broadcast_in_dim3A_68 : vector<16xi1>, vector<16xf32>
      %add3A_1144 = arith.addf %add3A_954, %select_n3A_1143 : vector<16xf32>
      %eq3A_1145 = arith.constant 8 : i32
      %eq3A_1146 = vector.broadcast %eq3A_1145 : i32 to vector<16xi32>
      %eq3A_1147 = arith.cmpi eq, %get3A_1047, %eq3A_1146 : vector<16xi32>
      %select_n3A_1148 = arith.select %eq3A_1147, %mul3A_1074, %broadcast_in_dim3A_68 : vector<16xi1>, vector<16xf32>
      %add3A_1149 = arith.addf %add3A_959, %select_n3A_1148 : vector<16xf32>
      %select_n3A_1150 = arith.select %eq3A_1147, %add3A_1088, %broadcast_in_dim3A_68 : vector<16xi1>, vector<16xf32>
      %add3A_1151 = arith.addf %add3A_961, %select_n3A_1150 : vector<16xf32>
      %eq3A_1152 = arith.constant 9 : i32
      %eq3A_1153 = vector.broadcast %eq3A_1152 : i32 to vector<16xi32>
      %eq3A_1154 = arith.cmpi eq, %get3A_1047, %eq3A_1153 : vector<16xi32>
      %select_n3A_1155 = arith.select %eq3A_1154, %mul3A_1074, %broadcast_in_dim3A_68 : vector<16xi1>, vector<16xf32>
      %add3A_1156 = arith.addf %add3A_966, %select_n3A_1155 : vector<16xf32>
      %select_n3A_1157 = arith.select %eq3A_1154, %add3A_1088, %broadcast_in_dim3A_68 : vector<16xi1>, vector<16xf32>
      %add3A_1158 = arith.addf %add3A_968, %select_n3A_1157 : vector<16xf32>
      %eq3A_1159 = arith.constant 10 : i32
      %eq3A_1160 = vector.broadcast %eq3A_1159 : i32 to vector<16xi32>
      %eq3A_1161 = arith.cmpi eq, %get3A_1047, %eq3A_1160 : vector<16xi32>
      %select_n3A_1162 = arith.select %eq3A_1161, %mul3A_1074, %broadcast_in_dim3A_68 : vector<16xi1>, vector<16xf32>
      %add3A_1163 = arith.addf %add3A_973, %select_n3A_1162 : vector<16xf32>
      %select_n3A_1164 = arith.select %eq3A_1161, %add3A_1088, %broadcast_in_dim3A_68 : vector<16xi1>, vector<16xf32>
      %add3A_1165 = arith.addf %add3A_975, %select_n3A_1164 : vector<16xf32>
      %eq3A_1166 = arith.constant 11 : i32
      %eq3A_1167 = vector.broadcast %eq3A_1166 : i32 to vector<16xi32>
      %eq3A_1168 = arith.cmpi eq, %get3A_1047, %eq3A_1167 : vector<16xi32>
      %select_n3A_1169 = arith.select %eq3A_1168, %mul3A_1074, %broadcast_in_dim3A_68 : vector<16xi1>, vector<16xf32>
      %add3A_1170 = arith.addf %add3A_980, %select_n3A_1169 : vector<16xf32>
      %select_n3A_1171 = arith.select %eq3A_1168, %add3A_1088, %broadcast_in_dim3A_68 : vector<16xi1>, vector<16xf32>
      %add3A_1172 = arith.addf %add3A_982, %select_n3A_1171 : vector<16xf32>
      %eq3A_1173 = arith.constant 12 : i32
      %eq3A_1174 = vector.broadcast %eq3A_1173 : i32 to vector<16xi32>
      %eq3A_1175 = arith.cmpi eq, %get3A_1047, %eq3A_1174 : vector<16xi32>
      %select_n3A_1176 = arith.select %eq3A_1175, %mul3A_1074, %broadcast_in_dim3A_68 : vector<16xi1>, vector<16xf32>
      %add3A_1177 = arith.addf %add3A_987, %select_n3A_1176 : vector<16xf32>
      %select_n3A_1178 = arith.select %eq3A_1175, %add3A_1088, %broadcast_in_dim3A_68 : vector<16xi1>, vector<16xf32>
      %add3A_1179 = arith.addf %add3A_989, %select_n3A_1178 : vector<16xf32>
      %eq3A_1180 = arith.constant 13 : i32
      %eq3A_1181 = vector.broadcast %eq3A_1180 : i32 to vector<16xi32>
      %eq3A_1182 = arith.cmpi eq, %get3A_1047, %eq3A_1181 : vector<16xi32>
      %select_n3A_1183 = arith.select %eq3A_1182, %mul3A_1074, %broadcast_in_dim3A_68 : vector<16xi1>, vector<16xf32>
      %add3A_1184 = arith.addf %add3A_994, %select_n3A_1183 : vector<16xf32>
      %select_n3A_1185 = arith.select %eq3A_1182, %add3A_1088, %broadcast_in_dim3A_68 : vector<16xi1>, vector<16xf32>
      %add3A_1186 = arith.addf %add3A_996, %select_n3A_1185 : vector<16xf32>
      %eq3A_1187 = arith.constant 14 : i32
      %eq3A_1188 = vector.broadcast %eq3A_1187 : i32 to vector<16xi32>
      %eq3A_1189 = arith.cmpi eq, %get3A_1047, %eq3A_1188 : vector<16xi32>
      %select_n3A_1190 = arith.select %eq3A_1189, %mul3A_1074, %broadcast_in_dim3A_68 : vector<16xi1>, vector<16xf32>
      %add3A_1191 = arith.addf %add3A_1001, %select_n3A_1190 : vector<16xf32>
      %select_n3A_1192 = arith.select %eq3A_1189, %add3A_1088, %broadcast_in_dim3A_68 : vector<16xi1>, vector<16xf32>
      %add3A_1193 = arith.addf %add3A_1003, %select_n3A_1192 : vector<16xf32>
      %eq3A_1194 = arith.constant 15 : i32
      %eq3A_1195 = vector.broadcast %eq3A_1194 : i32 to vector<16xi32>
      %eq3A_1196 = arith.cmpi eq, %get3A_1047, %eq3A_1195 : vector<16xi32>
      %select_n3A_1197 = arith.select %eq3A_1196, %mul3A_1074, %broadcast_in_dim3A_68 : vector<16xi1>, vector<16xf32>
      %add3A_1198 = arith.addf %add3A_1008, %select_n3A_1197 : vector<16xf32>
      %select_n3A_1199 = arith.select %eq3A_1196, %add3A_1088, %broadcast_in_dim3A_68 : vector<16xi1>, vector<16xf32>
      %add3A_1200 = arith.addf %add3A_1010, %select_n3A_1199 : vector<16xf32>
      %get3A_1201 = arith.constant 1 : i32
      %get3A_1202 = arith.constant 0 : i32
      %get3A_1203 = arith.constant 0 : i32
      %get3A_1204 = arith.index_cast %get3A_1201 : i32 to index
      %get3A_1205 = arith.index_cast %get3A_1202 : i32 to index
      %get3A_1206 = arith.index_cast %get3A_1203 : i32 to index
      %get3A_1207 = arith.constant 32 : index
      %get3A_1208 = tpu.vector_load %arg9[%get3A_1204, %get3A_1205, %get3A_1206, %get3A_1207] {strides = array<i32>} : memref<4x1x1x64xf32, #tpu.memory_space<vmem>>, vector<1x1x1x16xf32>,
      %get3A_1209 = vector.shape_cast %get3A_1208 : vector<1x1x1x16xf32> to vector<16xf32>
      %get3A_1210 = arith.constant 1 : i32
      %get3A_1211 = arith.constant 0 : i32
      %get3A_1212 = arith.constant 0 : i32
      %get3A_1213 = arith.index_cast %get3A_1210 : i32 to index
      %get3A_1214 = arith.index_cast %get3A_1211 : i32 to index
      %get3A_1215 = arith.index_cast %get3A_1212 : i32 to index
      %get3A_1216 = arith.constant 32 : index
      %get3A_1217 = tpu.vector_load %arg10[%get3A_1213, %get3A_1214, %get3A_1215, %get3A_1216] {strides = array<i32>} : memref<4x1x1x64xf32, #tpu.memory_space<vmem>>, vector<1x1x1x16xf32>,
      %get3A_1218 = vector.shape_cast %get3A_1217 : vector<1x1x1x16xf32> to vector<16xf32>
      %get3A_1219 = arith.constant 1 : i32
      %get3A_1220 = arith.constant 0 : i32
      %get3A_1221 = arith.constant 0 : i32
      %get3A_1222 = arith.index_cast %get3A_1219 : i32 to index
      %get3A_1223 = arith.index_cast %get3A_1220 : i32 to index
      %get3A_1224 = arith.index_cast %get3A_1221 : i32 to index
      %get3A_1225 = arith.constant 32 : index
      %get3A_1226 = tpu.vector_load %arg11[%get3A_1222, %get3A_1223, %get3A_1224, %get3A_1225] {strides = array<i32>} : memref<4x1x1x64xf32, #tpu.memory_space<vmem>>, vector<1x1x1x16xf32>,
      %get3A_1227 = vector.shape_cast %get3A_1226 : vector<1x1x1x16xf32> to vector<16xf32>
      %get3A_1228 = arith.constant 1 : i32
      %get3A_1229 = arith.index_cast %get3A_1228 : i32 to index
      %get3A_1230 = arith.constant 32 : index
      %get3A_1231 = tpu.vector_load %arg12[%get3A_1229, %get3A_1230] {strides = array<i32>} : memref<4x64xf32, #tpu.memory_space<vmem>>, vector<1x16xf32>,
      %get3A_1232 = vector.shape_cast %get3A_1231 : vector<1x16xf32> to vector<16xf32>
      %get3A_1233 = arith.constant 1 : i32
      %get3A_1234 = arith.index_cast %get3A_1233 : i32 to index
      %get3A_1235 = arith.constant 32 : index
      %get3A_1236 = tpu.vector_load %arg13[%get3A_1234, %get3A_1235] {strides = array<i32>} : memref<4x64xi32, #tpu.memory_space<vmem>>, vector<1x16xi32>,
      %get3A_1237 = vector.shape_cast %get3A_1236 : vector<1x16xi32> to vector<16xi32>
      %add3A_1238 = arith.constant 9.99999997E-7 : f32
      %add3A_1239 = vector.broadcast %add3A_1238 : f32 to vector<16xf32>
      %add3A_1240 = arith.addf %get3A_1218, %add3A_1239 : vector<16xf32>
      %div3A_1241 = arith.divf %get3A_1209, %add3A_1240 : vector<16xf32>
      %mul3A_1242 = arith.mulf %div3A_1241, %div3A_1241 : vector<16xf32>
      %mul3A_1243 = arith.mulf %mul3A_1242, %mul3A_1242 : vector<16xf32>
      %sub3A_1244 = arith.constant 1.000000e+00 : f32
      %sub3A_1245 = vector.broadcast %sub3A_1244 : f32 to vector<16xf32>
      %sub3A_1246 = arith.subf %sub3A_1245, %div3A_1241 : vector<16xf32>
      %mul3A_1247 = arith.mulf %sub3A_1246, %sub3A_1246 : vector<16xf32>
      %mul3A_1248 = arith.mulf %mul3A_1247, %mul3A_1247 : vector<16xf32>
      %add3A_1249 = arith.addf %mul3A_1243, %mul3A_1248 : vector<16xf32>
      %div3A_1250 = arith.divf %mul3A_1243, %add3A_1249 : vector<16xf32>
      %sub3A_1251 = arith.constant 1.000000e+00 : f32
      %sub3A_1252 = vector.broadcast %sub3A_1251 : f32 to vector<16xf32>
      %sub3A_1253 = arith.subf %sub3A_1252, %div3A_1250 : vector<16xf32>
      %gt3A_1254 = arith.constant 0.000000e+00 : f32
      %gt3A_1255 = vector.broadcast %gt3A_1254 : f32 to vector<16xf32>
      %gt3A_1256 = arith.cmpf ogt, %get3A_1227, %gt3A_1255 : vector<16xf32>
      %jit3A_1257 = arith.constant 1.000000e+00 : f32
      %jit3A_1258 = arith.constant 0.000000e+00 : f32
      %broadcast_in_dim3A_1259 = vector.broadcast %jit3A_1257 : f32 to vector<16xf32>
      %broadcast_in_dim3A_1260 = vector.broadcast %jit3A_1258 : f32 to vector<16xf32>
      %select_n3A_1261 = arith.select %gt3A_1256, %broadcast_in_dim3A_1259, %broadcast_in_dim3A_1260 : vector<16xi1>, vector<16xf32>
      %mul3A_1262 = arith.mulf %div3A_1250, %get3A_1232 : vector<16xf32>
      %mul3A_1263 = arith.mulf %mul3A_1262, %select_n3A_1261 : vector<16xf32>
      %mul3A_1264 = arith.mulf %mul3A_1263, %div3A_1241 : vector<16xf32>
      %mul3A_1265 = arith.mulf %sub3A_1253, %select_n3A_1261 : vector<16xf32>
      %mul3A_1266 = arith.constant 5.000000e-01 : f32
      %mul3A_1267 = vector.broadcast %mul3A_1266 : f32 to vector<16xf32>
      %mul3A_1268 = arith.mulf %mul3A_1267, %mul3A_1265 : vector<16xf32>
      %add3A_1269 = arith.addf %mul3A_1263, %mul3A_1268 : vector<16xf32>
      %sub3A_1270 = arith.constant 1.000000e+00 : f32
      %sub3A_1271 = vector.broadcast %sub3A_1270 : f32 to vector<16xf32>
      %sub3A_1272 = arith.subf %sub3A_1271, %select_n3A_1261 : vector<16xf32>
      %mul3A_1273 = arith.mulf %sub3A_1272, %sub3A_1253 : vector<16xf32>
      %mul3A_1274 = arith.mulf %mul3A_1273, %get3A_1232 : vector<16xf32>
      %mul3A_1275 = arith.constant 5.000000e-01 : f32
      %mul3A_1276 = vector.broadcast %mul3A_1275 : f32 to vector<16xf32>
      %mul3A_1277 = arith.mulf %mul3A_1276, %mul3A_1274 : vector<16xf32>
      %add3A_1278 = arith.addf %add3A_1269, %mul3A_1277 : vector<16xf32>
      %eq3A_1279 = arith.constant 0 : i32
      %eq3A_1280 = vector.broadcast %eq3A_1279 : i32 to vector<16xi32>
      %eq3A_1281 = arith.cmpi eq, %get3A_1237, %eq3A_1280 : vector<16xi32>
      %select_n3A_1282 = arith.select %eq3A_1281, %mul3A_1264, %broadcast_in_dim3A_68 : vector<16xi1>, vector<16xf32>
      %add3A_1283 = arith.addf %add3A_1093, %select_n3A_1282 : vector<16xf32>
      %select_n3A_1284 = arith.select %eq3A_1281, %add3A_1278, %broadcast_in_dim3A_68 : vector<16xi1>, vector<16xf32>
      %add3A_1285 = arith.addf %add3A_1095, %select_n3A_1284 : vector<16xf32>
      %eq3A_1286 = arith.constant 1 : i32
      %eq3A_1287 = vector.broadcast %eq3A_1286 : i32 to vector<16xi32>
      %eq3A_1288 = arith.cmpi eq, %get3A_1237, %eq3A_1287 : vector<16xi32>
      %select_n3A_1289 = arith.select %eq3A_1288, %mul3A_1264, %broadcast_in_dim3A_68 : vector<16xi1>, vector<16xf32>
      %add3A_1290 = arith.addf %add3A_1100, %select_n3A_1289 : vector<16xf32>
      %select_n3A_1291 = arith.select %eq3A_1288, %add3A_1278, %broadcast_in_dim3A_68 : vector<16xi1>, vector<16xf32>
      %add3A_1292 = arith.addf %add3A_1102, %select_n3A_1291 : vector<16xf32>
      %eq3A_1293 = arith.constant 2 : i32
      %eq3A_1294 = vector.broadcast %eq3A_1293 : i32 to vector<16xi32>
      %eq3A_1295 = arith.cmpi eq, %get3A_1237, %eq3A_1294 : vector<16xi32>
      %select_n3A_1296 = arith.select %eq3A_1295, %mul3A_1264, %broadcast_in_dim3A_68 : vector<16xi1>, vector<16xf32>
      %add3A_1297 = arith.addf %add3A_1107, %select_n3A_1296 : vector<16xf32>
      %select_n3A_1298 = arith.select %eq3A_1295, %add3A_1278, %broadcast_in_dim3A_68 : vector<16xi1>, vector<16xf32>
      %add3A_1299 = arith.addf %add3A_1109, %select_n3A_1298 : vector<16xf32>
      %eq3A_1300 = arith.constant 3 : i32
      %eq3A_1301 = vector.broadcast %eq3A_1300 : i32 to vector<16xi32>
      %eq3A_1302 = arith.cmpi eq, %get3A_1237, %eq3A_1301 : vector<16xi32>
      %select_n3A_1303 = arith.select %eq3A_1302, %mul3A_1264, %broadcast_in_dim3A_68 : vector<16xi1>, vector<16xf32>
      %add3A_1304 = arith.addf %add3A_1114, %select_n3A_1303 : vector<16xf32>
      %select_n3A_1305 = arith.select %eq3A_1302, %add3A_1278, %broadcast_in_dim3A_68 : vector<16xi1>, vector<16xf32>
      %add3A_1306 = arith.addf %add3A_1116, %select_n3A_1305 : vector<16xf32>
      %eq3A_1307 = arith.constant 4 : i32
      %eq3A_1308 = vector.broadcast %eq3A_1307 : i32 to vector<16xi32>
      %eq3A_1309 = arith.cmpi eq, %get3A_1237, %eq3A_1308 : vector<16xi32>
      %select_n3A_1310 = arith.select %eq3A_1309, %mul3A_1264, %broadcast_in_dim3A_68 : vector<16xi1>, vector<16xf32>
      %add3A_1311 = arith.addf %add3A_1121, %select_n3A_1310 : vector<16xf32>
      %select_n3A_1312 = arith.select %eq3A_1309, %add3A_1278, %broadcast_in_dim3A_68 : vector<16xi1>, vector<16xf32>
      %add3A_1313 = arith.addf %add3A_1123, %select_n3A_1312 : vector<16xf32>
      %eq3A_1314 = arith.constant 5 : i32
      %eq3A_1315 = vector.broadcast %eq3A_1314 : i32 to vector<16xi32>
      %eq3A_1316 = arith.cmpi eq, %get3A_1237, %eq3A_1315 : vector<16xi32>
      %select_n3A_1317 = arith.select %eq3A_1316, %mul3A_1264, %broadcast_in_dim3A_68 : vector<16xi1>, vector<16xf32>
      %add3A_1318 = arith.addf %add3A_1128, %select_n3A_1317 : vector<16xf32>
      %select_n3A_1319 = arith.select %eq3A_1316, %add3A_1278, %broadcast_in_dim3A_68 : vector<16xi1>, vector<16xf32>
      %add3A_1320 = arith.addf %add3A_1130, %select_n3A_1319 : vector<16xf32>
      %eq3A_1321 = arith.constant 6 : i32
      %eq3A_1322 = vector.broadcast %eq3A_1321 : i32 to vector<16xi32>
      %eq3A_1323 = arith.cmpi eq, %get3A_1237, %eq3A_1322 : vector<16xi32>
      %select_n3A_1324 = arith.select %eq3A_1323, %mul3A_1264, %broadcast_in_dim3A_68 : vector<16xi1>, vector<16xf32>
      %add3A_1325 = arith.addf %add3A_1135, %select_n3A_1324 : vector<16xf32>
      %select_n3A_1326 = arith.select %eq3A_1323, %add3A_1278, %broadcast_in_dim3A_68 : vector<16xi1>, vector<16xf32>
      %add3A_1327 = arith.addf %add3A_1137, %select_n3A_1326 : vector<16xf32>
      %eq3A_1328 = arith.constant 7 : i32
      %eq3A_1329 = vector.broadcast %eq3A_1328 : i32 to vector<16xi32>
      %eq3A_1330 = arith.cmpi eq, %get3A_1237, %eq3A_1329 : vector<16xi32>
      %select_n3A_1331 = arith.select %eq3A_1330, %mul3A_1264, %broadcast_in_dim3A_68 : vector<16xi1>, vector<16xf32>
      %add3A_1332 = arith.addf %add3A_1142, %select_n3A_1331 : vector<16xf32>
      %select_n3A_1333 = arith.select %eq3A_1330, %add3A_1278, %broadcast_in_dim3A_68 : vector<16xi1>, vector<16xf32>
      %add3A_1334 = arith.addf %add3A_1144, %select_n3A_1333 : vector<16xf32>
      %eq3A_1335 = arith.constant 8 : i32
      %eq3A_1336 = vector.broadcast %eq3A_1335 : i32 to vector<16xi32>
      %eq3A_1337 = arith.cmpi eq, %get3A_1237, %eq3A_1336 : vector<16xi32>
      %select_n3A_1338 = arith.select %eq3A_1337, %mul3A_1264, %broadcast_in_dim3A_68 : vector<16xi1>, vector<16xf32>
      %add3A_1339 = arith.addf %add3A_1149, %select_n3A_1338 : vector<16xf32>
      %select_n3A_1340 = arith.select %eq3A_1337, %add3A_1278, %broadcast_in_dim3A_68 : vector<16xi1>, vector<16xf32>
      %add3A_1341 = arith.addf %add3A_1151, %select_n3A_1340 : vector<16xf32>
      %eq3A_1342 = arith.constant 9 : i32
      %eq3A_1343 = vector.broadcast %eq3A_1342 : i32 to vector<16xi32>
      %eq3A_1344 = arith.cmpi eq, %get3A_1237, %eq3A_1343 : vector<16xi32>
      %select_n3A_1345 = arith.select %eq3A_1344, %mul3A_1264, %broadcast_in_dim3A_68 : vector<16xi1>, vector<16xf32>
      %add3A_1346 = arith.addf %add3A_1156, %select_n3A_1345 : vector<16xf32>
      %select_n3A_1347 = arith.select %eq3A_1344, %add3A_1278, %broadcast_in_dim3A_68 : vector<16xi1>, vector<16xf32>
      %add3A_1348 = arith.addf %add3A_1158, %select_n3A_1347 : vector<16xf32>
      %eq3A_1349 = arith.constant 10 : i32
      %eq3A_1350 = vector.broadcast %eq3A_1349 : i32 to vector<16xi32>
      %eq3A_1351 = arith.cmpi eq, %get3A_1237, %eq3A_1350 : vector<16xi32>
      %select_n3A_1352 = arith.select %eq3A_1351, %mul3A_1264, %broadcast_in_dim3A_68 : vector<16xi1>, vector<16xf32>
      %add3A_1353 = arith.addf %add3A_1163, %select_n3A_1352 : vector<16xf32>
      %select_n3A_1354 = arith.select %eq3A_1351, %add3A_1278, %broadcast_in_dim3A_68 : vector<16xi1>, vector<16xf32>
      %add3A_1355 = arith.addf %add3A_1165, %select_n3A_1354 : vector<16xf32>
      %eq3A_1356 = arith.constant 11 : i32
      %eq3A_1357 = vector.broadcast %eq3A_1356 : i32 to vector<16xi32>
      %eq3A_1358 = arith.cmpi eq, %get3A_1237, %eq3A_1357 : vector<16xi32>
      %select_n3A_1359 = arith.select %eq3A_1358, %mul3A_1264, %broadcast_in_dim3A_68 : vector<16xi1>, vector<16xf32>
      %add3A_1360 = arith.addf %add3A_1170, %select_n3A_1359 : vector<16xf32>
      %select_n3A_1361 = arith.select %eq3A_1358, %add3A_1278, %broadcast_in_dim3A_68 : vector<16xi1>, vector<16xf32>
      %add3A_1362 = arith.addf %add3A_1172, %select_n3A_1361 : vector<16xf32>
      %eq3A_1363 = arith.constant 12 : i32
      %eq3A_1364 = vector.broadcast %eq3A_1363 : i32 to vector<16xi32>
      %eq3A_1365 = arith.cmpi eq, %get3A_1237, %eq3A_1364 : vector<16xi32>
      %select_n3A_1366 = arith.select %eq3A_1365, %mul3A_1264, %broadcast_in_dim3A_68 : vector<16xi1>, vector<16xf32>
      %add3A_1367 = arith.addf %add3A_1177, %select_n3A_1366 : vector<16xf32>
      %select_n3A_1368 = arith.select %eq3A_1365, %add3A_1278, %broadcast_in_dim3A_68 : vector<16xi1>, vector<16xf32>
      %add3A_1369 = arith.addf %add3A_1179, %select_n3A_1368 : vector<16xf32>
      %eq3A_1370 = arith.constant 13 : i32
      %eq3A_1371 = vector.broadcast %eq3A_1370 : i32 to vector<16xi32>
      %eq3A_1372 = arith.cmpi eq, %get3A_1237, %eq3A_1371 : vector<16xi32>
      %select_n3A_1373 = arith.select %eq3A_1372, %mul3A_1264, %broadcast_in_dim3A_68 : vector<16xi1>, vector<16xf32>
      %add3A_1374 = arith.addf %add3A_1184, %select_n3A_1373 : vector<16xf32>
      %select_n3A_1375 = arith.select %eq3A_1372, %add3A_1278, %broadcast_in_dim3A_68 : vector<16xi1>, vector<16xf32>
      %add3A_1376 = arith.addf %add3A_1186, %select_n3A_1375 : vector<16xf32>
      %eq3A_1377 = arith.constant 14 : i32
      %eq3A_1378 = vector.broadcast %eq3A_1377 : i32 to vector<16xi32>
      %eq3A_1379 = arith.cmpi eq, %get3A_1237, %eq3A_1378 : vector<16xi32>
      %select_n3A_1380 = arith.select %eq3A_1379, %mul3A_1264, %broadcast_in_dim3A_68 : vector<16xi1>, vector<16xf32>
      %add3A_1381 = arith.addf %add3A_1191, %select_n3A_1380 : vector<16xf32>
      %select_n3A_1382 = arith.select %eq3A_1379, %add3A_1278, %broadcast_in_dim3A_68 : vector<16xi1>, vector<16xf32>
      %add3A_1383 = arith.addf %add3A_1193, %select_n3A_1382 : vector<16xf32>
      %eq3A_1384 = arith.constant 15 : i32
      %eq3A_1385 = vector.broadcast %eq3A_1384 : i32 to vector<16xi32>
      %eq3A_1386 = arith.cmpi eq, %get3A_1237, %eq3A_1385 : vector<16xi32>
      %select_n3A_1387 = arith.select %eq3A_1386, %mul3A_1264, %broadcast_in_dim3A_68 : vector<16xi1>, vector<16xf32>
      %add3A_1388 = arith.addf %add3A_1198, %select_n3A_1387 : vector<16xf32>
      %select_n3A_1389 = arith.select %eq3A_1386, %add3A_1278, %broadcast_in_dim3A_68 : vector<16xi1>, vector<16xf32>
      %add3A_1390 = arith.addf %add3A_1200, %select_n3A_1389 : vector<16xf32>
      %get3A_1391 = arith.constant 1 : i32
      %get3A_1392 = arith.constant 0 : i32
      %get3A_1393 = arith.constant 0 : i32
      %get3A_1394 = arith.index_cast %get3A_1391 : i32 to index
      %get3A_1395 = arith.index_cast %get3A_1392 : i32 to index
      %get3A_1396 = arith.index_cast %get3A_1393 : i32 to index
      %get3A_1397 = arith.constant 48 : index
      %get3A_1398 = tpu.vector_load %arg9[%get3A_1394, %get3A_1395, %get3A_1396, %get3A_1397] {strides = array<i32>} : memref<4x1x1x64xf32, #tpu.memory_space<vmem>>, vector<1x1x1x16xf32>,
      %get3A_1399 = vector.shape_cast %get3A_1398 : vector<1x1x1x16xf32> to vector<16xf32>
      %get3A_1400 = arith.constant 1 : i32
      %get3A_1401 = arith.constant 0 : i32
      %get3A_1402 = arith.constant 0 : i32
      %get3A_1403 = arith.index_cast %get3A_1400 : i32 to index
      %get3A_1404 = arith.index_cast %get3A_1401 : i32 to index
      %get3A_1405 = arith.index_cast %get3A_1402 : i32 to index
      %get3A_1406 = arith.constant 48 : index
      %get3A_1407 = tpu.vector_load %arg10[%get3A_1403, %get3A_1404, %get3A_1405, %get3A_1406] {strides = array<i32>} : memref<4x1x1x64xf32, #tpu.memory_space<vmem>>, vector<1x1x1x16xf32>,
      %get3A_1408 = vector.shape_cast %get3A_1407 : vector<1x1x1x16xf32> to vector<16xf32>
      %get3A_1409 = arith.constant 1 : i32
      %get3A_1410 = arith.constant 0 : i32
      %get3A_1411 = arith.constant 0 : i32
      %get3A_1412 = arith.index_cast %get3A_1409 : i32 to index
      %get3A_1413 = arith.index_cast %get3A_1410 : i32 to index
      %get3A_1414 = arith.index_cast %get3A_1411 : i32 to index
      %get3A_1415 = arith.constant 48 : index
      %get3A_1416 = tpu.vector_load %arg11[%get3A_1412, %get3A_1413, %get3A_1414, %get3A_1415] {strides = array<i32>} : memref<4x1x1x64xf32, #tpu.memory_space<vmem>>, vector<1x1x1x16xf32>,
      %get3A_1417 = vector.shape_cast %get3A_1416 : vector<1x1x1x16xf32> to vector<16xf32>
      %get3A_1418 = arith.constant 1 : i32
      %get3A_1419 = arith.index_cast %get3A_1418 : i32 to index
      %get3A_1420 = arith.constant 48 : index
      %get3A_1421 = tpu.vector_load %arg12[%get3A_1419, %get3A_1420] {strides = array<i32>} : memref<4x64xf32, #tpu.memory_space<vmem>>, vector<1x16xf32>,
      %get3A_1422 = vector.shape_cast %get3A_1421 : vector<1x16xf32> to vector<16xf32>
      %get3A_1423 = arith.constant 1 : i32
      %get3A_1424 = arith.index_cast %get3A_1423 : i32 to index
      %get3A_1425 = arith.constant 48 : index
      %get3A_1426 = tpu.vector_load %arg13[%get3A_1424, %get3A_1425] {strides = array<i32>} : memref<4x64xi32, #tpu.memory_space<vmem>>, vector<1x16xi32>,
      %get3A_1427 = vector.shape_cast %get3A_1426 : vector<1x16xi32> to vector<16xi32>
      %add3A_1428 = arith.constant 9.99999997E-7 : f32
      %add3A_1429 = vector.broadcast %add3A_1428 : f32 to vector<16xf32>
      %add3A_1430 = arith.addf %get3A_1408, %add3A_1429 : vector<16xf32>
      %div3A_1431 = arith.divf %get3A_1399, %add3A_1430 : vector<16xf32>
      %mul3A_1432 = arith.mulf %div3A_1431, %div3A_1431 : vector<16xf32>
      %mul3A_1433 = arith.mulf %mul3A_1432, %mul3A_1432 : vector<16xf32>
      %sub3A_1434 = arith.constant 1.000000e+00 : f32
      %sub3A_1435 = vector.broadcast %sub3A_1434 : f32 to vector<16xf32>
      %sub3A_1436 = arith.subf %sub3A_1435, %div3A_1431 : vector<16xf32>
      %mul3A_1437 = arith.mulf %sub3A_1436, %sub3A_1436 : vector<16xf32>
      %mul3A_1438 = arith.mulf %mul3A_1437, %mul3A_1437 : vector<16xf32>
      %add3A_1439 = arith.addf %mul3A_1433, %mul3A_1438 : vector<16xf32>
      %div3A_1440 = arith.divf %mul3A_1433, %add3A_1439 : vector<16xf32>
      %sub3A_1441 = arith.constant 1.000000e+00 : f32
      %sub3A_1442 = vector.broadcast %sub3A_1441 : f32 to vector<16xf32>
      %sub3A_1443 = arith.subf %sub3A_1442, %div3A_1440 : vector<16xf32>
      %gt3A_1444 = arith.constant 0.000000e+00 : f32
      %gt3A_1445 = vector.broadcast %gt3A_1444 : f32 to vector<16xf32>
      %gt3A_1446 = arith.cmpf ogt, %get3A_1417, %gt3A_1445 : vector<16xf32>
      %jit3A_1447 = arith.constant 1.000000e+00 : f32
      %jit3A_1448 = arith.constant 0.000000e+00 : f32
      %broadcast_in_dim3A_1449 = vector.broadcast %jit3A_1447 : f32 to vector<16xf32>
      %broadcast_in_dim3A_1450 = vector.broadcast %jit3A_1448 : f32 to vector<16xf32>
      %select_n3A_1451 = arith.select %gt3A_1446, %broadcast_in_dim3A_1449, %broadcast_in_dim3A_1450 : vector<16xi1>, vector<16xf32>
      %mul3A_1452 = arith.mulf %div3A_1440, %get3A_1422 : vector<16xf32>
      %mul3A_1453 = arith.mulf %mul3A_1452, %select_n3A_1451 : vector<16xf32>
      %mul3A_1454 = arith.mulf %mul3A_1453, %div3A_1431 : vector<16xf32>
      %mul3A_1455 = arith.mulf %sub3A_1443, %select_n3A_1451 : vector<16xf32>
      %mul3A_1456 = arith.constant 5.000000e-01 : f32
      %mul3A_1457 = vector.broadcast %mul3A_1456 : f32 to vector<16xf32>
      %mul3A_1458 = arith.mulf %mul3A_1457, %mul3A_1455 : vector<16xf32>
      %add3A_1459 = arith.addf %mul3A_1453, %mul3A_1458 : vector<16xf32>
      %sub3A_1460 = arith.constant 1.000000e+00 : f32
      %sub3A_1461 = vector.broadcast %sub3A_1460 : f32 to vector<16xf32>
      %sub3A_1462 = arith.subf %sub3A_1461, %select_n3A_1451 : vector<16xf32>
      %mul3A_1463 = arith.mulf %sub3A_1462, %sub3A_1443 : vector<16xf32>
      %mul3A_1464 = arith.mulf %mul3A_1463, %get3A_1422 : vector<16xf32>
      %mul3A_1465 = arith.constant 5.000000e-01 : f32
      %mul3A_1466 = vector.broadcast %mul3A_1465 : f32 to vector<16xf32>
      %mul3A_1467 = arith.mulf %mul3A_1466, %mul3A_1464 : vector<16xf32>
      %add3A_1468 = arith.addf %add3A_1459, %mul3A_1467 : vector<16xf32>
      %eq3A_1469 = arith.constant 0 : i32
      %eq3A_1470 = vector.broadcast %eq3A_1469 : i32 to vector<16xi32>
      %eq3A_1471 = arith.cmpi eq, %get3A_1427, %eq3A_1470 : vector<16xi32>
      %select_n3A_1472 = arith.select %eq3A_1471, %mul3A_1454, %broadcast_in_dim3A_68 : vector<16xi1>, vector<16xf32>
      %add3A_1473 = arith.addf %add3A_1283, %select_n3A_1472 : vector<16xf32>
      %select_n3A_1474 = arith.select %eq3A_1471, %add3A_1468, %broadcast_in_dim3A_68 : vector<16xi1>, vector<16xf32>
      %add3A_1475 = arith.addf %add3A_1285, %select_n3A_1474 : vector<16xf32>
      %eq3A_1476 = arith.constant 1 : i32
      %eq3A_1477 = vector.broadcast %eq3A_1476 : i32 to vector<16xi32>
      %eq3A_1478 = arith.cmpi eq, %get3A_1427, %eq3A_1477 : vector<16xi32>
      %select_n3A_1479 = arith.select %eq3A_1478, %mul3A_1454, %broadcast_in_dim3A_68 : vector<16xi1>, vector<16xf32>
      %add3A_1480 = arith.addf %add3A_1290, %select_n3A_1479 : vector<16xf32>
      %select_n3A_1481 = arith.select %eq3A_1478, %add3A_1468, %broadcast_in_dim3A_68 : vector<16xi1>, vector<16xf32>
      %add3A_1482 = arith.addf %add3A_1292, %select_n3A_1481 : vector<16xf32>
      %eq3A_1483 = arith.constant 2 : i32
      %eq3A_1484 = vector.broadcast %eq3A_1483 : i32 to vector<16xi32>
      %eq3A_1485 = arith.cmpi eq, %get3A_1427, %eq3A_1484 : vector<16xi32>
      %select_n3A_1486 = arith.select %eq3A_1485, %mul3A_1454, %broadcast_in_dim3A_68 : vector<16xi1>, vector<16xf32>
      %add3A_1487 = arith.addf %add3A_1297, %select_n3A_1486 : vector<16xf32>
      %select_n3A_1488 = arith.select %eq3A_1485, %add3A_1468, %broadcast_in_dim3A_68 : vector<16xi1>, vector<16xf32>
      %add3A_1489 = arith.addf %add3A_1299, %select_n3A_1488 : vector<16xf32>
      %eq3A_1490 = arith.constant 3 : i32
      %eq3A_1491 = vector.broadcast %eq3A_1490 : i32 to vector<16xi32>
      %eq3A_1492 = arith.cmpi eq, %get3A_1427, %eq3A_1491 : vector<16xi32>
      %select_n3A_1493 = arith.select %eq3A_1492, %mul3A_1454, %broadcast_in_dim3A_68 : vector<16xi1>, vector<16xf32>
      %add3A_1494 = arith.addf %add3A_1304, %select_n3A_1493 : vector<16xf32>
      %select_n3A_1495 = arith.select %eq3A_1492, %add3A_1468, %broadcast_in_dim3A_68 : vector<16xi1>, vector<16xf32>
      %add3A_1496 = arith.addf %add3A_1306, %select_n3A_1495 : vector<16xf32>
      %eq3A_1497 = arith.constant 4 : i32
      %eq3A_1498 = vector.broadcast %eq3A_1497 : i32 to vector<16xi32>
      %eq3A_1499 = arith.cmpi eq, %get3A_1427, %eq3A_1498 : vector<16xi32>
      %select_n3A_1500 = arith.select %eq3A_1499, %mul3A_1454, %broadcast_in_dim3A_68 : vector<16xi1>, vector<16xf32>
      %add3A_1501 = arith.addf %add3A_1311, %select_n3A_1500 : vector<16xf32>
      %select_n3A_1502 = arith.select %eq3A_1499, %add3A_1468, %broadcast_in_dim3A_68 : vector<16xi1>, vector<16xf32>
      %add3A_1503 = arith.addf %add3A_1313, %select_n3A_1502 : vector<16xf32>
      %eq3A_1504 = arith.constant 5 : i32
      %eq3A_1505 = vector.broadcast %eq3A_1504 : i32 to vector<16xi32>
      %eq3A_1506 = arith.cmpi eq, %get3A_1427, %eq3A_1505 : vector<16xi32>
      %select_n3A_1507 = arith.select %eq3A_1506, %mul3A_1454, %broadcast_in_dim3A_68 : vector<16xi1>, vector<16xf32>
      %add3A_1508 = arith.addf %add3A_1318, %select_n3A_1507 : vector<16xf32>
      %select_n3A_1509 = arith.select %eq3A_1506, %add3A_1468, %broadcast_in_dim3A_68 : vector<16xi1>, vector<16xf32>
      %add3A_1510 = arith.addf %add3A_1320, %select_n3A_1509 : vector<16xf32>
      %eq3A_1511 = arith.constant 6 : i32
      %eq3A_1512 = vector.broadcast %eq3A_1511 : i32 to vector<16xi32>
      %eq3A_1513 = arith.cmpi eq, %get3A_1427, %eq3A_1512 : vector<16xi32>
      %select_n3A_1514 = arith.select %eq3A_1513, %mul3A_1454, %broadcast_in_dim3A_68 : vector<16xi1>, vector<16xf32>
      %add3A_1515 = arith.addf %add3A_1325, %select_n3A_1514 : vector<16xf32>
      %select_n3A_1516 = arith.select %eq3A_1513, %add3A_1468, %broadcast_in_dim3A_68 : vector<16xi1>, vector<16xf32>
      %add3A_1517 = arith.addf %add3A_1327, %select_n3A_1516 : vector<16xf32>
      %eq3A_1518 = arith.constant 7 : i32
      %eq3A_1519 = vector.broadcast %eq3A_1518 : i32 to vector<16xi32>
      %eq3A_1520 = arith.cmpi eq, %get3A_1427, %eq3A_1519 : vector<16xi32>
      %select_n3A_1521 = arith.select %eq3A_1520, %mul3A_1454, %broadcast_in_dim3A_68 : vector<16xi1>, vector<16xf32>
      %add3A_1522 = arith.addf %add3A_1332, %select_n3A_1521 : vector<16xf32>
      %select_n3A_1523 = arith.select %eq3A_1520, %add3A_1468, %broadcast_in_dim3A_68 : vector<16xi1>, vector<16xf32>
      %add3A_1524 = arith.addf %add3A_1334, %select_n3A_1523 : vector<16xf32>
      %eq3A_1525 = arith.constant 8 : i32
      %eq3A_1526 = vector.broadcast %eq3A_1525 : i32 to vector<16xi32>
      %eq3A_1527 = arith.cmpi eq, %get3A_1427, %eq3A_1526 : vector<16xi32>
      %select_n3A_1528 = arith.select %eq3A_1527, %mul3A_1454, %broadcast_in_dim3A_68 : vector<16xi1>, vector<16xf32>
      %add3A_1529 = arith.addf %add3A_1339, %select_n3A_1528 : vector<16xf32>
      %select_n3A_1530 = arith.select %eq3A_1527, %add3A_1468, %broadcast_in_dim3A_68 : vector<16xi1>, vector<16xf32>
      %add3A_1531 = arith.addf %add3A_1341, %select_n3A_1530 : vector<16xf32>
      %eq3A_1532 = arith.constant 9 : i32
      %eq3A_1533 = vector.broadcast %eq3A_1532 : i32 to vector<16xi32>
      %eq3A_1534 = arith.cmpi eq, %get3A_1427, %eq3A_1533 : vector<16xi32>
      %select_n3A_1535 = arith.select %eq3A_1534, %mul3A_1454, %broadcast_in_dim3A_68 : vector<16xi1>, vector<16xf32>
      %add3A_1536 = arith.addf %add3A_1346, %select_n3A_1535 : vector<16xf32>
      %select_n3A_1537 = arith.select %eq3A_1534, %add3A_1468, %broadcast_in_dim3A_68 : vector<16xi1>, vector<16xf32>
      %add3A_1538 = arith.addf %add3A_1348, %select_n3A_1537 : vector<16xf32>
      %eq3A_1539 = arith.constant 10 : i32
      %eq3A_1540 = vector.broadcast %eq3A_1539 : i32 to vector<16xi32>
      %eq3A_1541 = arith.cmpi eq, %get3A_1427, %eq3A_1540 : vector<16xi32>
      %select_n3A_1542 = arith.select %eq3A_1541, %mul3A_1454, %broadcast_in_dim3A_68 : vector<16xi1>, vector<16xf32>
      %add3A_1543 = arith.addf %add3A_1353, %select_n3A_1542 : vector<16xf32>
      %select_n3A_1544 = arith.select %eq3A_1541, %add3A_1468, %broadcast_in_dim3A_68 : vector<16xi1>, vector<16xf32>
      %add3A_1545 = arith.addf %add3A_1355, %select_n3A_1544 : vector<16xf32>
      %eq3A_1546 = arith.constant 11 : i32
      %eq3A_1547 = vector.broadcast %eq3A_1546 : i32 to vector<16xi32>
      %eq3A_1548 = arith.cmpi eq, %get3A_1427, %eq3A_1547 : vector<16xi32>
      %select_n3A_1549 = arith.select %eq3A_1548, %mul3A_1454, %broadcast_in_dim3A_68 : vector<16xi1>, vector<16xf32>
      %add3A_1550 = arith.addf %add3A_1360, %select_n3A_1549 : vector<16xf32>
      %select_n3A_1551 = arith.select %eq3A_1548, %add3A_1468, %broadcast_in_dim3A_68 : vector<16xi1>, vector<16xf32>
      %add3A_1552 = arith.addf %add3A_1362, %select_n3A_1551 : vector<16xf32>
      %eq3A_1553 = arith.constant 12 : i32
      %eq3A_1554 = vector.broadcast %eq3A_1553 : i32 to vector<16xi32>
      %eq3A_1555 = arith.cmpi eq, %get3A_1427, %eq3A_1554 : vector<16xi32>
      %select_n3A_1556 = arith.select %eq3A_1555, %mul3A_1454, %broadcast_in_dim3A_68 : vector<16xi1>, vector<16xf32>
      %add3A_1557 = arith.addf %add3A_1367, %select_n3A_1556 : vector<16xf32>
      %select_n3A_1558 = arith.select %eq3A_1555, %add3A_1468, %broadcast_in_dim3A_68 : vector<16xi1>, vector<16xf32>
      %add3A_1559 = arith.addf %add3A_1369, %select_n3A_1558 : vector<16xf32>
      %eq3A_1560 = arith.constant 13 : i32
      %eq3A_1561 = vector.broadcast %eq3A_1560 : i32 to vector<16xi32>
      %eq3A_1562 = arith.cmpi eq, %get3A_1427, %eq3A_1561 : vector<16xi32>
      %select_n3A_1563 = arith.select %eq3A_1562, %mul3A_1454, %broadcast_in_dim3A_68 : vector<16xi1>, vector<16xf32>
      %add3A_1564 = arith.addf %add3A_1374, %select_n3A_1563 : vector<16xf32>
      %select_n3A_1565 = arith.select %eq3A_1562, %add3A_1468, %broadcast_in_dim3A_68 : vector<16xi1>, vector<16xf32>
      %add3A_1566 = arith.addf %add3A_1376, %select_n3A_1565 : vector<16xf32>
      %eq3A_1567 = arith.constant 14 : i32
      %eq3A_1568 = vector.broadcast %eq3A_1567 : i32 to vector<16xi32>
      %eq3A_1569 = arith.cmpi eq, %get3A_1427, %eq3A_1568 : vector<16xi32>
      %select_n3A_1570 = arith.select %eq3A_1569, %mul3A_1454, %broadcast_in_dim3A_68 : vector<16xi1>, vector<16xf32>
      %add3A_1571 = arith.addf %add3A_1381, %select_n3A_1570 : vector<16xf32>
      %select_n3A_1572 = arith.select %eq3A_1569, %add3A_1468, %broadcast_in_dim3A_68 : vector<16xi1>, vector<16xf32>
      %add3A_1573 = arith.addf %add3A_1383, %select_n3A_1572 : vector<16xf32>
      %eq3A_1574 = arith.constant 15 : i32
      %eq3A_1575 = vector.broadcast %eq3A_1574 : i32 to vector<16xi32>
      %eq3A_1576 = arith.cmpi eq, %get3A_1427, %eq3A_1575 : vector<16xi32>
      %select_n3A_1577 = arith.select %eq3A_1576, %mul3A_1454, %broadcast_in_dim3A_68 : vector<16xi1>, vector<16xf32>
      %add3A_1578 = arith.addf %add3A_1388, %select_n3A_1577 : vector<16xf32>
      %select_n3A_1579 = arith.select %eq3A_1576, %add3A_1468, %broadcast_in_dim3A_68 : vector<16xi1>, vector<16xf32>
      %add3A_1580 = arith.addf %add3A_1390, %select_n3A_1579 : vector<16xf32>
      %get3A_1581 = arith.constant 2 : i32
      %get3A_1582 = arith.constant 0 : i32
      %get3A_1583 = arith.constant 0 : i32
      %get3A_1584 = arith.index_cast %get3A_1581 : i32 to index
      %get3A_1585 = arith.index_cast %get3A_1582 : i32 to index
      %get3A_1586 = arith.index_cast %get3A_1583 : i32 to index
      %get3A_1587 = arith.constant 0 : index
      %get3A_1588 = tpu.vector_load %arg9[%get3A_1584, %get3A_1585, %get3A_1586, %get3A_1587] {strides = array<i32>} : memref<4x1x1x64xf32, #tpu.memory_space<vmem>>, vector<1x1x1x16xf32>,
      %get3A_1589 = vector.shape_cast %get3A_1588 : vector<1x1x1x16xf32> to vector<16xf32>
      %get3A_1590 = arith.constant 2 : i32
      %get3A_1591 = arith.constant 0 : i32
      %get3A_1592 = arith.constant 0 : i32
      %get3A_1593 = arith.index_cast %get3A_1590 : i32 to index
      %get3A_1594 = arith.index_cast %get3A_1591 : i32 to index
      %get3A_1595 = arith.index_cast %get3A_1592 : i32 to index
      %get3A_1596 = arith.constant 0 : index
      %get3A_1597 = tpu.vector_load %arg10[%get3A_1593, %get3A_1594, %get3A_1595, %get3A_1596] {strides = array<i32>} : memref<4x1x1x64xf32, #tpu.memory_space<vmem>>, vector<1x1x1x16xf32>,
      %get3A_1598 = vector.shape_cast %get3A_1597 : vector<1x1x1x16xf32> to vector<16xf32>
      %get3A_1599 = arith.constant 2 : i32
      %get3A_1600 = arith.constant 0 : i32
      %get3A_1601 = arith.constant 0 : i32
      %get3A_1602 = arith.index_cast %get3A_1599 : i32 to index
      %get3A_1603 = arith.index_cast %get3A_1600 : i32 to index
      %get3A_1604 = arith.index_cast %get3A_1601 : i32 to index
      %get3A_1605 = arith.constant 0 : index
      %get3A_1606 = tpu.vector_load %arg11[%get3A_1602, %get3A_1603, %get3A_1604, %get3A_1605] {strides = array<i32>} : memref<4x1x1x64xf32, #tpu.memory_space<vmem>>, vector<1x1x1x16xf32>,
      %get3A_1607 = vector.shape_cast %get3A_1606 : vector<1x1x1x16xf32> to vector<16xf32>
      %get3A_1608 = arith.constant 2 : i32
      %get3A_1609 = arith.index_cast %get3A_1608 : i32 to index
      %get3A_1610 = arith.constant 0 : index
      %get3A_1611 = tpu.vector_load %arg12[%get3A_1609, %get3A_1610] {strides = array<i32>} : memref<4x64xf32, #tpu.memory_space<vmem>>, vector<1x16xf32>,
      %get3A_1612 = vector.shape_cast %get3A_1611 : vector<1x16xf32> to vector<16xf32>
      %get3A_1613 = arith.constant 2 : i32
      %get3A_1614 = arith.index_cast %get3A_1613 : i32 to index
      %get3A_1615 = arith.constant 0 : index
      %get3A_1616 = tpu.vector_load %arg13[%get3A_1614, %get3A_1615] {strides = array<i32>} : memref<4x64xi32, #tpu.memory_space<vmem>>, vector<1x16xi32>,
      %get3A_1617 = vector.shape_cast %get3A_1616 : vector<1x16xi32> to vector<16xi32>
      %add3A_1618 = arith.constant 9.99999997E-7 : f32
      %add3A_1619 = vector.broadcast %add3A_1618 : f32 to vector<16xf32>
      %add3A_1620 = arith.addf %get3A_1598, %add3A_1619 : vector<16xf32>
      %div3A_1621 = arith.divf %get3A_1589, %add3A_1620 : vector<16xf32>
      %mul3A_1622 = arith.mulf %div3A_1621, %div3A_1621 : vector<16xf32>
      %mul3A_1623 = arith.mulf %mul3A_1622, %mul3A_1622 : vector<16xf32>
      %sub3A_1624 = arith.constant 1.000000e+00 : f32
      %sub3A_1625 = vector.broadcast %sub3A_1624 : f32 to vector<16xf32>
      %sub3A_1626 = arith.subf %sub3A_1625, %div3A_1621 : vector<16xf32>
      %mul3A_1627 = arith.mulf %sub3A_1626, %sub3A_1626 : vector<16xf32>
      %mul3A_1628 = arith.mulf %mul3A_1627, %mul3A_1627 : vector<16xf32>
      %add3A_1629 = arith.addf %mul3A_1623, %mul3A_1628 : vector<16xf32>
      %div3A_1630 = arith.divf %mul3A_1623, %add3A_1629 : vector<16xf32>
      %sub3A_1631 = arith.constant 1.000000e+00 : f32
      %sub3A_1632 = vector.broadcast %sub3A_1631 : f32 to vector<16xf32>
      %sub3A_1633 = arith.subf %sub3A_1632, %div3A_1630 : vector<16xf32>
      %gt3A_1634 = arith.constant 0.000000e+00 : f32
      %gt3A_1635 = vector.broadcast %gt3A_1634 : f32 to vector<16xf32>
      %gt3A_1636 = arith.cmpf ogt, %get3A_1607, %gt3A_1635 : vector<16xf32>
      %jit3A_1637 = arith.constant 1.000000e+00 : f32
      %jit3A_1638 = arith.constant 0.000000e+00 : f32
      %broadcast_in_dim3A_1639 = vector.broadcast %jit3A_1637 : f32 to vector<16xf32>
      %broadcast_in_dim3A_1640 = vector.broadcast %jit3A_1638 : f32 to vector<16xf32>
      %select_n3A_1641 = arith.select %gt3A_1636, %broadcast_in_dim3A_1639, %broadcast_in_dim3A_1640 : vector<16xi1>, vector<16xf32>
      %mul3A_1642 = arith.mulf %div3A_1630, %get3A_1612 : vector<16xf32>
      %mul3A_1643 = arith.mulf %mul3A_1642, %select_n3A_1641 : vector<16xf32>
      %mul3A_1644 = arith.mulf %mul3A_1643, %div3A_1621 : vector<16xf32>
      %mul3A_1645 = arith.mulf %sub3A_1633, %select_n3A_1641 : vector<16xf32>
      %mul3A_1646 = arith.constant 5.000000e-01 : f32
      %mul3A_1647 = vector.broadcast %mul3A_1646 : f32 to vector<16xf32>
      %mul3A_1648 = arith.mulf %mul3A_1647, %mul3A_1645 : vector<16xf32>
      %add3A_1649 = arith.addf %mul3A_1643, %mul3A_1648 : vector<16xf32>
      %sub3A_1650 = arith.constant 1.000000e+00 : f32
      %sub3A_1651 = vector.broadcast %sub3A_1650 : f32 to vector<16xf32>
      %sub3A_1652 = arith.subf %sub3A_1651, %select_n3A_1641 : vector<16xf32>
      %mul3A_1653 = arith.mulf %sub3A_1652, %sub3A_1633 : vector<16xf32>
      %mul3A_1654 = arith.mulf %mul3A_1653, %get3A_1612 : vector<16xf32>
      %mul3A_1655 = arith.constant 5.000000e-01 : f32
      %mul3A_1656 = vector.broadcast %mul3A_1655 : f32 to vector<16xf32>
      %mul3A_1657 = arith.mulf %mul3A_1656, %mul3A_1654 : vector<16xf32>
      %add3A_1658 = arith.addf %add3A_1649, %mul3A_1657 : vector<16xf32>
      %eq3A_1659 = arith.constant 0 : i32
      %eq3A_1660 = vector.broadcast %eq3A_1659 : i32 to vector<16xi32>
      %eq3A_1661 = arith.cmpi eq, %get3A_1617, %eq3A_1660 : vector<16xi32>
      %select_n3A_1662 = arith.select %eq3A_1661, %mul3A_1644, %broadcast_in_dim3A_68 : vector<16xi1>, vector<16xf32>
      %add3A_1663 = arith.addf %add3A_1473, %select_n3A_1662 : vector<16xf32>
      %select_n3A_1664 = arith.select %eq3A_1661, %add3A_1658, %broadcast_in_dim3A_68 : vector<16xi1>, vector<16xf32>
      %add3A_1665 = arith.addf %add3A_1475, %select_n3A_1664 : vector<16xf32>
      %eq3A_1666 = arith.constant 1 : i32
      %eq3A_1667 = vector.broadcast %eq3A_1666 : i32 to vector<16xi32>
      %eq3A_1668 = arith.cmpi eq, %get3A_1617, %eq3A_1667 : vector<16xi32>
      %select_n3A_1669 = arith.select %eq3A_1668, %mul3A_1644, %broadcast_in_dim3A_68 : vector<16xi1>, vector<16xf32>
      %add3A_1670 = arith.addf %add3A_1480, %select_n3A_1669 : vector<16xf32>
      %select_n3A_1671 = arith.select %eq3A_1668, %add3A_1658, %broadcast_in_dim3A_68 : vector<16xi1>, vector<16xf32>
      %add3A_1672 = arith.addf %add3A_1482, %select_n3A_1671 : vector<16xf32>
      %eq3A_1673 = arith.constant 2 : i32
      %eq3A_1674 = vector.broadcast %eq3A_1673 : i32 to vector<16xi32>
      %eq3A_1675 = arith.cmpi eq, %get3A_1617, %eq3A_1674 : vector<16xi32>
      %select_n3A_1676 = arith.select %eq3A_1675, %mul3A_1644, %broadcast_in_dim3A_68 : vector<16xi1>, vector<16xf32>
      %add3A_1677 = arith.addf %add3A_1487, %select_n3A_1676 : vector<16xf32>
      %select_n3A_1678 = arith.select %eq3A_1675, %add3A_1658, %broadcast_in_dim3A_68 : vector<16xi1>, vector<16xf32>
      %add3A_1679 = arith.addf %add3A_1489, %select_n3A_1678 : vector<16xf32>
      %eq3A_1680 = arith.constant 3 : i32
      %eq3A_1681 = vector.broadcast %eq3A_1680 : i32 to vector<16xi32>
      %eq3A_1682 = arith.cmpi eq, %get3A_1617, %eq3A_1681 : vector<16xi32>
      %select_n3A_1683 = arith.select %eq3A_1682, %mul3A_1644, %broadcast_in_dim3A_68 : vector<16xi1>, vector<16xf32>
      %add3A_1684 = arith.addf %add3A_1494, %select_n3A_1683 : vector<16xf32>
      %select_n3A_1685 = arith.select %eq3A_1682, %add3A_1658, %broadcast_in_dim3A_68 : vector<16xi1>, vector<16xf32>
      %add3A_1686 = arith.addf %add3A_1496, %select_n3A_1685 : vector<16xf32>
      %eq3A_1687 = arith.constant 4 : i32
      %eq3A_1688 = vector.broadcast %eq3A_1687 : i32 to vector<16xi32>
      %eq3A_1689 = arith.cmpi eq, %get3A_1617, %eq3A_1688 : vector<16xi32>
      %select_n3A_1690 = arith.select %eq3A_1689, %mul3A_1644, %broadcast_in_dim3A_68 : vector<16xi1>, vector<16xf32>
      %add3A_1691 = arith.addf %add3A_1501, %select_n3A_1690 : vector<16xf32>
      %select_n3A_1692 = arith.select %eq3A_1689, %add3A_1658, %broadcast_in_dim3A_68 : vector<16xi1>, vector<16xf32>
      %add3A_1693 = arith.addf %add3A_1503, %select_n3A_1692 : vector<16xf32>
      %eq3A_1694 = arith.constant 5 : i32
      %eq3A_1695 = vector.broadcast %eq3A_1694 : i32 to vector<16xi32>
      %eq3A_1696 = arith.cmpi eq, %get3A_1617, %eq3A_1695 : vector<16xi32>
      %select_n3A_1697 = arith.select %eq3A_1696, %mul3A_1644, %broadcast_in_dim3A_68 : vector<16xi1>, vector<16xf32>
      %add3A_1698 = arith.addf %add3A_1508, %select_n3A_1697 : vector<16xf32>
      %select_n3A_1699 = arith.select %eq3A_1696, %add3A_1658, %broadcast_in_dim3A_68 : vector<16xi1>, vector<16xf32>
      %add3A_1700 = arith.addf %add3A_1510, %select_n3A_1699 : vector<16xf32>
      %eq3A_1701 = arith.constant 6 : i32
      %eq3A_1702 = vector.broadcast %eq3A_1701 : i32 to vector<16xi32>
      %eq3A_1703 = arith.cmpi eq, %get3A_1617, %eq3A_1702 : vector<16xi32>
      %select_n3A_1704 = arith.select %eq3A_1703, %mul3A_1644, %broadcast_in_dim3A_68 : vector<16xi1>, vector<16xf32>
      %add3A_1705 = arith.addf %add3A_1515, %select_n3A_1704 : vector<16xf32>
      %select_n3A_1706 = arith.select %eq3A_1703, %add3A_1658, %broadcast_in_dim3A_68 : vector<16xi1>, vector<16xf32>
      %add3A_1707 = arith.addf %add3A_1517, %select_n3A_1706 : vector<16xf32>
      %eq3A_1708 = arith.constant 7 : i32
      %eq3A_1709 = vector.broadcast %eq3A_1708 : i32 to vector<16xi32>
      %eq3A_1710 = arith.cmpi eq, %get3A_1617, %eq3A_1709 : vector<16xi32>
      %select_n3A_1711 = arith.select %eq3A_1710, %mul3A_1644, %broadcast_in_dim3A_68 : vector<16xi1>, vector<16xf32>
      %add3A_1712 = arith.addf %add3A_1522, %select_n3A_1711 : vector<16xf32>
      %select_n3A_1713 = arith.select %eq3A_1710, %add3A_1658, %broadcast_in_dim3A_68 : vector<16xi1>, vector<16xf32>
      %add3A_1714 = arith.addf %add3A_1524, %select_n3A_1713 : vector<16xf32>
      %eq3A_1715 = arith.constant 8 : i32
      %eq3A_1716 = vector.broadcast %eq3A_1715 : i32 to vector<16xi32>
      %eq3A_1717 = arith.cmpi eq, %get3A_1617, %eq3A_1716 : vector<16xi32>
      %select_n3A_1718 = arith.select %eq3A_1717, %mul3A_1644, %broadcast_in_dim3A_68 : vector<16xi1>, vector<16xf32>
      %add3A_1719 = arith.addf %add3A_1529, %select_n3A_1718 : vector<16xf32>
      %select_n3A_1720 = arith.select %eq3A_1717, %add3A_1658, %broadcast_in_dim3A_68 : vector<16xi1>, vector<16xf32>
      %add3A_1721 = arith.addf %add3A_1531, %select_n3A_1720 : vector<16xf32>
      %eq3A_1722 = arith.constant 9 : i32
      %eq3A_1723 = vector.broadcast %eq3A_1722 : i32 to vector<16xi32>
      %eq3A_1724 = arith.cmpi eq, %get3A_1617, %eq3A_1723 : vector<16xi32>
      %select_n3A_1725 = arith.select %eq3A_1724, %mul3A_1644, %broadcast_in_dim3A_68 : vector<16xi1>, vector<16xf32>
      %add3A_1726 = arith.addf %add3A_1536, %select_n3A_1725 : vector<16xf32>
      %select_n3A_1727 = arith.select %eq3A_1724, %add3A_1658, %broadcast_in_dim3A_68 : vector<16xi1>, vector<16xf32>
      %add3A_1728 = arith.addf %add3A_1538, %select_n3A_1727 : vector<16xf32>
      %eq3A_1729 = arith.constant 10 : i32
      %eq3A_1730 = vector.broadcast %eq3A_1729 : i32 to vector<16xi32>
      %eq3A_1731 = arith.cmpi eq, %get3A_1617, %eq3A_1730 : vector<16xi32>
      %select_n3A_1732 = arith.select %eq3A_1731, %mul3A_1644, %broadcast_in_dim3A_68 : vector<16xi1>, vector<16xf32>
      %add3A_1733 = arith.addf %add3A_1543, %select_n3A_1732 : vector<16xf32>
      %select_n3A_1734 = arith.select %eq3A_1731, %add3A_1658, %broadcast_in_dim3A_68 : vector<16xi1>, vector<16xf32>
      %add3A_1735 = arith.addf %add3A_1545, %select_n3A_1734 : vector<16xf32>
      %eq3A_1736 = arith.constant 11 : i32
      %eq3A_1737 = vector.broadcast %eq3A_1736 : i32 to vector<16xi32>
      %eq3A_1738 = arith.cmpi eq, %get3A_1617, %eq3A_1737 : vector<16xi32>
      %select_n3A_1739 = arith.select %eq3A_1738, %mul3A_1644, %broadcast_in_dim3A_68 : vector<16xi1>, vector<16xf32>
      %add3A_1740 = arith.addf %add3A_1550, %select_n3A_1739 : vector<16xf32>
      %select_n3A_1741 = arith.select %eq3A_1738, %add3A_1658, %broadcast_in_dim3A_68 : vector<16xi1>, vector<16xf32>
      %add3A_1742 = arith.addf %add3A_1552, %select_n3A_1741 : vector<16xf32>
      %eq3A_1743 = arith.constant 12 : i32
      %eq3A_1744 = vector.broadcast %eq3A_1743 : i32 to vector<16xi32>
      %eq3A_1745 = arith.cmpi eq, %get3A_1617, %eq3A_1744 : vector<16xi32>
      %select_n3A_1746 = arith.select %eq3A_1745, %mul3A_1644, %broadcast_in_dim3A_68 : vector<16xi1>, vector<16xf32>
      %add3A_1747 = arith.addf %add3A_1557, %select_n3A_1746 : vector<16xf32>
      %select_n3A_1748 = arith.select %eq3A_1745, %add3A_1658, %broadcast_in_dim3A_68 : vector<16xi1>, vector<16xf32>
      %add3A_1749 = arith.addf %add3A_1559, %select_n3A_1748 : vector<16xf32>
      %eq3A_1750 = arith.constant 13 : i32
      %eq3A_1751 = vector.broadcast %eq3A_1750 : i32 to vector<16xi32>
      %eq3A_1752 = arith.cmpi eq, %get3A_1617, %eq3A_1751 : vector<16xi32>
      %select_n3A_1753 = arith.select %eq3A_1752, %mul3A_1644, %broadcast_in_dim3A_68 : vector<16xi1>, vector<16xf32>
      %add3A_1754 = arith.addf %add3A_1564, %select_n3A_1753 : vector<16xf32>
      %select_n3A_1755 = arith.select %eq3A_1752, %add3A_1658, %broadcast_in_dim3A_68 : vector<16xi1>, vector<16xf32>
      %add3A_1756 = arith.addf %add3A_1566, %select_n3A_1755 : vector<16xf32>
      %eq3A_1757 = arith.constant 14 : i32
      %eq3A_1758 = vector.broadcast %eq3A_1757 : i32 to vector<16xi32>
      %eq3A_1759 = arith.cmpi eq, %get3A_1617, %eq3A_1758 : vector<16xi32>
      %select_n3A_1760 = arith.select %eq3A_1759, %mul3A_1644, %broadcast_in_dim3A_68 : vector<16xi1>, vector<16xf32>
      %add3A_1761 = arith.addf %add3A_1571, %select_n3A_1760 : vector<16xf32>
      %select_n3A_1762 = arith.select %eq3A_1759, %add3A_1658, %broadcast_in_dim3A_68 : vector<16xi1>, vector<16xf32>
      %add3A_1763 = arith.addf %add3A_1573, %select_n3A_1762 : vector<16xf32>
      %eq3A_1764 = arith.constant 15 : i32
      %eq3A_1765 = vector.broadcast %eq3A_1764 : i32 to vector<16xi32>
      %eq3A_1766 = arith.cmpi eq, %get3A_1617, %eq3A_1765 : vector<16xi32>
      %select_n3A_1767 = arith.select %eq3A_1766, %mul3A_1644, %broadcast_in_dim3A_68 : vector<16xi1>, vector<16xf32>
      %add3A_1768 = arith.addf %add3A_1578, %select_n3A_1767 : vector<16xf32>
      %select_n3A_1769 = arith.select %eq3A_1766, %add3A_1658, %broadcast_in_dim3A_68 : vector<16xi1>, vector<16xf32>
      %add3A_1770 = arith.addf %add3A_1580, %select_n3A_1769 : vector<16xf32>
      %get3A_1771 = arith.constant 2 : i32
      %get3A_1772 = arith.constant 0 : i32
      %get3A_1773 = arith.constant 0 : i32
      %get3A_1774 = arith.index_cast %get3A_1771 : i32 to index
      %get3A_1775 = arith.index_cast %get3A_1772 : i32 to index
      %get3A_1776 = arith.index_cast %get3A_1773 : i32 to index
      %get3A_1777 = arith.constant 16 : index
      %get3A_1778 = tpu.vector_load %arg9[%get3A_1774, %get3A_1775, %get3A_1776, %get3A_1777] {strides = array<i32>} : memref<4x1x1x64xf32, #tpu.memory_space<vmem>>, vector<1x1x1x16xf32>,
      %get3A_1779 = vector.shape_cast %get3A_1778 : vector<1x1x1x16xf32> to vector<16xf32>
      %get3A_1780 = arith.constant 2 : i32
      %get3A_1781 = arith.constant 0 : i32
      %get3A_1782 = arith.constant 0 : i32
      %get3A_1783 = arith.index_cast %get3A_1780 : i32 to index
      %get3A_1784 = arith.index_cast %get3A_1781 : i32 to index
      %get3A_1785 = arith.index_cast %get3A_1782 : i32 to index
      %get3A_1786 = arith.constant 16 : index
      %get3A_1787 = tpu.vector_load %arg10[%get3A_1783, %get3A_1784, %get3A_1785, %get3A_1786] {strides = array<i32>} : memref<4x1x1x64xf32, #tpu.memory_space<vmem>>, vector<1x1x1x16xf32>,
      %get3A_1788 = vector.shape_cast %get3A_1787 : vector<1x1x1x16xf32> to vector<16xf32>
      %get3A_1789 = arith.constant 2 : i32
      %get3A_1790 = arith.constant 0 : i32
      %get3A_1791 = arith.constant 0 : i32
      %get3A_1792 = arith.index_cast %get3A_1789 : i32 to index
      %get3A_1793 = arith.index_cast %get3A_1790 : i32 to index
      %get3A_1794 = arith.index_cast %get3A_1791 : i32 to index
      %get3A_1795 = arith.constant 16 : index
      %get3A_1796 = tpu.vector_load %arg11[%get3A_1792, %get3A_1793, %get3A_1794, %get3A_1795] {strides = array<i32>} : memref<4x1x1x64xf32, #tpu.memory_space<vmem>>, vector<1x1x1x16xf32>,
      %get3A_1797 = vector.shape_cast %get3A_1796 : vector<1x1x1x16xf32> to vector<16xf32>
      %get3A_1798 = arith.constant 2 : i32
      %get3A_1799 = arith.index_cast %get3A_1798 : i32 to index
      %get3A_1800 = arith.constant 16 : index
      %get3A_1801 = tpu.vector_load %arg12[%get3A_1799, %get3A_1800] {strides = array<i32>} : memref<4x64xf32, #tpu.memory_space<vmem>>, vector<1x16xf32>,
      %get3A_1802 = vector.shape_cast %get3A_1801 : vector<1x16xf32> to vector<16xf32>
      %get3A_1803 = arith.constant 2 : i32
      %get3A_1804 = arith.index_cast %get3A_1803 : i32 to index
      %get3A_1805 = arith.constant 16 : index
      %get3A_1806 = tpu.vector_load %arg13[%get3A_1804, %get3A_1805] {strides = array<i32>} : memref<4x64xi32, #tpu.memory_space<vmem>>, vector<1x16xi32>,
      %get3A_1807 = vector.shape_cast %get3A_1806 : vector<1x16xi32> to vector<16xi32>
      %add3A_1808 = arith.constant 9.99999997E-7 : f32
      %add3A_1809 = vector.broadcast %add3A_1808 : f32 to vector<16xf32>
      %add3A_1810 = arith.addf %get3A_1788, %add3A_1809 : vector<16xf32>
      %div3A_1811 = arith.divf %get3A_1779, %add3A_1810 : vector<16xf32>
      %mul3A_1812 = arith.mulf %div3A_1811, %div3A_1811 : vector<16xf32>
      %mul3A_1813 = arith.mulf %mul3A_1812, %mul3A_1812 : vector<16xf32>
      %sub3A_1814 = arith.constant 1.000000e+00 : f32
      %sub3A_1815 = vector.broadcast %sub3A_1814 : f32 to vector<16xf32>
      %sub3A_1816 = arith.subf %sub3A_1815, %div3A_1811 : vector<16xf32>
      %mul3A_1817 = arith.mulf %sub3A_1816, %sub3A_1816 : vector<16xf32>
      %mul3A_1818 = arith.mulf %mul3A_1817, %mul3A_1817 : vector<16xf32>
      %add3A_1819 = arith.addf %mul3A_1813, %mul3A_1818 : vector<16xf32>
      %div3A_1820 = arith.divf %mul3A_1813, %add3A_1819 : vector<16xf32>
      %sub3A_1821 = arith.constant 1.000000e+00 : f32
      %sub3A_1822 = vector.broadcast %sub3A_1821 : f32 to vector<16xf32>
      %sub3A_1823 = arith.subf %sub3A_1822, %div3A_1820 : vector<16xf32>
      %gt3A_1824 = arith.constant 0.000000e+00 : f32
      %gt3A_1825 = vector.broadcast %gt3A_1824 : f32 to vector<16xf32>
      %gt3A_1826 = arith.cmpf ogt, %get3A_1797, %gt3A_1825 : vector<16xf32>
      %jit3A_1827 = arith.constant 1.000000e+00 : f32
      %jit3A_1828 = arith.constant 0.000000e+00 : f32
      %broadcast_in_dim3A_1829 = vector.broadcast %jit3A_1827 : f32 to vector<16xf32>
      %broadcast_in_dim3A_1830 = vector.broadcast %jit3A_1828 : f32 to vector<16xf32>
      %select_n3A_1831 = arith.select %gt3A_1826, %broadcast_in_dim3A_1829, %broadcast_in_dim3A_1830 : vector<16xi1>, vector<16xf32>
      %mul3A_1832 = arith.mulf %div3A_1820, %get3A_1802 : vector<16xf32>
      %mul3A_1833 = arith.mulf %mul3A_1832, %select_n3A_1831 : vector<16xf32>
      %mul3A_1834 = arith.mulf %mul3A_1833, %div3A_1811 : vector<16xf32>
      %mul3A_1835 = arith.mulf %sub3A_1823, %select_n3A_1831 : vector<16xf32>
      %mul3A_1836 = arith.constant 5.000000e-01 : f32
      %mul3A_1837 = vector.broadcast %mul3A_1836 : f32 to vector<16xf32>
      %mul3A_1838 = arith.mulf %mul3A_1837, %mul3A_1835 : vector<16xf32>
      %add3A_1839 = arith.addf %mul3A_1833, %mul3A_1838 : vector<16xf32>
      %sub3A_1840 = arith.constant 1.000000e+00 : f32
      %sub3A_1841 = vector.broadcast %sub3A_1840 : f32 to vector<16xf32>
      %sub3A_1842 = arith.subf %sub3A_1841, %select_n3A_1831 : vector<16xf32>
      %mul3A_1843 = arith.mulf %sub3A_1842, %sub3A_1823 : vector<16xf32>
      %mul3A_1844 = arith.mulf %mul3A_1843, %get3A_1802 : vector<16xf32>
      %mul3A_1845 = arith.constant 5.000000e-01 : f32
      %mul3A_1846 = vector.broadcast %mul3A_1845 : f32 to vector<16xf32>
      %mul3A_1847 = arith.mulf %mul3A_1846, %mul3A_1844 : vector<16xf32>
      %add3A_1848 = arith.addf %add3A_1839, %mul3A_1847 : vector<16xf32>
      %eq3A_1849 = arith.constant 0 : i32
      %eq3A_1850 = vector.broadcast %eq3A_1849 : i32 to vector<16xi32>
      %eq3A_1851 = arith.cmpi eq, %get3A_1807, %eq3A_1850 : vector<16xi32>
      %select_n3A_1852 = arith.select %eq3A_1851, %mul3A_1834, %broadcast_in_dim3A_68 : vector<16xi1>, vector<16xf32>
      %add3A_1853 = arith.addf %add3A_1663, %select_n3A_1852 : vector<16xf32>
      %select_n3A_1854 = arith.select %eq3A_1851, %add3A_1848, %broadcast_in_dim3A_68 : vector<16xi1>, vector<16xf32>
      %add3A_1855 = arith.addf %add3A_1665, %select_n3A_1854 : vector<16xf32>
      %eq3A_1856 = arith.constant 1 : i32
      %eq3A_1857 = vector.broadcast %eq3A_1856 : i32 to vector<16xi32>
      %eq3A_1858 = arith.cmpi eq, %get3A_1807, %eq3A_1857 : vector<16xi32>
      %select_n3A_1859 = arith.select %eq3A_1858, %mul3A_1834, %broadcast_in_dim3A_68 : vector<16xi1>, vector<16xf32>
      %add3A_1860 = arith.addf %add3A_1670, %select_n3A_1859 : vector<16xf32>
      %select_n3A_1861 = arith.select %eq3A_1858, %add3A_1848, %broadcast_in_dim3A_68 : vector<16xi1>, vector<16xf32>
      %add3A_1862 = arith.addf %add3A_1672, %select_n3A_1861 : vector<16xf32>
      %eq3A_1863 = arith.constant 2 : i32
      %eq3A_1864 = vector.broadcast %eq3A_1863 : i32 to vector<16xi32>
      %eq3A_1865 = arith.cmpi eq, %get3A_1807, %eq3A_1864 : vector<16xi32>
      %select_n3A_1866 = arith.select %eq3A_1865, %mul3A_1834, %broadcast_in_dim3A_68 : vector<16xi1>, vector<16xf32>
      %add3A_1867 = arith.addf %add3A_1677, %select_n3A_1866 : vector<16xf32>
      %select_n3A_1868 = arith.select %eq3A_1865, %add3A_1848, %broadcast_in_dim3A_68 : vector<16xi1>, vector<16xf32>
      %add3A_1869 = arith.addf %add3A_1679, %select_n3A_1868 : vector<16xf32>
      %eq3A_1870 = arith.constant 3 : i32
      %eq3A_1871 = vector.broadcast %eq3A_1870 : i32 to vector<16xi32>
      %eq3A_1872 = arith.cmpi eq, %get3A_1807, %eq3A_1871 : vector<16xi32>
      %select_n3A_1873 = arith.select %eq3A_1872, %mul3A_1834, %broadcast_in_dim3A_68 : vector<16xi1>, vector<16xf32>
      %add3A_1874 = arith.addf %add3A_1684, %select_n3A_1873 : vector<16xf32>
      %select_n3A_1875 = arith.select %eq3A_1872, %add3A_1848, %broadcast_in_dim3A_68 : vector<16xi1>, vector<16xf32>
      %add3A_1876 = arith.addf %add3A_1686, %select_n3A_1875 : vector<16xf32>
      %eq3A_1877 = arith.constant 4 : i32
      %eq3A_1878 = vector.broadcast %eq3A_1877 : i32 to vector<16xi32>
      %eq3A_1879 = arith.cmpi eq, %get3A_1807, %eq3A_1878 : vector<16xi32>
      %select_n3A_1880 = arith.select %eq3A_1879, %mul3A_1834, %broadcast_in_dim3A_68 : vector<16xi1>, vector<16xf32>
      %add3A_1881 = arith.addf %add3A_1691, %select_n3A_1880 : vector<16xf32>
      %select_n3A_1882 = arith.select %eq3A_1879, %add3A_1848, %broadcast_in_dim3A_68 : vector<16xi1>, vector<16xf32>
      %add3A_1883 = arith.addf %add3A_1693, %select_n3A_1882 : vector<16xf32>
      %eq3A_1884 = arith.constant 5 : i32
      %eq3A_1885 = vector.broadcast %eq3A_1884 : i32 to vector<16xi32>
      %eq3A_1886 = arith.cmpi eq, %get3A_1807, %eq3A_1885 : vector<16xi32>
      %select_n3A_1887 = arith.select %eq3A_1886, %mul3A_1834, %broadcast_in_dim3A_68 : vector<16xi1>, vector<16xf32>
      %add3A_1888 = arith.addf %add3A_1698, %select_n3A_1887 : vector<16xf32>
      %select_n3A_1889 = arith.select %eq3A_1886, %add3A_1848, %broadcast_in_dim3A_68 : vector<16xi1>, vector<16xf32>
      %add3A_1890 = arith.addf %add3A_1700, %select_n3A_1889 : vector<16xf32>
      %eq3A_1891 = arith.constant 6 : i32
      %eq3A_1892 = vector.broadcast %eq3A_1891 : i32 to vector<16xi32>
      %eq3A_1893 = arith.cmpi eq, %get3A_1807, %eq3A_1892 : vector<16xi32>
      %select_n3A_1894 = arith.select %eq3A_1893, %mul3A_1834, %broadcast_in_dim3A_68 : vector<16xi1>, vector<16xf32>
      %add3A_1895 = arith.addf %add3A_1705, %select_n3A_1894 : vector<16xf32>
      %select_n3A_1896 = arith.select %eq3A_1893, %add3A_1848, %broadcast_in_dim3A_68 : vector<16xi1>, vector<16xf32>
      %add3A_1897 = arith.addf %add3A_1707, %select_n3A_1896 : vector<16xf32>
      %eq3A_1898 = arith.constant 7 : i32
      %eq3A_1899 = vector.broadcast %eq3A_1898 : i32 to vector<16xi32>
      %eq3A_1900 = arith.cmpi eq, %get3A_1807, %eq3A_1899 : vector<16xi32>
      %select_n3A_1901 = arith.select %eq3A_1900, %mul3A_1834, %broadcast_in_dim3A_68 : vector<16xi1>, vector<16xf32>
      %add3A_1902 = arith.addf %add3A_1712, %select_n3A_1901 : vector<16xf32>
      %select_n3A_1903 = arith.select %eq3A_1900, %add3A_1848, %broadcast_in_dim3A_68 : vector<16xi1>, vector<16xf32>
      %add3A_1904 = arith.addf %add3A_1714, %select_n3A_1903 : vector<16xf32>
      %eq3A_1905 = arith.constant 8 : i32
      %eq3A_1906 = vector.broadcast %eq3A_1905 : i32 to vector<16xi32>
      %eq3A_1907 = arith.cmpi eq, %get3A_1807, %eq3A_1906 : vector<16xi32>
      %select_n3A_1908 = arith.select %eq3A_1907, %mul3A_1834, %broadcast_in_dim3A_68 : vector<16xi1>, vector<16xf32>
      %add3A_1909 = arith.addf %add3A_1719, %select_n3A_1908 : vector<16xf32>
      %select_n3A_1910 = arith.select %eq3A_1907, %add3A_1848, %broadcast_in_dim3A_68 : vector<16xi1>, vector<16xf32>
      %add3A_1911 = arith.addf %add3A_1721, %select_n3A_1910 : vector<16xf32>
      %eq3A_1912 = arith.constant 9 : i32
      %eq3A_1913 = vector.broadcast %eq3A_1912 : i32 to vector<16xi32>
      %eq3A_1914 = arith.cmpi eq, %get3A_1807, %eq3A_1913 : vector<16xi32>
      %select_n3A_1915 = arith.select %eq3A_1914, %mul3A_1834, %broadcast_in_dim3A_68 : vector<16xi1>, vector<16xf32>
      %add3A_1916 = arith.addf %add3A_1726, %select_n3A_1915 : vector<16xf32>
      %select_n3A_1917 = arith.select %eq3A_1914, %add3A_1848, %broadcast_in_dim3A_68 : vector<16xi1>, vector<16xf32>
      %add3A_1918 = arith.addf %add3A_1728, %select_n3A_1917 : vector<16xf32>
      %eq3A_1919 = arith.constant 10 : i32
      %eq3A_1920 = vector.broadcast %eq3A_1919 : i32 to vector<16xi32>
      %eq3A_1921 = arith.cmpi eq, %get3A_1807, %eq3A_1920 : vector<16xi32>
      %select_n3A_1922 = arith.select %eq3A_1921, %mul3A_1834, %broadcast_in_dim3A_68 : vector<16xi1>, vector<16xf32>
      %add3A_1923 = arith.addf %add3A_1733, %select_n3A_1922 : vector<16xf32>
      %select_n3A_1924 = arith.select %eq3A_1921, %add3A_1848, %broadcast_in_dim3A_68 : vector<16xi1>, vector<16xf32>
      %add3A_1925 = arith.addf %add3A_1735, %select_n3A_1924 : vector<16xf32>
      %eq3A_1926 = arith.constant 11 : i32
      %eq3A_1927 = vector.broadcast %eq3A_1926 : i32 to vector<16xi32>
      %eq3A_1928 = arith.cmpi eq, %get3A_1807, %eq3A_1927 : vector<16xi32>
      %select_n3A_1929 = arith.select %eq3A_1928, %mul3A_1834, %broadcast_in_dim3A_68 : vector<16xi1>, vector<16xf32>
      %add3A_1930 = arith.addf %add3A_1740, %select_n3A_1929 : vector<16xf32>
      %select_n3A_1931 = arith.select %eq3A_1928, %add3A_1848, %broadcast_in_dim3A_68 : vector<16xi1>, vector<16xf32>
      %add3A_1932 = arith.addf %add3A_1742, %select_n3A_1931 : vector<16xf32>
      %eq3A_1933 = arith.constant 12 : i32
      %eq3A_1934 = vector.broadcast %eq3A_1933 : i32 to vector<16xi32>
      %eq3A_1935 = arith.cmpi eq, %get3A_1807, %eq3A_1934 : vector<16xi32>
      %select_n3A_1936 = arith.select %eq3A_1935, %mul3A_1834, %broadcast_in_dim3A_68 : vector<16xi1>, vector<16xf32>
      %add3A_1937 = arith.addf %add3A_1747, %select_n3A_1936 : vector<16xf32>
      %select_n3A_1938 = arith.select %eq3A_1935, %add3A_1848, %broadcast_in_dim3A_68 : vector<16xi1>, vector<16xf32>
      %add3A_1939 = arith.addf %add3A_1749, %select_n3A_1938 : vector<16xf32>
      %eq3A_1940 = arith.constant 13 : i32
      %eq3A_1941 = vector.broadcast %eq3A_1940 : i32 to vector<16xi32>
      %eq3A_1942 = arith.cmpi eq, %get3A_1807, %eq3A_1941 : vector<16xi32>
      %select_n3A_1943 = arith.select %eq3A_1942, %mul3A_1834, %broadcast_in_dim3A_68 : vector<16xi1>, vector<16xf32>
      %add3A_1944 = arith.addf %add3A_1754, %select_n3A_1943 : vector<16xf32>
      %select_n3A_1945 = arith.select %eq3A_1942, %add3A_1848, %broadcast_in_dim3A_68 : vector<16xi1>, vector<16xf32>
      %add3A_1946 = arith.addf %add3A_1756, %select_n3A_1945 : vector<16xf32>
      %eq3A_1947 = arith.constant 14 : i32
      %eq3A_1948 = vector.broadcast %eq3A_1947 : i32 to vector<16xi32>
      %eq3A_1949 = arith.cmpi eq, %get3A_1807, %eq3A_1948 : vector<16xi32>
      %select_n3A_1950 = arith.select %eq3A_1949, %mul3A_1834, %broadcast_in_dim3A_68 : vector<16xi1>, vector<16xf32>
      %add3A_1951 = arith.addf %add3A_1761, %select_n3A_1950 : vector<16xf32>
      %select_n3A_1952 = arith.select %eq3A_1949, %add3A_1848, %broadcast_in_dim3A_68 : vector<16xi1>, vector<16xf32>
      %add3A_1953 = arith.addf %add3A_1763, %select_n3A_1952 : vector<16xf32>
      %eq3A_1954 = arith.constant 15 : i32
      %eq3A_1955 = vector.broadcast %eq3A_1954 : i32 to vector<16xi32>
      %eq3A_1956 = arith.cmpi eq, %get3A_1807, %eq3A_1955 : vector<16xi32>
      %select_n3A_1957 = arith.select %eq3A_1956, %mul3A_1834, %broadcast_in_dim3A_68 : vector<16xi1>, vector<16xf32>
      %add3A_1958 = arith.addf %add3A_1768, %select_n3A_1957 : vector<16xf32>
      %select_n3A_1959 = arith.select %eq3A_1956, %add3A_1848, %broadcast_in_dim3A_68 : vector<16xi1>, vector<16xf32>
      %add3A_1960 = arith.addf %add3A_1770, %select_n3A_1959 : vector<16xf32>
      %get3A_1961 = arith.constant 2 : i32
      %get3A_1962 = arith.constant 0 : i32
      %get3A_1963 = arith.constant 0 : i32
      %get3A_1964 = arith.index_cast %get3A_1961 : i32 to index
      %get3A_1965 = arith.index_cast %get3A_1962 : i32 to index
      %get3A_1966 = arith.index_cast %get3A_1963 : i32 to index
      %get3A_1967 = arith.constant 32 : index
      %get3A_1968 = tpu.vector_load %arg9[%get3A_1964, %get3A_1965, %get3A_1966, %get3A_1967] {strides = array<i32>} : memref<4x1x1x64xf32, #tpu.memory_space<vmem>>, vector<1x1x1x16xf32>,
      %get3A_1969 = vector.shape_cast %get3A_1968 : vector<1x1x1x16xf32> to vector<16xf32>
      %get3A_1970 = arith.constant 2 : i32
      %get3A_1971 = arith.constant 0 : i32
      %get3A_1972 = arith.constant 0 : i32
      %get3A_1973 = arith.index_cast %get3A_1970 : i32 to index
      %get3A_1974 = arith.index_cast %get3A_1971 : i32 to index
      %get3A_1975 = arith.index_cast %get3A_1972 : i32 to index
      %get3A_1976 = arith.constant 32 : index
      %get3A_1977 = tpu.vector_load %arg10[%get3A_1973, %get3A_1974, %get3A_1975, %get3A_1976] {strides = array<i32>} : memref<4x1x1x64xf32, #tpu.memory_space<vmem>>, vector<1x1x1x16xf32>,
      %get3A_1978 = vector.shape_cast %get3A_1977 : vector<1x1x1x16xf32> to vector<16xf32>
      %get3A_1979 = arith.constant 2 : i32
      %get3A_1980 = arith.constant 0 : i32
      %get3A_1981 = arith.constant 0 : i32
      %get3A_1982 = arith.index_cast %get3A_1979 : i32 to index
      %get3A_1983 = arith.index_cast %get3A_1980 : i32 to index
      %get3A_1984 = arith.index_cast %get3A_1981 : i32 to index
      %get3A_1985 = arith.constant 32 : index
      %get3A_1986 = tpu.vector_load %arg11[%get3A_1982, %get3A_1983, %get3A_1984, %get3A_1985] {strides = array<i32>} : memref<4x1x1x64xf32, #tpu.memory_space<vmem>>, vector<1x1x1x16xf32>,
      %get3A_1987 = vector.shape_cast %get3A_1986 : vector<1x1x1x16xf32> to vector<16xf32>
      %get3A_1988 = arith.constant 2 : i32
      %get3A_1989 = arith.index_cast %get3A_1988 : i32 to index
      %get3A_1990 = arith.constant 32 : index
      %get3A_1991 = tpu.vector_load %arg12[%get3A_1989, %get3A_1990] {strides = array<i32>} : memref<4x64xf32, #tpu.memory_space<vmem>>, vector<1x16xf32>,
      %get3A_1992 = vector.shape_cast %get3A_1991 : vector<1x16xf32> to vector<16xf32>
      %get3A_1993 = arith.constant 2 : i32
      %get3A_1994 = arith.index_cast %get3A_1993 : i32 to index
      %get3A_1995 = arith.constant 32 : index
      %get3A_1996 = tpu.vector_load %arg13[%get3A_1994, %get3A_1995] {strides = array<i32>} : memref<4x64xi32, #tpu.memory_space<vmem>>, vector<1x16xi32>,
      %get3A_1997 = vector.shape_cast %get3A_1996 : vector<1x16xi32> to vector<16xi32>
      %add3A_1998 = arith.constant 9.99999997E-7 : f32
      %add3A_1999 = vector.broadcast %add3A_1998 : f32 to vector<16xf32>
      %add3A_2000 = arith.addf %get3A_1978, %add3A_1999 : vector<16xf32>
      %div3A_2001 = arith.divf %get3A_1969, %add3A_2000 : vector<16xf32>
      %mul3A_2002 = arith.mulf %div3A_2001, %div3A_2001 : vector<16xf32>
      %mul3A_2003 = arith.mulf %mul3A_2002, %mul3A_2002 : vector<16xf32>
      %sub3A_2004 = arith.constant 1.000000e+00 : f32
      %sub3A_2005 = vector.broadcast %sub3A_2004 : f32 to vector<16xf32>
      %sub3A_2006 = arith.subf %sub3A_2005, %div3A_2001 : vector<16xf32>
      %mul3A_2007 = arith.mulf %sub3A_2006, %sub3A_2006 : vector<16xf32>
      %mul3A_2008 = arith.mulf %mul3A_2007, %mul3A_2007 : vector<16xf32>
      %add3A_2009 = arith.addf %mul3A_2003, %mul3A_2008 : vector<16xf32>
      %div3A_2010 = arith.divf %mul3A_2003, %add3A_2009 : vector<16xf32>
      %sub3A_2011 = arith.constant 1.000000e+00 : f32
      %sub3A_2012 = vector.broadcast %sub3A_2011 : f32 to vector<16xf32>
      %sub3A_2013 = arith.subf %sub3A_2012, %div3A_2010 : vector<16xf32>
      %gt3A_2014 = arith.constant 0.000000e+00 : f32
      %gt3A_2015 = vector.broadcast %gt3A_2014 : f32 to vector<16xf32>
      %gt3A_2016 = arith.cmpf ogt, %get3A_1987, %gt3A_2015 : vector<16xf32>
      %jit3A_2017 = arith.constant 1.000000e+00 : f32
      %jit3A_2018 = arith.constant 0.000000e+00 : f32
      %broadcast_in_dim3A_2019 = vector.broadcast %jit3A_2017 : f32 to vector<16xf32>
      %broadcast_in_dim3A_2020 = vector.broadcast %jit3A_2018 : f32 to vector<16xf32>
      %select_n3A_2021 = arith.select %gt3A_2016, %broadcast_in_dim3A_2019, %broadcast_in_dim3A_2020 : vector<16xi1>, vector<16xf32>
      %mul3A_2022 = arith.mulf %div3A_2010, %get3A_1992 : vector<16xf32>
      %mul3A_2023 = arith.mulf %mul3A_2022, %select_n3A_2021 : vector<16xf32>
      %mul3A_2024 = arith.mulf %mul3A_2023, %div3A_2001 : vector<16xf32>
      %mul3A_2025 = arith.mulf %sub3A_2013, %select_n3A_2021 : vector<16xf32>
      %mul3A_2026 = arith.constant 5.000000e-01 : f32
      %mul3A_2027 = vector.broadcast %mul3A_2026 : f32 to vector<16xf32>
      %mul3A_2028 = arith.mulf %mul3A_2027, %mul3A_2025 : vector<16xf32>
      %add3A_2029 = arith.addf %mul3A_2023, %mul3A_2028 : vector<16xf32>
      %sub3A_2030 = arith.constant 1.000000e+00 : f32
      %sub3A_2031 = vector.broadcast %sub3A_2030 : f32 to vector<16xf32>
      %sub3A_2032 = arith.subf %sub3A_2031, %select_n3A_2021 : vector<16xf32>
      %mul3A_2033 = arith.mulf %sub3A_2032, %sub3A_2013 : vector<16xf32>
      %mul3A_2034 = arith.mulf %mul3A_2033, %get3A_1992 : vector<16xf32>
      %mul3A_2035 = arith.constant 5.000000e-01 : f32
      %mul3A_2036 = vector.broadcast %mul3A_2035 : f32 to vector<16xf32>
      %mul3A_2037 = arith.mulf %mul3A_2036, %mul3A_2034 : vector<16xf32>
      %add3A_2038 = arith.addf %add3A_2029, %mul3A_2037 : vector<16xf32>
      %eq3A_2039 = arith.constant 0 : i32
      %eq3A_2040 = vector.broadcast %eq3A_2039 : i32 to vector<16xi32>
      %eq3A_2041 = arith.cmpi eq, %get3A_1997, %eq3A_2040 : vector<16xi32>
      %select_n3A_2042 = arith.select %eq3A_2041, %mul3A_2024, %broadcast_in_dim3A_68 : vector<16xi1>, vector<16xf32>
      %add3A_2043 = arith.addf %add3A_1853, %select_n3A_2042 : vector<16xf32>
      %select_n3A_2044 = arith.select %eq3A_2041, %add3A_2038, %broadcast_in_dim3A_68 : vector<16xi1>, vector<16xf32>
      %add3A_2045 = arith.addf %add3A_1855, %select_n3A_2044 : vector<16xf32>
      %eq3A_2046 = arith.constant 1 : i32
      %eq3A_2047 = vector.broadcast %eq3A_2046 : i32 to vector<16xi32>
      %eq3A_2048 = arith.cmpi eq, %get3A_1997, %eq3A_2047 : vector<16xi32>
      %select_n3A_2049 = arith.select %eq3A_2048, %mul3A_2024, %broadcast_in_dim3A_68 : vector<16xi1>, vector<16xf32>
      %add3A_2050 = arith.addf %add3A_1860, %select_n3A_2049 : vector<16xf32>
      %select_n3A_2051 = arith.select %eq3A_2048, %add3A_2038, %broadcast_in_dim3A_68 : vector<16xi1>, vector<16xf32>
      %add3A_2052 = arith.addf %add3A_1862, %select_n3A_2051 : vector<16xf32>
      %eq3A_2053 = arith.constant 2 : i32
      %eq3A_2054 = vector.broadcast %eq3A_2053 : i32 to vector<16xi32>
      %eq3A_2055 = arith.cmpi eq, %get3A_1997, %eq3A_2054 : vector<16xi32>
      %select_n3A_2056 = arith.select %eq3A_2055, %mul3A_2024, %broadcast_in_dim3A_68 : vector<16xi1>, vector<16xf32>
      %add3A_2057 = arith.addf %add3A_1867, %select_n3A_2056 : vector<16xf32>
      %select_n3A_2058 = arith.select %eq3A_2055, %add3A_2038, %broadcast_in_dim3A_68 : vector<16xi1>, vector<16xf32>
      %add3A_2059 = arith.addf %add3A_1869, %select_n3A_2058 : vector<16xf32>
      %eq3A_2060 = arith.constant 3 : i32
      %eq3A_2061 = vector.broadcast %eq3A_2060 : i32 to vector<16xi32>
      %eq3A_2062 = arith.cmpi eq, %get3A_1997, %eq3A_2061 : vector<16xi32>
      %select_n3A_2063 = arith.select %eq3A_2062, %mul3A_2024, %broadcast_in_dim3A_68 : vector<16xi1>, vector<16xf32>
      %add3A_2064 = arith.addf %add3A_1874, %select_n3A_2063 : vector<16xf32>
      %select_n3A_2065 = arith.select %eq3A_2062, %add3A_2038, %broadcast_in_dim3A_68 : vector<16xi1>, vector<16xf32>
      %add3A_2066 = arith.addf %add3A_1876, %select_n3A_2065 : vector<16xf32>
      %eq3A_2067 = arith.constant 4 : i32
      %eq3A_2068 = vector.broadcast %eq3A_2067 : i32 to vector<16xi32>
      %eq3A_2069 = arith.cmpi eq, %get3A_1997, %eq3A_2068 : vector<16xi32>
      %select_n3A_2070 = arith.select %eq3A_2069, %mul3A_2024, %broadcast_in_dim3A_68 : vector<16xi1>, vector<16xf32>
      %add3A_2071 = arith.addf %add3A_1881, %select_n3A_2070 : vector<16xf32>
      %select_n3A_2072 = arith.select %eq3A_2069, %add3A_2038, %broadcast_in_dim3A_68 : vector<16xi1>, vector<16xf32>
      %add3A_2073 = arith.addf %add3A_1883, %select_n3A_2072 : vector<16xf32>
      %eq3A_2074 = arith.constant 5 : i32
      %eq3A_2075 = vector.broadcast %eq3A_2074 : i32 to vector<16xi32>
      %eq3A_2076 = arith.cmpi eq, %get3A_1997, %eq3A_2075 : vector<16xi32>
      %select_n3A_2077 = arith.select %eq3A_2076, %mul3A_2024, %broadcast_in_dim3A_68 : vector<16xi1>, vector<16xf32>
      %add3A_2078 = arith.addf %add3A_1888, %select_n3A_2077 : vector<16xf32>
      %select_n3A_2079 = arith.select %eq3A_2076, %add3A_2038, %broadcast_in_dim3A_68 : vector<16xi1>, vector<16xf32>
      %add3A_2080 = arith.addf %add3A_1890, %select_n3A_2079 : vector<16xf32>
      %eq3A_2081 = arith.constant 6 : i32
      %eq3A_2082 = vector.broadcast %eq3A_2081 : i32 to vector<16xi32>
      %eq3A_2083 = arith.cmpi eq, %get3A_1997, %eq3A_2082 : vector<16xi32>
      %select_n3A_2084 = arith.select %eq3A_2083, %mul3A_2024, %broadcast_in_dim3A_68 : vector<16xi1>, vector<16xf32>
      %add3A_2085 = arith.addf %add3A_1895, %select_n3A_2084 : vector<16xf32>
      %select_n3A_2086 = arith.select %eq3A_2083, %add3A_2038, %broadcast_in_dim3A_68 : vector<16xi1>, vector<16xf32>
      %add3A_2087 = arith.addf %add3A_1897, %select_n3A_2086 : vector<16xf32>
      %eq3A_2088 = arith.constant 7 : i32
      %eq3A_2089 = vector.broadcast %eq3A_2088 : i32 to vector<16xi32>
      %eq3A_2090 = arith.cmpi eq, %get3A_1997, %eq3A_2089 : vector<16xi32>
      %select_n3A_2091 = arith.select %eq3A_2090, %mul3A_2024, %broadcast_in_dim3A_68 : vector<16xi1>, vector<16xf32>
      %add3A_2092 = arith.addf %add3A_1902, %select_n3A_2091 : vector<16xf32>
      %select_n3A_2093 = arith.select %eq3A_2090, %add3A_2038, %broadcast_in_dim3A_68 : vector<16xi1>, vector<16xf32>
      %add3A_2094 = arith.addf %add3A_1904, %select_n3A_2093 : vector<16xf32>
      %eq3A_2095 = arith.constant 8 : i32
      %eq3A_2096 = vector.broadcast %eq3A_2095 : i32 to vector<16xi32>
      %eq3A_2097 = arith.cmpi eq, %get3A_1997, %eq3A_2096 : vector<16xi32>
      %select_n3A_2098 = arith.select %eq3A_2097, %mul3A_2024, %broadcast_in_dim3A_68 : vector<16xi1>, vector<16xf32>
      %add3A_2099 = arith.addf %add3A_1909, %select_n3A_2098 : vector<16xf32>
      %select_n3A_2100 = arith.select %eq3A_2097, %add3A_2038, %broadcast_in_dim3A_68 : vector<16xi1>, vector<16xf32>
      %add3A_2101 = arith.addf %add3A_1911, %select_n3A_2100 : vector<16xf32>
      %eq3A_2102 = arith.constant 9 : i32
      %eq3A_2103 = vector.broadcast %eq3A_2102 : i32 to vector<16xi32>
      %eq3A_2104 = arith.cmpi eq, %get3A_1997, %eq3A_2103 : vector<16xi32>
      %select_n3A_2105 = arith.select %eq3A_2104, %mul3A_2024, %broadcast_in_dim3A_68 : vector<16xi1>, vector<16xf32>
      %add3A_2106 = arith.addf %add3A_1916, %select_n3A_2105 : vector<16xf32>
      %select_n3A_2107 = arith.select %eq3A_2104, %add3A_2038, %broadcast_in_dim3A_68 : vector<16xi1>, vector<16xf32>
      %add3A_2108 = arith.addf %add3A_1918, %select_n3A_2107 : vector<16xf32>
      %eq3A_2109 = arith.constant 10 : i32
      %eq3A_2110 = vector.broadcast %eq3A_2109 : i32 to vector<16xi32>
      %eq3A_2111 = arith.cmpi eq, %get3A_1997, %eq3A_2110 : vector<16xi32>
      %select_n3A_2112 = arith.select %eq3A_2111, %mul3A_2024, %broadcast_in_dim3A_68 : vector<16xi1>, vector<16xf32>
      %add3A_2113 = arith.addf %add3A_1923, %select_n3A_2112 : vector<16xf32>
      %select_n3A_2114 = arith.select %eq3A_2111, %add3A_2038, %broadcast_in_dim3A_68 : vector<16xi1>, vector<16xf32>
      %add3A_2115 = arith.addf %add3A_1925, %select_n3A_2114 : vector<16xf32>
      %eq3A_2116 = arith.constant 11 : i32
      %eq3A_2117 = vector.broadcast %eq3A_2116 : i32 to vector<16xi32>
      %eq3A_2118 = arith.cmpi eq, %get3A_1997, %eq3A_2117 : vector<16xi32>
      %select_n3A_2119 = arith.select %eq3A_2118, %mul3A_2024, %broadcast_in_dim3A_68 : vector<16xi1>, vector<16xf32>
      %add3A_2120 = arith.addf %add3A_1930, %select_n3A_2119 : vector<16xf32>
      %select_n3A_2121 = arith.select %eq3A_2118, %add3A_2038, %broadcast_in_dim3A_68 : vector<16xi1>, vector<16xf32>
      %add3A_2122 = arith.addf %add3A_1932, %select_n3A_2121 : vector<16xf32>
      %eq3A_2123 = arith.constant 12 : i32
      %eq3A_2124 = vector.broadcast %eq3A_2123 : i32 to vector<16xi32>
      %eq3A_2125 = arith.cmpi eq, %get3A_1997, %eq3A_2124 : vector<16xi32>
      %select_n3A_2126 = arith.select %eq3A_2125, %mul3A_2024, %broadcast_in_dim3A_68 : vector<16xi1>, vector<16xf32>
      %add3A_2127 = arith.addf %add3A_1937, %select_n3A_2126 : vector<16xf32>
      %select_n3A_2128 = arith.select %eq3A_2125, %add3A_2038, %broadcast_in_dim3A_68 : vector<16xi1>, vector<16xf32>
      %add3A_2129 = arith.addf %add3A_1939, %select_n3A_2128 : vector<16xf32>
      %eq3A_2130 = arith.constant 13 : i32
      %eq3A_2131 = vector.broadcast %eq3A_2130 : i32 to vector<16xi32>
      %eq3A_2132 = arith.cmpi eq, %get3A_1997, %eq3A_2131 : vector<16xi32>
      %select_n3A_2133 = arith.select %eq3A_2132, %mul3A_2024, %broadcast_in_dim3A_68 : vector<16xi1>, vector<16xf32>
      %add3A_2134 = arith.addf %add3A_1944, %select_n3A_2133 : vector<16xf32>
      %select_n3A_2135 = arith.select %eq3A_2132, %add3A_2038, %broadcast_in_dim3A_68 : vector<16xi1>, vector<16xf32>
      %add3A_2136 = arith.addf %add3A_1946, %select_n3A_2135 : vector<16xf32>
      %eq3A_2137 = arith.constant 14 : i32
      %eq3A_2138 = vector.broadcast %eq3A_2137 : i32 to vector<16xi32>
      %eq3A_2139 = arith.cmpi eq, %get3A_1997, %eq3A_2138 : vector<16xi32>
      %select_n3A_2140 = arith.select %eq3A_2139, %mul3A_2024, %broadcast_in_dim3A_68 : vector<16xi1>, vector<16xf32>
      %add3A_2141 = arith.addf %add3A_1951, %select_n3A_2140 : vector<16xf32>
      %select_n3A_2142 = arith.select %eq3A_2139, %add3A_2038, %broadcast_in_dim3A_68 : vector<16xi1>, vector<16xf32>
      %add3A_2143 = arith.addf %add3A_1953, %select_n3A_2142 : vector<16xf32>
      %eq3A_2144 = arith.constant 15 : i32
      %eq3A_2145 = vector.broadcast %eq3A_2144 : i32 to vector<16xi32>
      %eq3A_2146 = arith.cmpi eq, %get3A_1997, %eq3A_2145 : vector<16xi32>
      %select_n3A_2147 = arith.select %eq3A_2146, %mul3A_2024, %broadcast_in_dim3A_68 : vector<16xi1>, vector<16xf32>
      %add3A_2148 = arith.addf %add3A_1958, %select_n3A_2147 : vector<16xf32>
      %select_n3A_2149 = arith.select %eq3A_2146, %add3A_2038, %broadcast_in_dim3A_68 : vector<16xi1>, vector<16xf32>
      %add3A_2150 = arith.addf %add3A_1960, %select_n3A_2149 : vector<16xf32>
      %get3A_2151 = arith.constant 2 : i32
      %get3A_2152 = arith.constant 0 : i32
      %get3A_2153 = arith.constant 0 : i32
      %get3A_2154 = arith.index_cast %get3A_2151 : i32 to index
      %get3A_2155 = arith.index_cast %get3A_2152 : i32 to index
      %get3A_2156 = arith.index_cast %get3A_2153 : i32 to index
      %get3A_2157 = arith.constant 48 : index
      %get3A_2158 = tpu.vector_load %arg9[%get3A_2154, %get3A_2155, %get3A_2156, %get3A_2157] {strides = array<i32>} : memref<4x1x1x64xf32, #tpu.memory_space<vmem>>, vector<1x1x1x16xf32>,
      %get3A_2159 = vector.shape_cast %get3A_2158 : vector<1x1x1x16xf32> to vector<16xf32>
      %get3A_2160 = arith.constant 2 : i32
      %get3A_2161 = arith.constant 0 : i32
      %get3A_2162 = arith.constant 0 : i32
      %get3A_2163 = arith.index_cast %get3A_2160 : i32 to index
      %get3A_2164 = arith.index_cast %get3A_2161 : i32 to index
      %get3A_2165 = arith.index_cast %get3A_2162 : i32 to index
      %get3A_2166 = arith.constant 48 : index
      %get3A_2167 = tpu.vector_load %arg10[%get3A_2163, %get3A_2164, %get3A_2165, %get3A_2166] {strides = array<i32>} : memref<4x1x1x64xf32, #tpu.memory_space<vmem>>, vector<1x1x1x16xf32>,
      %get3A_2168 = vector.shape_cast %get3A_2167 : vector<1x1x1x16xf32> to vector<16xf32>
      %get3A_2169 = arith.constant 2 : i32
      %get3A_2170 = arith.constant 0 : i32
      %get3A_2171 = arith.constant 0 : i32
      %get3A_2172 = arith.index_cast %get3A_2169 : i32 to index
      %get3A_2173 = arith.index_cast %get3A_2170 : i32 to index
      %get3A_2174 = arith.index_cast %get3A_2171 : i32 to index
      %get3A_2175 = arith.constant 48 : index
      %get3A_2176 = tpu.vector_load %arg11[%get3A_2172, %get3A_2173, %get3A_2174, %get3A_2175] {strides = array<i32>} : memref<4x1x1x64xf32, #tpu.memory_space<vmem>>, vector<1x1x1x16xf32>,
      %get3A_2177 = vector.shape_cast %get3A_2176 : vector<1x1x1x16xf32> to vector<16xf32>
      %get3A_2178 = arith.constant 2 : i32
      %get3A_2179 = arith.index_cast %get3A_2178 : i32 to index
      %get3A_2180 = arith.constant 48 : index
      %get3A_2181 = tpu.vector_load %arg12[%get3A_2179, %get3A_2180] {strides = array<i32>} : memref<4x64xf32, #tpu.memory_space<vmem>>, vector<1x16xf32>,
      %get3A_2182 = vector.shape_cast %get3A_2181 : vector<1x16xf32> to vector<16xf32>
      %get3A_2183 = arith.constant 2 : i32
      %get3A_2184 = arith.index_cast %get3A_2183 : i32 to index
      %get3A_2185 = arith.constant 48 : index
      %get3A_2186 = tpu.vector_load %arg13[%get3A_2184, %get3A_2185] {strides = array<i32>} : memref<4x64xi32, #tpu.memory_space<vmem>>, vector<1x16xi32>,
      %get3A_2187 = vector.shape_cast %get3A_2186 : vector<1x16xi32> to vector<16xi32>
      %add3A_2188 = arith.constant 9.99999997E-7 : f32
      %add3A_2189 = vector.broadcast %add3A_2188 : f32 to vector<16xf32>
      %add3A_2190 = arith.addf %get3A_2168, %add3A_2189 : vector<16xf32>
      %div3A_2191 = arith.divf %get3A_2159, %add3A_2190 : vector<16xf32>
      %mul3A_2192 = arith.mulf %div3A_2191, %div3A_2191 : vector<16xf32>
      %mul3A_2193 = arith.mulf %mul3A_2192, %mul3A_2192 : vector<16xf32>
      %sub3A_2194 = arith.constant 1.000000e+00 : f32
      %sub3A_2195 = vector.broadcast %sub3A_2194 : f32 to vector<16xf32>
      %sub3A_2196 = arith.subf %sub3A_2195, %div3A_2191 : vector<16xf32>
      %mul3A_2197 = arith.mulf %sub3A_2196, %sub3A_2196 : vector<16xf32>
      %mul3A_2198 = arith.mulf %mul3A_2197, %mul3A_2197 : vector<16xf32>
      %add3A_2199 = arith.addf %mul3A_2193, %mul3A_2198 : vector<16xf32>
      %div3A_2200 = arith.divf %mul3A_2193, %add3A_2199 : vector<16xf32>
      %sub3A_2201 = arith.constant 1.000000e+00 : f32
      %sub3A_2202 = vector.broadcast %sub3A_2201 : f32 to vector<16xf32>
      %sub3A_2203 = arith.subf %sub3A_2202, %div3A_2200 : vector<16xf32>
      %gt3A_2204 = arith.constant 0.000000e+00 : f32
      %gt3A_2205 = vector.broadcast %gt3A_2204 : f32 to vector<16xf32>
      %gt3A_2206 = arith.cmpf ogt, %get3A_2177, %gt3A_2205 : vector<16xf32>
      %jit3A_2207 = arith.constant 1.000000e+00 : f32
      %jit3A_2208 = arith.constant 0.000000e+00 : f32
      %broadcast_in_dim3A_2209 = vector.broadcast %jit3A_2207 : f32 to vector<16xf32>
      %broadcast_in_dim3A_2210 = vector.broadcast %jit3A_2208 : f32 to vector<16xf32>
      %select_n3A_2211 = arith.select %gt3A_2206, %broadcast_in_dim3A_2209, %broadcast_in_dim3A_2210 : vector<16xi1>, vector<16xf32>
      %mul3A_2212 = arith.mulf %div3A_2200, %get3A_2182 : vector<16xf32>
      %mul3A_2213 = arith.mulf %mul3A_2212, %select_n3A_2211 : vector<16xf32>
      %mul3A_2214 = arith.mulf %mul3A_2213, %div3A_2191 : vector<16xf32>
      %mul3A_2215 = arith.mulf %sub3A_2203, %select_n3A_2211 : vector<16xf32>
      %mul3A_2216 = arith.constant 5.000000e-01 : f32
      %mul3A_2217 = vector.broadcast %mul3A_2216 : f32 to vector<16xf32>
      %mul3A_2218 = arith.mulf %mul3A_2217, %mul3A_2215 : vector<16xf32>
      %add3A_2219 = arith.addf %mul3A_2213, %mul3A_2218 : vector<16xf32>
      %sub3A_2220 = arith.constant 1.000000e+00 : f32
      %sub3A_2221 = vector.broadcast %sub3A_2220 : f32 to vector<16xf32>
      %sub3A_2222 = arith.subf %sub3A_2221, %select_n3A_2211 : vector<16xf32>
      %mul3A_2223 = arith.mulf %sub3A_2222, %sub3A_2203 : vector<16xf32>
      %mul3A_2224 = arith.mulf %mul3A_2223, %get3A_2182 : vector<16xf32>
      %mul3A_2225 = arith.constant 5.000000e-01 : f32
      %mul3A_2226 = vector.broadcast %mul3A_2225 : f32 to vector<16xf32>
      %mul3A_2227 = arith.mulf %mul3A_2226, %mul3A_2224 : vector<16xf32>
      %add3A_2228 = arith.addf %add3A_2219, %mul3A_2227 : vector<16xf32>
      %eq3A_2229 = arith.constant 0 : i32
      %eq3A_2230 = vector.broadcast %eq3A_2229 : i32 to vector<16xi32>
      %eq3A_2231 = arith.cmpi eq, %get3A_2187, %eq3A_2230 : vector<16xi32>
      %select_n3A_2232 = arith.select %eq3A_2231, %mul3A_2214, %broadcast_in_dim3A_68 : vector<16xi1>, vector<16xf32>
      %add3A_2233 = arith.addf %add3A_2043, %select_n3A_2232 : vector<16xf32>
      %select_n3A_2234 = arith.select %eq3A_2231, %add3A_2228, %broadcast_in_dim3A_68 : vector<16xi1>, vector<16xf32>
      %add3A_2235 = arith.addf %add3A_2045, %select_n3A_2234 : vector<16xf32>
      %eq3A_2236 = arith.constant 1 : i32
      %eq3A_2237 = vector.broadcast %eq3A_2236 : i32 to vector<16xi32>
      %eq3A_2238 = arith.cmpi eq, %get3A_2187, %eq3A_2237 : vector<16xi32>
      %select_n3A_2239 = arith.select %eq3A_2238, %mul3A_2214, %broadcast_in_dim3A_68 : vector<16xi1>, vector<16xf32>
      %add3A_2240 = arith.addf %add3A_2050, %select_n3A_2239 : vector<16xf32>
      %select_n3A_2241 = arith.select %eq3A_2238, %add3A_2228, %broadcast_in_dim3A_68 : vector<16xi1>, vector<16xf32>
      %add3A_2242 = arith.addf %add3A_2052, %select_n3A_2241 : vector<16xf32>
      %eq3A_2243 = arith.constant 2 : i32
      %eq3A_2244 = vector.broadcast %eq3A_2243 : i32 to vector<16xi32>
      %eq3A_2245 = arith.cmpi eq, %get3A_2187, %eq3A_2244 : vector<16xi32>
      %select_n3A_2246 = arith.select %eq3A_2245, %mul3A_2214, %broadcast_in_dim3A_68 : vector<16xi1>, vector<16xf32>
      %add3A_2247 = arith.addf %add3A_2057, %select_n3A_2246 : vector<16xf32>
      %select_n3A_2248 = arith.select %eq3A_2245, %add3A_2228, %broadcast_in_dim3A_68 : vector<16xi1>, vector<16xf32>
      %add3A_2249 = arith.addf %add3A_2059, %select_n3A_2248 : vector<16xf32>
      %eq3A_2250 = arith.constant 3 : i32
      %eq3A_2251 = vector.broadcast %eq3A_2250 : i32 to vector<16xi32>
      %eq3A_2252 = arith.cmpi eq, %get3A_2187, %eq3A_2251 : vector<16xi32>
      %select_n3A_2253 = arith.select %eq3A_2252, %mul3A_2214, %broadcast_in_dim3A_68 : vector<16xi1>, vector<16xf32>
      %add3A_2254 = arith.addf %add3A_2064, %select_n3A_2253 : vector<16xf32>
      %select_n3A_2255 = arith.select %eq3A_2252, %add3A_2228, %broadcast_in_dim3A_68 : vector<16xi1>, vector<16xf32>
      %add3A_2256 = arith.addf %add3A_2066, %select_n3A_2255 : vector<16xf32>
      %eq3A_2257 = arith.constant 4 : i32
      %eq3A_2258 = vector.broadcast %eq3A_2257 : i32 to vector<16xi32>
      %eq3A_2259 = arith.cmpi eq, %get3A_2187, %eq3A_2258 : vector<16xi32>
      %select_n3A_2260 = arith.select %eq3A_2259, %mul3A_2214, %broadcast_in_dim3A_68 : vector<16xi1>, vector<16xf32>
      %add3A_2261 = arith.addf %add3A_2071, %select_n3A_2260 : vector<16xf32>
      %select_n3A_2262 = arith.select %eq3A_2259, %add3A_2228, %broadcast_in_dim3A_68 : vector<16xi1>, vector<16xf32>
      %add3A_2263 = arith.addf %add3A_2073, %select_n3A_2262 : vector<16xf32>
      %eq3A_2264 = arith.constant 5 : i32
      %eq3A_2265 = vector.broadcast %eq3A_2264 : i32 to vector<16xi32>
      %eq3A_2266 = arith.cmpi eq, %get3A_2187, %eq3A_2265 : vector<16xi32>
      %select_n3A_2267 = arith.select %eq3A_2266, %mul3A_2214, %broadcast_in_dim3A_68 : vector<16xi1>, vector<16xf32>
      %add3A_2268 = arith.addf %add3A_2078, %select_n3A_2267 : vector<16xf32>
      %select_n3A_2269 = arith.select %eq3A_2266, %add3A_2228, %broadcast_in_dim3A_68 : vector<16xi1>, vector<16xf32>
      %add3A_2270 = arith.addf %add3A_2080, %select_n3A_2269 : vector<16xf32>
      %eq3A_2271 = arith.constant 6 : i32
      %eq3A_2272 = vector.broadcast %eq3A_2271 : i32 to vector<16xi32>
      %eq3A_2273 = arith.cmpi eq, %get3A_2187, %eq3A_2272 : vector<16xi32>
      %select_n3A_2274 = arith.select %eq3A_2273, %mul3A_2214, %broadcast_in_dim3A_68 : vector<16xi1>, vector<16xf32>
      %add3A_2275 = arith.addf %add3A_2085, %select_n3A_2274 : vector<16xf32>
      %select_n3A_2276 = arith.select %eq3A_2273, %add3A_2228, %broadcast_in_dim3A_68 : vector<16xi1>, vector<16xf32>
      %add3A_2277 = arith.addf %add3A_2087, %select_n3A_2276 : vector<16xf32>
      %eq3A_2278 = arith.constant 7 : i32
      %eq3A_2279 = vector.broadcast %eq3A_2278 : i32 to vector<16xi32>
      %eq3A_2280 = arith.cmpi eq, %get3A_2187, %eq3A_2279 : vector<16xi32>
      %select_n3A_2281 = arith.select %eq3A_2280, %mul3A_2214, %broadcast_in_dim3A_68 : vector<16xi1>, vector<16xf32>
      %add3A_2282 = arith.addf %add3A_2092, %select_n3A_2281 : vector<16xf32>
      %select_n3A_2283 = arith.select %eq3A_2280, %add3A_2228, %broadcast_in_dim3A_68 : vector<16xi1>, vector<16xf32>
      %add3A_2284 = arith.addf %add3A_2094, %select_n3A_2283 : vector<16xf32>
      %eq3A_2285 = arith.constant 8 : i32
      %eq3A_2286 = vector.broadcast %eq3A_2285 : i32 to vector<16xi32>
      %eq3A_2287 = arith.cmpi eq, %get3A_2187, %eq3A_2286 : vector<16xi32>
      %select_n3A_2288 = arith.select %eq3A_2287, %mul3A_2214, %broadcast_in_dim3A_68 : vector<16xi1>, vector<16xf32>
      %add3A_2289 = arith.addf %add3A_2099, %select_n3A_2288 : vector<16xf32>
      %select_n3A_2290 = arith.select %eq3A_2287, %add3A_2228, %broadcast_in_dim3A_68 : vector<16xi1>, vector<16xf32>
      %add3A_2291 = arith.addf %add3A_2101, %select_n3A_2290 : vector<16xf32>
      %eq3A_2292 = arith.constant 9 : i32
      %eq3A_2293 = vector.broadcast %eq3A_2292 : i32 to vector<16xi32>
      %eq3A_2294 = arith.cmpi eq, %get3A_2187, %eq3A_2293 : vector<16xi32>
      %select_n3A_2295 = arith.select %eq3A_2294, %mul3A_2214, %broadcast_in_dim3A_68 : vector<16xi1>, vector<16xf32>
      %add3A_2296 = arith.addf %add3A_2106, %select_n3A_2295 : vector<16xf32>
      %select_n3A_2297 = arith.select %eq3A_2294, %add3A_2228, %broadcast_in_dim3A_68 : vector<16xi1>, vector<16xf32>
      %add3A_2298 = arith.addf %add3A_2108, %select_n3A_2297 : vector<16xf32>
      %eq3A_2299 = arith.constant 10 : i32
      %eq3A_2300 = vector.broadcast %eq3A_2299 : i32 to vector<16xi32>
      %eq3A_2301 = arith.cmpi eq, %get3A_2187, %eq3A_2300 : vector<16xi32>
      %select_n3A_2302 = arith.select %eq3A_2301, %mul3A_2214, %broadcast_in_dim3A_68 : vector<16xi1>, vector<16xf32>
      %add3A_2303 = arith.addf %add3A_2113, %select_n3A_2302 : vector<16xf32>
      %select_n3A_2304 = arith.select %eq3A_2301, %add3A_2228, %broadcast_in_dim3A_68 : vector<16xi1>, vector<16xf32>
      %add3A_2305 = arith.addf %add3A_2115, %select_n3A_2304 : vector<16xf32>
      %eq3A_2306 = arith.constant 11 : i32
      %eq3A_2307 = vector.broadcast %eq3A_2306 : i32 to vector<16xi32>
      %eq3A_2308 = arith.cmpi eq, %get3A_2187, %eq3A_2307 : vector<16xi32>
      %select_n3A_2309 = arith.select %eq3A_2308, %mul3A_2214, %broadcast_in_dim3A_68 : vector<16xi1>, vector<16xf32>
      %add3A_2310 = arith.addf %add3A_2120, %select_n3A_2309 : vector<16xf32>
      %select_n3A_2311 = arith.select %eq3A_2308, %add3A_2228, %broadcast_in_dim3A_68 : vector<16xi1>, vector<16xf32>
      %add3A_2312 = arith.addf %add3A_2122, %select_n3A_2311 : vector<16xf32>
      %eq3A_2313 = arith.constant 12 : i32
      %eq3A_2314 = vector.broadcast %eq3A_2313 : i32 to vector<16xi32>
      %eq3A_2315 = arith.cmpi eq, %get3A_2187, %eq3A_2314 : vector<16xi32>
      %select_n3A_2316 = arith.select %eq3A_2315, %mul3A_2214, %broadcast_in_dim3A_68 : vector<16xi1>, vector<16xf32>
      %add3A_2317 = arith.addf %add3A_2127, %select_n3A_2316 : vector<16xf32>
      %select_n3A_2318 = arith.select %eq3A_2315, %add3A_2228, %broadcast_in_dim3A_68 : vector<16xi1>, vector<16xf32>
      %add3A_2319 = arith.addf %add3A_2129, %select_n3A_2318 : vector<16xf32>
      %eq3A_2320 = arith.constant 13 : i32
      %eq3A_2321 = vector.broadcast %eq3A_2320 : i32 to vector<16xi32>
      %eq3A_2322 = arith.cmpi eq, %get3A_2187, %eq3A_2321 : vector<16xi32>
      %select_n3A_2323 = arith.select %eq3A_2322, %mul3A_2214, %broadcast_in_dim3A_68 : vector<16xi1>, vector<16xf32>
      %add3A_2324 = arith.addf %add3A_2134, %select_n3A_2323 : vector<16xf32>
      %select_n3A_2325 = arith.select %eq3A_2322, %add3A_2228, %broadcast_in_dim3A_68 : vector<16xi1>, vector<16xf32>
      %add3A_2326 = arith.addf %add3A_2136, %select_n3A_2325 : vector<16xf32>
      %eq3A_2327 = arith.constant 14 : i32
      %eq3A_2328 = vector.broadcast %eq3A_2327 : i32 to vector<16xi32>
      %eq3A_2329 = arith.cmpi eq, %get3A_2187, %eq3A_2328 : vector<16xi32>
      %select_n3A_2330 = arith.select %eq3A_2329, %mul3A_2214, %broadcast_in_dim3A_68 : vector<16xi1>, vector<16xf32>
      %add3A_2331 = arith.addf %add3A_2141, %select_n3A_2330 : vector<16xf32>
      %select_n3A_2332 = arith.select %eq3A_2329, %add3A_2228, %broadcast_in_dim3A_68 : vector<16xi1>, vector<16xf32>
      %add3A_2333 = arith.addf %add3A_2143, %select_n3A_2332 : vector<16xf32>
      %eq3A_2334 = arith.constant 15 : i32
      %eq3A_2335 = vector.broadcast %eq3A_2334 : i32 to vector<16xi32>
      %eq3A_2336 = arith.cmpi eq, %get3A_2187, %eq3A_2335 : vector<16xi32>
      %select_n3A_2337 = arith.select %eq3A_2336, %mul3A_2214, %broadcast_in_dim3A_68 : vector<16xi1>, vector<16xf32>
      %add3A_2338 = arith.addf %add3A_2148, %select_n3A_2337 : vector<16xf32>
      %select_n3A_2339 = arith.select %eq3A_2336, %add3A_2228, %broadcast_in_dim3A_68 : vector<16xi1>, vector<16xf32>
      %add3A_2340 = arith.addf %add3A_2150, %select_n3A_2339 : vector<16xf32>
      %get3A_2341 = arith.constant 3 : i32
      %get3A_2342 = arith.constant 0 : i32
      %get3A_2343 = arith.constant 0 : i32
      %get3A_2344 = arith.index_cast %get3A_2341 : i32 to index
      %get3A_2345 = arith.index_cast %get3A_2342 : i32 to index
      %get3A_2346 = arith.index_cast %get3A_2343 : i32 to index
      %get3A_2347 = arith.constant 0 : index
      %get3A_2348 = tpu.vector_load %arg9[%get3A_2344, %get3A_2345, %get3A_2346, %get3A_2347] {strides = array<i32>} : memref<4x1x1x64xf32, #tpu.memory_space<vmem>>, vector<1x1x1x16xf32>,
      %get3A_2349 = vector.shape_cast %get3A_2348 : vector<1x1x1x16xf32> to vector<16xf32>
      %get3A_2350 = arith.constant 3 : i32
      %get3A_2351 = arith.constant 0 : i32
      %get3A_2352 = arith.constant 0 : i32
      %get3A_2353 = arith.index_cast %get3A_2350 : i32 to index
      %get3A_2354 = arith.index_cast %get3A_2351 : i32 to index
      %get3A_2355 = arith.index_cast %get3A_2352 : i32 to index
      %get3A_2356 = arith.constant 0 : index
      %get3A_2357 = tpu.vector_load %arg10[%get3A_2353, %get3A_2354, %get3A_2355, %get3A_2356] {strides = array<i32>} : memref<4x1x1x64xf32, #tpu.memory_space<vmem>>, vector<1x1x1x16xf32>,
      %get3A_2358 = vector.shape_cast %get3A_2357 : vector<1x1x1x16xf32> to vector<16xf32>
      %get3A_2359 = arith.constant 3 : i32
      %get3A_2360 = arith.constant 0 : i32
      %get3A_2361 = arith.constant 0 : i32
      %get3A_2362 = arith.index_cast %get3A_2359 : i32 to index
      %get3A_2363 = arith.index_cast %get3A_2360 : i32 to index
      %get3A_2364 = arith.index_cast %get3A_2361 : i32 to index
      %get3A_2365 = arith.constant 0 : index
      %get3A_2366 = tpu.vector_load %arg11[%get3A_2362, %get3A_2363, %get3A_2364, %get3A_2365] {strides = array<i32>} : memref<4x1x1x64xf32, #tpu.memory_space<vmem>>, vector<1x1x1x16xf32>,
      %get3A_2367 = vector.shape_cast %get3A_2366 : vector<1x1x1x16xf32> to vector<16xf32>
      %get3A_2368 = arith.constant 3 : i32
      %get3A_2369 = arith.index_cast %get3A_2368 : i32 to index
      %get3A_2370 = arith.constant 0 : index
      %get3A_2371 = tpu.vector_load %arg12[%get3A_2369, %get3A_2370] {strides = array<i32>} : memref<4x64xf32, #tpu.memory_space<vmem>>, vector<1x16xf32>,
      %get3A_2372 = vector.shape_cast %get3A_2371 : vector<1x16xf32> to vector<16xf32>
      %get3A_2373 = arith.constant 3 : i32
      %get3A_2374 = arith.index_cast %get3A_2373 : i32 to index
      %get3A_2375 = arith.constant 0 : index
      %get3A_2376 = tpu.vector_load %arg13[%get3A_2374, %get3A_2375] {strides = array<i32>} : memref<4x64xi32, #tpu.memory_space<vmem>>, vector<1x16xi32>,
      %get3A_2377 = vector.shape_cast %get3A_2376 : vector<1x16xi32> to vector<16xi32>
      %add3A_2378 = arith.constant 9.99999997E-7 : f32
      %add3A_2379 = vector.broadcast %add3A_2378 : f32 to vector<16xf32>
      %add3A_2380 = arith.addf %get3A_2358, %add3A_2379 : vector<16xf32>
      %div3A_2381 = arith.divf %get3A_2349, %add3A_2380 : vector<16xf32>
      %mul3A_2382 = arith.mulf %div3A_2381, %div3A_2381 : vector<16xf32>
      %mul3A_2383 = arith.mulf %mul3A_2382, %mul3A_2382 : vector<16xf32>
      %sub3A_2384 = arith.constant 1.000000e+00 : f32
      %sub3A_2385 = vector.broadcast %sub3A_2384 : f32 to vector<16xf32>
      %sub3A_2386 = arith.subf %sub3A_2385, %div3A_2381 : vector<16xf32>
      %mul3A_2387 = arith.mulf %sub3A_2386, %sub3A_2386 : vector<16xf32>
      %mul3A_2388 = arith.mulf %mul3A_2387, %mul3A_2387 : vector<16xf32>
      %add3A_2389 = arith.addf %mul3A_2383, %mul3A_2388 : vector<16xf32>
      %div3A_2390 = arith.divf %mul3A_2383, %add3A_2389 : vector<16xf32>
      %sub3A_2391 = arith.constant 1.000000e+00 : f32
      %sub3A_2392 = vector.broadcast %sub3A_2391 : f32 to vector<16xf32>
      %sub3A_2393 = arith.subf %sub3A_2392, %div3A_2390 : vector<16xf32>
      %gt3A_2394 = arith.constant 0.000000e+00 : f32
      %gt3A_2395 = vector.broadcast %gt3A_2394 : f32 to vector<16xf32>
      %gt3A_2396 = arith.cmpf ogt, %get3A_2367, %gt3A_2395 : vector<16xf32>
      %jit3A_2397 = arith.constant 1.000000e+00 : f32
      %jit3A_2398 = arith.constant 0.000000e+00 : f32
      %broadcast_in_dim3A_2399 = vector.broadcast %jit3A_2397 : f32 to vector<16xf32>
      %broadcast_in_dim3A_2400 = vector.broadcast %jit3A_2398 : f32 to vector<16xf32>
      %select_n3A_2401 = arith.select %gt3A_2396, %broadcast_in_dim3A_2399, %broadcast_in_dim3A_2400 : vector<16xi1>, vector<16xf32>
      %mul3A_2402 = arith.mulf %div3A_2390, %get3A_2372 : vector<16xf32>
      %mul3A_2403 = arith.mulf %mul3A_2402, %select_n3A_2401 : vector<16xf32>
      %mul3A_2404 = arith.mulf %mul3A_2403, %div3A_2381 : vector<16xf32>
      %mul3A_2405 = arith.mulf %sub3A_2393, %select_n3A_2401 : vector<16xf32>
      %mul3A_2406 = arith.constant 5.000000e-01 : f32
      %mul3A_2407 = vector.broadcast %mul3A_2406 : f32 to vector<16xf32>
      %mul3A_2408 = arith.mulf %mul3A_2407, %mul3A_2405 : vector<16xf32>
      %add3A_2409 = arith.addf %mul3A_2403, %mul3A_2408 : vector<16xf32>
      %sub3A_2410 = arith.constant 1.000000e+00 : f32
      %sub3A_2411 = vector.broadcast %sub3A_2410 : f32 to vector<16xf32>
      %sub3A_2412 = arith.subf %sub3A_2411, %select_n3A_2401 : vector<16xf32>
      %mul3A_2413 = arith.mulf %sub3A_2412, %sub3A_2393 : vector<16xf32>
      %mul3A_2414 = arith.mulf %mul3A_2413, %get3A_2372 : vector<16xf32>
      %mul3A_2415 = arith.constant 5.000000e-01 : f32
      %mul3A_2416 = vector.broadcast %mul3A_2415 : f32 to vector<16xf32>
      %mul3A_2417 = arith.mulf %mul3A_2416, %mul3A_2414 : vector<16xf32>
      %add3A_2418 = arith.addf %add3A_2409, %mul3A_2417 : vector<16xf32>
      %eq3A_2419 = arith.constant 0 : i32
      %eq3A_2420 = vector.broadcast %eq3A_2419 : i32 to vector<16xi32>
      %eq3A_2421 = arith.cmpi eq, %get3A_2377, %eq3A_2420 : vector<16xi32>
      %select_n3A_2422 = arith.select %eq3A_2421, %mul3A_2404, %broadcast_in_dim3A_68 : vector<16xi1>, vector<16xf32>
      %add3A_2423 = arith.addf %add3A_2233, %select_n3A_2422 : vector<16xf32>
      %select_n3A_2424 = arith.select %eq3A_2421, %add3A_2418, %broadcast_in_dim3A_68 : vector<16xi1>, vector<16xf32>
      %add3A_2425 = arith.addf %add3A_2235, %select_n3A_2424 : vector<16xf32>
      %eq3A_2426 = arith.constant 1 : i32
      %eq3A_2427 = vector.broadcast %eq3A_2426 : i32 to vector<16xi32>
      %eq3A_2428 = arith.cmpi eq, %get3A_2377, %eq3A_2427 : vector<16xi32>
      %select_n3A_2429 = arith.select %eq3A_2428, %mul3A_2404, %broadcast_in_dim3A_68 : vector<16xi1>, vector<16xf32>
      %add3A_2430 = arith.addf %add3A_2240, %select_n3A_2429 : vector<16xf32>
      %select_n3A_2431 = arith.select %eq3A_2428, %add3A_2418, %broadcast_in_dim3A_68 : vector<16xi1>, vector<16xf32>
      %add3A_2432 = arith.addf %add3A_2242, %select_n3A_2431 : vector<16xf32>
      %eq3A_2433 = arith.constant 2 : i32
      %eq3A_2434 = vector.broadcast %eq3A_2433 : i32 to vector<16xi32>
      %eq3A_2435 = arith.cmpi eq, %get3A_2377, %eq3A_2434 : vector<16xi32>
      %select_n3A_2436 = arith.select %eq3A_2435, %mul3A_2404, %broadcast_in_dim3A_68 : vector<16xi1>, vector<16xf32>
      %add3A_2437 = arith.addf %add3A_2247, %select_n3A_2436 : vector<16xf32>
      %select_n3A_2438 = arith.select %eq3A_2435, %add3A_2418, %broadcast_in_dim3A_68 : vector<16xi1>, vector<16xf32>
      %add3A_2439 = arith.addf %add3A_2249, %select_n3A_2438 : vector<16xf32>
      %eq3A_2440 = arith.constant 3 : i32
      %eq3A_2441 = vector.broadcast %eq3A_2440 : i32 to vector<16xi32>
      %eq3A_2442 = arith.cmpi eq, %get3A_2377, %eq3A_2441 : vector<16xi32>
      %select_n3A_2443 = arith.select %eq3A_2442, %mul3A_2404, %broadcast_in_dim3A_68 : vector<16xi1>, vector<16xf32>
      %add3A_2444 = arith.addf %add3A_2254, %select_n3A_2443 : vector<16xf32>
      %select_n3A_2445 = arith.select %eq3A_2442, %add3A_2418, %broadcast_in_dim3A_68 : vector<16xi1>, vector<16xf32>
      %add3A_2446 = arith.addf %add3A_2256, %select_n3A_2445 : vector<16xf32>
      %eq3A_2447 = arith.constant 4 : i32
      %eq3A_2448 = vector.broadcast %eq3A_2447 : i32 to vector<16xi32>
      %eq3A_2449 = arith.cmpi eq, %get3A_2377, %eq3A_2448 : vector<16xi32>
      %select_n3A_2450 = arith.select %eq3A_2449, %mul3A_2404, %broadcast_in_dim3A_68 : vector<16xi1>, vector<16xf32>
      %add3A_2451 = arith.addf %add3A_2261, %select_n3A_2450 : vector<16xf32>
      %select_n3A_2452 = arith.select %eq3A_2449, %add3A_2418, %broadcast_in_dim3A_68 : vector<16xi1>, vector<16xf32>
      %add3A_2453 = arith.addf %add3A_2263, %select_n3A_2452 : vector<16xf32>
      %eq3A_2454 = arith.constant 5 : i32
      %eq3A_2455 = vector.broadcast %eq3A_2454 : i32 to vector<16xi32>
      %eq3A_2456 = arith.cmpi eq, %get3A_2377, %eq3A_2455 : vector<16xi32>
      %select_n3A_2457 = arith.select %eq3A_2456, %mul3A_2404, %broadcast_in_dim3A_68 : vector<16xi1>, vector<16xf32>
      %add3A_2458 = arith.addf %add3A_2268, %select_n3A_2457 : vector<16xf32>
      %select_n3A_2459 = arith.select %eq3A_2456, %add3A_2418, %broadcast_in_dim3A_68 : vector<16xi1>, vector<16xf32>
      %add3A_2460 = arith.addf %add3A_2270, %select_n3A_2459 : vector<16xf32>
      %eq3A_2461 = arith.constant 6 : i32
      %eq3A_2462 = vector.broadcast %eq3A_2461 : i32 to vector<16xi32>
      %eq3A_2463 = arith.cmpi eq, %get3A_2377, %eq3A_2462 : vector<16xi32>
      %select_n3A_2464 = arith.select %eq3A_2463, %mul3A_2404, %broadcast_in_dim3A_68 : vector<16xi1>, vector<16xf32>
      %add3A_2465 = arith.addf %add3A_2275, %select_n3A_2464 : vector<16xf32>
      %select_n3A_2466 = arith.select %eq3A_2463, %add3A_2418, %broadcast_in_dim3A_68 : vector<16xi1>, vector<16xf32>
      %add3A_2467 = arith.addf %add3A_2277, %select_n3A_2466 : vector<16xf32>
      %eq3A_2468 = arith.constant 7 : i32
      %eq3A_2469 = vector.broadcast %eq3A_2468 : i32 to vector<16xi32>
      %eq3A_2470 = arith.cmpi eq, %get3A_2377, %eq3A_2469 : vector<16xi32>
      %select_n3A_2471 = arith.select %eq3A_2470, %mul3A_2404, %broadcast_in_dim3A_68 : vector<16xi1>, vector<16xf32>
      %add3A_2472 = arith.addf %add3A_2282, %select_n3A_2471 : vector<16xf32>
      %select_n3A_2473 = arith.select %eq3A_2470, %add3A_2418, %broadcast_in_dim3A_68 : vector<16xi1>, vector<16xf32>
      %add3A_2474 = arith.addf %add3A_2284, %select_n3A_2473 : vector<16xf32>
      %eq3A_2475 = arith.constant 8 : i32
      %eq3A_2476 = vector.broadcast %eq3A_2475 : i32 to vector<16xi32>
      %eq3A_2477 = arith.cmpi eq, %get3A_2377, %eq3A_2476 : vector<16xi32>
      %select_n3A_2478 = arith.select %eq3A_2477, %mul3A_2404, %broadcast_in_dim3A_68 : vector<16xi1>, vector<16xf32>
      %add3A_2479 = arith.addf %add3A_2289, %select_n3A_2478 : vector<16xf32>
      %select_n3A_2480 = arith.select %eq3A_2477, %add3A_2418, %broadcast_in_dim3A_68 : vector<16xi1>, vector<16xf32>
      %add3A_2481 = arith.addf %add3A_2291, %select_n3A_2480 : vector<16xf32>
      %eq3A_2482 = arith.constant 9 : i32
      %eq3A_2483 = vector.broadcast %eq3A_2482 : i32 to vector<16xi32>
      %eq3A_2484 = arith.cmpi eq, %get3A_2377, %eq3A_2483 : vector<16xi32>
      %select_n3A_2485 = arith.select %eq3A_2484, %mul3A_2404, %broadcast_in_dim3A_68 : vector<16xi1>, vector<16xf32>
      %add3A_2486 = arith.addf %add3A_2296, %select_n3A_2485 : vector<16xf32>
      %select_n3A_2487 = arith.select %eq3A_2484, %add3A_2418, %broadcast_in_dim3A_68 : vector<16xi1>, vector<16xf32>
      %add3A_2488 = arith.addf %add3A_2298, %select_n3A_2487 : vector<16xf32>
      %eq3A_2489 = arith.constant 10 : i32
      %eq3A_2490 = vector.broadcast %eq3A_2489 : i32 to vector<16xi32>
      %eq3A_2491 = arith.cmpi eq, %get3A_2377, %eq3A_2490 : vector<16xi32>
      %select_n3A_2492 = arith.select %eq3A_2491, %mul3A_2404, %broadcast_in_dim3A_68 : vector<16xi1>, vector<16xf32>
      %add3A_2493 = arith.addf %add3A_2303, %select_n3A_2492 : vector<16xf32>
      %select_n3A_2494 = arith.select %eq3A_2491, %add3A_2418, %broadcast_in_dim3A_68 : vector<16xi1>, vector<16xf32>
      %add3A_2495 = arith.addf %add3A_2305, %select_n3A_2494 : vector<16xf32>
      %eq3A_2496 = arith.constant 11 : i32
      %eq3A_2497 = vector.broadcast %eq3A_2496 : i32 to vector<16xi32>
      %eq3A_2498 = arith.cmpi eq, %get3A_2377, %eq3A_2497 : vector<16xi32>
      %select_n3A_2499 = arith.select %eq3A_2498, %mul3A_2404, %broadcast_in_dim3A_68 : vector<16xi1>, vector<16xf32>
      %add3A_2500 = arith.addf %add3A_2310, %select_n3A_2499 : vector<16xf32>
      %select_n3A_2501 = arith.select %eq3A_2498, %add3A_2418, %broadcast_in_dim3A_68 : vector<16xi1>, vector<16xf32>
      %add3A_2502 = arith.addf %add3A_2312, %select_n3A_2501 : vector<16xf32>
      %eq3A_2503 = arith.constant 12 : i32
      %eq3A_2504 = vector.broadcast %eq3A_2503 : i32 to vector<16xi32>
      %eq3A_2505 = arith.cmpi eq, %get3A_2377, %eq3A_2504 : vector<16xi32>
      %select_n3A_2506 = arith.select %eq3A_2505, %mul3A_2404, %broadcast_in_dim3A_68 : vector<16xi1>, vector<16xf32>
      %add3A_2507 = arith.addf %add3A_2317, %select_n3A_2506 : vector<16xf32>
      %select_n3A_2508 = arith.select %eq3A_2505, %add3A_2418, %broadcast_in_dim3A_68 : vector<16xi1>, vector<16xf32>
      %add3A_2509 = arith.addf %add3A_2319, %select_n3A_2508 : vector<16xf32>
      %eq3A_2510 = arith.constant 13 : i32
      %eq3A_2511 = vector.broadcast %eq3A_2510 : i32 to vector<16xi32>
      %eq3A_2512 = arith.cmpi eq, %get3A_2377, %eq3A_2511 : vector<16xi32>
      %select_n3A_2513 = arith.select %eq3A_2512, %mul3A_2404, %broadcast_in_dim3A_68 : vector<16xi1>, vector<16xf32>
      %add3A_2514 = arith.addf %add3A_2324, %select_n3A_2513 : vector<16xf32>
      %select_n3A_2515 = arith.select %eq3A_2512, %add3A_2418, %broadcast_in_dim3A_68 : vector<16xi1>, vector<16xf32>
      %add3A_2516 = arith.addf %add3A_2326, %select_n3A_2515 : vector<16xf32>
      %eq3A_2517 = arith.constant 14 : i32
      %eq3A_2518 = vector.broadcast %eq3A_2517 : i32 to vector<16xi32>
      %eq3A_2519 = arith.cmpi eq, %get3A_2377, %eq3A_2518 : vector<16xi32>
      %select_n3A_2520 = arith.select %eq3A_2519, %mul3A_2404, %broadcast_in_dim3A_68 : vector<16xi1>, vector<16xf32>
      %add3A_2521 = arith.addf %add3A_2331, %select_n3A_2520 : vector<16xf32>
      %select_n3A_2522 = arith.select %eq3A_2519, %add3A_2418, %broadcast_in_dim3A_68 : vector<16xi1>, vector<16xf32>
      %add3A_2523 = arith.addf %add3A_2333, %select_n3A_2522 : vector<16xf32>
      %eq3A_2524 = arith.constant 15 : i32
      %eq3A_2525 = vector.broadcast %eq3A_2524 : i32 to vector<16xi32>
      %eq3A_2526 = arith.cmpi eq, %get3A_2377, %eq3A_2525 : vector<16xi32>
      %select_n3A_2527 = arith.select %eq3A_2526, %mul3A_2404, %broadcast_in_dim3A_68 : vector<16xi1>, vector<16xf32>
      %add3A_2528 = arith.addf %add3A_2338, %select_n3A_2527 : vector<16xf32>
      %select_n3A_2529 = arith.select %eq3A_2526, %add3A_2418, %broadcast_in_dim3A_68 : vector<16xi1>, vector<16xf32>
      %add3A_2530 = arith.addf %add3A_2340, %select_n3A_2529 : vector<16xf32>
      %get3A_2531 = arith.constant 3 : i32
      %get3A_2532 = arith.constant 0 : i32
      %get3A_2533 = arith.constant 0 : i32
      %get3A_2534 = arith.index_cast %get3A_2531 : i32 to index
      %get3A_2535 = arith.index_cast %get3A_2532 : i32 to index
      %get3A_2536 = arith.index_cast %get3A_2533 : i32 to index
      %get3A_2537 = arith.constant 16 : index
      %get3A_2538 = tpu.vector_load %arg9[%get3A_2534, %get3A_2535, %get3A_2536, %get3A_2537] {strides = array<i32>} : memref<4x1x1x64xf32, #tpu.memory_space<vmem>>, vector<1x1x1x16xf32>,
      %get3A_2539 = vector.shape_cast %get3A_2538 : vector<1x1x1x16xf32> to vector<16xf32>
      %get3A_2540 = arith.constant 3 : i32
      %get3A_2541 = arith.constant 0 : i32
      %get3A_2542 = arith.constant 0 : i32
      %get3A_2543 = arith.index_cast %get3A_2540 : i32 to index
      %get3A_2544 = arith.index_cast %get3A_2541 : i32 to index
      %get3A_2545 = arith.index_cast %get3A_2542 : i32 to index
      %get3A_2546 = arith.constant 16 : index
      %get3A_2547 = tpu.vector_load %arg10[%get3A_2543, %get3A_2544, %get3A_2545, %get3A_2546] {strides = array<i32>} : memref<4x1x1x64xf32, #tpu.memory_space<vmem>>, vector<1x1x1x16xf32>,
      %get3A_2548 = vector.shape_cast %get3A_2547 : vector<1x1x1x16xf32> to vector<16xf32>
      %get3A_2549 = arith.constant 3 : i32
      %get3A_2550 = arith.constant 0 : i32
      %get3A_2551 = arith.constant 0 : i32
      %get3A_2552 = arith.index_cast %get3A_2549 : i32 to index
      %get3A_2553 = arith.index_cast %get3A_2550 : i32 to index
      %get3A_2554 = arith.index_cast %get3A_2551 : i32 to index
      %get3A_2555 = arith.constant 16 : index
      %get3A_2556 = tpu.vector_load %arg11[%get3A_2552, %get3A_2553, %get3A_2554, %get3A_2555] {strides = array<i32>} : memref<4x1x1x64xf32, #tpu.memory_space<vmem>>, vector<1x1x1x16xf32>,
      %get3A_2557 = vector.shape_cast %get3A_2556 : vector<1x1x1x16xf32> to vector<16xf32>
      %get3A_2558 = arith.constant 3 : i32
      %get3A_2559 = arith.index_cast %get3A_2558 : i32 to index
      %get3A_2560 = arith.constant 16 : index
      %get3A_2561 = tpu.vector_load %arg12[%get3A_2559, %get3A_2560] {strides = array<i32>} : memref<4x64xf32, #tpu.memory_space<vmem>>, vector<1x16xf32>,
      %get3A_2562 = vector.shape_cast %get3A_2561 : vector<1x16xf32> to vector<16xf32>
      %get3A_2563 = arith.constant 3 : i32
      %get3A_2564 = arith.index_cast %get3A_2563 : i32 to index
      %get3A_2565 = arith.constant 16 : index
      %get3A_2566 = tpu.vector_load %arg13[%get3A_2564, %get3A_2565] {strides = array<i32>} : memref<4x64xi32, #tpu.memory_space<vmem>>, vector<1x16xi32>,
      %get3A_2567 = vector.shape_cast %get3A_2566 : vector<1x16xi32> to vector<16xi32>
      %add3A_2568 = arith.constant 9.99999997E-7 : f32
      %add3A_2569 = vector.broadcast %add3A_2568 : f32 to vector<16xf32>
      %add3A_2570 = arith.addf %get3A_2548, %add3A_2569 : vector<16xf32>
      %div3A_2571 = arith.divf %get3A_2539, %add3A_2570 : vector<16xf32>
      %mul3A_2572 = arith.mulf %div3A_2571, %div3A_2571 : vector<16xf32>
      %mul3A_2573 = arith.mulf %mul3A_2572, %mul3A_2572 : vector<16xf32>
      %sub3A_2574 = arith.constant 1.000000e+00 : f32
      %sub3A_2575 = vector.broadcast %sub3A_2574 : f32 to vector<16xf32>
      %sub3A_2576 = arith.subf %sub3A_2575, %div3A_2571 : vector<16xf32>
      %mul3A_2577 = arith.mulf %sub3A_2576, %sub3A_2576 : vector<16xf32>
      %mul3A_2578 = arith.mulf %mul3A_2577, %mul3A_2577 : vector<16xf32>
      %add3A_2579 = arith.addf %mul3A_2573, %mul3A_2578 : vector<16xf32>
      %div3A_2580 = arith.divf %mul3A_2573, %add3A_2579 : vector<16xf32>
      %sub3A_2581 = arith.constant 1.000000e+00 : f32
      %sub3A_2582 = vector.broadcast %sub3A_2581 : f32 to vector<16xf32>
      %sub3A_2583 = arith.subf %sub3A_2582, %div3A_2580 : vector<16xf32>
      %gt3A_2584 = arith.constant 0.000000e+00 : f32
      %gt3A_2585 = vector.broadcast %gt3A_2584 : f32 to vector<16xf32>
      %gt3A_2586 = arith.cmpf ogt, %get3A_2557, %gt3A_2585 : vector<16xf32>
      %jit3A_2587 = arith.constant 1.000000e+00 : f32
      %jit3A_2588 = arith.constant 0.000000e+00 : f32
      %broadcast_in_dim3A_2589 = vector.broadcast %jit3A_2587 : f32 to vector<16xf32>
      %broadcast_in_dim3A_2590 = vector.broadcast %jit3A_2588 : f32 to vector<16xf32>
      %select_n3A_2591 = arith.select %gt3A_2586, %broadcast_in_dim3A_2589, %broadcast_in_dim3A_2590 : vector<16xi1>, vector<16xf32>
      %mul3A_2592 = arith.mulf %div3A_2580, %get3A_2562 : vector<16xf32>
      %mul3A_2593 = arith.mulf %mul3A_2592, %select_n3A_2591 : vector<16xf32>
      %mul3A_2594 = arith.mulf %mul3A_2593, %div3A_2571 : vector<16xf32>
      %mul3A_2595 = arith.mulf %sub3A_2583, %select_n3A_2591 : vector<16xf32>
      %mul3A_2596 = arith.constant 5.000000e-01 : f32
      %mul3A_2597 = vector.broadcast %mul3A_2596 : f32 to vector<16xf32>
      %mul3A_2598 = arith.mulf %mul3A_2597, %mul3A_2595 : vector<16xf32>
      %add3A_2599 = arith.addf %mul3A_2593, %mul3A_2598 : vector<16xf32>
      %sub3A_2600 = arith.constant 1.000000e+00 : f32
      %sub3A_2601 = vector.broadcast %sub3A_2600 : f32 to vector<16xf32>
      %sub3A_2602 = arith.subf %sub3A_2601, %select_n3A_2591 : vector<16xf32>
      %mul3A_2603 = arith.mulf %sub3A_2602, %sub3A_2583 : vector<16xf32>
      %mul3A_2604 = arith.mulf %mul3A_2603, %get3A_2562 : vector<16xf32>
      %mul3A_2605 = arith.constant 5.000000e-01 : f32
      %mul3A_2606 = vector.broadcast %mul3A_2605 : f32 to vector<16xf32>
      %mul3A_2607 = arith.mulf %mul3A_2606, %mul3A_2604 : vector<16xf32>
      %add3A_2608 = arith.addf %add3A_2599, %mul3A_2607 : vector<16xf32>
      %eq3A_2609 = arith.constant 0 : i32
      %eq3A_2610 = vector.broadcast %eq3A_2609 : i32 to vector<16xi32>
      %eq3A_2611 = arith.cmpi eq, %get3A_2567, %eq3A_2610 : vector<16xi32>
      %select_n3A_2612 = arith.select %eq3A_2611, %mul3A_2594, %broadcast_in_dim3A_68 : vector<16xi1>, vector<16xf32>
      %add3A_2613 = arith.addf %add3A_2423, %select_n3A_2612 : vector<16xf32>
      %select_n3A_2614 = arith.select %eq3A_2611, %add3A_2608, %broadcast_in_dim3A_68 : vector<16xi1>, vector<16xf32>
      %add3A_2615 = arith.addf %add3A_2425, %select_n3A_2614 : vector<16xf32>
      %eq3A_2616 = arith.constant 1 : i32
      %eq3A_2617 = vector.broadcast %eq3A_2616 : i32 to vector<16xi32>
      %eq3A_2618 = arith.cmpi eq, %get3A_2567, %eq3A_2617 : vector<16xi32>
      %select_n3A_2619 = arith.select %eq3A_2618, %mul3A_2594, %broadcast_in_dim3A_68 : vector<16xi1>, vector<16xf32>
      %add3A_2620 = arith.addf %add3A_2430, %select_n3A_2619 : vector<16xf32>
      %select_n3A_2621 = arith.select %eq3A_2618, %add3A_2608, %broadcast_in_dim3A_68 : vector<16xi1>, vector<16xf32>
      %add3A_2622 = arith.addf %add3A_2432, %select_n3A_2621 : vector<16xf32>
      %eq3A_2623 = arith.constant 2 : i32
      %eq3A_2624 = vector.broadcast %eq3A_2623 : i32 to vector<16xi32>
      %eq3A_2625 = arith.cmpi eq, %get3A_2567, %eq3A_2624 : vector<16xi32>
      %select_n3A_2626 = arith.select %eq3A_2625, %mul3A_2594, %broadcast_in_dim3A_68 : vector<16xi1>, vector<16xf32>
      %add3A_2627 = arith.addf %add3A_2437, %select_n3A_2626 : vector<16xf32>
      %select_n3A_2628 = arith.select %eq3A_2625, %add3A_2608, %broadcast_in_dim3A_68 : vector<16xi1>, vector<16xf32>
      %add3A_2629 = arith.addf %add3A_2439, %select_n3A_2628 : vector<16xf32>
      %eq3A_2630 = arith.constant 3 : i32
      %eq3A_2631 = vector.broadcast %eq3A_2630 : i32 to vector<16xi32>
      %eq3A_2632 = arith.cmpi eq, %get3A_2567, %eq3A_2631 : vector<16xi32>
      %select_n3A_2633 = arith.select %eq3A_2632, %mul3A_2594, %broadcast_in_dim3A_68 : vector<16xi1>, vector<16xf32>
      %add3A_2634 = arith.addf %add3A_2444, %select_n3A_2633 : vector<16xf32>
      %select_n3A_2635 = arith.select %eq3A_2632, %add3A_2608, %broadcast_in_dim3A_68 : vector<16xi1>, vector<16xf32>
      %add3A_2636 = arith.addf %add3A_2446, %select_n3A_2635 : vector<16xf32>
      %eq3A_2637 = arith.constant 4 : i32
      %eq3A_2638 = vector.broadcast %eq3A_2637 : i32 to vector<16xi32>
      %eq3A_2639 = arith.cmpi eq, %get3A_2567, %eq3A_2638 : vector<16xi32>
      %select_n3A_2640 = arith.select %eq3A_2639, %mul3A_2594, %broadcast_in_dim3A_68 : vector<16xi1>, vector<16xf32>
      %add3A_2641 = arith.addf %add3A_2451, %select_n3A_2640 : vector<16xf32>
      %select_n3A_2642 = arith.select %eq3A_2639, %add3A_2608, %broadcast_in_dim3A_68 : vector<16xi1>, vector<16xf32>
      %add3A_2643 = arith.addf %add3A_2453, %select_n3A_2642 : vector<16xf32>
      %eq3A_2644 = arith.constant 5 : i32
      %eq3A_2645 = vector.broadcast %eq3A_2644 : i32 to vector<16xi32>
      %eq3A_2646 = arith.cmpi eq, %get3A_2567, %eq3A_2645 : vector<16xi32>
      %select_n3A_2647 = arith.select %eq3A_2646, %mul3A_2594, %broadcast_in_dim3A_68 : vector<16xi1>, vector<16xf32>
      %add3A_2648 = arith.addf %add3A_2458, %select_n3A_2647 : vector<16xf32>
      %select_n3A_2649 = arith.select %eq3A_2646, %add3A_2608, %broadcast_in_dim3A_68 : vector<16xi1>, vector<16xf32>
      %add3A_2650 = arith.addf %add3A_2460, %select_n3A_2649 : vector<16xf32>
      %eq3A_2651 = arith.constant 6 : i32
      %eq3A_2652 = vector.broadcast %eq3A_2651 : i32 to vector<16xi32>
      %eq3A_2653 = arith.cmpi eq, %get3A_2567, %eq3A_2652 : vector<16xi32>
      %select_n3A_2654 = arith.select %eq3A_2653, %mul3A_2594, %broadcast_in_dim3A_68 : vector<16xi1>, vector<16xf32>
      %add3A_2655 = arith.addf %add3A_2465, %select_n3A_2654 : vector<16xf32>
      %select_n3A_2656 = arith.select %eq3A_2653, %add3A_2608, %broadcast_in_dim3A_68 : vector<16xi1>, vector<16xf32>
      %add3A_2657 = arith.addf %add3A_2467, %select_n3A_2656 : vector<16xf32>
      %eq3A_2658 = arith.constant 7 : i32
      %eq3A_2659 = vector.broadcast %eq3A_2658 : i32 to vector<16xi32>
      %eq3A_2660 = arith.cmpi eq, %get3A_2567, %eq3A_2659 : vector<16xi32>
      %select_n3A_2661 = arith.select %eq3A_2660, %mul3A_2594, %broadcast_in_dim3A_68 : vector<16xi1>, vector<16xf32>
      %add3A_2662 = arith.addf %add3A_2472, %select_n3A_2661 : vector<16xf32>
      %select_n3A_2663 = arith.select %eq3A_2660, %add3A_2608, %broadcast_in_dim3A_68 : vector<16xi1>, vector<16xf32>
      %add3A_2664 = arith.addf %add3A_2474, %select_n3A_2663 : vector<16xf32>
      %eq3A_2665 = arith.constant 8 : i32
      %eq3A_2666 = vector.broadcast %eq3A_2665 : i32 to vector<16xi32>
      %eq3A_2667 = arith.cmpi eq, %get3A_2567, %eq3A_2666 : vector<16xi32>
      %select_n3A_2668 = arith.select %eq3A_2667, %mul3A_2594, %broadcast_in_dim3A_68 : vector<16xi1>, vector<16xf32>
      %add3A_2669 = arith.addf %add3A_2479, %select_n3A_2668 : vector<16xf32>
      %select_n3A_2670 = arith.select %eq3A_2667, %add3A_2608, %broadcast_in_dim3A_68 : vector<16xi1>, vector<16xf32>
      %add3A_2671 = arith.addf %add3A_2481, %select_n3A_2670 : vector<16xf32>
      %eq3A_2672 = arith.constant 9 : i32
      %eq3A_2673 = vector.broadcast %eq3A_2672 : i32 to vector<16xi32>
      %eq3A_2674 = arith.cmpi eq, %get3A_2567, %eq3A_2673 : vector<16xi32>
      %select_n3A_2675 = arith.select %eq3A_2674, %mul3A_2594, %broadcast_in_dim3A_68 : vector<16xi1>, vector<16xf32>
      %add3A_2676 = arith.addf %add3A_2486, %select_n3A_2675 : vector<16xf32>
      %select_n3A_2677 = arith.select %eq3A_2674, %add3A_2608, %broadcast_in_dim3A_68 : vector<16xi1>, vector<16xf32>
      %add3A_2678 = arith.addf %add3A_2488, %select_n3A_2677 : vector<16xf32>
      %eq3A_2679 = arith.constant 10 : i32
      %eq3A_2680 = vector.broadcast %eq3A_2679 : i32 to vector<16xi32>
      %eq3A_2681 = arith.cmpi eq, %get3A_2567, %eq3A_2680 : vector<16xi32>
      %select_n3A_2682 = arith.select %eq3A_2681, %mul3A_2594, %broadcast_in_dim3A_68 : vector<16xi1>, vector<16xf32>
      %add3A_2683 = arith.addf %add3A_2493, %select_n3A_2682 : vector<16xf32>
      %select_n3A_2684 = arith.select %eq3A_2681, %add3A_2608, %broadcast_in_dim3A_68 : vector<16xi1>, vector<16xf32>
      %add3A_2685 = arith.addf %add3A_2495, %select_n3A_2684 : vector<16xf32>
      %eq3A_2686 = arith.constant 11 : i32
      %eq3A_2687 = vector.broadcast %eq3A_2686 : i32 to vector<16xi32>
      %eq3A_2688 = arith.cmpi eq, %get3A_2567, %eq3A_2687 : vector<16xi32>
      %select_n3A_2689 = arith.select %eq3A_2688, %mul3A_2594, %broadcast_in_dim3A_68 : vector<16xi1>, vector<16xf32>
      %add3A_2690 = arith.addf %add3A_2500, %select_n3A_2689 : vector<16xf32>
      %select_n3A_2691 = arith.select %eq3A_2688, %add3A_2608, %broadcast_in_dim3A_68 : vector<16xi1>, vector<16xf32>
      %add3A_2692 = arith.addf %add3A_2502, %select_n3A_2691 : vector<16xf32>
      %eq3A_2693 = arith.constant 12 : i32
      %eq3A_2694 = vector.broadcast %eq3A_2693 : i32 to vector<16xi32>
      %eq3A_2695 = arith.cmpi eq, %get3A_2567, %eq3A_2694 : vector<16xi32>
      %select_n3A_2696 = arith.select %eq3A_2695, %mul3A_2594, %broadcast_in_dim3A_68 : vector<16xi1>, vector<16xf32>
      %add3A_2697 = arith.addf %add3A_2507, %select_n3A_2696 : vector<16xf32>
      %select_n3A_2698 = arith.select %eq3A_2695, %add3A_2608, %broadcast_in_dim3A_68 : vector<16xi1>, vector<16xf32>
      %add3A_2699 = arith.addf %add3A_2509, %select_n3A_2698 : vector<16xf32>
      %eq3A_2700 = arith.constant 13 : i32
      %eq3A_2701 = vector.broadcast %eq3A_2700 : i32 to vector<16xi32>
      %eq3A_2702 = arith.cmpi eq, %get3A_2567, %eq3A_2701 : vector<16xi32>
      %select_n3A_2703 = arith.select %eq3A_2702, %mul3A_2594, %broadcast_in_dim3A_68 : vector<16xi1>, vector<16xf32>
      %add3A_2704 = arith.addf %add3A_2514, %select_n3A_2703 : vector<16xf32>
      %select_n3A_2705 = arith.select %eq3A_2702, %add3A_2608, %broadcast_in_dim3A_68 : vector<16xi1>, vector<16xf32>
      %add3A_2706 = arith.addf %add3A_2516, %select_n3A_2705 : vector<16xf32>
      %eq3A_2707 = arith.constant 14 : i32
      %eq3A_2708 = vector.broadcast %eq3A_2707 : i32 to vector<16xi32>
      %eq3A_2709 = arith.cmpi eq, %get3A_2567, %eq3A_2708 : vector<16xi32>
      %select_n3A_2710 = arith.select %eq3A_2709, %mul3A_2594, %broadcast_in_dim3A_68 : vector<16xi1>, vector<16xf32>
      %add3A_2711 = arith.addf %add3A_2521, %select_n3A_2710 : vector<16xf32>
      %select_n3A_2712 = arith.select %eq3A_2709, %add3A_2608, %broadcast_in_dim3A_68 : vector<16xi1>, vector<16xf32>
      %add3A_2713 = arith.addf %add3A_2523, %select_n3A_2712 : vector<16xf32>
      %eq3A_2714 = arith.constant 15 : i32
      %eq3A_2715 = vector.broadcast %eq3A_2714 : i32 to vector<16xi32>
      %eq3A_2716 = arith.cmpi eq, %get3A_2567, %eq3A_2715 : vector<16xi32>
      %select_n3A_2717 = arith.select %eq3A_2716, %mul3A_2594, %broadcast_in_dim3A_68 : vector<16xi1>, vector<16xf32>
      %add3A_2718 = arith.addf %add3A_2528, %select_n3A_2717 : vector<16xf32>
      %select_n3A_2719 = arith.select %eq3A_2716, %add3A_2608, %broadcast_in_dim3A_68 : vector<16xi1>, vector<16xf32>
      %add3A_2720 = arith.addf %add3A_2530, %select_n3A_2719 : vector<16xf32>
      %get3A_2721 = arith.constant 3 : i32
      %get3A_2722 = arith.constant 0 : i32
      %get3A_2723 = arith.constant 0 : i32
      %get3A_2724 = arith.index_cast %get3A_2721 : i32 to index
      %get3A_2725 = arith.index_cast %get3A_2722 : i32 to index
      %get3A_2726 = arith.index_cast %get3A_2723 : i32 to index
      %get3A_2727 = arith.constant 32 : index
      %get3A_2728 = tpu.vector_load %arg9[%get3A_2724, %get3A_2725, %get3A_2726, %get3A_2727] {strides = array<i32>} : memref<4x1x1x64xf32, #tpu.memory_space<vmem>>, vector<1x1x1x16xf32>,
      %get3A_2729 = vector.shape_cast %get3A_2728 : vector<1x1x1x16xf32> to vector<16xf32>
      %get3A_2730 = arith.constant 3 : i32
      %get3A_2731 = arith.constant 0 : i32
      %get3A_2732 = arith.constant 0 : i32
      %get3A_2733 = arith.index_cast %get3A_2730 : i32 to index
      %get3A_2734 = arith.index_cast %get3A_2731 : i32 to index
      %get3A_2735 = arith.index_cast %get3A_2732 : i32 to index
      %get3A_2736 = arith.constant 32 : index
      %get3A_2737 = tpu.vector_load %arg10[%get3A_2733, %get3A_2734, %get3A_2735, %get3A_2736] {strides = array<i32>} : memref<4x1x1x64xf32, #tpu.memory_space<vmem>>, vector<1x1x1x16xf32>,
      %get3A_2738 = vector.shape_cast %get3A_2737 : vector<1x1x1x16xf32> to vector<16xf32>
      %get3A_2739 = arith.constant 3 : i32
      %get3A_2740 = arith.constant 0 : i32
      %get3A_2741 = arith.constant 0 : i32
      %get3A_2742 = arith.index_cast %get3A_2739 : i32 to index
      %get3A_2743 = arith.index_cast %get3A_2740 : i32 to index
      %get3A_2744 = arith.index_cast %get3A_2741 : i32 to index
      %get3A_2745 = arith.constant 32 : index
      %get3A_2746 = tpu.vector_load %arg11[%get3A_2742, %get3A_2743, %get3A_2744, %get3A_2745] {strides = array<i32>} : memref<4x1x1x64xf32, #tpu.memory_space<vmem>>, vector<1x1x1x16xf32>,
      %get3A_2747 = vector.shape_cast %get3A_2746 : vector<1x1x1x16xf32> to vector<16xf32>
      %get3A_2748 = arith.constant 3 : i32
      %get3A_2749 = arith.index_cast %get3A_2748 : i32 to index
      %get3A_2750 = arith.constant 32 : index
      %get3A_2751 = tpu.vector_load %arg12[%get3A_2749, %get3A_2750] {strides = array<i32>} : memref<4x64xf32, #tpu.memory_space<vmem>>, vector<1x16xf32>,
      %get3A_2752 = vector.shape_cast %get3A_2751 : vector<1x16xf32> to vector<16xf32>
      %get3A_2753 = arith.constant 3 : i32
      %get3A_2754 = arith.index_cast %get3A_2753 : i32 to index
      %get3A_2755 = arith.constant 32 : index
      %get3A_2756 = tpu.vector_load %arg13[%get3A_2754, %get3A_2755] {strides = array<i32>} : memref<4x64xi32, #tpu.memory_space<vmem>>, vector<1x16xi32>,
      %get3A_2757 = vector.shape_cast %get3A_2756 : vector<1x16xi32> to vector<16xi32>
      %add3A_2758 = arith.constant 9.99999997E-7 : f32
      %add3A_2759 = vector.broadcast %add3A_2758 : f32 to vector<16xf32>
      %add3A_2760 = arith.addf %get3A_2738, %add3A_2759 : vector<16xf32>
      %div3A_2761 = arith.divf %get3A_2729, %add3A_2760 : vector<16xf32>
      %mul3A_2762 = arith.mulf %div3A_2761, %div3A_2761 : vector<16xf32>
      %mul3A_2763 = arith.mulf %mul3A_2762, %mul3A_2762 : vector<16xf32>
      %sub3A_2764 = arith.constant 1.000000e+00 : f32
      %sub3A_2765 = vector.broadcast %sub3A_2764 : f32 to vector<16xf32>
      %sub3A_2766 = arith.subf %sub3A_2765, %div3A_2761 : vector<16xf32>
      %mul3A_2767 = arith.mulf %sub3A_2766, %sub3A_2766 : vector<16xf32>
      %mul3A_2768 = arith.mulf %mul3A_2767, %mul3A_2767 : vector<16xf32>
      %add3A_2769 = arith.addf %mul3A_2763, %mul3A_2768 : vector<16xf32>
      %div3A_2770 = arith.divf %mul3A_2763, %add3A_2769 : vector<16xf32>
      %sub3A_2771 = arith.constant 1.000000e+00 : f32
      %sub3A_2772 = vector.broadcast %sub3A_2771 : f32 to vector<16xf32>
      %sub3A_2773 = arith.subf %sub3A_2772, %div3A_2770 : vector<16xf32>
      %gt3A_2774 = arith.constant 0.000000e+00 : f32
      %gt3A_2775 = vector.broadcast %gt3A_2774 : f32 to vector<16xf32>
      %gt3A_2776 = arith.cmpf ogt, %get3A_2747, %gt3A_2775 : vector<16xf32>
      %jit3A_2777 = arith.constant 1.000000e+00 : f32
      %jit3A_2778 = arith.constant 0.000000e+00 : f32
      %broadcast_in_dim3A_2779 = vector.broadcast %jit3A_2777 : f32 to vector<16xf32>
      %broadcast_in_dim3A_2780 = vector.broadcast %jit3A_2778 : f32 to vector<16xf32>
      %select_n3A_2781 = arith.select %gt3A_2776, %broadcast_in_dim3A_2779, %broadcast_in_dim3A_2780 : vector<16xi1>, vector<16xf32>
      %mul3A_2782 = arith.mulf %div3A_2770, %get3A_2752 : vector<16xf32>
      %mul3A_2783 = arith.mulf %mul3A_2782, %select_n3A_2781 : vector<16xf32>
      %mul3A_2784 = arith.mulf %mul3A_2783, %div3A_2761 : vector<16xf32>
      %mul3A_2785 = arith.mulf %sub3A_2773, %select_n3A_2781 : vector<16xf32>
      %mul3A_2786 = arith.constant 5.000000e-01 : f32
      %mul3A_2787 = vector.broadcast %mul3A_2786 : f32 to vector<16xf32>
      %mul3A_2788 = arith.mulf %mul3A_2787, %mul3A_2785 : vector<16xf32>
      %add3A_2789 = arith.addf %mul3A_2783, %mul3A_2788 : vector<16xf32>
      %sub3A_2790 = arith.constant 1.000000e+00 : f32
      %sub3A_2791 = vector.broadcast %sub3A_2790 : f32 to vector<16xf32>
      %sub3A_2792 = arith.subf %sub3A_2791, %select_n3A_2781 : vector<16xf32>
      %mul3A_2793 = arith.mulf %sub3A_2792, %sub3A_2773 : vector<16xf32>
      %mul3A_2794 = arith.mulf %mul3A_2793, %get3A_2752 : vector<16xf32>
      %mul3A_2795 = arith.constant 5.000000e-01 : f32
      %mul3A_2796 = vector.broadcast %mul3A_2795 : f32 to vector<16xf32>
      %mul3A_2797 = arith.mulf %mul3A_2796, %mul3A_2794 : vector<16xf32>
      %add3A_2798 = arith.addf %add3A_2789, %mul3A_2797 : vector<16xf32>
      %eq3A_2799 = arith.constant 0 : i32
      %eq3A_2800 = vector.broadcast %eq3A_2799 : i32 to vector<16xi32>
      %eq3A_2801 = arith.cmpi eq, %get3A_2757, %eq3A_2800 : vector<16xi32>
      %select_n3A_2802 = arith.select %eq3A_2801, %mul3A_2784, %broadcast_in_dim3A_68 : vector<16xi1>, vector<16xf32>
      %add3A_2803 = arith.addf %add3A_2613, %select_n3A_2802 : vector<16xf32>
      %select_n3A_2804 = arith.select %eq3A_2801, %add3A_2798, %broadcast_in_dim3A_68 : vector<16xi1>, vector<16xf32>
      %add3A_2805 = arith.addf %add3A_2615, %select_n3A_2804 : vector<16xf32>
      %eq3A_2806 = arith.constant 1 : i32
      %eq3A_2807 = vector.broadcast %eq3A_2806 : i32 to vector<16xi32>
      %eq3A_2808 = arith.cmpi eq, %get3A_2757, %eq3A_2807 : vector<16xi32>
      %select_n3A_2809 = arith.select %eq3A_2808, %mul3A_2784, %broadcast_in_dim3A_68 : vector<16xi1>, vector<16xf32>
      %add3A_2810 = arith.addf %add3A_2620, %select_n3A_2809 : vector<16xf32>
      %select_n3A_2811 = arith.select %eq3A_2808, %add3A_2798, %broadcast_in_dim3A_68 : vector<16xi1>, vector<16xf32>
      %add3A_2812 = arith.addf %add3A_2622, %select_n3A_2811 : vector<16xf32>
      %eq3A_2813 = arith.constant 2 : i32
      %eq3A_2814 = vector.broadcast %eq3A_2813 : i32 to vector<16xi32>
      %eq3A_2815 = arith.cmpi eq, %get3A_2757, %eq3A_2814 : vector<16xi32>
      %select_n3A_2816 = arith.select %eq3A_2815, %mul3A_2784, %broadcast_in_dim3A_68 : vector<16xi1>, vector<16xf32>
      %add3A_2817 = arith.addf %add3A_2627, %select_n3A_2816 : vector<16xf32>
      %select_n3A_2818 = arith.select %eq3A_2815, %add3A_2798, %broadcast_in_dim3A_68 : vector<16xi1>, vector<16xf32>
      %add3A_2819 = arith.addf %add3A_2629, %select_n3A_2818 : vector<16xf32>
      %eq3A_2820 = arith.constant 3 : i32
      %eq3A_2821 = vector.broadcast %eq3A_2820 : i32 to vector<16xi32>
      %eq3A_2822 = arith.cmpi eq, %get3A_2757, %eq3A_2821 : vector<16xi32>
      %select_n3A_2823 = arith.select %eq3A_2822, %mul3A_2784, %broadcast_in_dim3A_68 : vector<16xi1>, vector<16xf32>
      %add3A_2824 = arith.addf %add3A_2634, %select_n3A_2823 : vector<16xf32>
      %select_n3A_2825 = arith.select %eq3A_2822, %add3A_2798, %broadcast_in_dim3A_68 : vector<16xi1>, vector<16xf32>
      %add3A_2826 = arith.addf %add3A_2636, %select_n3A_2825 : vector<16xf32>
      %eq3A_2827 = arith.constant 4 : i32
      %eq3A_2828 = vector.broadcast %eq3A_2827 : i32 to vector<16xi32>
      %eq3A_2829 = arith.cmpi eq, %get3A_2757, %eq3A_2828 : vector<16xi32>
      %select_n3A_2830 = arith.select %eq3A_2829, %mul3A_2784, %broadcast_in_dim3A_68 : vector<16xi1>, vector<16xf32>
      %add3A_2831 = arith.addf %add3A_2641, %select_n3A_2830 : vector<16xf32>
      %select_n3A_2832 = arith.select %eq3A_2829, %add3A_2798, %broadcast_in_dim3A_68 : vector<16xi1>, vector<16xf32>
      %add3A_2833 = arith.addf %add3A_2643, %select_n3A_2832 : vector<16xf32>
      %eq3A_2834 = arith.constant 5 : i32
      %eq3A_2835 = vector.broadcast %eq3A_2834 : i32 to vector<16xi32>
      %eq3A_2836 = arith.cmpi eq, %get3A_2757, %eq3A_2835 : vector<16xi32>
      %select_n3A_2837 = arith.select %eq3A_2836, %mul3A_2784, %broadcast_in_dim3A_68 : vector<16xi1>, vector<16xf32>
      %add3A_2838 = arith.addf %add3A_2648, %select_n3A_2837 : vector<16xf32>
      %select_n3A_2839 = arith.select %eq3A_2836, %add3A_2798, %broadcast_in_dim3A_68 : vector<16xi1>, vector<16xf32>
      %add3A_2840 = arith.addf %add3A_2650, %select_n3A_2839 : vector<16xf32>
      %eq3A_2841 = arith.constant 6 : i32
      %eq3A_2842 = vector.broadcast %eq3A_2841 : i32 to vector<16xi32>
      %eq3A_2843 = arith.cmpi eq, %get3A_2757, %eq3A_2842 : vector<16xi32>
      %select_n3A_2844 = arith.select %eq3A_2843, %mul3A_2784, %broadcast_in_dim3A_68 : vector<16xi1>, vector<16xf32>
      %add3A_2845 = arith.addf %add3A_2655, %select_n3A_2844 : vector<16xf32>
      %select_n3A_2846 = arith.select %eq3A_2843, %add3A_2798, %broadcast_in_dim3A_68 : vector<16xi1>, vector<16xf32>
      %add3A_2847 = arith.addf %add3A_2657, %select_n3A_2846 : vector<16xf32>
      %eq3A_2848 = arith.constant 7 : i32
      %eq3A_2849 = vector.broadcast %eq3A_2848 : i32 to vector<16xi32>
      %eq3A_2850 = arith.cmpi eq, %get3A_2757, %eq3A_2849 : vector<16xi32>
      %select_n3A_2851 = arith.select %eq3A_2850, %mul3A_2784, %broadcast_in_dim3A_68 : vector<16xi1>, vector<16xf32>
      %add3A_2852 = arith.addf %add3A_2662, %select_n3A_2851 : vector<16xf32>
      %select_n3A_2853 = arith.select %eq3A_2850, %add3A_2798, %broadcast_in_dim3A_68 : vector<16xi1>, vector<16xf32>
      %add3A_2854 = arith.addf %add3A_2664, %select_n3A_2853 : vector<16xf32>
      %eq3A_2855 = arith.constant 8 : i32
      %eq3A_2856 = vector.broadcast %eq3A_2855 : i32 to vector<16xi32>
      %eq3A_2857 = arith.cmpi eq, %get3A_2757, %eq3A_2856 : vector<16xi32>
      %select_n3A_2858 = arith.select %eq3A_2857, %mul3A_2784, %broadcast_in_dim3A_68 : vector<16xi1>, vector<16xf32>
      %add3A_2859 = arith.addf %add3A_2669, %select_n3A_2858 : vector<16xf32>
      %select_n3A_2860 = arith.select %eq3A_2857, %add3A_2798, %broadcast_in_dim3A_68 : vector<16xi1>, vector<16xf32>
      %add3A_2861 = arith.addf %add3A_2671, %select_n3A_2860 : vector<16xf32>
      %eq3A_2862 = arith.constant 9 : i32
      %eq3A_2863 = vector.broadcast %eq3A_2862 : i32 to vector<16xi32>
      %eq3A_2864 = arith.cmpi eq, %get3A_2757, %eq3A_2863 : vector<16xi32>
      %select_n3A_2865 = arith.select %eq3A_2864, %mul3A_2784, %broadcast_in_dim3A_68 : vector<16xi1>, vector<16xf32>
      %add3A_2866 = arith.addf %add3A_2676, %select_n3A_2865 : vector<16xf32>
      %select_n3A_2867 = arith.select %eq3A_2864, %add3A_2798, %broadcast_in_dim3A_68 : vector<16xi1>, vector<16xf32>
      %add3A_2868 = arith.addf %add3A_2678, %select_n3A_2867 : vector<16xf32>
      %eq3A_2869 = arith.constant 10 : i32
      %eq3A_2870 = vector.broadcast %eq3A_2869 : i32 to vector<16xi32>
      %eq3A_2871 = arith.cmpi eq, %get3A_2757, %eq3A_2870 : vector<16xi32>
      %select_n3A_2872 = arith.select %eq3A_2871, %mul3A_2784, %broadcast_in_dim3A_68 : vector<16xi1>, vector<16xf32>
      %add3A_2873 = arith.addf %add3A_2683, %select_n3A_2872 : vector<16xf32>
      %select_n3A_2874 = arith.select %eq3A_2871, %add3A_2798, %broadcast_in_dim3A_68 : vector<16xi1>, vector<16xf32>
      %add3A_2875 = arith.addf %add3A_2685, %select_n3A_2874 : vector<16xf32>
      %eq3A_2876 = arith.constant 11 : i32
      %eq3A_2877 = vector.broadcast %eq3A_2876 : i32 to vector<16xi32>
      %eq3A_2878 = arith.cmpi eq, %get3A_2757, %eq3A_2877 : vector<16xi32>
      %select_n3A_2879 = arith.select %eq3A_2878, %mul3A_2784, %broadcast_in_dim3A_68 : vector<16xi1>, vector<16xf32>
      %add3A_2880 = arith.addf %add3A_2690, %select_n3A_2879 : vector<16xf32>
      %select_n3A_2881 = arith.select %eq3A_2878, %add3A_2798, %broadcast_in_dim3A_68 : vector<16xi1>, vector<16xf32>
      %add3A_2882 = arith.addf %add3A_2692, %select_n3A_2881 : vector<16xf32>
      %eq3A_2883 = arith.constant 12 : i32
      %eq3A_2884 = vector.broadcast %eq3A_2883 : i32 to vector<16xi32>
      %eq3A_2885 = arith.cmpi eq, %get3A_2757, %eq3A_2884 : vector<16xi32>
      %select_n3A_2886 = arith.select %eq3A_2885, %mul3A_2784, %broadcast_in_dim3A_68 : vector<16xi1>, vector<16xf32>
      %add3A_2887 = arith.addf %add3A_2697, %select_n3A_2886 : vector<16xf32>
      %select_n3A_2888 = arith.select %eq3A_2885, %add3A_2798, %broadcast_in_dim3A_68 : vector<16xi1>, vector<16xf32>
      %add3A_2889 = arith.addf %add3A_2699, %select_n3A_2888 : vector<16xf32>
      %eq3A_2890 = arith.constant 13 : i32
      %eq3A_2891 = vector.broadcast %eq3A_2890 : i32 to vector<16xi32>
      %eq3A_2892 = arith.cmpi eq, %get3A_2757, %eq3A_2891 : vector<16xi32>
      %select_n3A_2893 = arith.select %eq3A_2892, %mul3A_2784, %broadcast_in_dim3A_68 : vector<16xi1>, vector<16xf32>
      %add3A_2894 = arith.addf %add3A_2704, %select_n3A_2893 : vector<16xf32>
      %select_n3A_2895 = arith.select %eq3A_2892, %add3A_2798, %broadcast_in_dim3A_68 : vector<16xi1>, vector<16xf32>
      %add3A_2896 = arith.addf %add3A_2706, %select_n3A_2895 : vector<16xf32>
      %eq3A_2897 = arith.constant 14 : i32
      %eq3A_2898 = vector.broadcast %eq3A_2897 : i32 to vector<16xi32>
      %eq3A_2899 = arith.cmpi eq, %get3A_2757, %eq3A_2898 : vector<16xi32>
      %select_n3A_2900 = arith.select %eq3A_2899, %mul3A_2784, %broadcast_in_dim3A_68 : vector<16xi1>, vector<16xf32>
      %add3A_2901 = arith.addf %add3A_2711, %select_n3A_2900 : vector<16xf32>
      %select_n3A_2902 = arith.select %eq3A_2899, %add3A_2798, %broadcast_in_dim3A_68 : vector<16xi1>, vector<16xf32>
      %add3A_2903 = arith.addf %add3A_2713, %select_n3A_2902 : vector<16xf32>
      %eq3A_2904 = arith.constant 15 : i32
      %eq3A_2905 = vector.broadcast %eq3A_2904 : i32 to vector<16xi32>
      %eq3A_2906 = arith.cmpi eq, %get3A_2757, %eq3A_2905 : vector<16xi32>
      %select_n3A_2907 = arith.select %eq3A_2906, %mul3A_2784, %broadcast_in_dim3A_68 : vector<16xi1>, vector<16xf32>
      %add3A_2908 = arith.addf %add3A_2718, %select_n3A_2907 : vector<16xf32>
      %select_n3A_2909 = arith.select %eq3A_2906, %add3A_2798, %broadcast_in_dim3A_68 : vector<16xi1>, vector<16xf32>
      %add3A_2910 = arith.addf %add3A_2720, %select_n3A_2909 : vector<16xf32>
      %get3A_2911 = arith.constant 3 : i32
      %get3A_2912 = arith.constant 0 : i32
      %get3A_2913 = arith.constant 0 : i32
      %get3A_2914 = arith.index_cast %get3A_2911 : i32 to index
      %get3A_2915 = arith.index_cast %get3A_2912 : i32 to index
      %get3A_2916 = arith.index_cast %get3A_2913 : i32 to index
      %get3A_2917 = arith.constant 48 : index
      %get3A_2918 = tpu.vector_load %arg9[%get3A_2914, %get3A_2915, %get3A_2916, %get3A_2917] {strides = array<i32>} : memref<4x1x1x64xf32, #tpu.memory_space<vmem>>, vector<1x1x1x16xf32>,
      %get3A_2919 = vector.shape_cast %get3A_2918 : vector<1x1x1x16xf32> to vector<16xf32>
      %get3A_2920 = arith.constant 3 : i32
      %get3A_2921 = arith.constant 0 : i32
      %get3A_2922 = arith.constant 0 : i32
      %get3A_2923 = arith.index_cast %get3A_2920 : i32 to index
      %get3A_2924 = arith.index_cast %get3A_2921 : i32 to index
      %get3A_2925 = arith.index_cast %get3A_2922 : i32 to index
      %get3A_2926 = arith.constant 48 : index
      %get3A_2927 = tpu.vector_load %arg10[%get3A_2923, %get3A_2924, %get3A_2925, %get3A_2926] {strides = array<i32>} : memref<4x1x1x64xf32, #tpu.memory_space<vmem>>, vector<1x1x1x16xf32>,
      %get3A_2928 = vector.shape_cast %get3A_2927 : vector<1x1x1x16xf32> to vector<16xf32>
      %get3A_2929 = arith.constant 3 : i32
      %get3A_2930 = arith.constant 0 : i32
      %get3A_2931 = arith.constant 0 : i32
      %get3A_2932 = arith.index_cast %get3A_2929 : i32 to index
      %get3A_2933 = arith.index_cast %get3A_2930 : i32 to index
      %get3A_2934 = arith.index_cast %get3A_2931 : i32 to index
      %get3A_2935 = arith.constant 48 : index
      %get3A_2936 = tpu.vector_load %arg11[%get3A_2932, %get3A_2933, %get3A_2934, %get3A_2935] {strides = array<i32>} : memref<4x1x1x64xf32, #tpu.memory_space<vmem>>, vector<1x1x1x16xf32>,
      %get3A_2937 = vector.shape_cast %get3A_2936 : vector<1x1x1x16xf32> to vector<16xf32>
      %get3A_2938 = arith.constant 3 : i32
      %get3A_2939 = arith.index_cast %get3A_2938 : i32 to index
      %get3A_2940 = arith.constant 48 : index
      %get3A_2941 = tpu.vector_load %arg12[%get3A_2939, %get3A_2940] {strides = array<i32>} : memref<4x64xf32, #tpu.memory_space<vmem>>, vector<1x16xf32>,
      %get3A_2942 = vector.shape_cast %get3A_2941 : vector<1x16xf32> to vector<16xf32>
      %get3A_2943 = arith.constant 3 : i32
      %get3A_2944 = arith.index_cast %get3A_2943 : i32 to index
      %get3A_2945 = arith.constant 48 : index
      %get3A_2946 = tpu.vector_load %arg13[%get3A_2944, %get3A_2945] {strides = array<i32>} : memref<4x64xi32, #tpu.memory_space<vmem>>, vector<1x16xi32>,
      %get3A_2947 = vector.shape_cast %get3A_2946 : vector<1x16xi32> to vector<16xi32>
      %add3A_2948 = arith.constant 9.99999997E-7 : f32
      %add3A_2949 = vector.broadcast %add3A_2948 : f32 to vector<16xf32>
      %add3A_2950 = arith.addf %get3A_2928, %add3A_2949 : vector<16xf32>
      %div3A_2951 = arith.divf %get3A_2919, %add3A_2950 : vector<16xf32>
      %mul3A_2952 = arith.mulf %div3A_2951, %div3A_2951 : vector<16xf32>
      %mul3A_2953 = arith.mulf %mul3A_2952, %mul3A_2952 : vector<16xf32>
      %sub3A_2954 = arith.constant 1.000000e+00 : f32
      %sub3A_2955 = vector.broadcast %sub3A_2954 : f32 to vector<16xf32>
      %sub3A_2956 = arith.subf %sub3A_2955, %div3A_2951 : vector<16xf32>
      %mul3A_2957 = arith.mulf %sub3A_2956, %sub3A_2956 : vector<16xf32>
      %mul3A_2958 = arith.mulf %mul3A_2957, %mul3A_2957 : vector<16xf32>
      %add3A_2959 = arith.addf %mul3A_2953, %mul3A_2958 : vector<16xf32>
      %div3A_2960 = arith.divf %mul3A_2953, %add3A_2959 : vector<16xf32>
      %sub3A_2961 = arith.constant 1.000000e+00 : f32
      %sub3A_2962 = vector.broadcast %sub3A_2961 : f32 to vector<16xf32>
      %sub3A_2963 = arith.subf %sub3A_2962, %div3A_2960 : vector<16xf32>
      %gt3A_2964 = arith.constant 0.000000e+00 : f32
      %gt3A_2965 = vector.broadcast %gt3A_2964 : f32 to vector<16xf32>
      %gt3A_2966 = arith.cmpf ogt, %get3A_2937, %gt3A_2965 : vector<16xf32>
      %jit3A_2967 = arith.constant 1.000000e+00 : f32
      %jit3A_2968 = arith.constant 0.000000e+00 : f32
      %broadcast_in_dim3A_2969 = vector.broadcast %jit3A_2967 : f32 to vector<16xf32>
      %broadcast_in_dim3A_2970 = vector.broadcast %jit3A_2968 : f32 to vector<16xf32>
      %select_n3A_2971 = arith.select %gt3A_2966, %broadcast_in_dim3A_2969, %broadcast_in_dim3A_2970 : vector<16xi1>, vector<16xf32>
      %mul3A_2972 = arith.mulf %div3A_2960, %get3A_2942 : vector<16xf32>
      %mul3A_2973 = arith.mulf %mul3A_2972, %select_n3A_2971 : vector<16xf32>
      %mul3A_2974 = arith.mulf %mul3A_2973, %div3A_2951 : vector<16xf32>
      %mul3A_2975 = arith.mulf %sub3A_2963, %select_n3A_2971 : vector<16xf32>
      %mul3A_2976 = arith.constant 5.000000e-01 : f32
      %mul3A_2977 = vector.broadcast %mul3A_2976 : f32 to vector<16xf32>
      %mul3A_2978 = arith.mulf %mul3A_2977, %mul3A_2975 : vector<16xf32>
      %add3A_2979 = arith.addf %mul3A_2973, %mul3A_2978 : vector<16xf32>
      %sub3A_2980 = arith.constant 1.000000e+00 : f32
      %sub3A_2981 = vector.broadcast %sub3A_2980 : f32 to vector<16xf32>
      %sub3A_2982 = arith.subf %sub3A_2981, %select_n3A_2971 : vector<16xf32>
      %mul3A_2983 = arith.mulf %sub3A_2982, %sub3A_2963 : vector<16xf32>
      %mul3A_2984 = arith.mulf %mul3A_2983, %get3A_2942 : vector<16xf32>
      %mul3A_2985 = arith.constant 5.000000e-01 : f32
      %mul3A_2986 = vector.broadcast %mul3A_2985 : f32 to vector<16xf32>
      %mul3A_2987 = arith.mulf %mul3A_2986, %mul3A_2984 : vector<16xf32>
      %add3A_2988 = arith.addf %add3A_2979, %mul3A_2987 : vector<16xf32>
      %eq3A_2989 = arith.constant 0 : i32
      %eq3A_2990 = vector.broadcast %eq3A_2989 : i32 to vector<16xi32>
      %eq3A_2991 = arith.cmpi eq, %get3A_2947, %eq3A_2990 : vector<16xi32>
      %select_n3A_2992 = arith.select %eq3A_2991, %mul3A_2974, %broadcast_in_dim3A_68 : vector<16xi1>, vector<16xf32>
      %add3A_2993 = arith.addf %add3A_2803, %select_n3A_2992 : vector<16xf32>
      %select_n3A_2994 = arith.select %eq3A_2991, %add3A_2988, %broadcast_in_dim3A_68 : vector<16xi1>, vector<16xf32>
      %add3A_2995 = arith.addf %add3A_2805, %select_n3A_2994 : vector<16xf32>
      %eq3A_2996 = arith.constant 1 : i32
      %eq3A_2997 = vector.broadcast %eq3A_2996 : i32 to vector<16xi32>
      %eq3A_2998 = arith.cmpi eq, %get3A_2947, %eq3A_2997 : vector<16xi32>
      %select_n3A_2999 = arith.select %eq3A_2998, %mul3A_2974, %broadcast_in_dim3A_68 : vector<16xi1>, vector<16xf32>
      %add3A_3000 = arith.addf %add3A_2810, %select_n3A_2999 : vector<16xf32>
      %select_n3A_3001 = arith.select %eq3A_2998, %add3A_2988, %broadcast_in_dim3A_68 : vector<16xi1>, vector<16xf32>
      %add3A_3002 = arith.addf %add3A_2812, %select_n3A_3001 : vector<16xf32>
      %eq3A_3003 = arith.constant 2 : i32
      %eq3A_3004 = vector.broadcast %eq3A_3003 : i32 to vector<16xi32>
      %eq3A_3005 = arith.cmpi eq, %get3A_2947, %eq3A_3004 : vector<16xi32>
      %select_n3A_3006 = arith.select %eq3A_3005, %mul3A_2974, %broadcast_in_dim3A_68 : vector<16xi1>, vector<16xf32>
      %add3A_3007 = arith.addf %add3A_2817, %select_n3A_3006 : vector<16xf32>
      %select_n3A_3008 = arith.select %eq3A_3005, %add3A_2988, %broadcast_in_dim3A_68 : vector<16xi1>, vector<16xf32>
      %add3A_3009 = arith.addf %add3A_2819, %select_n3A_3008 : vector<16xf32>
      %eq3A_3010 = arith.constant 3 : i32
      %eq3A_3011 = vector.broadcast %eq3A_3010 : i32 to vector<16xi32>
      %eq3A_3012 = arith.cmpi eq, %get3A_2947, %eq3A_3011 : vector<16xi32>
      %select_n3A_3013 = arith.select %eq3A_3012, %mul3A_2974, %broadcast_in_dim3A_68 : vector<16xi1>, vector<16xf32>
      %add3A_3014 = arith.addf %add3A_2824, %select_n3A_3013 : vector<16xf32>
      %select_n3A_3015 = arith.select %eq3A_3012, %add3A_2988, %broadcast_in_dim3A_68 : vector<16xi1>, vector<16xf32>
      %add3A_3016 = arith.addf %add3A_2826, %select_n3A_3015 : vector<16xf32>
      %eq3A_3017 = arith.constant 4 : i32
      %eq3A_3018 = vector.broadcast %eq3A_3017 : i32 to vector<16xi32>
      %eq3A_3019 = arith.cmpi eq, %get3A_2947, %eq3A_3018 : vector<16xi32>
      %select_n3A_3020 = arith.select %eq3A_3019, %mul3A_2974, %broadcast_in_dim3A_68 : vector<16xi1>, vector<16xf32>
      %add3A_3021 = arith.addf %add3A_2831, %select_n3A_3020 : vector<16xf32>
      %select_n3A_3022 = arith.select %eq3A_3019, %add3A_2988, %broadcast_in_dim3A_68 : vector<16xi1>, vector<16xf32>
      %add3A_3023 = arith.addf %add3A_2833, %select_n3A_3022 : vector<16xf32>
      %eq3A_3024 = arith.constant 5 : i32
      %eq3A_3025 = vector.broadcast %eq3A_3024 : i32 to vector<16xi32>
      %eq3A_3026 = arith.cmpi eq, %get3A_2947, %eq3A_3025 : vector<16xi32>
      %select_n3A_3027 = arith.select %eq3A_3026, %mul3A_2974, %broadcast_in_dim3A_68 : vector<16xi1>, vector<16xf32>
      %add3A_3028 = arith.addf %add3A_2838, %select_n3A_3027 : vector<16xf32>
      %select_n3A_3029 = arith.select %eq3A_3026, %add3A_2988, %broadcast_in_dim3A_68 : vector<16xi1>, vector<16xf32>
      %add3A_3030 = arith.addf %add3A_2840, %select_n3A_3029 : vector<16xf32>
      %eq3A_3031 = arith.constant 6 : i32
      %eq3A_3032 = vector.broadcast %eq3A_3031 : i32 to vector<16xi32>
      %eq3A_3033 = arith.cmpi eq, %get3A_2947, %eq3A_3032 : vector<16xi32>
      %select_n3A_3034 = arith.select %eq3A_3033, %mul3A_2974, %broadcast_in_dim3A_68 : vector<16xi1>, vector<16xf32>
      %add3A_3035 = arith.addf %add3A_2845, %select_n3A_3034 : vector<16xf32>
      %select_n3A_3036 = arith.select %eq3A_3033, %add3A_2988, %broadcast_in_dim3A_68 : vector<16xi1>, vector<16xf32>
      %add3A_3037 = arith.addf %add3A_2847, %select_n3A_3036 : vector<16xf32>
      %eq3A_3038 = arith.constant 7 : i32
      %eq3A_3039 = vector.broadcast %eq3A_3038 : i32 to vector<16xi32>
      %eq3A_3040 = arith.cmpi eq, %get3A_2947, %eq3A_3039 : vector<16xi32>
      %select_n3A_3041 = arith.select %eq3A_3040, %mul3A_2974, %broadcast_in_dim3A_68 : vector<16xi1>, vector<16xf32>
      %add3A_3042 = arith.addf %add3A_2852, %select_n3A_3041 : vector<16xf32>
      %select_n3A_3043 = arith.select %eq3A_3040, %add3A_2988, %broadcast_in_dim3A_68 : vector<16xi1>, vector<16xf32>
      %add3A_3044 = arith.addf %add3A_2854, %select_n3A_3043 : vector<16xf32>
      %eq3A_3045 = arith.constant 8 : i32
      %eq3A_3046 = vector.broadcast %eq3A_3045 : i32 to vector<16xi32>
      %eq3A_3047 = arith.cmpi eq, %get3A_2947, %eq3A_3046 : vector<16xi32>
      %select_n3A_3048 = arith.select %eq3A_3047, %mul3A_2974, %broadcast_in_dim3A_68 : vector<16xi1>, vector<16xf32>
      %add3A_3049 = arith.addf %add3A_2859, %select_n3A_3048 : vector<16xf32>
      %select_n3A_3050 = arith.select %eq3A_3047, %add3A_2988, %broadcast_in_dim3A_68 : vector<16xi1>, vector<16xf32>
      %add3A_3051 = arith.addf %add3A_2861, %select_n3A_3050 : vector<16xf32>
      %eq3A_3052 = arith.constant 9 : i32
      %eq3A_3053 = vector.broadcast %eq3A_3052 : i32 to vector<16xi32>
      %eq3A_3054 = arith.cmpi eq, %get3A_2947, %eq3A_3053 : vector<16xi32>
      %select_n3A_3055 = arith.select %eq3A_3054, %mul3A_2974, %broadcast_in_dim3A_68 : vector<16xi1>, vector<16xf32>
      %add3A_3056 = arith.addf %add3A_2866, %select_n3A_3055 : vector<16xf32>
      %select_n3A_3057 = arith.select %eq3A_3054, %add3A_2988, %broadcast_in_dim3A_68 : vector<16xi1>, vector<16xf32>
      %add3A_3058 = arith.addf %add3A_2868, %select_n3A_3057 : vector<16xf32>
      %eq3A_3059 = arith.constant 10 : i32
      %eq3A_3060 = vector.broadcast %eq3A_3059 : i32 to vector<16xi32>
      %eq3A_3061 = arith.cmpi eq, %get3A_2947, %eq3A_3060 : vector<16xi32>
      %select_n3A_3062 = arith.select %eq3A_3061, %mul3A_2974, %broadcast_in_dim3A_68 : vector<16xi1>, vector<16xf32>
      %add3A_3063 = arith.addf %add3A_2873, %select_n3A_3062 : vector<16xf32>
      %select_n3A_3064 = arith.select %eq3A_3061, %add3A_2988, %broadcast_in_dim3A_68 : vector<16xi1>, vector<16xf32>
      %add3A_3065 = arith.addf %add3A_2875, %select_n3A_3064 : vector<16xf32>
      %eq3A_3066 = arith.constant 11 : i32
      %eq3A_3067 = vector.broadcast %eq3A_3066 : i32 to vector<16xi32>
      %eq3A_3068 = arith.cmpi eq, %get3A_2947, %eq3A_3067 : vector<16xi32>
      %select_n3A_3069 = arith.select %eq3A_3068, %mul3A_2974, %broadcast_in_dim3A_68 : vector<16xi1>, vector<16xf32>
      %add3A_3070 = arith.addf %add3A_2880, %select_n3A_3069 : vector<16xf32>
      %select_n3A_3071 = arith.select %eq3A_3068, %add3A_2988, %broadcast_in_dim3A_68 : vector<16xi1>, vector<16xf32>
      %add3A_3072 = arith.addf %add3A_2882, %select_n3A_3071 : vector<16xf32>
      %eq3A_3073 = arith.constant 12 : i32
      %eq3A_3074 = vector.broadcast %eq3A_3073 : i32 to vector<16xi32>
      %eq3A_3075 = arith.cmpi eq, %get3A_2947, %eq3A_3074 : vector<16xi32>
      %select_n3A_3076 = arith.select %eq3A_3075, %mul3A_2974, %broadcast_in_dim3A_68 : vector<16xi1>, vector<16xf32>
      %add3A_3077 = arith.addf %add3A_2887, %select_n3A_3076 : vector<16xf32>
      %select_n3A_3078 = arith.select %eq3A_3075, %add3A_2988, %broadcast_in_dim3A_68 : vector<16xi1>, vector<16xf32>
      %add3A_3079 = arith.addf %add3A_2889, %select_n3A_3078 : vector<16xf32>
      %eq3A_3080 = arith.constant 13 : i32
      %eq3A_3081 = vector.broadcast %eq3A_3080 : i32 to vector<16xi32>
      %eq3A_3082 = arith.cmpi eq, %get3A_2947, %eq3A_3081 : vector<16xi32>
      %select_n3A_3083 = arith.select %eq3A_3082, %mul3A_2974, %broadcast_in_dim3A_68 : vector<16xi1>, vector<16xf32>
      %add3A_3084 = arith.addf %add3A_2894, %select_n3A_3083 : vector<16xf32>
      %select_n3A_3085 = arith.select %eq3A_3082, %add3A_2988, %broadcast_in_dim3A_68 : vector<16xi1>, vector<16xf32>
      %add3A_3086 = arith.addf %add3A_2896, %select_n3A_3085 : vector<16xf32>
      %eq3A_3087 = arith.constant 14 : i32
      %eq3A_3088 = vector.broadcast %eq3A_3087 : i32 to vector<16xi32>
      %eq3A_3089 = arith.cmpi eq, %get3A_2947, %eq3A_3088 : vector<16xi32>
      %select_n3A_3090 = arith.select %eq3A_3089, %mul3A_2974, %broadcast_in_dim3A_68 : vector<16xi1>, vector<16xf32>
      %add3A_3091 = arith.addf %add3A_2901, %select_n3A_3090 : vector<16xf32>
      %select_n3A_3092 = arith.select %eq3A_3089, %add3A_2988, %broadcast_in_dim3A_68 : vector<16xi1>, vector<16xf32>
      %add3A_3093 = arith.addf %add3A_2903, %select_n3A_3092 : vector<16xf32>
      %eq3A_3094 = arith.constant 15 : i32
      %eq3A_3095 = vector.broadcast %eq3A_3094 : i32 to vector<16xi32>
      %eq3A_3096 = arith.cmpi eq, %get3A_2947, %eq3A_3095 : vector<16xi32>
      %select_n3A_3097 = arith.select %eq3A_3096, %mul3A_2974, %broadcast_in_dim3A_68 : vector<16xi1>, vector<16xf32>
      %add3A_3098 = arith.addf %add3A_2908, %select_n3A_3097 : vector<16xf32>
      %select_n3A_3099 = arith.select %eq3A_3096, %add3A_2988, %broadcast_in_dim3A_68 : vector<16xi1>, vector<16xf32>
      %add3A_3100 = arith.addf %add3A_2910, %select_n3A_3099 : vector<16xf32>
      %iota3A = tpu.iota {dimensions = array<i32: 0>} : vector<16xi32>
      %broadcast_in_dim3A_3101 = arith.constant 0.000000e+00 : f32
      %broadcast_in_dim3A_3102 = vector.broadcast %broadcast_in_dim3A_3101 : f32 to vector<16xf32>
      %broadcast_in_dim3A_3103 = arith.constant 0.000000e+00 : f32
      %broadcast_in_dim3A_3104 = vector.broadcast %broadcast_in_dim3A_3103 : f32 to vector<16xf32>
      %eq3A_3105 = arith.constant 0 : i32
      %eq3A_3106 = vector.broadcast %eq3A_3105 : i32 to vector<16xi32>
      %eq3A_3107 = arith.cmpi eq, %iota3A, %eq3A_3106 : vector<16xi32>
      %add3A_3108 = arith.constant 8 : i32
      %add3A_3109 = vector.broadcast %add3A_3108 : i32 to vector<16xi32>
      %add3A_3110 = arith.addi %iota3A, %add3A_3109 : vector<16xi32>
      %and3A_3111 = arith.constant 15 : i32
      %and3A_3112 = vector.broadcast %and3A_3111 : i32 to vector<16xi32>
      %and3A_3113 = arith.andi %add3A_3110, %and3A_3112 : vector<16xi32>
      %broadcast_in_dim3A_3114 = vector.shape_cast %and3A_3113 : vector<16xi32> to vector<16x1xi32>
      %gather3A = vector.shape_cast %broadcast_in_dim3A_3114 : vector<16x1xi32> to vector<16xi32>
      %gather3A_3115 = tpu.dynamic_gather %add3A_2993[%gather3A] in [0] : vector<16xf32>, vector<16xi32> -> vector<16xf32>
      %add3A_3116 = arith.addf %add3A_2993, %gather3A_3115 : vector<16xf32>
      %add3A_3117 = arith.constant 4 : i32
      %add3A_3118 = vector.broadcast %add3A_3117 : i32 to vector<16xi32>
      %add3A_3119 = arith.addi %iota3A, %add3A_3118 : vector<16xi32>
      %and3A_3120 = arith.constant 15 : i32
      %and3A_3121 = vector.broadcast %and3A_3120 : i32 to vector<16xi32>
      %and3A_3122 = arith.andi %add3A_3119, %and3A_3121 : vector<16xi32>
      %broadcast_in_dim3A_3123 = vector.shape_cast %and3A_3122 : vector<16xi32> to vector<16x1xi32>
      %gather3A_3124 = vector.shape_cast %broadcast_in_dim3A_3123 : vector<16x1xi32> to vector<16xi32>
      %gather3A_3125 = tpu.dynamic_gather %add3A_3116[%gather3A_3124] in [0] : vector<16xf32>, vector<16xi32> -> vector<16xf32>
      %add3A_3126 = arith.addf %add3A_3116, %gather3A_3125 : vector<16xf32>
      %add3A_3127 = arith.constant 2 : i32
      %add3A_3128 = vector.broadcast %add3A_3127 : i32 to vector<16xi32>
      %add3A_3129 = arith.addi %iota3A, %add3A_3128 : vector<16xi32>
      %and3A_3130 = arith.constant 15 : i32
      %and3A_3131 = vector.broadcast %and3A_3130 : i32 to vector<16xi32>
      %and3A_3132 = arith.andi %add3A_3129, %and3A_3131 : vector<16xi32>
      %broadcast_in_dim3A_3133 = vector.shape_cast %and3A_3132 : vector<16xi32> to vector<16x1xi32>
      %gather3A_3134 = vector.shape_cast %broadcast_in_dim3A_3133 : vector<16x1xi32> to vector<16xi32>
      %gather3A_3135 = tpu.dynamic_gather %add3A_3126[%gather3A_3134] in [0] : vector<16xf32>, vector<16xi32> -> vector<16xf32>
      %add3A_3136 = arith.addf %add3A_3126, %gather3A_3135 : vector<16xf32>
      %add3A_3137 = arith.constant 1 : i32
      %add3A_3138 = vector.broadcast %add3A_3137 : i32 to vector<16xi32>
      %add3A_3139 = arith.addi %iota3A, %add3A_3138 : vector<16xi32>
      %and3A_3140 = arith.constant 15 : i32
      %and3A_3141 = vector.broadcast %and3A_3140 : i32 to vector<16xi32>
      %and3A_3142 = arith.andi %add3A_3139, %and3A_3141 : vector<16xi32>
      %broadcast_in_dim3A_3143 = vector.shape_cast %and3A_3142 : vector<16xi32> to vector<16x1xi32>
      %gather3A_3144 = vector.shape_cast %broadcast_in_dim3A_3143 : vector<16x1xi32> to vector<16xi32>
      %gather3A_3145 = tpu.dynamic_gather %add3A_3136[%gather3A_3144] in [0] : vector<16xf32>, vector<16xi32> -> vector<16xf32>
      %add3A_3146 = arith.addf %add3A_3136, %gather3A_3145 : vector<16xf32>
      %select_n3A_3147 = arith.select %eq3A_3107, %add3A_3146, %broadcast_in_dim3A_68 : vector<16xi1>, vector<16xf32>
      %add3A_3148 = arith.addf %broadcast_in_dim3A_3102, %select_n3A_3147 : vector<16xf32>
      %eq3A_3149 = arith.constant 0 : i32
      %eq3A_3150 = vector.broadcast %eq3A_3149 : i32 to vector<16xi32>
      %eq3A_3151 = arith.cmpi eq, %iota3A, %eq3A_3150 : vector<16xi32>
      %add3A_3152 = arith.constant 8 : i32
      %add3A_3153 = vector.broadcast %add3A_3152 : i32 to vector<16xi32>
      %add3A_3154 = arith.addi %iota3A, %add3A_3153 : vector<16xi32>
      %and3A_3155 = arith.constant 15 : i32
      %and3A_3156 = vector.broadcast %and3A_3155 : i32 to vector<16xi32>
      %and3A_3157 = arith.andi %add3A_3154, %and3A_3156 : vector<16xi32>
      %broadcast_in_dim3A_3158 = vector.shape_cast %and3A_3157 : vector<16xi32> to vector<16x1xi32>
      %gather3A_3159 = vector.shape_cast %broadcast_in_dim3A_3158 : vector<16x1xi32> to vector<16xi32>
      %gather3A_3160 = tpu.dynamic_gather %add3A_2995[%gather3A_3159] in [0] : vector<16xf32>, vector<16xi32> -> vector<16xf32>
      %add3A_3161 = arith.addf %add3A_2995, %gather3A_3160 : vector<16xf32>
      %add3A_3162 = arith.constant 4 : i32
      %add3A_3163 = vector.broadcast %add3A_3162 : i32 to vector<16xi32>
      %add3A_3164 = arith.addi %iota3A, %add3A_3163 : vector<16xi32>
      %and3A_3165 = arith.constant 15 : i32
      %and3A_3166 = vector.broadcast %and3A_3165 : i32 to vector<16xi32>
      %and3A_3167 = arith.andi %add3A_3164, %and3A_3166 : vector<16xi32>
      %broadcast_in_dim3A_3168 = vector.shape_cast %and3A_3167 : vector<16xi32> to vector<16x1xi32>
      %gather3A_3169 = vector.shape_cast %broadcast_in_dim3A_3168 : vector<16x1xi32> to vector<16xi32>
      %gather3A_3170 = tpu.dynamic_gather %add3A_3161[%gather3A_3169] in [0] : vector<16xf32>, vector<16xi32> -> vector<16xf32>
      %add3A_3171 = arith.addf %add3A_3161, %gather3A_3170 : vector<16xf32>
      %add3A_3172 = arith.constant 2 : i32
      %add3A_3173 = vector.broadcast %add3A_3172 : i32 to vector<16xi32>
      %add3A_3174 = arith.addi %iota3A, %add3A_3173 : vector<16xi32>
      %and3A_3175 = arith.constant 15 : i32
      %and3A_3176 = vector.broadcast %and3A_3175 : i32 to vector<16xi32>
      %and3A_3177 = arith.andi %add3A_3174, %and3A_3176 : vector<16xi32>
      %broadcast_in_dim3A_3178 = vector.shape_cast %and3A_3177 : vector<16xi32> to vector<16x1xi32>
      %gather3A_3179 = vector.shape_cast %broadcast_in_dim3A_3178 : vector<16x1xi32> to vector<16xi32>
      %gather3A_3180 = tpu.dynamic_gather %add3A_3171[%gather3A_3179] in [0] : vector<16xf32>, vector<16xi32> -> vector<16xf32>
      %add3A_3181 = arith.addf %add3A_3171, %gather3A_3180 : vector<16xf32>
      %add3A_3182 = arith.constant 1 : i32
      %add3A_3183 = vector.broadcast %add3A_3182 : i32 to vector<16xi32>
      %add3A_3184 = arith.addi %iota3A, %add3A_3183 : vector<16xi32>
      %and3A_3185 = arith.constant 15 : i32
      %and3A_3186 = vector.broadcast %and3A_3185 : i32 to vector<16xi32>
      %and3A_3187 = arith.andi %add3A_3184, %and3A_3186 : vector<16xi32>
      %broadcast_in_dim3A_3188 = vector.shape_cast %and3A_3187 : vector<16xi32> to vector<16x1xi32>
      %gather3A_3189 = vector.shape_cast %broadcast_in_dim3A_3188 : vector<16x1xi32> to vector<16xi32>
      %gather3A_3190 = tpu.dynamic_gather %add3A_3181[%gather3A_3189] in [0] : vector<16xf32>, vector<16xi32> -> vector<16xf32>
      %add3A_3191 = arith.addf %add3A_3181, %gather3A_3190 : vector<16xf32>
      %select_n3A_3192 = arith.select %eq3A_3151, %add3A_3191, %broadcast_in_dim3A_68 : vector<16xi1>, vector<16xf32>
      %add3A_3193 = arith.addf %broadcast_in_dim3A_3104, %select_n3A_3192 : vector<16xf32>
      %eq3A_3194 = arith.constant 1 : i32
      %eq3A_3195 = vector.broadcast %eq3A_3194 : i32 to vector<16xi32>
      %eq3A_3196 = arith.cmpi eq, %iota3A, %eq3A_3195 : vector<16xi32>
      %add3A_3197 = arith.constant 8 : i32
      %add3A_3198 = vector.broadcast %add3A_3197 : i32 to vector<16xi32>
      %add3A_3199 = arith.addi %iota3A, %add3A_3198 : vector<16xi32>
      %and3A_3200 = arith.constant 15 : i32
      %and3A_3201 = vector.broadcast %and3A_3200 : i32 to vector<16xi32>
      %and3A_3202 = arith.andi %add3A_3199, %and3A_3201 : vector<16xi32>
      %broadcast_in_dim3A_3203 = vector.shape_cast %and3A_3202 : vector<16xi32> to vector<16x1xi32>
      %gather3A_3204 = vector.shape_cast %broadcast_in_dim3A_3203 : vector<16x1xi32> to vector<16xi32>
      %gather3A_3205 = tpu.dynamic_gather %add3A_3000[%gather3A_3204] in [0] : vector<16xf32>, vector<16xi32> -> vector<16xf32>
      %add3A_3206 = arith.addf %add3A_3000, %gather3A_3205 : vector<16xf32>
      %add3A_3207 = arith.constant 4 : i32
      %add3A_3208 = vector.broadcast %add3A_3207 : i32 to vector<16xi32>
      %add3A_3209 = arith.addi %iota3A, %add3A_3208 : vector<16xi32>
      %and3A_3210 = arith.constant 15 : i32
      %and3A_3211 = vector.broadcast %and3A_3210 : i32 to vector<16xi32>
      %and3A_3212 = arith.andi %add3A_3209, %and3A_3211 : vector<16xi32>
      %broadcast_in_dim3A_3213 = vector.shape_cast %and3A_3212 : vector<16xi32> to vector<16x1xi32>
      %gather3A_3214 = vector.shape_cast %broadcast_in_dim3A_3213 : vector<16x1xi32> to vector<16xi32>
      %gather3A_3215 = tpu.dynamic_gather %add3A_3206[%gather3A_3214] in [0] : vector<16xf32>, vector<16xi32> -> vector<16xf32>
      %add3A_3216 = arith.addf %add3A_3206, %gather3A_3215 : vector<16xf32>
      %add3A_3217 = arith.constant 2 : i32
      %add3A_3218 = vector.broadcast %add3A_3217 : i32 to vector<16xi32>
      %add3A_3219 = arith.addi %iota3A, %add3A_3218 : vector<16xi32>
      %and3A_3220 = arith.constant 15 : i32
      %and3A_3221 = vector.broadcast %and3A_3220 : i32 to vector<16xi32>
      %and3A_3222 = arith.andi %add3A_3219, %and3A_3221 : vector<16xi32>
      %broadcast_in_dim3A_3223 = vector.shape_cast %and3A_3222 : vector<16xi32> to vector<16x1xi32>
      %gather3A_3224 = vector.shape_cast %broadcast_in_dim3A_3223 : vector<16x1xi32> to vector<16xi32>
      %gather3A_3225 = tpu.dynamic_gather %add3A_3216[%gather3A_3224] in [0] : vector<16xf32>, vector<16xi32> -> vector<16xf32>
      %add3A_3226 = arith.addf %add3A_3216, %gather3A_3225 : vector<16xf32>
      %add3A_3227 = arith.constant 1 : i32
      %add3A_3228 = vector.broadcast %add3A_3227 : i32 to vector<16xi32>
      %add3A_3229 = arith.addi %iota3A, %add3A_3228 : vector<16xi32>
      %and3A_3230 = arith.constant 15 : i32
      %and3A_3231 = vector.broadcast %and3A_3230 : i32 to vector<16xi32>
      %and3A_3232 = arith.andi %add3A_3229, %and3A_3231 : vector<16xi32>
      %broadcast_in_dim3A_3233 = vector.shape_cast %and3A_3232 : vector<16xi32> to vector<16x1xi32>
      %gather3A_3234 = vector.shape_cast %broadcast_in_dim3A_3233 : vector<16x1xi32> to vector<16xi32>
      %gather3A_3235 = tpu.dynamic_gather %add3A_3226[%gather3A_3234] in [0] : vector<16xf32>, vector<16xi32> -> vector<16xf32>
      %add3A_3236 = arith.addf %add3A_3226, %gather3A_3235 : vector<16xf32>
      %select_n3A_3237 = arith.select %eq3A_3196, %add3A_3236, %broadcast_in_dim3A_68 : vector<16xi1>, vector<16xf32>
      %add3A_3238 = arith.addf %add3A_3148, %select_n3A_3237 : vector<16xf32>
      %eq3A_3239 = arith.constant 1 : i32
      %eq3A_3240 = vector.broadcast %eq3A_3239 : i32 to vector<16xi32>
      %eq3A_3241 = arith.cmpi eq, %iota3A, %eq3A_3240 : vector<16xi32>
      %add3A_3242 = arith.constant 8 : i32
      %add3A_3243 = vector.broadcast %add3A_3242 : i32 to vector<16xi32>
      %add3A_3244 = arith.addi %iota3A, %add3A_3243 : vector<16xi32>
      %and3A_3245 = arith.constant 15 : i32
      %and3A_3246 = vector.broadcast %and3A_3245 : i32 to vector<16xi32>
      %and3A_3247 = arith.andi %add3A_3244, %and3A_3246 : vector<16xi32>
      %broadcast_in_dim3A_3248 = vector.shape_cast %and3A_3247 : vector<16xi32> to vector<16x1xi32>
      %gather3A_3249 = vector.shape_cast %broadcast_in_dim3A_3248 : vector<16x1xi32> to vector<16xi32>
      %gather3A_3250 = tpu.dynamic_gather %add3A_3002[%gather3A_3249] in [0] : vector<16xf32>, vector<16xi32> -> vector<16xf32>
      %add3A_3251 = arith.addf %add3A_3002, %gather3A_3250 : vector<16xf32>
      %add3A_3252 = arith.constant 4 : i32
      %add3A_3253 = vector.broadcast %add3A_3252 : i32 to vector<16xi32>
      %add3A_3254 = arith.addi %iota3A, %add3A_3253 : vector<16xi32>
      %and3A_3255 = arith.constant 15 : i32
      %and3A_3256 = vector.broadcast %and3A_3255 : i32 to vector<16xi32>
      %and3A_3257 = arith.andi %add3A_3254, %and3A_3256 : vector<16xi32>
      %broadcast_in_dim3A_3258 = vector.shape_cast %and3A_3257 : vector<16xi32> to vector<16x1xi32>
      %gather3A_3259 = vector.shape_cast %broadcast_in_dim3A_3258 : vector<16x1xi32> to vector<16xi32>
      %gather3A_3260 = tpu.dynamic_gather %add3A_3251[%gather3A_3259] in [0] : vector<16xf32>, vector<16xi32> -> vector<16xf32>
      %add3A_3261 = arith.addf %add3A_3251, %gather3A_3260 : vector<16xf32>
      %add3A_3262 = arith.constant 2 : i32
      %add3A_3263 = vector.broadcast %add3A_3262 : i32 to vector<16xi32>
      %add3A_3264 = arith.addi %iota3A, %add3A_3263 : vector<16xi32>
      %and3A_3265 = arith.constant 15 : i32
      %and3A_3266 = vector.broadcast %and3A_3265 : i32 to vector<16xi32>
      %and3A_3267 = arith.andi %add3A_3264, %and3A_3266 : vector<16xi32>
      %broadcast_in_dim3A_3268 = vector.shape_cast %and3A_3267 : vector<16xi32> to vector<16x1xi32>
      %gather3A_3269 = vector.shape_cast %broadcast_in_dim3A_3268 : vector<16x1xi32> to vector<16xi32>
      %gather3A_3270 = tpu.dynamic_gather %add3A_3261[%gather3A_3269] in [0] : vector<16xf32>, vector<16xi32> -> vector<16xf32>
      %add3A_3271 = arith.addf %add3A_3261, %gather3A_3270 : vector<16xf32>
      %add3A_3272 = arith.constant 1 : i32
      %add3A_3273 = vector.broadcast %add3A_3272 : i32 to vector<16xi32>
      %add3A_3274 = arith.addi %iota3A, %add3A_3273 : vector<16xi32>
      %and3A_3275 = arith.constant 15 : i32
      %and3A_3276 = vector.broadcast %and3A_3275 : i32 to vector<16xi32>
      %and3A_3277 = arith.andi %add3A_3274, %and3A_3276 : vector<16xi32>
      %broadcast_in_dim3A_3278 = vector.shape_cast %and3A_3277 : vector<16xi32> to vector<16x1xi32>
      %gather3A_3279 = vector.shape_cast %broadcast_in_dim3A_3278 : vector<16x1xi32> to vector<16xi32>
      %gather3A_3280 = tpu.dynamic_gather %add3A_3271[%gather3A_3279] in [0] : vector<16xf32>, vector<16xi32> -> vector<16xf32>
      %add3A_3281 = arith.addf %add3A_3271, %gather3A_3280 : vector<16xf32>
      %select_n3A_3282 = arith.select %eq3A_3241, %add3A_3281, %broadcast_in_dim3A_68 : vector<16xi1>, vector<16xf32>
      %add3A_3283 = arith.addf %add3A_3193, %select_n3A_3282 : vector<16xf32>
      %eq3A_3284 = arith.constant 2 : i32
      %eq3A_3285 = vector.broadcast %eq3A_3284 : i32 to vector<16xi32>
      %eq3A_3286 = arith.cmpi eq, %iota3A, %eq3A_3285 : vector<16xi32>
      %add3A_3287 = arith.constant 8 : i32
      %add3A_3288 = vector.broadcast %add3A_3287 : i32 to vector<16xi32>
      %add3A_3289 = arith.addi %iota3A, %add3A_3288 : vector<16xi32>
      %and3A_3290 = arith.constant 15 : i32
      %and3A_3291 = vector.broadcast %and3A_3290 : i32 to vector<16xi32>
      %and3A_3292 = arith.andi %add3A_3289, %and3A_3291 : vector<16xi32>
      %broadcast_in_dim3A_3293 = vector.shape_cast %and3A_3292 : vector<16xi32> to vector<16x1xi32>
      %gather3A_3294 = vector.shape_cast %broadcast_in_dim3A_3293 : vector<16x1xi32> to vector<16xi32>
      %gather3A_3295 = tpu.dynamic_gather %add3A_3007[%gather3A_3294] in [0] : vector<16xf32>, vector<16xi32> -> vector<16xf32>
      %add3A_3296 = arith.addf %add3A_3007, %gather3A_3295 : vector<16xf32>
      %add3A_3297 = arith.constant 4 : i32
      %add3A_3298 = vector.broadcast %add3A_3297 : i32 to vector<16xi32>
      %add3A_3299 = arith.addi %iota3A, %add3A_3298 : vector<16xi32>
      %and3A_3300 = arith.constant 15 : i32
      %and3A_3301 = vector.broadcast %and3A_3300 : i32 to vector<16xi32>
      %and3A_3302 = arith.andi %add3A_3299, %and3A_3301 : vector<16xi32>
      %broadcast_in_dim3A_3303 = vector.shape_cast %and3A_3302 : vector<16xi32> to vector<16x1xi32>
      %gather3A_3304 = vector.shape_cast %broadcast_in_dim3A_3303 : vector<16x1xi32> to vector<16xi32>
      %gather3A_3305 = tpu.dynamic_gather %add3A_3296[%gather3A_3304] in [0] : vector<16xf32>, vector<16xi32> -> vector<16xf32>
      %add3A_3306 = arith.addf %add3A_3296, %gather3A_3305 : vector<16xf32>
      %add3A_3307 = arith.constant 2 : i32
      %add3A_3308 = vector.broadcast %add3A_3307 : i32 to vector<16xi32>
      %add3A_3309 = arith.addi %iota3A, %add3A_3308 : vector<16xi32>
      %and3A_3310 = arith.constant 15 : i32
      %and3A_3311 = vector.broadcast %and3A_3310 : i32 to vector<16xi32>
      %and3A_3312 = arith.andi %add3A_3309, %and3A_3311 : vector<16xi32>
      %broadcast_in_dim3A_3313 = vector.shape_cast %and3A_3312 : vector<16xi32> to vector<16x1xi32>
      %gather3A_3314 = vector.shape_cast %broadcast_in_dim3A_3313 : vector<16x1xi32> to vector<16xi32>
      %gather3A_3315 = tpu.dynamic_gather %add3A_3306[%gather3A_3314] in [0] : vector<16xf32>, vector<16xi32> -> vector<16xf32>
      %add3A_3316 = arith.addf %add3A_3306, %gather3A_3315 : vector<16xf32>
      %add3A_3317 = arith.constant 1 : i32
      %add3A_3318 = vector.broadcast %add3A_3317 : i32 to vector<16xi32>
      %add3A_3319 = arith.addi %iota3A, %add3A_3318 : vector<16xi32>
      %and3A_3320 = arith.constant 15 : i32
      %and3A_3321 = vector.broadcast %and3A_3320 : i32 to vector<16xi32>
      %and3A_3322 = arith.andi %add3A_3319, %and3A_3321 : vector<16xi32>
      %broadcast_in_dim3A_3323 = vector.shape_cast %and3A_3322 : vector<16xi32> to vector<16x1xi32>
      %gather3A_3324 = vector.shape_cast %broadcast_in_dim3A_3323 : vector<16x1xi32> to vector<16xi32>
      %gather3A_3325 = tpu.dynamic_gather %add3A_3316[%gather3A_3324] in [0] : vector<16xf32>, vector<16xi32> -> vector<16xf32>
      %add3A_3326 = arith.addf %add3A_3316, %gather3A_3325 : vector<16xf32>
      %select_n3A_3327 = arith.select %eq3A_3286, %add3A_3326, %broadcast_in_dim3A_68 : vector<16xi1>, vector<16xf32>
      %add3A_3328 = arith.addf %add3A_3238, %select_n3A_3327 : vector<16xf32>
      %eq3A_3329 = arith.constant 2 : i32
      %eq3A_3330 = vector.broadcast %eq3A_3329 : i32 to vector<16xi32>
      %eq3A_3331 = arith.cmpi eq, %iota3A, %eq3A_3330 : vector<16xi32>
      %add3A_3332 = arith.constant 8 : i32
      %add3A_3333 = vector.broadcast %add3A_3332 : i32 to vector<16xi32>
      %add3A_3334 = arith.addi %iota3A, %add3A_3333 : vector<16xi32>
      %and3A_3335 = arith.constant 15 : i32
      %and3A_3336 = vector.broadcast %and3A_3335 : i32 to vector<16xi32>
      %and3A_3337 = arith.andi %add3A_3334, %and3A_3336 : vector<16xi32>
      %broadcast_in_dim3A_3338 = vector.shape_cast %and3A_3337 : vector<16xi32> to vector<16x1xi32>
      %gather3A_3339 = vector.shape_cast %broadcast_in_dim3A_3338 : vector<16x1xi32> to vector<16xi32>
      %gather3A_3340 = tpu.dynamic_gather %add3A_3009[%gather3A_3339] in [0] : vector<16xf32>, vector<16xi32> -> vector<16xf32>
      %add3A_3341 = arith.addf %add3A_3009, %gather3A_3340 : vector<16xf32>
      %add3A_3342 = arith.constant 4 : i32
      %add3A_3343 = vector.broadcast %add3A_3342 : i32 to vector<16xi32>
      %add3A_3344 = arith.addi %iota3A, %add3A_3343 : vector<16xi32>
      %and3A_3345 = arith.constant 15 : i32
      %and3A_3346 = vector.broadcast %and3A_3345 : i32 to vector<16xi32>
      %and3A_3347 = arith.andi %add3A_3344, %and3A_3346 : vector<16xi32>
      %broadcast_in_dim3A_3348 = vector.shape_cast %and3A_3347 : vector<16xi32> to vector<16x1xi32>
      %gather3A_3349 = vector.shape_cast %broadcast_in_dim3A_3348 : vector<16x1xi32> to vector<16xi32>
      %gather3A_3350 = tpu.dynamic_gather %add3A_3341[%gather3A_3349] in [0] : vector<16xf32>, vector<16xi32> -> vector<16xf32>
      %add3A_3351 = arith.addf %add3A_3341, %gather3A_3350 : vector<16xf32>
      %add3A_3352 = arith.constant 2 : i32
      %add3A_3353 = vector.broadcast %add3A_3352 : i32 to vector<16xi32>
      %add3A_3354 = arith.addi %iota3A, %add3A_3353 : vector<16xi32>
      %and3A_3355 = arith.constant 15 : i32
      %and3A_3356 = vector.broadcast %and3A_3355 : i32 to vector<16xi32>
      %and3A_3357 = arith.andi %add3A_3354, %and3A_3356 : vector<16xi32>
      %broadcast_in_dim3A_3358 = vector.shape_cast %and3A_3357 : vector<16xi32> to vector<16x1xi32>
      %gather3A_3359 = vector.shape_cast %broadcast_in_dim3A_3358 : vector<16x1xi32> to vector<16xi32>
      %gather3A_3360 = tpu.dynamic_gather %add3A_3351[%gather3A_3359] in [0] : vector<16xf32>, vector<16xi32> -> vector<16xf32>
      %add3A_3361 = arith.addf %add3A_3351, %gather3A_3360 : vector<16xf32>
      %add3A_3362 = arith.constant 1 : i32
      %add3A_3363 = vector.broadcast %add3A_3362 : i32 to vector<16xi32>
      %add3A_3364 = arith.addi %iota3A, %add3A_3363 : vector<16xi32>
      %and3A_3365 = arith.constant 15 : i32
      %and3A_3366 = vector.broadcast %and3A_3365 : i32 to vector<16xi32>
      %and3A_3367 = arith.andi %add3A_3364, %and3A_3366 : vector<16xi32>
      %broadcast_in_dim3A_3368 = vector.shape_cast %and3A_3367 : vector<16xi32> to vector<16x1xi32>
      %gather3A_3369 = vector.shape_cast %broadcast_in_dim3A_3368 : vector<16x1xi32> to vector<16xi32>
      %gather3A_3370 = tpu.dynamic_gather %add3A_3361[%gather3A_3369] in [0] : vector<16xf32>, vector<16xi32> -> vector<16xf32>
      %add3A_3371 = arith.addf %add3A_3361, %gather3A_3370 : vector<16xf32>
      %select_n3A_3372 = arith.select %eq3A_3331, %add3A_3371, %broadcast_in_dim3A_68 : vector<16xi1>, vector<16xf32>
      %add3A_3373 = arith.addf %add3A_3283, %select_n3A_3372 : vector<16xf32>
      %eq3A_3374 = arith.constant 3 : i32
      %eq3A_3375 = vector.broadcast %eq3A_3374 : i32 to vector<16xi32>
      %eq3A_3376 = arith.cmpi eq, %iota3A, %eq3A_3375 : vector<16xi32>
      %add3A_3377 = arith.constant 8 : i32
      %add3A_3378 = vector.broadcast %add3A_3377 : i32 to vector<16xi32>
      %add3A_3379 = arith.addi %iota3A, %add3A_3378 : vector<16xi32>
      %and3A_3380 = arith.constant 15 : i32
      %and3A_3381 = vector.broadcast %and3A_3380 : i32 to vector<16xi32>
      %and3A_3382 = arith.andi %add3A_3379, %and3A_3381 : vector<16xi32>
      %broadcast_in_dim3A_3383 = vector.shape_cast %and3A_3382 : vector<16xi32> to vector<16x1xi32>
      %gather3A_3384 = vector.shape_cast %broadcast_in_dim3A_3383 : vector<16x1xi32> to vector<16xi32>
      %gather3A_3385 = tpu.dynamic_gather %add3A_3014[%gather3A_3384] in [0] : vector<16xf32>, vector<16xi32> -> vector<16xf32>
      %add3A_3386 = arith.addf %add3A_3014, %gather3A_3385 : vector<16xf32>
      %add3A_3387 = arith.constant 4 : i32
      %add3A_3388 = vector.broadcast %add3A_3387 : i32 to vector<16xi32>
      %add3A_3389 = arith.addi %iota3A, %add3A_3388 : vector<16xi32>
      %and3A_3390 = arith.constant 15 : i32
      %and3A_3391 = vector.broadcast %and3A_3390 : i32 to vector<16xi32>
      %and3A_3392 = arith.andi %add3A_3389, %and3A_3391 : vector<16xi32>
      %broadcast_in_dim3A_3393 = vector.shape_cast %and3A_3392 : vector<16xi32> to vector<16x1xi32>
      %gather3A_3394 = vector.shape_cast %broadcast_in_dim3A_3393 : vector<16x1xi32> to vector<16xi32>
      %gather3A_3395 = tpu.dynamic_gather %add3A_3386[%gather3A_3394] in [0] : vector<16xf32>, vector<16xi32> -> vector<16xf32>
      %add3A_3396 = arith.addf %add3A_3386, %gather3A_3395 : vector<16xf32>
      %add3A_3397 = arith.constant 2 : i32
      %add3A_3398 = vector.broadcast %add3A_3397 : i32 to vector<16xi32>
      %add3A_3399 = arith.addi %iota3A, %add3A_3398 : vector<16xi32>
      %and3A_3400 = arith.constant 15 : i32
      %and3A_3401 = vector.broadcast %and3A_3400 : i32 to vector<16xi32>
      %and3A_3402 = arith.andi %add3A_3399, %and3A_3401 : vector<16xi32>
      %broadcast_in_dim3A_3403 = vector.shape_cast %and3A_3402 : vector<16xi32> to vector<16x1xi32>
      %gather3A_3404 = vector.shape_cast %broadcast_in_dim3A_3403 : vector<16x1xi32> to vector<16xi32>
      %gather3A_3405 = tpu.dynamic_gather %add3A_3396[%gather3A_3404] in [0] : vector<16xf32>, vector<16xi32> -> vector<16xf32>
      %add3A_3406 = arith.addf %add3A_3396, %gather3A_3405 : vector<16xf32>
      %add3A_3407 = arith.constant 1 : i32
      %add3A_3408 = vector.broadcast %add3A_3407 : i32 to vector<16xi32>
      %add3A_3409 = arith.addi %iota3A, %add3A_3408 : vector<16xi32>
      %and3A_3410 = arith.constant 15 : i32
      %and3A_3411 = vector.broadcast %and3A_3410 : i32 to vector<16xi32>
      %and3A_3412 = arith.andi %add3A_3409, %and3A_3411 : vector<16xi32>
      %broadcast_in_dim3A_3413 = vector.shape_cast %and3A_3412 : vector<16xi32> to vector<16x1xi32>
      %gather3A_3414 = vector.shape_cast %broadcast_in_dim3A_3413 : vector<16x1xi32> to vector<16xi32>
      %gather3A_3415 = tpu.dynamic_gather %add3A_3406[%gather3A_3414] in [0] : vector<16xf32>, vector<16xi32> -> vector<16xf32>
      %add3A_3416 = arith.addf %add3A_3406, %gather3A_3415 : vector<16xf32>
      %select_n3A_3417 = arith.select %eq3A_3376, %add3A_3416, %broadcast_in_dim3A_68 : vector<16xi1>, vector<16xf32>
      %add3A_3418 = arith.addf %add3A_3328, %select_n3A_3417 : vector<16xf32>
      %eq3A_3419 = arith.constant 3 : i32
      %eq3A_3420 = vector.broadcast %eq3A_3419 : i32 to vector<16xi32>
      %eq3A_3421 = arith.cmpi eq, %iota3A, %eq3A_3420 : vector<16xi32>
      %add3A_3422 = arith.constant 8 : i32
      %add3A_3423 = vector.broadcast %add3A_3422 : i32 to vector<16xi32>
      %add3A_3424 = arith.addi %iota3A, %add3A_3423 : vector<16xi32>
      %and3A_3425 = arith.constant 15 : i32
      %and3A_3426 = vector.broadcast %and3A_3425 : i32 to vector<16xi32>
      %and3A_3427 = arith.andi %add3A_3424, %and3A_3426 : vector<16xi32>
      %broadcast_in_dim3A_3428 = vector.shape_cast %and3A_3427 : vector<16xi32> to vector<16x1xi32>
      %gather3A_3429 = vector.shape_cast %broadcast_in_dim3A_3428 : vector<16x1xi32> to vector<16xi32>
      %gather3A_3430 = tpu.dynamic_gather %add3A_3016[%gather3A_3429] in [0] : vector<16xf32>, vector<16xi32> -> vector<16xf32>
      %add3A_3431 = arith.addf %add3A_3016, %gather3A_3430 : vector<16xf32>
      %add3A_3432 = arith.constant 4 : i32
      %add3A_3433 = vector.broadcast %add3A_3432 : i32 to vector<16xi32>
      %add3A_3434 = arith.addi %iota3A, %add3A_3433 : vector<16xi32>
      %and3A_3435 = arith.constant 15 : i32
      %and3A_3436 = vector.broadcast %and3A_3435 : i32 to vector<16xi32>
      %and3A_3437 = arith.andi %add3A_3434, %and3A_3436 : vector<16xi32>
      %broadcast_in_dim3A_3438 = vector.shape_cast %and3A_3437 : vector<16xi32> to vector<16x1xi32>
      %gather3A_3439 = vector.shape_cast %broadcast_in_dim3A_3438 : vector<16x1xi32> to vector<16xi32>
      %gather3A_3440 = tpu.dynamic_gather %add3A_3431[%gather3A_3439] in [0] : vector<16xf32>, vector<16xi32> -> vector<16xf32>
      %add3A_3441 = arith.addf %add3A_3431, %gather3A_3440 : vector<16xf32>
      %add3A_3442 = arith.constant 2 : i32
      %add3A_3443 = vector.broadcast %add3A_3442 : i32 to vector<16xi32>
      %add3A_3444 = arith.addi %iota3A, %add3A_3443 : vector<16xi32>
      %and3A_3445 = arith.constant 15 : i32
      %and3A_3446 = vector.broadcast %and3A_3445 : i32 to vector<16xi32>
      %and3A_3447 = arith.andi %add3A_3444, %and3A_3446 : vector<16xi32>
      %broadcast_in_dim3A_3448 = vector.shape_cast %and3A_3447 : vector<16xi32> to vector<16x1xi32>
      %gather3A_3449 = vector.shape_cast %broadcast_in_dim3A_3448 : vector<16x1xi32> to vector<16xi32>
      %gather3A_3450 = tpu.dynamic_gather %add3A_3441[%gather3A_3449] in [0] : vector<16xf32>, vector<16xi32> -> vector<16xf32>
      %add3A_3451 = arith.addf %add3A_3441, %gather3A_3450 : vector<16xf32>
      %add3A_3452 = arith.constant 1 : i32
      %add3A_3453 = vector.broadcast %add3A_3452 : i32 to vector<16xi32>
      %add3A_3454 = arith.addi %iota3A, %add3A_3453 : vector<16xi32>
      %and3A_3455 = arith.constant 15 : i32
      %and3A_3456 = vector.broadcast %and3A_3455 : i32 to vector<16xi32>
      %and3A_3457 = arith.andi %add3A_3454, %and3A_3456 : vector<16xi32>
      %broadcast_in_dim3A_3458 = vector.shape_cast %and3A_3457 : vector<16xi32> to vector<16x1xi32>
      %gather3A_3459 = vector.shape_cast %broadcast_in_dim3A_3458 : vector<16x1xi32> to vector<16xi32>
      %gather3A_3460 = tpu.dynamic_gather %add3A_3451[%gather3A_3459] in [0] : vector<16xf32>, vector<16xi32> -> vector<16xf32>
      %add3A_3461 = arith.addf %add3A_3451, %gather3A_3460 : vector<16xf32>
      %select_n3A_3462 = arith.select %eq3A_3421, %add3A_3461, %broadcast_in_dim3A_68 : vector<16xi1>, vector<16xf32>
      %add3A_3463 = arith.addf %add3A_3373, %select_n3A_3462 : vector<16xf32>
      %eq3A_3464 = arith.constant 4 : i32
      %eq3A_3465 = vector.broadcast %eq3A_3464 : i32 to vector<16xi32>
      %eq3A_3466 = arith.cmpi eq, %iota3A, %eq3A_3465 : vector<16xi32>
      %add3A_3467 = arith.constant 8 : i32
      %add3A_3468 = vector.broadcast %add3A_3467 : i32 to vector<16xi32>
      %add3A_3469 = arith.addi %iota3A, %add3A_3468 : vector<16xi32>
      %and3A_3470 = arith.constant 15 : i32
      %and3A_3471 = vector.broadcast %and3A_3470 : i32 to vector<16xi32>
      %and3A_3472 = arith.andi %add3A_3469, %and3A_3471 : vector<16xi32>
      %broadcast_in_dim3A_3473 = vector.shape_cast %and3A_3472 : vector<16xi32> to vector<16x1xi32>
      %gather3A_3474 = vector.shape_cast %broadcast_in_dim3A_3473 : vector<16x1xi32> to vector<16xi32>
      %gather3A_3475 = tpu.dynamic_gather %add3A_3021[%gather3A_3474] in [0] : vector<16xf32>, vector<16xi32> -> vector<16xf32>
      %add3A_3476 = arith.addf %add3A_3021, %gather3A_3475 : vector<16xf32>
      %add3A_3477 = arith.constant 4 : i32
      %add3A_3478 = vector.broadcast %add3A_3477 : i32 to vector<16xi32>
      %add3A_3479 = arith.addi %iota3A, %add3A_3478 : vector<16xi32>
      %and3A_3480 = arith.constant 15 : i32
      %and3A_3481 = vector.broadcast %and3A_3480 : i32 to vector<16xi32>
      %and3A_3482 = arith.andi %add3A_3479, %and3A_3481 : vector<16xi32>
      %broadcast_in_dim3A_3483 = vector.shape_cast %and3A_3482 : vector<16xi32> to vector<16x1xi32>
      %gather3A_3484 = vector.shape_cast %broadcast_in_dim3A_3483 : vector<16x1xi32> to vector<16xi32>
      %gather3A_3485 = tpu.dynamic_gather %add3A_3476[%gather3A_3484] in [0] : vector<16xf32>, vector<16xi32> -> vector<16xf32>
      %add3A_3486 = arith.addf %add3A_3476, %gather3A_3485 : vector<16xf32>
      %add3A_3487 = arith.constant 2 : i32
      %add3A_3488 = vector.broadcast %add3A_3487 : i32 to vector<16xi32>
      %add3A_3489 = arith.addi %iota3A, %add3A_3488 : vector<16xi32>
      %and3A_3490 = arith.constant 15 : i32
      %and3A_3491 = vector.broadcast %and3A_3490 : i32 to vector<16xi32>
      %and3A_3492 = arith.andi %add3A_3489, %and3A_3491 : vector<16xi32>
      %broadcast_in_dim3A_3493 = vector.shape_cast %and3A_3492 : vector<16xi32> to vector<16x1xi32>
      %gather3A_3494 = vector.shape_cast %broadcast_in_dim3A_3493 : vector<16x1xi32> to vector<16xi32>
      %gather3A_3495 = tpu.dynamic_gather %add3A_3486[%gather3A_3494] in [0] : vector<16xf32>, vector<16xi32> -> vector<16xf32>
      %add3A_3496 = arith.addf %add3A_3486, %gather3A_3495 : vector<16xf32>
      %add3A_3497 = arith.constant 1 : i32
      %add3A_3498 = vector.broadcast %add3A_3497 : i32 to vector<16xi32>
      %add3A_3499 = arith.addi %iota3A, %add3A_3498 : vector<16xi32>
      %and3A_3500 = arith.constant 15 : i32
      %and3A_3501 = vector.broadcast %and3A_3500 : i32 to vector<16xi32>
      %and3A_3502 = arith.andi %add3A_3499, %and3A_3501 : vector<16xi32>
      %broadcast_in_dim3A_3503 = vector.shape_cast %and3A_3502 : vector<16xi32> to vector<16x1xi32>
      %gather3A_3504 = vector.shape_cast %broadcast_in_dim3A_3503 : vector<16x1xi32> to vector<16xi32>
      %gather3A_3505 = tpu.dynamic_gather %add3A_3496[%gather3A_3504] in [0] : vector<16xf32>, vector<16xi32> -> vector<16xf32>
      %add3A_3506 = arith.addf %add3A_3496, %gather3A_3505 : vector<16xf32>
      %select_n3A_3507 = arith.select %eq3A_3466, %add3A_3506, %broadcast_in_dim3A_68 : vector<16xi1>, vector<16xf32>
      %add3A_3508 = arith.addf %add3A_3418, %select_n3A_3507 : vector<16xf32>
      %eq3A_3509 = arith.constant 4 : i32
      %eq3A_3510 = vector.broadcast %eq3A_3509 : i32 to vector<16xi32>
      %eq3A_3511 = arith.cmpi eq, %iota3A, %eq3A_3510 : vector<16xi32>
      %add3A_3512 = arith.constant 8 : i32
      %add3A_3513 = vector.broadcast %add3A_3512 : i32 to vector<16xi32>
      %add3A_3514 = arith.addi %iota3A, %add3A_3513 : vector<16xi32>
      %and3A_3515 = arith.constant 15 : i32
      %and3A_3516 = vector.broadcast %and3A_3515 : i32 to vector<16xi32>
      %and3A_3517 = arith.andi %add3A_3514, %and3A_3516 : vector<16xi32>
      %broadcast_in_dim3A_3518 = vector.shape_cast %and3A_3517 : vector<16xi32> to vector<16x1xi32>
      %gather3A_3519 = vector.shape_cast %broadcast_in_dim3A_3518 : vector<16x1xi32> to vector<16xi32>
      %gather3A_3520 = tpu.dynamic_gather %add3A_3023[%gather3A_3519] in [0] : vector<16xf32>, vector<16xi32> -> vector<16xf32>
      %add3A_3521 = arith.addf %add3A_3023, %gather3A_3520 : vector<16xf32>
      %add3A_3522 = arith.constant 4 : i32
      %add3A_3523 = vector.broadcast %add3A_3522 : i32 to vector<16xi32>
      %add3A_3524 = arith.addi %iota3A, %add3A_3523 : vector<16xi32>
      %and3A_3525 = arith.constant 15 : i32
      %and3A_3526 = vector.broadcast %and3A_3525 : i32 to vector<16xi32>
      %and3A_3527 = arith.andi %add3A_3524, %and3A_3526 : vector<16xi32>
      %broadcast_in_dim3A_3528 = vector.shape_cast %and3A_3527 : vector<16xi32> to vector<16x1xi32>
      %gather3A_3529 = vector.shape_cast %broadcast_in_dim3A_3528 : vector<16x1xi32> to vector<16xi32>
      %gather3A_3530 = tpu.dynamic_gather %add3A_3521[%gather3A_3529] in [0] : vector<16xf32>, vector<16xi32> -> vector<16xf32>
      %add3A_3531 = arith.addf %add3A_3521, %gather3A_3530 : vector<16xf32>
      %add3A_3532 = arith.constant 2 : i32
      %add3A_3533 = vector.broadcast %add3A_3532 : i32 to vector<16xi32>
      %add3A_3534 = arith.addi %iota3A, %add3A_3533 : vector<16xi32>
      %and3A_3535 = arith.constant 15 : i32
      %and3A_3536 = vector.broadcast %and3A_3535 : i32 to vector<16xi32>
      %and3A_3537 = arith.andi %add3A_3534, %and3A_3536 : vector<16xi32>
      %broadcast_in_dim3A_3538 = vector.shape_cast %and3A_3537 : vector<16xi32> to vector<16x1xi32>
      %gather3A_3539 = vector.shape_cast %broadcast_in_dim3A_3538 : vector<16x1xi32> to vector<16xi32>
      %gather3A_3540 = tpu.dynamic_gather %add3A_3531[%gather3A_3539] in [0] : vector<16xf32>, vector<16xi32> -> vector<16xf32>
      %add3A_3541 = arith.addf %add3A_3531, %gather3A_3540 : vector<16xf32>
      %add3A_3542 = arith.constant 1 : i32
      %add3A_3543 = vector.broadcast %add3A_3542 : i32 to vector<16xi32>
      %add3A_3544 = arith.addi %iota3A, %add3A_3543 : vector<16xi32>
      %and3A_3545 = arith.constant 15 : i32
      %and3A_3546 = vector.broadcast %and3A_3545 : i32 to vector<16xi32>
      %and3A_3547 = arith.andi %add3A_3544, %and3A_3546 : vector<16xi32>
      %broadcast_in_dim3A_3548 = vector.shape_cast %and3A_3547 : vector<16xi32> to vector<16x1xi32>
      %gather3A_3549 = vector.shape_cast %broadcast_in_dim3A_3548 : vector<16x1xi32> to vector<16xi32>
      %gather3A_3550 = tpu.dynamic_gather %add3A_3541[%gather3A_3549] in [0] : vector<16xf32>, vector<16xi32> -> vector<16xf32>
      %add3A_3551 = arith.addf %add3A_3541, %gather3A_3550 : vector<16xf32>
      %select_n3A_3552 = arith.select %eq3A_3511, %add3A_3551, %broadcast_in_dim3A_68 : vector<16xi1>, vector<16xf32>
      %add3A_3553 = arith.addf %add3A_3463, %select_n3A_3552 : vector<16xf32>
      %eq3A_3554 = arith.constant 5 : i32
      %eq3A_3555 = vector.broadcast %eq3A_3554 : i32 to vector<16xi32>
      %eq3A_3556 = arith.cmpi eq, %iota3A, %eq3A_3555 : vector<16xi32>
      %add3A_3557 = arith.constant 8 : i32
      %add3A_3558 = vector.broadcast %add3A_3557 : i32 to vector<16xi32>
      %add3A_3559 = arith.addi %iota3A, %add3A_3558 : vector<16xi32>
      %and3A_3560 = arith.constant 15 : i32
      %and3A_3561 = vector.broadcast %and3A_3560 : i32 to vector<16xi32>
      %and3A_3562 = arith.andi %add3A_3559, %and3A_3561 : vector<16xi32>
      %broadcast_in_dim3A_3563 = vector.shape_cast %and3A_3562 : vector<16xi32> to vector<16x1xi32>
      %gather3A_3564 = vector.shape_cast %broadcast_in_dim3A_3563 : vector<16x1xi32> to vector<16xi32>
      %gather3A_3565 = tpu.dynamic_gather %add3A_3028[%gather3A_3564] in [0] : vector<16xf32>, vector<16xi32> -> vector<16xf32>
      %add3A_3566 = arith.addf %add3A_3028, %gather3A_3565 : vector<16xf32>
      %add3A_3567 = arith.constant 4 : i32
      %add3A_3568 = vector.broadcast %add3A_3567 : i32 to vector<16xi32>
      %add3A_3569 = arith.addi %iota3A, %add3A_3568 : vector<16xi32>
      %and3A_3570 = arith.constant 15 : i32
      %and3A_3571 = vector.broadcast %and3A_3570 : i32 to vector<16xi32>
      %and3A_3572 = arith.andi %add3A_3569, %and3A_3571 : vector<16xi32>
      %broadcast_in_dim3A_3573 = vector.shape_cast %and3A_3572 : vector<16xi32> to vector<16x1xi32>
      %gather3A_3574 = vector.shape_cast %broadcast_in_dim3A_3573 : vector<16x1xi32> to vector<16xi32>
      %gather3A_3575 = tpu.dynamic_gather %add3A_3566[%gather3A_3574] in [0] : vector<16xf32>, vector<16xi32> -> vector<16xf32>
      %add3A_3576 = arith.addf %add3A_3566, %gather3A_3575 : vector<16xf32>
      %add3A_3577 = arith.constant 2 : i32
      %add3A_3578 = vector.broadcast %add3A_3577 : i32 to vector<16xi32>
      %add3A_3579 = arith.addi %iota3A, %add3A_3578 : vector<16xi32>
      %and3A_3580 = arith.constant 15 : i32
      %and3A_3581 = vector.broadcast %and3A_3580 : i32 to vector<16xi32>
      %and3A_3582 = arith.andi %add3A_3579, %and3A_3581 : vector<16xi32>
      %broadcast_in_dim3A_3583 = vector.shape_cast %and3A_3582 : vector<16xi32> to vector<16x1xi32>
      %gather3A_3584 = vector.shape_cast %broadcast_in_dim3A_3583 : vector<16x1xi32> to vector<16xi32>
      %gather3A_3585 = tpu.dynamic_gather %add3A_3576[%gather3A_3584] in [0] : vector<16xf32>, vector<16xi32> -> vector<16xf32>
      %add3A_3586 = arith.addf %add3A_3576, %gather3A_3585 : vector<16xf32>
      %add3A_3587 = arith.constant 1 : i32
      %add3A_3588 = vector.broadcast %add3A_3587 : i32 to vector<16xi32>
      %add3A_3589 = arith.addi %iota3A, %add3A_3588 : vector<16xi32>
      %and3A_3590 = arith.constant 15 : i32
      %and3A_3591 = vector.broadcast %and3A_3590 : i32 to vector<16xi32>
      %and3A_3592 = arith.andi %add3A_3589, %and3A_3591 : vector<16xi32>
      %broadcast_in_dim3A_3593 = vector.shape_cast %and3A_3592 : vector<16xi32> to vector<16x1xi32>
      %gather3A_3594 = vector.shape_cast %broadcast_in_dim3A_3593 : vector<16x1xi32> to vector<16xi32>
      %gather3A_3595 = tpu.dynamic_gather %add3A_3586[%gather3A_3594] in [0] : vector<16xf32>, vector<16xi32> -> vector<16xf32>
      %add3A_3596 = arith.addf %add3A_3586, %gather3A_3595 : vector<16xf32>
      %select_n3A_3597 = arith.select %eq3A_3556, %add3A_3596, %broadcast_in_dim3A_68 : vector<16xi1>, vector<16xf32>
      %add3A_3598 = arith.addf %add3A_3508, %select_n3A_3597 : vector<16xf32>
      %eq3A_3599 = arith.constant 5 : i32
      %eq3A_3600 = vector.broadcast %eq3A_3599 : i32 to vector<16xi32>
      %eq3A_3601 = arith.cmpi eq, %iota3A, %eq3A_3600 : vector<16xi32>
      %add3A_3602 = arith.constant 8 : i32
      %add3A_3603 = vector.broadcast %add3A_3602 : i32 to vector<16xi32>
      %add3A_3604 = arith.addi %iota3A, %add3A_3603 : vector<16xi32>
      %and3A_3605 = arith.constant 15 : i32
      %and3A_3606 = vector.broadcast %and3A_3605 : i32 to vector<16xi32>
      %and3A_3607 = arith.andi %add3A_3604, %and3A_3606 : vector<16xi32>
      %broadcast_in_dim3A_3608 = vector.shape_cast %and3A_3607 : vector<16xi32> to vector<16x1xi32>
      %gather3A_3609 = vector.shape_cast %broadcast_in_dim3A_3608 : vector<16x1xi32> to vector<16xi32>
      %gather3A_3610 = tpu.dynamic_gather %add3A_3030[%gather3A_3609] in [0] : vector<16xf32>, vector<16xi32> -> vector<16xf32>
      %add3A_3611 = arith.addf %add3A_3030, %gather3A_3610 : vector<16xf32>
      %add3A_3612 = arith.constant 4 : i32
      %add3A_3613 = vector.broadcast %add3A_3612 : i32 to vector<16xi32>
      %add3A_3614 = arith.addi %iota3A, %add3A_3613 : vector<16xi32>
      %and3A_3615 = arith.constant 15 : i32
      %and3A_3616 = vector.broadcast %and3A_3615 : i32 to vector<16xi32>
      %and3A_3617 = arith.andi %add3A_3614, %and3A_3616 : vector<16xi32>
      %broadcast_in_dim3A_3618 = vector.shape_cast %and3A_3617 : vector<16xi32> to vector<16x1xi32>
      %gather3A_3619 = vector.shape_cast %broadcast_in_dim3A_3618 : vector<16x1xi32> to vector<16xi32>
      %gather3A_3620 = tpu.dynamic_gather %add3A_3611[%gather3A_3619] in [0] : vector<16xf32>, vector<16xi32> -> vector<16xf32>
      %add3A_3621 = arith.addf %add3A_3611, %gather3A_3620 : vector<16xf32>
      %add3A_3622 = arith.constant 2 : i32
      %add3A_3623 = vector.broadcast %add3A_3622 : i32 to vector<16xi32>
      %add3A_3624 = arith.addi %iota3A, %add3A_3623 : vector<16xi32>
      %and3A_3625 = arith.constant 15 : i32
      %and3A_3626 = vector.broadcast %and3A_3625 : i32 to vector<16xi32>
      %and3A_3627 = arith.andi %add3A_3624, %and3A_3626 : vector<16xi32>
      %broadcast_in_dim3A_3628 = vector.shape_cast %and3A_3627 : vector<16xi32> to vector<16x1xi32>
      %gather3A_3629 = vector.shape_cast %broadcast_in_dim3A_3628 : vector<16x1xi32> to vector<16xi32>
      %gather3A_3630 = tpu.dynamic_gather %add3A_3621[%gather3A_3629] in [0] : vector<16xf32>, vector<16xi32> -> vector<16xf32>
      %add3A_3631 = arith.addf %add3A_3621, %gather3A_3630 : vector<16xf32>
      %add3A_3632 = arith.constant 1 : i32
      %add3A_3633 = vector.broadcast %add3A_3632 : i32 to vector<16xi32>
      %add3A_3634 = arith.addi %iota3A, %add3A_3633 : vector<16xi32>
      %and3A_3635 = arith.constant 15 : i32
      %and3A_3636 = vector.broadcast %and3A_3635 : i32 to vector<16xi32>
      %and3A_3637 = arith.andi %add3A_3634, %and3A_3636 : vector<16xi32>
      %broadcast_in_dim3A_3638 = vector.shape_cast %and3A_3637 : vector<16xi32> to vector<16x1xi32>
      %gather3A_3639 = vector.shape_cast %broadcast_in_dim3A_3638 : vector<16x1xi32> to vector<16xi32>
      %gather3A_3640 = tpu.dynamic_gather %add3A_3631[%gather3A_3639] in [0] : vector<16xf32>, vector<16xi32> -> vector<16xf32>
      %add3A_3641 = arith.addf %add3A_3631, %gather3A_3640 : vector<16xf32>
      %select_n3A_3642 = arith.select %eq3A_3601, %add3A_3641, %broadcast_in_dim3A_68 : vector<16xi1>, vector<16xf32>
      %add3A_3643 = arith.addf %add3A_3553, %select_n3A_3642 : vector<16xf32>
      %eq3A_3644 = arith.constant 6 : i32
      %eq3A_3645 = vector.broadcast %eq3A_3644 : i32 to vector<16xi32>
      %eq3A_3646 = arith.cmpi eq, %iota3A, %eq3A_3645 : vector<16xi32>
      %add3A_3647 = arith.constant 8 : i32
      %add3A_3648 = vector.broadcast %add3A_3647 : i32 to vector<16xi32>
      %add3A_3649 = arith.addi %iota3A, %add3A_3648 : vector<16xi32>
      %and3A_3650 = arith.constant 15 : i32
      %and3A_3651 = vector.broadcast %and3A_3650 : i32 to vector<16xi32>
      %and3A_3652 = arith.andi %add3A_3649, %and3A_3651 : vector<16xi32>
      %broadcast_in_dim3A_3653 = vector.shape_cast %and3A_3652 : vector<16xi32> to vector<16x1xi32>
      %gather3A_3654 = vector.shape_cast %broadcast_in_dim3A_3653 : vector<16x1xi32> to vector<16xi32>
      %gather3A_3655 = tpu.dynamic_gather %add3A_3035[%gather3A_3654] in [0] : vector<16xf32>, vector<16xi32> -> vector<16xf32>
      %add3A_3656 = arith.addf %add3A_3035, %gather3A_3655 : vector<16xf32>
      %add3A_3657 = arith.constant 4 : i32
      %add3A_3658 = vector.broadcast %add3A_3657 : i32 to vector<16xi32>
      %add3A_3659 = arith.addi %iota3A, %add3A_3658 : vector<16xi32>
      %and3A_3660 = arith.constant 15 : i32
      %and3A_3661 = vector.broadcast %and3A_3660 : i32 to vector<16xi32>
      %and3A_3662 = arith.andi %add3A_3659, %and3A_3661 : vector<16xi32>
      %broadcast_in_dim3A_3663 = vector.shape_cast %and3A_3662 : vector<16xi32> to vector<16x1xi32>
      %gather3A_3664 = vector.shape_cast %broadcast_in_dim3A_3663 : vector<16x1xi32> to vector<16xi32>
      %gather3A_3665 = tpu.dynamic_gather %add3A_3656[%gather3A_3664] in [0] : vector<16xf32>, vector<16xi32> -> vector<16xf32>
      %add3A_3666 = arith.addf %add3A_3656, %gather3A_3665 : vector<16xf32>
      %add3A_3667 = arith.constant 2 : i32
      %add3A_3668 = vector.broadcast %add3A_3667 : i32 to vector<16xi32>
      %add3A_3669 = arith.addi %iota3A, %add3A_3668 : vector<16xi32>
      %and3A_3670 = arith.constant 15 : i32
      %and3A_3671 = vector.broadcast %and3A_3670 : i32 to vector<16xi32>
      %and3A_3672 = arith.andi %add3A_3669, %and3A_3671 : vector<16xi32>
      %broadcast_in_dim3A_3673 = vector.shape_cast %and3A_3672 : vector<16xi32> to vector<16x1xi32>
      %gather3A_3674 = vector.shape_cast %broadcast_in_dim3A_3673 : vector<16x1xi32> to vector<16xi32>
      %gather3A_3675 = tpu.dynamic_gather %add3A_3666[%gather3A_3674] in [0] : vector<16xf32>, vector<16xi32> -> vector<16xf32>
      %add3A_3676 = arith.addf %add3A_3666, %gather3A_3675 : vector<16xf32>
      %add3A_3677 = arith.constant 1 : i32
      %add3A_3678 = vector.broadcast %add3A_3677 : i32 to vector<16xi32>
      %add3A_3679 = arith.addi %iota3A, %add3A_3678 : vector<16xi32>
      %and3A_3680 = arith.constant 15 : i32
      %and3A_3681 = vector.broadcast %and3A_3680 : i32 to vector<16xi32>
      %and3A_3682 = arith.andi %add3A_3679, %and3A_3681 : vector<16xi32>
      %broadcast_in_dim3A_3683 = vector.shape_cast %and3A_3682 : vector<16xi32> to vector<16x1xi32>
      %gather3A_3684 = vector.shape_cast %broadcast_in_dim3A_3683 : vector<16x1xi32> to vector<16xi32>
      %gather3A_3685 = tpu.dynamic_gather %add3A_3676[%gather3A_3684] in [0] : vector<16xf32>, vector<16xi32> -> vector<16xf32>
      %add3A_3686 = arith.addf %add3A_3676, %gather3A_3685 : vector<16xf32>
      %select_n3A_3687 = arith.select %eq3A_3646, %add3A_3686, %broadcast_in_dim3A_68 : vector<16xi1>, vector<16xf32>
      %add3A_3688 = arith.addf %add3A_3598, %select_n3A_3687 : vector<16xf32>
      %eq3A_3689 = arith.constant 6 : i32
      %eq3A_3690 = vector.broadcast %eq3A_3689 : i32 to vector<16xi32>
      %eq3A_3691 = arith.cmpi eq, %iota3A, %eq3A_3690 : vector<16xi32>
      %add3A_3692 = arith.constant 8 : i32
      %add3A_3693 = vector.broadcast %add3A_3692 : i32 to vector<16xi32>
      %add3A_3694 = arith.addi %iota3A, %add3A_3693 : vector<16xi32>
      %and3A_3695 = arith.constant 15 : i32
      %and3A_3696 = vector.broadcast %and3A_3695 : i32 to vector<16xi32>
      %and3A_3697 = arith.andi %add3A_3694, %and3A_3696 : vector<16xi32>
      %broadcast_in_dim3A_3698 = vector.shape_cast %and3A_3697 : vector<16xi32> to vector<16x1xi32>
      %gather3A_3699 = vector.shape_cast %broadcast_in_dim3A_3698 : vector<16x1xi32> to vector<16xi32>
      %gather3A_3700 = tpu.dynamic_gather %add3A_3037[%gather3A_3699] in [0] : vector<16xf32>, vector<16xi32> -> vector<16xf32>
      %add3A_3701 = arith.addf %add3A_3037, %gather3A_3700 : vector<16xf32>
      %add3A_3702 = arith.constant 4 : i32
      %add3A_3703 = vector.broadcast %add3A_3702 : i32 to vector<16xi32>
      %add3A_3704 = arith.addi %iota3A, %add3A_3703 : vector<16xi32>
      %and3A_3705 = arith.constant 15 : i32
      %and3A_3706 = vector.broadcast %and3A_3705 : i32 to vector<16xi32>
      %and3A_3707 = arith.andi %add3A_3704, %and3A_3706 : vector<16xi32>
      %broadcast_in_dim3A_3708 = vector.shape_cast %and3A_3707 : vector<16xi32> to vector<16x1xi32>
      %gather3A_3709 = vector.shape_cast %broadcast_in_dim3A_3708 : vector<16x1xi32> to vector<16xi32>
      %gather3A_3710 = tpu.dynamic_gather %add3A_3701[%gather3A_3709] in [0] : vector<16xf32>, vector<16xi32> -> vector<16xf32>
      %add3A_3711 = arith.addf %add3A_3701, %gather3A_3710 : vector<16xf32>
      %add3A_3712 = arith.constant 2 : i32
      %add3A_3713 = vector.broadcast %add3A_3712 : i32 to vector<16xi32>
      %add3A_3714 = arith.addi %iota3A, %add3A_3713 : vector<16xi32>
      %and3A_3715 = arith.constant 15 : i32
      %and3A_3716 = vector.broadcast %and3A_3715 : i32 to vector<16xi32>
      %and3A_3717 = arith.andi %add3A_3714, %and3A_3716 : vector<16xi32>
      %broadcast_in_dim3A_3718 = vector.shape_cast %and3A_3717 : vector<16xi32> to vector<16x1xi32>
      %gather3A_3719 = vector.shape_cast %broadcast_in_dim3A_3718 : vector<16x1xi32> to vector<16xi32>
      %gather3A_3720 = tpu.dynamic_gather %add3A_3711[%gather3A_3719] in [0] : vector<16xf32>, vector<16xi32> -> vector<16xf32>
      %add3A_3721 = arith.addf %add3A_3711, %gather3A_3720 : vector<16xf32>
      %add3A_3722 = arith.constant 1 : i32
      %add3A_3723 = vector.broadcast %add3A_3722 : i32 to vector<16xi32>
      %add3A_3724 = arith.addi %iota3A, %add3A_3723 : vector<16xi32>
      %and3A_3725 = arith.constant 15 : i32
      %and3A_3726 = vector.broadcast %and3A_3725 : i32 to vector<16xi32>
      %and3A_3727 = arith.andi %add3A_3724, %and3A_3726 : vector<16xi32>
      %broadcast_in_dim3A_3728 = vector.shape_cast %and3A_3727 : vector<16xi32> to vector<16x1xi32>
      %gather3A_3729 = vector.shape_cast %broadcast_in_dim3A_3728 : vector<16x1xi32> to vector<16xi32>
      %gather3A_3730 = tpu.dynamic_gather %add3A_3721[%gather3A_3729] in [0] : vector<16xf32>, vector<16xi32> -> vector<16xf32>
      %add3A_3731 = arith.addf %add3A_3721, %gather3A_3730 : vector<16xf32>
      %select_n3A_3732 = arith.select %eq3A_3691, %add3A_3731, %broadcast_in_dim3A_68 : vector<16xi1>, vector<16xf32>
      %add3A_3733 = arith.addf %add3A_3643, %select_n3A_3732 : vector<16xf32>
      %eq3A_3734 = arith.constant 7 : i32
      %eq3A_3735 = vector.broadcast %eq3A_3734 : i32 to vector<16xi32>
      %eq3A_3736 = arith.cmpi eq, %iota3A, %eq3A_3735 : vector<16xi32>
      %add3A_3737 = arith.constant 8 : i32
      %add3A_3738 = vector.broadcast %add3A_3737 : i32 to vector<16xi32>
      %add3A_3739 = arith.addi %iota3A, %add3A_3738 : vector<16xi32>
      %and3A_3740 = arith.constant 15 : i32
      %and3A_3741 = vector.broadcast %and3A_3740 : i32 to vector<16xi32>
      %and3A_3742 = arith.andi %add3A_3739, %and3A_3741 : vector<16xi32>
      %broadcast_in_dim3A_3743 = vector.shape_cast %and3A_3742 : vector<16xi32> to vector<16x1xi32>
      %gather3A_3744 = vector.shape_cast %broadcast_in_dim3A_3743 : vector<16x1xi32> to vector<16xi32>
      %gather3A_3745 = tpu.dynamic_gather %add3A_3042[%gather3A_3744] in [0] : vector<16xf32>, vector<16xi32> -> vector<16xf32>
      %add3A_3746 = arith.addf %add3A_3042, %gather3A_3745 : vector<16xf32>
      %add3A_3747 = arith.constant 4 : i32
      %add3A_3748 = vector.broadcast %add3A_3747 : i32 to vector<16xi32>
      %add3A_3749 = arith.addi %iota3A, %add3A_3748 : vector<16xi32>
      %and3A_3750 = arith.constant 15 : i32
      %and3A_3751 = vector.broadcast %and3A_3750 : i32 to vector<16xi32>
      %and3A_3752 = arith.andi %add3A_3749, %and3A_3751 : vector<16xi32>
      %broadcast_in_dim3A_3753 = vector.shape_cast %and3A_3752 : vector<16xi32> to vector<16x1xi32>
      %gather3A_3754 = vector.shape_cast %broadcast_in_dim3A_3753 : vector<16x1xi32> to vector<16xi32>
      %gather3A_3755 = tpu.dynamic_gather %add3A_3746[%gather3A_3754] in [0] : vector<16xf32>, vector<16xi32> -> vector<16xf32>
      %add3A_3756 = arith.addf %add3A_3746, %gather3A_3755 : vector<16xf32>
      %add3A_3757 = arith.constant 2 : i32
      %add3A_3758 = vector.broadcast %add3A_3757 : i32 to vector<16xi32>
      %add3A_3759 = arith.addi %iota3A, %add3A_3758 : vector<16xi32>
      %and3A_3760 = arith.constant 15 : i32
      %and3A_3761 = vector.broadcast %and3A_3760 : i32 to vector<16xi32>
      %and3A_3762 = arith.andi %add3A_3759, %and3A_3761 : vector<16xi32>
      %broadcast_in_dim3A_3763 = vector.shape_cast %and3A_3762 : vector<16xi32> to vector<16x1xi32>
      %gather3A_3764 = vector.shape_cast %broadcast_in_dim3A_3763 : vector<16x1xi32> to vector<16xi32>
      %gather3A_3765 = tpu.dynamic_gather %add3A_3756[%gather3A_3764] in [0] : vector<16xf32>, vector<16xi32> -> vector<16xf32>
      %add3A_3766 = arith.addf %add3A_3756, %gather3A_3765 : vector<16xf32>
      %add3A_3767 = arith.constant 1 : i32
      %add3A_3768 = vector.broadcast %add3A_3767 : i32 to vector<16xi32>
      %add3A_3769 = arith.addi %iota3A, %add3A_3768 : vector<16xi32>
      %and3A_3770 = arith.constant 15 : i32
      %and3A_3771 = vector.broadcast %and3A_3770 : i32 to vector<16xi32>
      %and3A_3772 = arith.andi %add3A_3769, %and3A_3771 : vector<16xi32>
      %broadcast_in_dim3A_3773 = vector.shape_cast %and3A_3772 : vector<16xi32> to vector<16x1xi32>
      %gather3A_3774 = vector.shape_cast %broadcast_in_dim3A_3773 : vector<16x1xi32> to vector<16xi32>
      %gather3A_3775 = tpu.dynamic_gather %add3A_3766[%gather3A_3774] in [0] : vector<16xf32>, vector<16xi32> -> vector<16xf32>
      %add3A_3776 = arith.addf %add3A_3766, %gather3A_3775 : vector<16xf32>
      %select_n3A_3777 = arith.select %eq3A_3736, %add3A_3776, %broadcast_in_dim3A_68 : vector<16xi1>, vector<16xf32>
      %add3A_3778 = arith.addf %add3A_3688, %select_n3A_3777 : vector<16xf32>
      %eq3A_3779 = arith.constant 7 : i32
      %eq3A_3780 = vector.broadcast %eq3A_3779 : i32 to vector<16xi32>
      %eq3A_3781 = arith.cmpi eq, %iota3A, %eq3A_3780 : vector<16xi32>
      %add3A_3782 = arith.constant 8 : i32
      %add3A_3783 = vector.broadcast %add3A_3782 : i32 to vector<16xi32>
      %add3A_3784 = arith.addi %iota3A, %add3A_3783 : vector<16xi32>
      %and3A_3785 = arith.constant 15 : i32
      %and3A_3786 = vector.broadcast %and3A_3785 : i32 to vector<16xi32>
      %and3A_3787 = arith.andi %add3A_3784, %and3A_3786 : vector<16xi32>
      %broadcast_in_dim3A_3788 = vector.shape_cast %and3A_3787 : vector<16xi32> to vector<16x1xi32>
      %gather3A_3789 = vector.shape_cast %broadcast_in_dim3A_3788 : vector<16x1xi32> to vector<16xi32>
      %gather3A_3790 = tpu.dynamic_gather %add3A_3044[%gather3A_3789] in [0] : vector<16xf32>, vector<16xi32> -> vector<16xf32>
      %add3A_3791 = arith.addf %add3A_3044, %gather3A_3790 : vector<16xf32>
      %add3A_3792 = arith.constant 4 : i32
      %add3A_3793 = vector.broadcast %add3A_3792 : i32 to vector<16xi32>
      %add3A_3794 = arith.addi %iota3A, %add3A_3793 : vector<16xi32>
      %and3A_3795 = arith.constant 15 : i32
      %and3A_3796 = vector.broadcast %and3A_3795 : i32 to vector<16xi32>
      %and3A_3797 = arith.andi %add3A_3794, %and3A_3796 : vector<16xi32>
      %broadcast_in_dim3A_3798 = vector.shape_cast %and3A_3797 : vector<16xi32> to vector<16x1xi32>
      %gather3A_3799 = vector.shape_cast %broadcast_in_dim3A_3798 : vector<16x1xi32> to vector<16xi32>
      %gather3A_3800 = tpu.dynamic_gather %add3A_3791[%gather3A_3799] in [0] : vector<16xf32>, vector<16xi32> -> vector<16xf32>
      %add3A_3801 = arith.addf %add3A_3791, %gather3A_3800 : vector<16xf32>
      %add3A_3802 = arith.constant 2 : i32
      %add3A_3803 = vector.broadcast %add3A_3802 : i32 to vector<16xi32>
      %add3A_3804 = arith.addi %iota3A, %add3A_3803 : vector<16xi32>
      %and3A_3805 = arith.constant 15 : i32
      %and3A_3806 = vector.broadcast %and3A_3805 : i32 to vector<16xi32>
      %and3A_3807 = arith.andi %add3A_3804, %and3A_3806 : vector<16xi32>
      %broadcast_in_dim3A_3808 = vector.shape_cast %and3A_3807 : vector<16xi32> to vector<16x1xi32>
      %gather3A_3809 = vector.shape_cast %broadcast_in_dim3A_3808 : vector<16x1xi32> to vector<16xi32>
      %gather3A_3810 = tpu.dynamic_gather %add3A_3801[%gather3A_3809] in [0] : vector<16xf32>, vector<16xi32> -> vector<16xf32>
      %add3A_3811 = arith.addf %add3A_3801, %gather3A_3810 : vector<16xf32>
      %add3A_3812 = arith.constant 1 : i32
      %add3A_3813 = vector.broadcast %add3A_3812 : i32 to vector<16xi32>
      %add3A_3814 = arith.addi %iota3A, %add3A_3813 : vector<16xi32>
      %and3A_3815 = arith.constant 15 : i32
      %and3A_3816 = vector.broadcast %and3A_3815 : i32 to vector<16xi32>
      %and3A_3817 = arith.andi %add3A_3814, %and3A_3816 : vector<16xi32>
      %broadcast_in_dim3A_3818 = vector.shape_cast %and3A_3817 : vector<16xi32> to vector<16x1xi32>
      %gather3A_3819 = vector.shape_cast %broadcast_in_dim3A_3818 : vector<16x1xi32> to vector<16xi32>
      %gather3A_3820 = tpu.dynamic_gather %add3A_3811[%gather3A_3819] in [0] : vector<16xf32>, vector<16xi32> -> vector<16xf32>
      %add3A_3821 = arith.addf %add3A_3811, %gather3A_3820 : vector<16xf32>
      %select_n3A_3822 = arith.select %eq3A_3781, %add3A_3821, %broadcast_in_dim3A_68 : vector<16xi1>, vector<16xf32>
      %add3A_3823 = arith.addf %add3A_3733, %select_n3A_3822 : vector<16xf32>
      %eq3A_3824 = arith.constant 8 : i32
      %eq3A_3825 = vector.broadcast %eq3A_3824 : i32 to vector<16xi32>
      %eq3A_3826 = arith.cmpi eq, %iota3A, %eq3A_3825 : vector<16xi32>
      %add3A_3827 = arith.constant 8 : i32
      %add3A_3828 = vector.broadcast %add3A_3827 : i32 to vector<16xi32>
      %add3A_3829 = arith.addi %iota3A, %add3A_3828 : vector<16xi32>
      %and3A_3830 = arith.constant 15 : i32
      %and3A_3831 = vector.broadcast %and3A_3830 : i32 to vector<16xi32>
      %and3A_3832 = arith.andi %add3A_3829, %and3A_3831 : vector<16xi32>
      %broadcast_in_dim3A_3833 = vector.shape_cast %and3A_3832 : vector<16xi32> to vector<16x1xi32>
      %gather3A_3834 = vector.shape_cast %broadcast_in_dim3A_3833 : vector<16x1xi32> to vector<16xi32>
      %gather3A_3835 = tpu.dynamic_gather %add3A_3049[%gather3A_3834] in [0] : vector<16xf32>, vector<16xi32> -> vector<16xf32>
      %add3A_3836 = arith.addf %add3A_3049, %gather3A_3835 : vector<16xf32>
      %add3A_3837 = arith.constant 4 : i32
      %add3A_3838 = vector.broadcast %add3A_3837 : i32 to vector<16xi32>
      %add3A_3839 = arith.addi %iota3A, %add3A_3838 : vector<16xi32>
      %and3A_3840 = arith.constant 15 : i32
      %and3A_3841 = vector.broadcast %and3A_3840 : i32 to vector<16xi32>
      %and3A_3842 = arith.andi %add3A_3839, %and3A_3841 : vector<16xi32>
      %broadcast_in_dim3A_3843 = vector.shape_cast %and3A_3842 : vector<16xi32> to vector<16x1xi32>
      %gather3A_3844 = vector.shape_cast %broadcast_in_dim3A_3843 : vector<16x1xi32> to vector<16xi32>
      %gather3A_3845 = tpu.dynamic_gather %add3A_3836[%gather3A_3844] in [0] : vector<16xf32>, vector<16xi32> -> vector<16xf32>
      %add3A_3846 = arith.addf %add3A_3836, %gather3A_3845 : vector<16xf32>
      %add3A_3847 = arith.constant 2 : i32
      %add3A_3848 = vector.broadcast %add3A_3847 : i32 to vector<16xi32>
      %add3A_3849 = arith.addi %iota3A, %add3A_3848 : vector<16xi32>
      %and3A_3850 = arith.constant 15 : i32
      %and3A_3851 = vector.broadcast %and3A_3850 : i32 to vector<16xi32>
      %and3A_3852 = arith.andi %add3A_3849, %and3A_3851 : vector<16xi32>
      %broadcast_in_dim3A_3853 = vector.shape_cast %and3A_3852 : vector<16xi32> to vector<16x1xi32>
      %gather3A_3854 = vector.shape_cast %broadcast_in_dim3A_3853 : vector<16x1xi32> to vector<16xi32>
      %gather3A_3855 = tpu.dynamic_gather %add3A_3846[%gather3A_3854] in [0] : vector<16xf32>, vector<16xi32> -> vector<16xf32>
      %add3A_3856 = arith.addf %add3A_3846, %gather3A_3855 : vector<16xf32>
      %add3A_3857 = arith.constant 1 : i32
      %add3A_3858 = vector.broadcast %add3A_3857 : i32 to vector<16xi32>
      %add3A_3859 = arith.addi %iota3A, %add3A_3858 : vector<16xi32>
      %and3A_3860 = arith.constant 15 : i32
      %and3A_3861 = vector.broadcast %and3A_3860 : i32 to vector<16xi32>
      %and3A_3862 = arith.andi %add3A_3859, %and3A_3861 : vector<16xi32>
      %broadcast_in_dim3A_3863 = vector.shape_cast %and3A_3862 : vector<16xi32> to vector<16x1xi32>
      %gather3A_3864 = vector.shape_cast %broadcast_in_dim3A_3863 : vector<16x1xi32> to vector<16xi32>
      %gather3A_3865 = tpu.dynamic_gather %add3A_3856[%gather3A_3864] in [0] : vector<16xf32>, vector<16xi32> -> vector<16xf32>
      %add3A_3866 = arith.addf %add3A_3856, %gather3A_3865 : vector<16xf32>
      %select_n3A_3867 = arith.select %eq3A_3826, %add3A_3866, %broadcast_in_dim3A_68 : vector<16xi1>, vector<16xf32>
      %add3A_3868 = arith.addf %add3A_3778, %select_n3A_3867 : vector<16xf32>
      %eq3A_3869 = arith.constant 8 : i32
      %eq3A_3870 = vector.broadcast %eq3A_3869 : i32 to vector<16xi32>
      %eq3A_3871 = arith.cmpi eq, %iota3A, %eq3A_3870 : vector<16xi32>
      %add3A_3872 = arith.constant 8 : i32
      %add3A_3873 = vector.broadcast %add3A_3872 : i32 to vector<16xi32>
      %add3A_3874 = arith.addi %iota3A, %add3A_3873 : vector<16xi32>
      %and3A_3875 = arith.constant 15 : i32
      %and3A_3876 = vector.broadcast %and3A_3875 : i32 to vector<16xi32>
      %and3A_3877 = arith.andi %add3A_3874, %and3A_3876 : vector<16xi32>
      %broadcast_in_dim3A_3878 = vector.shape_cast %and3A_3877 : vector<16xi32> to vector<16x1xi32>
      %gather3A_3879 = vector.shape_cast %broadcast_in_dim3A_3878 : vector<16x1xi32> to vector<16xi32>
      %gather3A_3880 = tpu.dynamic_gather %add3A_3051[%gather3A_3879] in [0] : vector<16xf32>, vector<16xi32> -> vector<16xf32>
      %add3A_3881 = arith.addf %add3A_3051, %gather3A_3880 : vector<16xf32>
      %add3A_3882 = arith.constant 4 : i32
      %add3A_3883 = vector.broadcast %add3A_3882 : i32 to vector<16xi32>
      %add3A_3884 = arith.addi %iota3A, %add3A_3883 : vector<16xi32>
      %and3A_3885 = arith.constant 15 : i32
      %and3A_3886 = vector.broadcast %and3A_3885 : i32 to vector<16xi32>
      %and3A_3887 = arith.andi %add3A_3884, %and3A_3886 : vector<16xi32>
      %broadcast_in_dim3A_3888 = vector.shape_cast %and3A_3887 : vector<16xi32> to vector<16x1xi32>
      %gather3A_3889 = vector.shape_cast %broadcast_in_dim3A_3888 : vector<16x1xi32> to vector<16xi32>
      %gather3A_3890 = tpu.dynamic_gather %add3A_3881[%gather3A_3889] in [0] : vector<16xf32>, vector<16xi32> -> vector<16xf32>
      %add3A_3891 = arith.addf %add3A_3881, %gather3A_3890 : vector<16xf32>
      %add3A_3892 = arith.constant 2 : i32
      %add3A_3893 = vector.broadcast %add3A_3892 : i32 to vector<16xi32>
      %add3A_3894 = arith.addi %iota3A, %add3A_3893 : vector<16xi32>
      %and3A_3895 = arith.constant 15 : i32
      %and3A_3896 = vector.broadcast %and3A_3895 : i32 to vector<16xi32>
      %and3A_3897 = arith.andi %add3A_3894, %and3A_3896 : vector<16xi32>
      %broadcast_in_dim3A_3898 = vector.shape_cast %and3A_3897 : vector<16xi32> to vector<16x1xi32>
      %gather3A_3899 = vector.shape_cast %broadcast_in_dim3A_3898 : vector<16x1xi32> to vector<16xi32>
      %gather3A_3900 = tpu.dynamic_gather %add3A_3891[%gather3A_3899] in [0] : vector<16xf32>, vector<16xi32> -> vector<16xf32>
      %add3A_3901 = arith.addf %add3A_3891, %gather3A_3900 : vector<16xf32>
      %add3A_3902 = arith.constant 1 : i32
      %add3A_3903 = vector.broadcast %add3A_3902 : i32 to vector<16xi32>
      %add3A_3904 = arith.addi %iota3A, %add3A_3903 : vector<16xi32>
      %and3A_3905 = arith.constant 15 : i32
      %and3A_3906 = vector.broadcast %and3A_3905 : i32 to vector<16xi32>
      %and3A_3907 = arith.andi %add3A_3904, %and3A_3906 : vector<16xi32>
      %broadcast_in_dim3A_3908 = vector.shape_cast %and3A_3907 : vector<16xi32> to vector<16x1xi32>
      %gather3A_3909 = vector.shape_cast %broadcast_in_dim3A_3908 : vector<16x1xi32> to vector<16xi32>
      %gather3A_3910 = tpu.dynamic_gather %add3A_3901[%gather3A_3909] in [0] : vector<16xf32>, vector<16xi32> -> vector<16xf32>
      %add3A_3911 = arith.addf %add3A_3901, %gather3A_3910 : vector<16xf32>
      %select_n3A_3912 = arith.select %eq3A_3871, %add3A_3911, %broadcast_in_dim3A_68 : vector<16xi1>, vector<16xf32>
      %add3A_3913 = arith.addf %add3A_3823, %select_n3A_3912 : vector<16xf32>
      %eq3A_3914 = arith.constant 9 : i32
      %eq3A_3915 = vector.broadcast %eq3A_3914 : i32 to vector<16xi32>
      %eq3A_3916 = arith.cmpi eq, %iota3A, %eq3A_3915 : vector<16xi32>
      %add3A_3917 = arith.constant 8 : i32
      %add3A_3918 = vector.broadcast %add3A_3917 : i32 to vector<16xi32>
      %add3A_3919 = arith.addi %iota3A, %add3A_3918 : vector<16xi32>
      %and3A_3920 = arith.constant 15 : i32
      %and3A_3921 = vector.broadcast %and3A_3920 : i32 to vector<16xi32>
      %and3A_3922 = arith.andi %add3A_3919, %and3A_3921 : vector<16xi32>
      %broadcast_in_dim3A_3923 = vector.shape_cast %and3A_3922 : vector<16xi32> to vector<16x1xi32>
      %gather3A_3924 = vector.shape_cast %broadcast_in_dim3A_3923 : vector<16x1xi32> to vector<16xi32>
      %gather3A_3925 = tpu.dynamic_gather %add3A_3056[%gather3A_3924] in [0] : vector<16xf32>, vector<16xi32> -> vector<16xf32>
      %add3A_3926 = arith.addf %add3A_3056, %gather3A_3925 : vector<16xf32>
      %add3A_3927 = arith.constant 4 : i32
      %add3A_3928 = vector.broadcast %add3A_3927 : i32 to vector<16xi32>
      %add3A_3929 = arith.addi %iota3A, %add3A_3928 : vector<16xi32>
      %and3A_3930 = arith.constant 15 : i32
      %and3A_3931 = vector.broadcast %and3A_3930 : i32 to vector<16xi32>
      %and3A_3932 = arith.andi %add3A_3929, %and3A_3931 : vector<16xi32>
      %broadcast_in_dim3A_3933 = vector.shape_cast %and3A_3932 : vector<16xi32> to vector<16x1xi32>
      %gather3A_3934 = vector.shape_cast %broadcast_in_dim3A_3933 : vector<16x1xi32> to vector<16xi32>
      %gather3A_3935 = tpu.dynamic_gather %add3A_3926[%gather3A_3934] in [0] : vector<16xf32>, vector<16xi32> -> vector<16xf32>
      %add3A_3936 = arith.addf %add3A_3926, %gather3A_3935 : vector<16xf32>
      %add3A_3937 = arith.constant 2 : i32
      %add3A_3938 = vector.broadcast %add3A_3937 : i32 to vector<16xi32>
      %add3A_3939 = arith.addi %iota3A, %add3A_3938 : vector<16xi32>
      %and3A_3940 = arith.constant 15 : i32
      %and3A_3941 = vector.broadcast %and3A_3940 : i32 to vector<16xi32>
      %and3A_3942 = arith.andi %add3A_3939, %and3A_3941 : vector<16xi32>
      %broadcast_in_dim3A_3943 = vector.shape_cast %and3A_3942 : vector<16xi32> to vector<16x1xi32>
      %gather3A_3944 = vector.shape_cast %broadcast_in_dim3A_3943 : vector<16x1xi32> to vector<16xi32>
      %gather3A_3945 = tpu.dynamic_gather %add3A_3936[%gather3A_3944] in [0] : vector<16xf32>, vector<16xi32> -> vector<16xf32>
      %add3A_3946 = arith.addf %add3A_3936, %gather3A_3945 : vector<16xf32>
      %add3A_3947 = arith.constant 1 : i32
      %add3A_3948 = vector.broadcast %add3A_3947 : i32 to vector<16xi32>
      %add3A_3949 = arith.addi %iota3A, %add3A_3948 : vector<16xi32>
      %and3A_3950 = arith.constant 15 : i32
      %and3A_3951 = vector.broadcast %and3A_3950 : i32 to vector<16xi32>
      %and3A_3952 = arith.andi %add3A_3949, %and3A_3951 : vector<16xi32>
      %broadcast_in_dim3A_3953 = vector.shape_cast %and3A_3952 : vector<16xi32> to vector<16x1xi32>
      %gather3A_3954 = vector.shape_cast %broadcast_in_dim3A_3953 : vector<16x1xi32> to vector<16xi32>
      %gather3A_3955 = tpu.dynamic_gather %add3A_3946[%gather3A_3954] in [0] : vector<16xf32>, vector<16xi32> -> vector<16xf32>
      %add3A_3956 = arith.addf %add3A_3946, %gather3A_3955 : vector<16xf32>
      %select_n3A_3957 = arith.select %eq3A_3916, %add3A_3956, %broadcast_in_dim3A_68 : vector<16xi1>, vector<16xf32>
      %add3A_3958 = arith.addf %add3A_3868, %select_n3A_3957 : vector<16xf32>
      %eq3A_3959 = arith.constant 9 : i32
      %eq3A_3960 = vector.broadcast %eq3A_3959 : i32 to vector<16xi32>
      %eq3A_3961 = arith.cmpi eq, %iota3A, %eq3A_3960 : vector<16xi32>
      %add3A_3962 = arith.constant 8 : i32
      %add3A_3963 = vector.broadcast %add3A_3962 : i32 to vector<16xi32>
      %add3A_3964 = arith.addi %iota3A, %add3A_3963 : vector<16xi32>
      %and3A_3965 = arith.constant 15 : i32
      %and3A_3966 = vector.broadcast %and3A_3965 : i32 to vector<16xi32>
      %and3A_3967 = arith.andi %add3A_3964, %and3A_3966 : vector<16xi32>
      %broadcast_in_dim3A_3968 = vector.shape_cast %and3A_3967 : vector<16xi32> to vector<16x1xi32>
      %gather3A_3969 = vector.shape_cast %broadcast_in_dim3A_3968 : vector<16x1xi32> to vector<16xi32>
      %gather3A_3970 = tpu.dynamic_gather %add3A_3058[%gather3A_3969] in [0] : vector<16xf32>, vector<16xi32> -> vector<16xf32>
      %add3A_3971 = arith.addf %add3A_3058, %gather3A_3970 : vector<16xf32>
      %add3A_3972 = arith.constant 4 : i32
      %add3A_3973 = vector.broadcast %add3A_3972 : i32 to vector<16xi32>
      %add3A_3974 = arith.addi %iota3A, %add3A_3973 : vector<16xi32>
      %and3A_3975 = arith.constant 15 : i32
      %and3A_3976 = vector.broadcast %and3A_3975 : i32 to vector<16xi32>
      %and3A_3977 = arith.andi %add3A_3974, %and3A_3976 : vector<16xi32>
      %broadcast_in_dim3A_3978 = vector.shape_cast %and3A_3977 : vector<16xi32> to vector<16x1xi32>
      %gather3A_3979 = vector.shape_cast %broadcast_in_dim3A_3978 : vector<16x1xi32> to vector<16xi32>
      %gather3A_3980 = tpu.dynamic_gather %add3A_3971[%gather3A_3979] in [0] : vector<16xf32>, vector<16xi32> -> vector<16xf32>
      %add3A_3981 = arith.addf %add3A_3971, %gather3A_3980 : vector<16xf32>
      %add3A_3982 = arith.constant 2 : i32
      %add3A_3983 = vector.broadcast %add3A_3982 : i32 to vector<16xi32>
      %add3A_3984 = arith.addi %iota3A, %add3A_3983 : vector<16xi32>
      %and3A_3985 = arith.constant 15 : i32
      %and3A_3986 = vector.broadcast %and3A_3985 : i32 to vector<16xi32>
      %and3A_3987 = arith.andi %add3A_3984, %and3A_3986 : vector<16xi32>
      %broadcast_in_dim3A_3988 = vector.shape_cast %and3A_3987 : vector<16xi32> to vector<16x1xi32>
      %gather3A_3989 = vector.shape_cast %broadcast_in_dim3A_3988 : vector<16x1xi32> to vector<16xi32>
      %gather3A_3990 = tpu.dynamic_gather %add3A_3981[%gather3A_3989] in [0] : vector<16xf32>, vector<16xi32> -> vector<16xf32>
      %add3A_3991 = arith.addf %add3A_3981, %gather3A_3990 : vector<16xf32>
      %add3A_3992 = arith.constant 1 : i32
      %add3A_3993 = vector.broadcast %add3A_3992 : i32 to vector<16xi32>
      %add3A_3994 = arith.addi %iota3A, %add3A_3993 : vector<16xi32>
      %and3A_3995 = arith.constant 15 : i32
      %and3A_3996 = vector.broadcast %and3A_3995 : i32 to vector<16xi32>
      %and3A_3997 = arith.andi %add3A_3994, %and3A_3996 : vector<16xi32>
      %broadcast_in_dim3A_3998 = vector.shape_cast %and3A_3997 : vector<16xi32> to vector<16x1xi32>
      %gather3A_3999 = vector.shape_cast %broadcast_in_dim3A_3998 : vector<16x1xi32> to vector<16xi32>
      %gather3A_4000 = tpu.dynamic_gather %add3A_3991[%gather3A_3999] in [0] : vector<16xf32>, vector<16xi32> -> vector<16xf32>
      %add3A_4001 = arith.addf %add3A_3991, %gather3A_4000 : vector<16xf32>
      %select_n3A_4002 = arith.select %eq3A_3961, %add3A_4001, %broadcast_in_dim3A_68 : vector<16xi1>, vector<16xf32>
      %add3A_4003 = arith.addf %add3A_3913, %select_n3A_4002 : vector<16xf32>
      %eq3A_4004 = arith.constant 10 : i32
      %eq3A_4005 = vector.broadcast %eq3A_4004 : i32 to vector<16xi32>
      %eq3A_4006 = arith.cmpi eq, %iota3A, %eq3A_4005 : vector<16xi32>
      %add3A_4007 = arith.constant 8 : i32
      %add3A_4008 = vector.broadcast %add3A_4007 : i32 to vector<16xi32>
      %add3A_4009 = arith.addi %iota3A, %add3A_4008 : vector<16xi32>
      %and3A_4010 = arith.constant 15 : i32
      %and3A_4011 = vector.broadcast %and3A_4010 : i32 to vector<16xi32>
      %and3A_4012 = arith.andi %add3A_4009, %and3A_4011 : vector<16xi32>
      %broadcast_in_dim3A_4013 = vector.shape_cast %and3A_4012 : vector<16xi32> to vector<16x1xi32>
      %gather3A_4014 = vector.shape_cast %broadcast_in_dim3A_4013 : vector<16x1xi32> to vector<16xi32>
      %gather3A_4015 = tpu.dynamic_gather %add3A_3063[%gather3A_4014] in [0] : vector<16xf32>, vector<16xi32> -> vector<16xf32>
      %add3A_4016 = arith.addf %add3A_3063, %gather3A_4015 : vector<16xf32>
      %add3A_4017 = arith.constant 4 : i32
      %add3A_4018 = vector.broadcast %add3A_4017 : i32 to vector<16xi32>
      %add3A_4019 = arith.addi %iota3A, %add3A_4018 : vector<16xi32>
      %and3A_4020 = arith.constant 15 : i32
      %and3A_4021 = vector.broadcast %and3A_4020 : i32 to vector<16xi32>
      %and3A_4022 = arith.andi %add3A_4019, %and3A_4021 : vector<16xi32>
      %broadcast_in_dim3A_4023 = vector.shape_cast %and3A_4022 : vector<16xi32> to vector<16x1xi32>
      %gather3A_4024 = vector.shape_cast %broadcast_in_dim3A_4023 : vector<16x1xi32> to vector<16xi32>
      %gather3A_4025 = tpu.dynamic_gather %add3A_4016[%gather3A_4024] in [0] : vector<16xf32>, vector<16xi32> -> vector<16xf32>
      %add3A_4026 = arith.addf %add3A_4016, %gather3A_4025 : vector<16xf32>
      %add3A_4027 = arith.constant 2 : i32
      %add3A_4028 = vector.broadcast %add3A_4027 : i32 to vector<16xi32>
      %add3A_4029 = arith.addi %iota3A, %add3A_4028 : vector<16xi32>
      %and3A_4030 = arith.constant 15 : i32
      %and3A_4031 = vector.broadcast %and3A_4030 : i32 to vector<16xi32>
      %and3A_4032 = arith.andi %add3A_4029, %and3A_4031 : vector<16xi32>
      %broadcast_in_dim3A_4033 = vector.shape_cast %and3A_4032 : vector<16xi32> to vector<16x1xi32>
      %gather3A_4034 = vector.shape_cast %broadcast_in_dim3A_4033 : vector<16x1xi32> to vector<16xi32>
      %gather3A_4035 = tpu.dynamic_gather %add3A_4026[%gather3A_4034] in [0] : vector<16xf32>, vector<16xi32> -> vector<16xf32>
      %add3A_4036 = arith.addf %add3A_4026, %gather3A_4035 : vector<16xf32>
      %add3A_4037 = arith.constant 1 : i32
      %add3A_4038 = vector.broadcast %add3A_4037 : i32 to vector<16xi32>
      %add3A_4039 = arith.addi %iota3A, %add3A_4038 : vector<16xi32>
      %and3A_4040 = arith.constant 15 : i32
      %and3A_4041 = vector.broadcast %and3A_4040 : i32 to vector<16xi32>
      %and3A_4042 = arith.andi %add3A_4039, %and3A_4041 : vector<16xi32>
      %broadcast_in_dim3A_4043 = vector.shape_cast %and3A_4042 : vector<16xi32> to vector<16x1xi32>
      %gather3A_4044 = vector.shape_cast %broadcast_in_dim3A_4043 : vector<16x1xi32> to vector<16xi32>
      %gather3A_4045 = tpu.dynamic_gather %add3A_4036[%gather3A_4044] in [0] : vector<16xf32>, vector<16xi32> -> vector<16xf32>
      %add3A_4046 = arith.addf %add3A_4036, %gather3A_4045 : vector<16xf32>
      %select_n3A_4047 = arith.select %eq3A_4006, %add3A_4046, %broadcast_in_dim3A_68 : vector<16xi1>, vector<16xf32>
      %add3A_4048 = arith.addf %add3A_3958, %select_n3A_4047 : vector<16xf32>
      %eq3A_4049 = arith.constant 10 : i32
      %eq3A_4050 = vector.broadcast %eq3A_4049 : i32 to vector<16xi32>
      %eq3A_4051 = arith.cmpi eq, %iota3A, %eq3A_4050 : vector<16xi32>
      %add3A_4052 = arith.constant 8 : i32
      %add3A_4053 = vector.broadcast %add3A_4052 : i32 to vector<16xi32>
      %add3A_4054 = arith.addi %iota3A, %add3A_4053 : vector<16xi32>
      %and3A_4055 = arith.constant 15 : i32
      %and3A_4056 = vector.broadcast %and3A_4055 : i32 to vector<16xi32>
      %and3A_4057 = arith.andi %add3A_4054, %and3A_4056 : vector<16xi32>
      %broadcast_in_dim3A_4058 = vector.shape_cast %and3A_4057 : vector<16xi32> to vector<16x1xi32>
      %gather3A_4059 = vector.shape_cast %broadcast_in_dim3A_4058 : vector<16x1xi32> to vector<16xi32>
      %gather3A_4060 = tpu.dynamic_gather %add3A_3065[%gather3A_4059] in [0] : vector<16xf32>, vector<16xi32> -> vector<16xf32>
      %add3A_4061 = arith.addf %add3A_3065, %gather3A_4060 : vector<16xf32>
      %add3A_4062 = arith.constant 4 : i32
      %add3A_4063 = vector.broadcast %add3A_4062 : i32 to vector<16xi32>
      %add3A_4064 = arith.addi %iota3A, %add3A_4063 : vector<16xi32>
      %and3A_4065 = arith.constant 15 : i32
      %and3A_4066 = vector.broadcast %and3A_4065 : i32 to vector<16xi32>
      %and3A_4067 = arith.andi %add3A_4064, %and3A_4066 : vector<16xi32>
      %broadcast_in_dim3A_4068 = vector.shape_cast %and3A_4067 : vector<16xi32> to vector<16x1xi32>
      %gather3A_4069 = vector.shape_cast %broadcast_in_dim3A_4068 : vector<16x1xi32> to vector<16xi32>
      %gather3A_4070 = tpu.dynamic_gather %add3A_4061[%gather3A_4069] in [0] : vector<16xf32>, vector<16xi32> -> vector<16xf32>
      %add3A_4071 = arith.addf %add3A_4061, %gather3A_4070 : vector<16xf32>
      %add3A_4072 = arith.constant 2 : i32
      %add3A_4073 = vector.broadcast %add3A_4072 : i32 to vector<16xi32>
      %add3A_4074 = arith.addi %iota3A, %add3A_4073 : vector<16xi32>
      %and3A_4075 = arith.constant 15 : i32
      %and3A_4076 = vector.broadcast %and3A_4075 : i32 to vector<16xi32>
      %and3A_4077 = arith.andi %add3A_4074, %and3A_4076 : vector<16xi32>
      %broadcast_in_dim3A_4078 = vector.shape_cast %and3A_4077 : vector<16xi32> to vector<16x1xi32>
      %gather3A_4079 = vector.shape_cast %broadcast_in_dim3A_4078 : vector<16x1xi32> to vector<16xi32>
      %gather3A_4080 = tpu.dynamic_gather %add3A_4071[%gather3A_4079] in [0] : vector<16xf32>, vector<16xi32> -> vector<16xf32>
      %add3A_4081 = arith.addf %add3A_4071, %gather3A_4080 : vector<16xf32>
      %add3A_4082 = arith.constant 1 : i32
      %add3A_4083 = vector.broadcast %add3A_4082 : i32 to vector<16xi32>
      %add3A_4084 = arith.addi %iota3A, %add3A_4083 : vector<16xi32>
      %and3A_4085 = arith.constant 15 : i32
      %and3A_4086 = vector.broadcast %and3A_4085 : i32 to vector<16xi32>
      %and3A_4087 = arith.andi %add3A_4084, %and3A_4086 : vector<16xi32>
      %broadcast_in_dim3A_4088 = vector.shape_cast %and3A_4087 : vector<16xi32> to vector<16x1xi32>
      %gather3A_4089 = vector.shape_cast %broadcast_in_dim3A_4088 : vector<16x1xi32> to vector<16xi32>
      %gather3A_4090 = tpu.dynamic_gather %add3A_4081[%gather3A_4089] in [0] : vector<16xf32>, vector<16xi32> -> vector<16xf32>
      %add3A_4091 = arith.addf %add3A_4081, %gather3A_4090 : vector<16xf32>
      %select_n3A_4092 = arith.select %eq3A_4051, %add3A_4091, %broadcast_in_dim3A_68 : vector<16xi1>, vector<16xf32>
      %add3A_4093 = arith.addf %add3A_4003, %select_n3A_4092 : vector<16xf32>
      %eq3A_4094 = arith.constant 11 : i32
      %eq3A_4095 = vector.broadcast %eq3A_4094 : i32 to vector<16xi32>
      %eq3A_4096 = arith.cmpi eq, %iota3A, %eq3A_4095 : vector<16xi32>
      %add3A_4097 = arith.constant 8 : i32
      %add3A_4098 = vector.broadcast %add3A_4097 : i32 to vector<16xi32>
      %add3A_4099 = arith.addi %iota3A, %add3A_4098 : vector<16xi32>
      %and3A_4100 = arith.constant 15 : i32
      %and3A_4101 = vector.broadcast %and3A_4100 : i32 to vector<16xi32>
      %and3A_4102 = arith.andi %add3A_4099, %and3A_4101 : vector<16xi32>
      %broadcast_in_dim3A_4103 = vector.shape_cast %and3A_4102 : vector<16xi32> to vector<16x1xi32>
      %gather3A_4104 = vector.shape_cast %broadcast_in_dim3A_4103 : vector<16x1xi32> to vector<16xi32>
      %gather3A_4105 = tpu.dynamic_gather %add3A_3070[%gather3A_4104] in [0] : vector<16xf32>, vector<16xi32> -> vector<16xf32>
      %add3A_4106 = arith.addf %add3A_3070, %gather3A_4105 : vector<16xf32>
      %add3A_4107 = arith.constant 4 : i32
      %add3A_4108 = vector.broadcast %add3A_4107 : i32 to vector<16xi32>
      %add3A_4109 = arith.addi %iota3A, %add3A_4108 : vector<16xi32>
      %and3A_4110 = arith.constant 15 : i32
      %and3A_4111 = vector.broadcast %and3A_4110 : i32 to vector<16xi32>
      %and3A_4112 = arith.andi %add3A_4109, %and3A_4111 : vector<16xi32>
      %broadcast_in_dim3A_4113 = vector.shape_cast %and3A_4112 : vector<16xi32> to vector<16x1xi32>
      %gather3A_4114 = vector.shape_cast %broadcast_in_dim3A_4113 : vector<16x1xi32> to vector<16xi32>
      %gather3A_4115 = tpu.dynamic_gather %add3A_4106[%gather3A_4114] in [0] : vector<16xf32>, vector<16xi32> -> vector<16xf32>
      %add3A_4116 = arith.addf %add3A_4106, %gather3A_4115 : vector<16xf32>
      %add3A_4117 = arith.constant 2 : i32
      %add3A_4118 = vector.broadcast %add3A_4117 : i32 to vector<16xi32>
      %add3A_4119 = arith.addi %iota3A, %add3A_4118 : vector<16xi32>
      %and3A_4120 = arith.constant 15 : i32
      %and3A_4121 = vector.broadcast %and3A_4120 : i32 to vector<16xi32>
      %and3A_4122 = arith.andi %add3A_4119, %and3A_4121 : vector<16xi32>
      %broadcast_in_dim3A_4123 = vector.shape_cast %and3A_4122 : vector<16xi32> to vector<16x1xi32>
      %gather3A_4124 = vector.shape_cast %broadcast_in_dim3A_4123 : vector<16x1xi32> to vector<16xi32>
      %gather3A_4125 = tpu.dynamic_gather %add3A_4116[%gather3A_4124] in [0] : vector<16xf32>, vector<16xi32> -> vector<16xf32>
      %add3A_4126 = arith.addf %add3A_4116, %gather3A_4125 : vector<16xf32>
      %add3A_4127 = arith.constant 1 : i32
      %add3A_4128 = vector.broadcast %add3A_4127 : i32 to vector<16xi32>
      %add3A_4129 = arith.addi %iota3A, %add3A_4128 : vector<16xi32>
      %and3A_4130 = arith.constant 15 : i32
      %and3A_4131 = vector.broadcast %and3A_4130 : i32 to vector<16xi32>
      %and3A_4132 = arith.andi %add3A_4129, %and3A_4131 : vector<16xi32>
      %broadcast_in_dim3A_4133 = vector.shape_cast %and3A_4132 : vector<16xi32> to vector<16x1xi32>
      %gather3A_4134 = vector.shape_cast %broadcast_in_dim3A_4133 : vector<16x1xi32> to vector<16xi32>
      %gather3A_4135 = tpu.dynamic_gather %add3A_4126[%gather3A_4134] in [0] : vector<16xf32>, vector<16xi32> -> vector<16xf32>
      %add3A_4136 = arith.addf %add3A_4126, %gather3A_4135 : vector<16xf32>
      %select_n3A_4137 = arith.select %eq3A_4096, %add3A_4136, %broadcast_in_dim3A_68 : vector<16xi1>, vector<16xf32>
      %add3A_4138 = arith.addf %add3A_4048, %select_n3A_4137 : vector<16xf32>
      %eq3A_4139 = arith.constant 11 : i32
      %eq3A_4140 = vector.broadcast %eq3A_4139 : i32 to vector<16xi32>
      %eq3A_4141 = arith.cmpi eq, %iota3A, %eq3A_4140 : vector<16xi32>
      %add3A_4142 = arith.constant 8 : i32
      %add3A_4143 = vector.broadcast %add3A_4142 : i32 to vector<16xi32>
      %add3A_4144 = arith.addi %iota3A, %add3A_4143 : vector<16xi32>
      %and3A_4145 = arith.constant 15 : i32
      %and3A_4146 = vector.broadcast %and3A_4145 : i32 to vector<16xi32>
      %and3A_4147 = arith.andi %add3A_4144, %and3A_4146 : vector<16xi32>
      %broadcast_in_dim3A_4148 = vector.shape_cast %and3A_4147 : vector<16xi32> to vector<16x1xi32>
      %gather3A_4149 = vector.shape_cast %broadcast_in_dim3A_4148 : vector<16x1xi32> to vector<16xi32>
      %gather3A_4150 = tpu.dynamic_gather %add3A_3072[%gather3A_4149] in [0] : vector<16xf32>, vector<16xi32> -> vector<16xf32>
      %add3A_4151 = arith.addf %add3A_3072, %gather3A_4150 : vector<16xf32>
      %add3A_4152 = arith.constant 4 : i32
      %add3A_4153 = vector.broadcast %add3A_4152 : i32 to vector<16xi32>
      %add3A_4154 = arith.addi %iota3A, %add3A_4153 : vector<16xi32>
      %and3A_4155 = arith.constant 15 : i32
      %and3A_4156 = vector.broadcast %and3A_4155 : i32 to vector<16xi32>
      %and3A_4157 = arith.andi %add3A_4154, %and3A_4156 : vector<16xi32>
      %broadcast_in_dim3A_4158 = vector.shape_cast %and3A_4157 : vector<16xi32> to vector<16x1xi32>
      %gather3A_4159 = vector.shape_cast %broadcast_in_dim3A_4158 : vector<16x1xi32> to vector<16xi32>
      %gather3A_4160 = tpu.dynamic_gather %add3A_4151[%gather3A_4159] in [0] : vector<16xf32>, vector<16xi32> -> vector<16xf32>
      %add3A_4161 = arith.addf %add3A_4151, %gather3A_4160 : vector<16xf32>
      %add3A_4162 = arith.constant 2 : i32
      %add3A_4163 = vector.broadcast %add3A_4162 : i32 to vector<16xi32>
      %add3A_4164 = arith.addi %iota3A, %add3A_4163 : vector<16xi32>
      %and3A_4165 = arith.constant 15 : i32
      %and3A_4166 = vector.broadcast %and3A_4165 : i32 to vector<16xi32>
      %and3A_4167 = arith.andi %add3A_4164, %and3A_4166 : vector<16xi32>
      %broadcast_in_dim3A_4168 = vector.shape_cast %and3A_4167 : vector<16xi32> to vector<16x1xi32>
      %gather3A_4169 = vector.shape_cast %broadcast_in_dim3A_4168 : vector<16x1xi32> to vector<16xi32>
      %gather3A_4170 = tpu.dynamic_gather %add3A_4161[%gather3A_4169] in [0] : vector<16xf32>, vector<16xi32> -> vector<16xf32>
      %add3A_4171 = arith.addf %add3A_4161, %gather3A_4170 : vector<16xf32>
      %add3A_4172 = arith.constant 1 : i32
      %add3A_4173 = vector.broadcast %add3A_4172 : i32 to vector<16xi32>
      %add3A_4174 = arith.addi %iota3A, %add3A_4173 : vector<16xi32>
      %and3A_4175 = arith.constant 15 : i32
      %and3A_4176 = vector.broadcast %and3A_4175 : i32 to vector<16xi32>
      %and3A_4177 = arith.andi %add3A_4174, %and3A_4176 : vector<16xi32>
      %broadcast_in_dim3A_4178 = vector.shape_cast %and3A_4177 : vector<16xi32> to vector<16x1xi32>
      %gather3A_4179 = vector.shape_cast %broadcast_in_dim3A_4178 : vector<16x1xi32> to vector<16xi32>
      %gather3A_4180 = tpu.dynamic_gather %add3A_4171[%gather3A_4179] in [0] : vector<16xf32>, vector<16xi32> -> vector<16xf32>
      %add3A_4181 = arith.addf %add3A_4171, %gather3A_4180 : vector<16xf32>
      %select_n3A_4182 = arith.select %eq3A_4141, %add3A_4181, %broadcast_in_dim3A_68 : vector<16xi1>, vector<16xf32>
      %add3A_4183 = arith.addf %add3A_4093, %select_n3A_4182 : vector<16xf32>
      %eq3A_4184 = arith.constant 12 : i32
      %eq3A_4185 = vector.broadcast %eq3A_4184 : i32 to vector<16xi32>
      %eq3A_4186 = arith.cmpi eq, %iota3A, %eq3A_4185 : vector<16xi32>
      %add3A_4187 = arith.constant 8 : i32
      %add3A_4188 = vector.broadcast %add3A_4187 : i32 to vector<16xi32>
      %add3A_4189 = arith.addi %iota3A, %add3A_4188 : vector<16xi32>
      %and3A_4190 = arith.constant 15 : i32
      %and3A_4191 = vector.broadcast %and3A_4190 : i32 to vector<16xi32>
      %and3A_4192 = arith.andi %add3A_4189, %and3A_4191 : vector<16xi32>
      %broadcast_in_dim3A_4193 = vector.shape_cast %and3A_4192 : vector<16xi32> to vector<16x1xi32>
      %gather3A_4194 = vector.shape_cast %broadcast_in_dim3A_4193 : vector<16x1xi32> to vector<16xi32>
      %gather3A_4195 = tpu.dynamic_gather %add3A_3077[%gather3A_4194] in [0] : vector<16xf32>, vector<16xi32> -> vector<16xf32>
      %add3A_4196 = arith.addf %add3A_3077, %gather3A_4195 : vector<16xf32>
      %add3A_4197 = arith.constant 4 : i32
      %add3A_4198 = vector.broadcast %add3A_4197 : i32 to vector<16xi32>
      %add3A_4199 = arith.addi %iota3A, %add3A_4198 : vector<16xi32>
      %and3A_4200 = arith.constant 15 : i32
      %and3A_4201 = vector.broadcast %and3A_4200 : i32 to vector<16xi32>
      %and3A_4202 = arith.andi %add3A_4199, %and3A_4201 : vector<16xi32>
      %broadcast_in_dim3A_4203 = vector.shape_cast %and3A_4202 : vector<16xi32> to vector<16x1xi32>
      %gather3A_4204 = vector.shape_cast %broadcast_in_dim3A_4203 : vector<16x1xi32> to vector<16xi32>
      %gather3A_4205 = tpu.dynamic_gather %add3A_4196[%gather3A_4204] in [0] : vector<16xf32>, vector<16xi32> -> vector<16xf32>
      %add3A_4206 = arith.addf %add3A_4196, %gather3A_4205 : vector<16xf32>
      %add3A_4207 = arith.constant 2 : i32
      %add3A_4208 = vector.broadcast %add3A_4207 : i32 to vector<16xi32>
      %add3A_4209 = arith.addi %iota3A, %add3A_4208 : vector<16xi32>
      %and3A_4210 = arith.constant 15 : i32
      %and3A_4211 = vector.broadcast %and3A_4210 : i32 to vector<16xi32>
      %and3A_4212 = arith.andi %add3A_4209, %and3A_4211 : vector<16xi32>
      %broadcast_in_dim3A_4213 = vector.shape_cast %and3A_4212 : vector<16xi32> to vector<16x1xi32>
      %gather3A_4214 = vector.shape_cast %broadcast_in_dim3A_4213 : vector<16x1xi32> to vector<16xi32>
      %gather3A_4215 = tpu.dynamic_gather %add3A_4206[%gather3A_4214] in [0] : vector<16xf32>, vector<16xi32> -> vector<16xf32>
      %add3A_4216 = arith.addf %add3A_4206, %gather3A_4215 : vector<16xf32>
      %add3A_4217 = arith.constant 1 : i32
      %add3A_4218 = vector.broadcast %add3A_4217 : i32 to vector<16xi32>
      %add3A_4219 = arith.addi %iota3A, %add3A_4218 : vector<16xi32>
      %and3A_4220 = arith.constant 15 : i32
      %and3A_4221 = vector.broadcast %and3A_4220 : i32 to vector<16xi32>
      %and3A_4222 = arith.andi %add3A_4219, %and3A_4221 : vector<16xi32>
      %broadcast_in_dim3A_4223 = vector.shape_cast %and3A_4222 : vector<16xi32> to vector<16x1xi32>
      %gather3A_4224 = vector.shape_cast %broadcast_in_dim3A_4223 : vector<16x1xi32> to vector<16xi32>
      %gather3A_4225 = tpu.dynamic_gather %add3A_4216[%gather3A_4224] in [0] : vector<16xf32>, vector<16xi32> -> vector<16xf32>
      %add3A_4226 = arith.addf %add3A_4216, %gather3A_4225 : vector<16xf32>
      %select_n3A_4227 = arith.select %eq3A_4186, %add3A_4226, %broadcast_in_dim3A_68 : vector<16xi1>, vector<16xf32>
      %add3A_4228 = arith.addf %add3A_4138, %select_n3A_4227 : vector<16xf32>
      %eq3A_4229 = arith.constant 12 : i32
      %eq3A_4230 = vector.broadcast %eq3A_4229 : i32 to vector<16xi32>
      %eq3A_4231 = arith.cmpi eq, %iota3A, %eq3A_4230 : vector<16xi32>
      %add3A_4232 = arith.constant 8 : i32
      %add3A_4233 = vector.broadcast %add3A_4232 : i32 to vector<16xi32>
      %add3A_4234 = arith.addi %iota3A, %add3A_4233 : vector<16xi32>
      %and3A_4235 = arith.constant 15 : i32
      %and3A_4236 = vector.broadcast %and3A_4235 : i32 to vector<16xi32>
      %and3A_4237 = arith.andi %add3A_4234, %and3A_4236 : vector<16xi32>
      %broadcast_in_dim3A_4238 = vector.shape_cast %and3A_4237 : vector<16xi32> to vector<16x1xi32>
      %gather3A_4239 = vector.shape_cast %broadcast_in_dim3A_4238 : vector<16x1xi32> to vector<16xi32>
      %gather3A_4240 = tpu.dynamic_gather %add3A_3079[%gather3A_4239] in [0] : vector<16xf32>, vector<16xi32> -> vector<16xf32>
      %add3A_4241 = arith.addf %add3A_3079, %gather3A_4240 : vector<16xf32>
      %add3A_4242 = arith.constant 4 : i32
      %add3A_4243 = vector.broadcast %add3A_4242 : i32 to vector<16xi32>
      %add3A_4244 = arith.addi %iota3A, %add3A_4243 : vector<16xi32>
      %and3A_4245 = arith.constant 15 : i32
      %and3A_4246 = vector.broadcast %and3A_4245 : i32 to vector<16xi32>
      %and3A_4247 = arith.andi %add3A_4244, %and3A_4246 : vector<16xi32>
      %broadcast_in_dim3A_4248 = vector.shape_cast %and3A_4247 : vector<16xi32> to vector<16x1xi32>
      %gather3A_4249 = vector.shape_cast %broadcast_in_dim3A_4248 : vector<16x1xi32> to vector<16xi32>
      %gather3A_4250 = tpu.dynamic_gather %add3A_4241[%gather3A_4249] in [0] : vector<16xf32>, vector<16xi32> -> vector<16xf32>
      %add3A_4251 = arith.addf %add3A_4241, %gather3A_4250 : vector<16xf32>
      %add3A_4252 = arith.constant 2 : i32
      %add3A_4253 = vector.broadcast %add3A_4252 : i32 to vector<16xi32>
      %add3A_4254 = arith.addi %iota3A, %add3A_4253 : vector<16xi32>
      %and3A_4255 = arith.constant 15 : i32
      %and3A_4256 = vector.broadcast %and3A_4255 : i32 to vector<16xi32>
      %and3A_4257 = arith.andi %add3A_4254, %and3A_4256 : vector<16xi32>
      %broadcast_in_dim3A_4258 = vector.shape_cast %and3A_4257 : vector<16xi32> to vector<16x1xi32>
      %gather3A_4259 = vector.shape_cast %broadcast_in_dim3A_4258 : vector<16x1xi32> to vector<16xi32>
      %gather3A_4260 = tpu.dynamic_gather %add3A_4251[%gather3A_4259] in [0] : vector<16xf32>, vector<16xi32> -> vector<16xf32>
      %add3A_4261 = arith.addf %add3A_4251, %gather3A_4260 : vector<16xf32>
      %add3A_4262 = arith.constant 1 : i32
      %add3A_4263 = vector.broadcast %add3A_4262 : i32 to vector<16xi32>
      %add3A_4264 = arith.addi %iota3A, %add3A_4263 : vector<16xi32>
      %and3A_4265 = arith.constant 15 : i32
      %and3A_4266 = vector.broadcast %and3A_4265 : i32 to vector<16xi32>
      %and3A_4267 = arith.andi %add3A_4264, %and3A_4266 : vector<16xi32>
      %broadcast_in_dim3A_4268 = vector.shape_cast %and3A_4267 : vector<16xi32> to vector<16x1xi32>
      %gather3A_4269 = vector.shape_cast %broadcast_in_dim3A_4268 : vector<16x1xi32> to vector<16xi32>
      %gather3A_4270 = tpu.dynamic_gather %add3A_4261[%gather3A_4269] in [0] : vector<16xf32>, vector<16xi32> -> vector<16xf32>
      %add3A_4271 = arith.addf %add3A_4261, %gather3A_4270 : vector<16xf32>
      %select_n3A_4272 = arith.select %eq3A_4231, %add3A_4271, %broadcast_in_dim3A_68 : vector<16xi1>, vector<16xf32>
      %add3A_4273 = arith.addf %add3A_4183, %select_n3A_4272 : vector<16xf32>
      %eq3A_4274 = arith.constant 13 : i32
      %eq3A_4275 = vector.broadcast %eq3A_4274 : i32 to vector<16xi32>
      %eq3A_4276 = arith.cmpi eq, %iota3A, %eq3A_4275 : vector<16xi32>
      %add3A_4277 = arith.constant 8 : i32
      %add3A_4278 = vector.broadcast %add3A_4277 : i32 to vector<16xi32>
      %add3A_4279 = arith.addi %iota3A, %add3A_4278 : vector<16xi32>
      %and3A_4280 = arith.constant 15 : i32
      %and3A_4281 = vector.broadcast %and3A_4280 : i32 to vector<16xi32>
      %and3A_4282 = arith.andi %add3A_4279, %and3A_4281 : vector<16xi32>
      %broadcast_in_dim3A_4283 = vector.shape_cast %and3A_4282 : vector<16xi32> to vector<16x1xi32>
      %gather3A_4284 = vector.shape_cast %broadcast_in_dim3A_4283 : vector<16x1xi32> to vector<16xi32>
      %gather3A_4285 = tpu.dynamic_gather %add3A_3084[%gather3A_4284] in [0] : vector<16xf32>, vector<16xi32> -> vector<16xf32>
      %add3A_4286 = arith.addf %add3A_3084, %gather3A_4285 : vector<16xf32>
      %add3A_4287 = arith.constant 4 : i32
      %add3A_4288 = vector.broadcast %add3A_4287 : i32 to vector<16xi32>
      %add3A_4289 = arith.addi %iota3A, %add3A_4288 : vector<16xi32>
      %and3A_4290 = arith.constant 15 : i32
      %and3A_4291 = vector.broadcast %and3A_4290 : i32 to vector<16xi32>
      %and3A_4292 = arith.andi %add3A_4289, %and3A_4291 : vector<16xi32>
      %broadcast_in_dim3A_4293 = vector.shape_cast %and3A_4292 : vector<16xi32> to vector<16x1xi32>
      %gather3A_4294 = vector.shape_cast %broadcast_in_dim3A_4293 : vector<16x1xi32> to vector<16xi32>
      %gather3A_4295 = tpu.dynamic_gather %add3A_4286[%gather3A_4294] in [0] : vector<16xf32>, vector<16xi32> -> vector<16xf32>
      %add3A_4296 = arith.addf %add3A_4286, %gather3A_4295 : vector<16xf32>
      %add3A_4297 = arith.constant 2 : i32
      %add3A_4298 = vector.broadcast %add3A_4297 : i32 to vector<16xi32>
      %add3A_4299 = arith.addi %iota3A, %add3A_4298 : vector<16xi32>
      %and3A_4300 = arith.constant 15 : i32
      %and3A_4301 = vector.broadcast %and3A_4300 : i32 to vector<16xi32>
      %and3A_4302 = arith.andi %add3A_4299, %and3A_4301 : vector<16xi32>
      %broadcast_in_dim3A_4303 = vector.shape_cast %and3A_4302 : vector<16xi32> to vector<16x1xi32>
      %gather3A_4304 = vector.shape_cast %broadcast_in_dim3A_4303 : vector<16x1xi32> to vector<16xi32>
      %gather3A_4305 = tpu.dynamic_gather %add3A_4296[%gather3A_4304] in [0] : vector<16xf32>, vector<16xi32> -> vector<16xf32>
      %add3A_4306 = arith.addf %add3A_4296, %gather3A_4305 : vector<16xf32>
      %add3A_4307 = arith.constant 1 : i32
      %add3A_4308 = vector.broadcast %add3A_4307 : i32 to vector<16xi32>
      %add3A_4309 = arith.addi %iota3A, %add3A_4308 : vector<16xi32>
      %and3A_4310 = arith.constant 15 : i32
      %and3A_4311 = vector.broadcast %and3A_4310 : i32 to vector<16xi32>
      %and3A_4312 = arith.andi %add3A_4309, %and3A_4311 : vector<16xi32>
      %broadcast_in_dim3A_4313 = vector.shape_cast %and3A_4312 : vector<16xi32> to vector<16x1xi32>
      %gather3A_4314 = vector.shape_cast %broadcast_in_dim3A_4313 : vector<16x1xi32> to vector<16xi32>
      %gather3A_4315 = tpu.dynamic_gather %add3A_4306[%gather3A_4314] in [0] : vector<16xf32>, vector<16xi32> -> vector<16xf32>
      %add3A_4316 = arith.addf %add3A_4306, %gather3A_4315 : vector<16xf32>
      %select_n3A_4317 = arith.select %eq3A_4276, %add3A_4316, %broadcast_in_dim3A_68 : vector<16xi1>, vector<16xf32>
      %add3A_4318 = arith.addf %add3A_4228, %select_n3A_4317 : vector<16xf32>
      %eq3A_4319 = arith.constant 13 : i32
      %eq3A_4320 = vector.broadcast %eq3A_4319 : i32 to vector<16xi32>
      %eq3A_4321 = arith.cmpi eq, %iota3A, %eq3A_4320 : vector<16xi32>
      %add3A_4322 = arith.constant 8 : i32
      %add3A_4323 = vector.broadcast %add3A_4322 : i32 to vector<16xi32>
      %add3A_4324 = arith.addi %iota3A, %add3A_4323 : vector<16xi32>
      %and3A_4325 = arith.constant 15 : i32
      %and3A_4326 = vector.broadcast %and3A_4325 : i32 to vector<16xi32>
      %and3A_4327 = arith.andi %add3A_4324, %and3A_4326 : vector<16xi32>
      %broadcast_in_dim3A_4328 = vector.shape_cast %and3A_4327 : vector<16xi32> to vector<16x1xi32>
      %gather3A_4329 = vector.shape_cast %broadcast_in_dim3A_4328 : vector<16x1xi32> to vector<16xi32>
      %gather3A_4330 = tpu.dynamic_gather %add3A_3086[%gather3A_4329] in [0] : vector<16xf32>, vector<16xi32> -> vector<16xf32>
      %add3A_4331 = arith.addf %add3A_3086, %gather3A_4330 : vector<16xf32>
      %add3A_4332 = arith.constant 4 : i32
      %add3A_4333 = vector.broadcast %add3A_4332 : i32 to vector<16xi32>
      %add3A_4334 = arith.addi %iota3A, %add3A_4333 : vector<16xi32>
      %and3A_4335 = arith.constant 15 : i32
      %and3A_4336 = vector.broadcast %and3A_4335 : i32 to vector<16xi32>
      %and3A_4337 = arith.andi %add3A_4334, %and3A_4336 : vector<16xi32>
      %broadcast_in_dim3A_4338 = vector.shape_cast %and3A_4337 : vector<16xi32> to vector<16x1xi32>
      %gather3A_4339 = vector.shape_cast %broadcast_in_dim3A_4338 : vector<16x1xi32> to vector<16xi32>
      %gather3A_4340 = tpu.dynamic_gather %add3A_4331[%gather3A_4339] in [0] : vector<16xf32>, vector<16xi32> -> vector<16xf32>
      %add3A_4341 = arith.addf %add3A_4331, %gather3A_4340 : vector<16xf32>
      %add3A_4342 = arith.constant 2 : i32
      %add3A_4343 = vector.broadcast %add3A_4342 : i32 to vector<16xi32>
      %add3A_4344 = arith.addi %iota3A, %add3A_4343 : vector<16xi32>
      %and3A_4345 = arith.constant 15 : i32
      %and3A_4346 = vector.broadcast %and3A_4345 : i32 to vector<16xi32>
      %and3A_4347 = arith.andi %add3A_4344, %and3A_4346 : vector<16xi32>
      %broadcast_in_dim3A_4348 = vector.shape_cast %and3A_4347 : vector<16xi32> to vector<16x1xi32>
      %gather3A_4349 = vector.shape_cast %broadcast_in_dim3A_4348 : vector<16x1xi32> to vector<16xi32>
      %gather3A_4350 = tpu.dynamic_gather %add3A_4341[%gather3A_4349] in [0] : vector<16xf32>, vector<16xi32> -> vector<16xf32>
      %add3A_4351 = arith.addf %add3A_4341, %gather3A_4350 : vector<16xf32>
      %add3A_4352 = arith.constant 1 : i32
      %add3A_4353 = vector.broadcast %add3A_4352 : i32 to vector<16xi32>
      %add3A_4354 = arith.addi %iota3A, %add3A_4353 : vector<16xi32>
      %and3A_4355 = arith.constant 15 : i32
      %and3A_4356 = vector.broadcast %and3A_4355 : i32 to vector<16xi32>
      %and3A_4357 = arith.andi %add3A_4354, %and3A_4356 : vector<16xi32>
      %broadcast_in_dim3A_4358 = vector.shape_cast %and3A_4357 : vector<16xi32> to vector<16x1xi32>
      %gather3A_4359 = vector.shape_cast %broadcast_in_dim3A_4358 : vector<16x1xi32> to vector<16xi32>
      %gather3A_4360 = tpu.dynamic_gather %add3A_4351[%gather3A_4359] in [0] : vector<16xf32>, vector<16xi32> -> vector<16xf32>
      %add3A_4361 = arith.addf %add3A_4351, %gather3A_4360 : vector<16xf32>
      %select_n3A_4362 = arith.select %eq3A_4321, %add3A_4361, %broadcast_in_dim3A_68 : vector<16xi1>, vector<16xf32>
      %add3A_4363 = arith.addf %add3A_4273, %select_n3A_4362 : vector<16xf32>
      %eq3A_4364 = arith.constant 14 : i32
      %eq3A_4365 = vector.broadcast %eq3A_4364 : i32 to vector<16xi32>
      %eq3A_4366 = arith.cmpi eq, %iota3A, %eq3A_4365 : vector<16xi32>
      %add3A_4367 = arith.constant 8 : i32
      %add3A_4368 = vector.broadcast %add3A_4367 : i32 to vector<16xi32>
      %add3A_4369 = arith.addi %iota3A, %add3A_4368 : vector<16xi32>
      %and3A_4370 = arith.constant 15 : i32
      %and3A_4371 = vector.broadcast %and3A_4370 : i32 to vector<16xi32>
      %and3A_4372 = arith.andi %add3A_4369, %and3A_4371 : vector<16xi32>
      %broadcast_in_dim3A_4373 = vector.shape_cast %and3A_4372 : vector<16xi32> to vector<16x1xi32>
      %gather3A_4374 = vector.shape_cast %broadcast_in_dim3A_4373 : vector<16x1xi32> to vector<16xi32>
      %gather3A_4375 = tpu.dynamic_gather %add3A_3091[%gather3A_4374] in [0] : vector<16xf32>, vector<16xi32> -> vector<16xf32>
      %add3A_4376 = arith.addf %add3A_3091, %gather3A_4375 : vector<16xf32>
      %add3A_4377 = arith.constant 4 : i32
      %add3A_4378 = vector.broadcast %add3A_4377 : i32 to vector<16xi32>
      %add3A_4379 = arith.addi %iota3A, %add3A_4378 : vector<16xi32>
      %and3A_4380 = arith.constant 15 : i32
      %and3A_4381 = vector.broadcast %and3A_4380 : i32 to vector<16xi32>
      %and3A_4382 = arith.andi %add3A_4379, %and3A_4381 : vector<16xi32>
      %broadcast_in_dim3A_4383 = vector.shape_cast %and3A_4382 : vector<16xi32> to vector<16x1xi32>
      %gather3A_4384 = vector.shape_cast %broadcast_in_dim3A_4383 : vector<16x1xi32> to vector<16xi32>
      %gather3A_4385 = tpu.dynamic_gather %add3A_4376[%gather3A_4384] in [0] : vector<16xf32>, vector<16xi32> -> vector<16xf32>
      %add3A_4386 = arith.addf %add3A_4376, %gather3A_4385 : vector<16xf32>
      %add3A_4387 = arith.constant 2 : i32
      %add3A_4388 = vector.broadcast %add3A_4387 : i32 to vector<16xi32>
      %add3A_4389 = arith.addi %iota3A, %add3A_4388 : vector<16xi32>
      %and3A_4390 = arith.constant 15 : i32
      %and3A_4391 = vector.broadcast %and3A_4390 : i32 to vector<16xi32>
      %and3A_4392 = arith.andi %add3A_4389, %and3A_4391 : vector<16xi32>
      %broadcast_in_dim3A_4393 = vector.shape_cast %and3A_4392 : vector<16xi32> to vector<16x1xi32>
      %gather3A_4394 = vector.shape_cast %broadcast_in_dim3A_4393 : vector<16x1xi32> to vector<16xi32>
      %gather3A_4395 = tpu.dynamic_gather %add3A_4386[%gather3A_4394] in [0] : vector<16xf32>, vector<16xi32> -> vector<16xf32>
      %add3A_4396 = arith.addf %add3A_4386, %gather3A_4395 : vector<16xf32>
      %add3A_4397 = arith.constant 1 : i32
      %add3A_4398 = vector.broadcast %add3A_4397 : i32 to vector<16xi32>
      %add3A_4399 = arith.addi %iota3A, %add3A_4398 : vector<16xi32>
      %and3A_4400 = arith.constant 15 : i32
      %and3A_4401 = vector.broadcast %and3A_4400 : i32 to vector<16xi32>
      %and3A_4402 = arith.andi %add3A_4399, %and3A_4401 : vector<16xi32>
      %broadcast_in_dim3A_4403 = vector.shape_cast %and3A_4402 : vector<16xi32> to vector<16x1xi32>
      %gather3A_4404 = vector.shape_cast %broadcast_in_dim3A_4403 : vector<16x1xi32> to vector<16xi32>
      %gather3A_4405 = tpu.dynamic_gather %add3A_4396[%gather3A_4404] in [0] : vector<16xf32>, vector<16xi32> -> vector<16xf32>
      %add3A_4406 = arith.addf %add3A_4396, %gather3A_4405 : vector<16xf32>
      %select_n3A_4407 = arith.select %eq3A_4366, %add3A_4406, %broadcast_in_dim3A_68 : vector<16xi1>, vector<16xf32>
      %add3A_4408 = arith.addf %add3A_4318, %select_n3A_4407 : vector<16xf32>
      %eq3A_4409 = arith.constant 14 : i32
      %eq3A_4410 = vector.broadcast %eq3A_4409 : i32 to vector<16xi32>
      %eq3A_4411 = arith.cmpi eq, %iota3A, %eq3A_4410 : vector<16xi32>
      %add3A_4412 = arith.constant 8 : i32
      %add3A_4413 = vector.broadcast %add3A_4412 : i32 to vector<16xi32>
      %add3A_4414 = arith.addi %iota3A, %add3A_4413 : vector<16xi32>
      %and3A_4415 = arith.constant 15 : i32
      %and3A_4416 = vector.broadcast %and3A_4415 : i32 to vector<16xi32>
      %and3A_4417 = arith.andi %add3A_4414, %and3A_4416 : vector<16xi32>
      %broadcast_in_dim3A_4418 = vector.shape_cast %and3A_4417 : vector<16xi32> to vector<16x1xi32>
      %gather3A_4419 = vector.shape_cast %broadcast_in_dim3A_4418 : vector<16x1xi32> to vector<16xi32>
      %gather3A_4420 = tpu.dynamic_gather %add3A_3093[%gather3A_4419] in [0] : vector<16xf32>, vector<16xi32> -> vector<16xf32>
      %add3A_4421 = arith.addf %add3A_3093, %gather3A_4420 : vector<16xf32>
      %add3A_4422 = arith.constant 4 : i32
      %add3A_4423 = vector.broadcast %add3A_4422 : i32 to vector<16xi32>
      %add3A_4424 = arith.addi %iota3A, %add3A_4423 : vector<16xi32>
      %and3A_4425 = arith.constant 15 : i32
      %and3A_4426 = vector.broadcast %and3A_4425 : i32 to vector<16xi32>
      %and3A_4427 = arith.andi %add3A_4424, %and3A_4426 : vector<16xi32>
      %broadcast_in_dim3A_4428 = vector.shape_cast %and3A_4427 : vector<16xi32> to vector<16x1xi32>
      %gather3A_4429 = vector.shape_cast %broadcast_in_dim3A_4428 : vector<16x1xi32> to vector<16xi32>
      %gather3A_4430 = tpu.dynamic_gather %add3A_4421[%gather3A_4429] in [0] : vector<16xf32>, vector<16xi32> -> vector<16xf32>
      %add3A_4431 = arith.addf %add3A_4421, %gather3A_4430 : vector<16xf32>
      %add3A_4432 = arith.constant 2 : i32
      %add3A_4433 = vector.broadcast %add3A_4432 : i32 to vector<16xi32>
      %add3A_4434 = arith.addi %iota3A, %add3A_4433 : vector<16xi32>
      %and3A_4435 = arith.constant 15 : i32
      %and3A_4436 = vector.broadcast %and3A_4435 : i32 to vector<16xi32>
      %and3A_4437 = arith.andi %add3A_4434, %and3A_4436 : vector<16xi32>
      %broadcast_in_dim3A_4438 = vector.shape_cast %and3A_4437 : vector<16xi32> to vector<16x1xi32>
      %gather3A_4439 = vector.shape_cast %broadcast_in_dim3A_4438 : vector<16x1xi32> to vector<16xi32>
      %gather3A_4440 = tpu.dynamic_gather %add3A_4431[%gather3A_4439] in [0] : vector<16xf32>, vector<16xi32> -> vector<16xf32>
      %add3A_4441 = arith.addf %add3A_4431, %gather3A_4440 : vector<16xf32>
      %add3A_4442 = arith.constant 1 : i32
      %add3A_4443 = vector.broadcast %add3A_4442 : i32 to vector<16xi32>
      %add3A_4444 = arith.addi %iota3A, %add3A_4443 : vector<16xi32>
      %and3A_4445 = arith.constant 15 : i32
      %and3A_4446 = vector.broadcast %and3A_4445 : i32 to vector<16xi32>
      %and3A_4447 = arith.andi %add3A_4444, %and3A_4446 : vector<16xi32>
      %broadcast_in_dim3A_4448 = vector.shape_cast %and3A_4447 : vector<16xi32> to vector<16x1xi32>
      %gather3A_4449 = vector.shape_cast %broadcast_in_dim3A_4448 : vector<16x1xi32> to vector<16xi32>
      %gather3A_4450 = tpu.dynamic_gather %add3A_4441[%gather3A_4449] in [0] : vector<16xf32>, vector<16xi32> -> vector<16xf32>
      %add3A_4451 = arith.addf %add3A_4441, %gather3A_4450 : vector<16xf32>
      %select_n3A_4452 = arith.select %eq3A_4411, %add3A_4451, %broadcast_in_dim3A_68 : vector<16xi1>, vector<16xf32>
      %add3A_4453 = arith.addf %add3A_4363, %select_n3A_4452 : vector<16xf32>
      %eq3A_4454 = arith.constant 15 : i32
      %eq3A_4455 = vector.broadcast %eq3A_4454 : i32 to vector<16xi32>
      %eq3A_4456 = arith.cmpi eq, %iota3A, %eq3A_4455 : vector<16xi32>
      %add3A_4457 = arith.constant 8 : i32
      %add3A_4458 = vector.broadcast %add3A_4457 : i32 to vector<16xi32>
      %add3A_4459 = arith.addi %iota3A, %add3A_4458 : vector<16xi32>
      %and3A_4460 = arith.constant 15 : i32
      %and3A_4461 = vector.broadcast %and3A_4460 : i32 to vector<16xi32>
      %and3A_4462 = arith.andi %add3A_4459, %and3A_4461 : vector<16xi32>
      %broadcast_in_dim3A_4463 = vector.shape_cast %and3A_4462 : vector<16xi32> to vector<16x1xi32>
      %gather3A_4464 = vector.shape_cast %broadcast_in_dim3A_4463 : vector<16x1xi32> to vector<16xi32>
      %gather3A_4465 = tpu.dynamic_gather %add3A_3098[%gather3A_4464] in [0] : vector<16xf32>, vector<16xi32> -> vector<16xf32>
      %add3A_4466 = arith.addf %add3A_3098, %gather3A_4465 : vector<16xf32>
      %add3A_4467 = arith.constant 4 : i32
      %add3A_4468 = vector.broadcast %add3A_4467 : i32 to vector<16xi32>
      %add3A_4469 = arith.addi %iota3A, %add3A_4468 : vector<16xi32>
      %and3A_4470 = arith.constant 15 : i32
      %and3A_4471 = vector.broadcast %and3A_4470 : i32 to vector<16xi32>
      %and3A_4472 = arith.andi %add3A_4469, %and3A_4471 : vector<16xi32>
      %broadcast_in_dim3A_4473 = vector.shape_cast %and3A_4472 : vector<16xi32> to vector<16x1xi32>
      %gather3A_4474 = vector.shape_cast %broadcast_in_dim3A_4473 : vector<16x1xi32> to vector<16xi32>
      %gather3A_4475 = tpu.dynamic_gather %add3A_4466[%gather3A_4474] in [0] : vector<16xf32>, vector<16xi32> -> vector<16xf32>
      %add3A_4476 = arith.addf %add3A_4466, %gather3A_4475 : vector<16xf32>
      %add3A_4477 = arith.constant 2 : i32
      %add3A_4478 = vector.broadcast %add3A_4477 : i32 to vector<16xi32>
      %add3A_4479 = arith.addi %iota3A, %add3A_4478 : vector<16xi32>
      %and3A_4480 = arith.constant 15 : i32
      %and3A_4481 = vector.broadcast %and3A_4480 : i32 to vector<16xi32>
      %and3A_4482 = arith.andi %add3A_4479, %and3A_4481 : vector<16xi32>
      %broadcast_in_dim3A_4483 = vector.shape_cast %and3A_4482 : vector<16xi32> to vector<16x1xi32>
      %gather3A_4484 = vector.shape_cast %broadcast_in_dim3A_4483 : vector<16x1xi32> to vector<16xi32>
      %gather3A_4485 = tpu.dynamic_gather %add3A_4476[%gather3A_4484] in [0] : vector<16xf32>, vector<16xi32> -> vector<16xf32>
      %add3A_4486 = arith.addf %add3A_4476, %gather3A_4485 : vector<16xf32>
      %add3A_4487 = arith.constant 1 : i32
      %add3A_4488 = vector.broadcast %add3A_4487 : i32 to vector<16xi32>
      %add3A_4489 = arith.addi %iota3A, %add3A_4488 : vector<16xi32>
      %and3A_4490 = arith.constant 15 : i32
      %and3A_4491 = vector.broadcast %and3A_4490 : i32 to vector<16xi32>
      %and3A_4492 = arith.andi %add3A_4489, %and3A_4491 : vector<16xi32>
      %broadcast_in_dim3A_4493 = vector.shape_cast %and3A_4492 : vector<16xi32> to vector<16x1xi32>
      %gather3A_4494 = vector.shape_cast %broadcast_in_dim3A_4493 : vector<16x1xi32> to vector<16xi32>
      %gather3A_4495 = tpu.dynamic_gather %add3A_4486[%gather3A_4494] in [0] : vector<16xf32>, vector<16xi32> -> vector<16xf32>
      %add3A_4496 = arith.addf %add3A_4486, %gather3A_4495 : vector<16xf32>
      %select_n3A_4497 = arith.select %eq3A_4456, %add3A_4496, %broadcast_in_dim3A_68 : vector<16xi1>, vector<16xf32>
      %add3A_4498 = arith.addf %add3A_4408, %select_n3A_4497 : vector<16xf32>
      %eq3A_4499 = arith.constant 15 : i32
      %eq3A_4500 = vector.broadcast %eq3A_4499 : i32 to vector<16xi32>
      %eq3A_4501 = arith.cmpi eq, %iota3A, %eq3A_4500 : vector<16xi32>
      %add3A_4502 = arith.constant 8 : i32
      %add3A_4503 = vector.broadcast %add3A_4502 : i32 to vector<16xi32>
      %add3A_4504 = arith.addi %iota3A, %add3A_4503 : vector<16xi32>
      %and3A_4505 = arith.constant 15 : i32
      %and3A_4506 = vector.broadcast %and3A_4505 : i32 to vector<16xi32>
      %and3A_4507 = arith.andi %add3A_4504, %and3A_4506 : vector<16xi32>
      %broadcast_in_dim3A_4508 = vector.shape_cast %and3A_4507 : vector<16xi32> to vector<16x1xi32>
      %gather3A_4509 = vector.shape_cast %broadcast_in_dim3A_4508 : vector<16x1xi32> to vector<16xi32>
      %gather3A_4510 = tpu.dynamic_gather %add3A_3100[%gather3A_4509] in [0] : vector<16xf32>, vector<16xi32> -> vector<16xf32>
      %add3A_4511 = arith.addf %add3A_3100, %gather3A_4510 : vector<16xf32>
      %add3A_4512 = arith.constant 4 : i32
      %add3A_4513 = vector.broadcast %add3A_4512 : i32 to vector<16xi32>
      %add3A_4514 = arith.addi %iota3A, %add3A_4513 : vector<16xi32>
      %and3A_4515 = arith.constant 15 : i32
      %and3A_4516 = vector.broadcast %and3A_4515 : i32 to vector<16xi32>
      %and3A_4517 = arith.andi %add3A_4514, %and3A_4516 : vector<16xi32>
      %broadcast_in_dim3A_4518 = vector.shape_cast %and3A_4517 : vector<16xi32> to vector<16x1xi32>
      %gather3A_4519 = vector.shape_cast %broadcast_in_dim3A_4518 : vector<16x1xi32> to vector<16xi32>
      %gather3A_4520 = tpu.dynamic_gather %add3A_4511[%gather3A_4519] in [0] : vector<16xf32>, vector<16xi32> -> vector<16xf32>
      %add3A_4521 = arith.addf %add3A_4511, %gather3A_4520 : vector<16xf32>
      %add3A_4522 = arith.constant 2 : i32
      %add3A_4523 = vector.broadcast %add3A_4522 : i32 to vector<16xi32>
      %add3A_4524 = arith.addi %iota3A, %add3A_4523 : vector<16xi32>
      %and3A_4525 = arith.constant 15 : i32
      %and3A_4526 = vector.broadcast %and3A_4525 : i32 to vector<16xi32>
      %and3A_4527 = arith.andi %add3A_4524, %and3A_4526 : vector<16xi32>
      %broadcast_in_dim3A_4528 = vector.shape_cast %and3A_4527 : vector<16xi32> to vector<16x1xi32>
      %gather3A_4529 = vector.shape_cast %broadcast_in_dim3A_4528 : vector<16x1xi32> to vector<16xi32>
      %gather3A_4530 = tpu.dynamic_gather %add3A_4521[%gather3A_4529] in [0] : vector<16xf32>, vector<16xi32> -> vector<16xf32>
      %add3A_4531 = arith.addf %add3A_4521, %gather3A_4530 : vector<16xf32>
      %add3A_4532 = arith.constant 1 : i32
      %add3A_4533 = vector.broadcast %add3A_4532 : i32 to vector<16xi32>
      %add3A_4534 = arith.addi %iota3A, %add3A_4533 : vector<16xi32>
      %and3A_4535 = arith.constant 15 : i32
      %and3A_4536 = vector.broadcast %and3A_4535 : i32 to vector<16xi32>
      %and3A_4537 = arith.andi %add3A_4534, %and3A_4536 : vector<16xi32>
      %broadcast_in_dim3A_4538 = vector.shape_cast %and3A_4537 : vector<16xi32> to vector<16x1xi32>
      %gather3A_4539 = vector.shape_cast %broadcast_in_dim3A_4538 : vector<16x1xi32> to vector<16xi32>
      %gather3A_4540 = tpu.dynamic_gather %add3A_4531[%gather3A_4539] in [0] : vector<16xf32>, vector<16xi32> -> vector<16xf32>
      %add3A_4541 = arith.addf %add3A_4531, %gather3A_4540 : vector<16xf32>
      %select_n3A_4542 = arith.select %eq3A_4501, %add3A_4541, %broadcast_in_dim3A_68 : vector<16xi1>, vector<16xf32>
      %add3A_4543 = arith.addf %add3A_4453, %select_n3A_4542 : vector<16xf32>
      %gt3A_4544 = arith.constant 0.000000e+00 : f32
      %gt3A_4545 = vector.broadcast %gt3A_4544 : f32 to vector<16xf32>
      %gt3A_4546 = arith.cmpf ogt, %add3A_4543, %gt3A_4545 : vector<16xf32>
      %jit3A_4547 = arith.constant 1.000000e+00 : f32
      %jit3A_4548 = arith.constant 0.000000e+00 : f32
      %broadcast_in_dim3A_4549 = vector.broadcast %jit3A_4547 : f32 to vector<16xf32>
      %broadcast_in_dim3A_4550 = vector.broadcast %jit3A_4548 : f32 to vector<16xf32>
      %select_n3A_4551 = arith.select %gt3A_4546, %broadcast_in_dim3A_4549, %broadcast_in_dim3A_4550 : vector<16xi1>, vector<16xf32>
      %add3A_4552 = arith.constant 1.000000e-01 : f32
      %add3A_4553 = vector.broadcast %add3A_4552 : f32 to vector<16xf32>
      %add3A_4554 = arith.addf %add3A_4498, %add3A_4553 : vector<16xf32>
      %add3A_4555 = arith.constant 1.000000e-01 : f32
      %add3A_4556 = vector.broadcast %add3A_4555 : f32 to vector<16xf32>
      %add3A_4557 = arith.addf %add3A_4543, %add3A_4556 : vector<16xf32>
      %div3A_4558 = arith.divf %add3A_4554, %add3A_4557 : vector<16xf32>
      %mul3A_4559 = arith.mulf %select_n3A_4551, %div3A_4558 : vector<16xf32>
      %add3A_4560 = arith.constant 8 : i32
      %add3A_4561 = vector.broadcast %add3A_4560 : i32 to vector<16xi32>
      %add3A_4562 = arith.addi %iota3A, %add3A_4561 : vector<16xi32>
      %and3A_4563 = arith.constant 15 : i32
      %and3A_4564 = vector.broadcast %and3A_4563 : i32 to vector<16xi32>
      %and3A_4565 = arith.andi %add3A_4562, %and3A_4564 : vector<16xi32>
      %broadcast_in_dim3A_4566 = vector.shape_cast %and3A_4565 : vector<16xi32> to vector<16x1xi32>
      %gather3A_4567 = vector.shape_cast %broadcast_in_dim3A_4566 : vector<16x1xi32> to vector<16xi32>
      %gather3A_4568 = tpu.dynamic_gather %select_n3A_4551[%gather3A_4567] in [0] : vector<16xf32>, vector<16xi32> -> vector<16xf32>
      %add3A_4569 = arith.addf %select_n3A_4551, %gather3A_4568 : vector<16xf32>
      %add3A_4570 = arith.constant 4 : i32
      %add3A_4571 = vector.broadcast %add3A_4570 : i32 to vector<16xi32>
      %add3A_4572 = arith.addi %iota3A, %add3A_4571 : vector<16xi32>
      %and3A_4573 = arith.constant 15 : i32
      %and3A_4574 = vector.broadcast %and3A_4573 : i32 to vector<16xi32>
      %and3A_4575 = arith.andi %add3A_4572, %and3A_4574 : vector<16xi32>
      %broadcast_in_dim3A_4576 = vector.shape_cast %and3A_4575 : vector<16xi32> to vector<16x1xi32>
      %gather3A_4577 = vector.shape_cast %broadcast_in_dim3A_4576 : vector<16x1xi32> to vector<16xi32>
      %gather3A_4578 = tpu.dynamic_gather %add3A_4569[%gather3A_4577] in [0] : vector<16xf32>, vector<16xi32> -> vector<16xf32>
      %add3A_4579 = arith.addf %add3A_4569, %gather3A_4578 : vector<16xf32>
      %add3A_4580 = arith.constant 2 : i32
      %add3A_4581 = vector.broadcast %add3A_4580 : i32 to vector<16xi32>
      %add3A_4582 = arith.addi %iota3A, %add3A_4581 : vector<16xi32>
      %and3A_4583 = arith.constant 15 : i32
      %and3A_4584 = vector.broadcast %and3A_4583 : i32 to vector<16xi32>
      %and3A_4585 = arith.andi %add3A_4582, %and3A_4584 : vector<16xi32>
      %broadcast_in_dim3A_4586 = vector.shape_cast %and3A_4585 : vector<16xi32> to vector<16x1xi32>
      %gather3A_4587 = vector.shape_cast %broadcast_in_dim3A_4586 : vector<16x1xi32> to vector<16xi32>
      %gather3A_4588 = tpu.dynamic_gather %add3A_4579[%gather3A_4587] in [0] : vector<16xf32>, vector<16xi32> -> vector<16xf32>
      %add3A_4589 = arith.addf %add3A_4579, %gather3A_4588 : vector<16xf32>
      %add3A_4590 = arith.constant 1 : i32
      %add3A_4591 = vector.broadcast %add3A_4590 : i32 to vector<16xi32>
      %add3A_4592 = arith.addi %iota3A, %add3A_4591 : vector<16xi32>
      %and3A_4593 = arith.constant 15 : i32
      %and3A_4594 = vector.broadcast %and3A_4593 : i32 to vector<16xi32>
      %and3A_4595 = arith.andi %add3A_4592, %and3A_4594 : vector<16xi32>
      %broadcast_in_dim3A_4596 = vector.shape_cast %and3A_4595 : vector<16xi32> to vector<16x1xi32>
      %gather3A_4597 = vector.shape_cast %broadcast_in_dim3A_4596 : vector<16x1xi32> to vector<16xi32>
      %gather3A_4598 = tpu.dynamic_gather %add3A_4589[%gather3A_4597] in [0] : vector<16xf32>, vector<16xi32> -> vector<16xf32>
      %add3A_4599 = arith.addf %add3A_4589, %gather3A_4598 : vector<16xf32>
      %add3A_4600 = arith.constant 8 : i32
      %add3A_4601 = vector.broadcast %add3A_4600 : i32 to vector<16xi32>
      %add3A_4602 = arith.addi %iota3A, %add3A_4601 : vector<16xi32>
      %and3A_4603 = arith.constant 15 : i32
      %and3A_4604 = vector.broadcast %and3A_4603 : i32 to vector<16xi32>
      %and3A_4605 = arith.andi %add3A_4602, %and3A_4604 : vector<16xi32>
      %broadcast_in_dim3A_4606 = vector.shape_cast %and3A_4605 : vector<16xi32> to vector<16x1xi32>
      %gather3A_4607 = vector.shape_cast %broadcast_in_dim3A_4606 : vector<16x1xi32> to vector<16xi32>
      %gather3A_4608 = tpu.dynamic_gather %mul3A_4559[%gather3A_4607] in [0] : vector<16xf32>, vector<16xi32> -> vector<16xf32>
      %add3A_4609 = arith.addf %mul3A_4559, %gather3A_4608 : vector<16xf32>
      %add3A_4610 = arith.constant 4 : i32
      %add3A_4611 = vector.broadcast %add3A_4610 : i32 to vector<16xi32>
      %add3A_4612 = arith.addi %iota3A, %add3A_4611 : vector<16xi32>
      %and3A_4613 = arith.constant 15 : i32
      %and3A_4614 = vector.broadcast %and3A_4613 : i32 to vector<16xi32>
      %and3A_4615 = arith.andi %add3A_4612, %and3A_4614 : vector<16xi32>
      %broadcast_in_dim3A_4616 = vector.shape_cast %and3A_4615 : vector<16xi32> to vector<16x1xi32>
      %gather3A_4617 = vector.shape_cast %broadcast_in_dim3A_4616 : vector<16x1xi32> to vector<16xi32>
      %gather3A_4618 = tpu.dynamic_gather %add3A_4609[%gather3A_4617] in [0] : vector<16xf32>, vector<16xi32> -> vector<16xf32>
      %add3A_4619 = arith.addf %add3A_4609, %gather3A_4618 : vector<16xf32>
      %add3A_4620 = arith.constant 2 : i32
      %add3A_4621 = vector.broadcast %add3A_4620 : i32 to vector<16xi32>
      %add3A_4622 = arith.addi %iota3A, %add3A_4621 : vector<16xi32>
      %and3A_4623 = arith.constant 15 : i32
      %and3A_4624 = vector.broadcast %and3A_4623 : i32 to vector<16xi32>
      %and3A_4625 = arith.andi %add3A_4622, %and3A_4624 : vector<16xi32>
      %broadcast_in_dim3A_4626 = vector.shape_cast %and3A_4625 : vector<16xi32> to vector<16x1xi32>
      %gather3A_4627 = vector.shape_cast %broadcast_in_dim3A_4626 : vector<16x1xi32> to vector<16xi32>
      %gather3A_4628 = tpu.dynamic_gather %add3A_4619[%gather3A_4627] in [0] : vector<16xf32>, vector<16xi32> -> vector<16xf32>
      %add3A_4629 = arith.addf %add3A_4619, %gather3A_4628 : vector<16xf32>
      %add3A_4630 = arith.constant 1 : i32
      %add3A_4631 = vector.broadcast %add3A_4630 : i32 to vector<16xi32>
      %add3A_4632 = arith.addi %iota3A, %add3A_4631 : vector<16xi32>
      %and3A_4633 = arith.constant 15 : i32
      %and3A_4634 = vector.broadcast %and3A_4633 : i32 to vector<16xi32>
      %and3A_4635 = arith.andi %add3A_4632, %and3A_4634 : vector<16xi32>
      %broadcast_in_dim3A_4636 = vector.shape_cast %and3A_4635 : vector<16xi32> to vector<16x1xi32>
      %gather3A_4637 = vector.shape_cast %broadcast_in_dim3A_4636 : vector<16x1xi32> to vector<16xi32>
      %gather3A_4638 = tpu.dynamic_gather %add3A_4629[%gather3A_4637] in [0] : vector<16xf32>, vector<16xi32> -> vector<16xf32>
      %add3A_4639 = arith.addf %add3A_4629, %gather3A_4638 : vector<16xf32>
      %div3A_4640 = arith.divf %add3A_4639, %add3A_4599 : vector<16xf32>
      %sub3A_4641 = arith.constant 1.000000e+00 : f32
      %sub3A_4642 = vector.broadcast %sub3A_4641 : f32 to vector<16xf32>
      %sub3A_4643 = arith.subf %sub3A_4642, %div3A_4640 : vector<16xf32>
      %swap3A = arith.constant 0 : index
      %swap3A_4644 = tpu.vector_load %arg14[%swap3A] {strides = array<i32>} : memref<16xf32, #tpu.memory_space<vmem>>, vector<16xf32>,
      %swap3A_4645 = vector.shape_cast %swap3A_4644 : vector<16xf32> to vector<16xf32>
      %swap3A_4646 = vector.shape_cast %sub3A_4643 : vector<16xf32> to vector<16xf32>
      tpu.vector_store %arg14[%swap3A], %swap3A_4646 {strides = array<i32>} : memref<16xf32, #tpu.memory_space<vmem>>, vector<16xf32>,
      %mul3A_4647 = arith.mulf %div3A_4640, %add3A_4599 : vector<16xf32>
      %add3A_4648 = arith.constant 9.99999997E-7 : f32
      %add3A_4649 = vector.broadcast %add3A_4648 : f32 to vector<16xf32>
      %add3A_4650 = arith.addf %mul3A_4647, %add3A_4649 : vector<16xf32>
      %div3A_4651 = arith.divf %mul3A_4559, %add3A_4650 : vector<16xf32>
      %swap3A_4652 = arith.constant 0 : index
      %swap3A_4653 = tpu.vector_load %arg15[%swap3A_4652] {strides = array<i32>} : memref<16xf32, #tpu.memory_space<vmem>>, vector<16xf32>,
      %swap3A_4654 = vector.shape_cast %swap3A_4653 : vector<16xf32> to vector<16xf32>
      %swap3A_4655 = vector.shape_cast %div3A_4651 : vector<16xf32> to vector<16xf32>
      tpu.vector_store %arg15[%swap3A_4652], %swap3A_4655 {strides = array<i32>} : memref<16xf32, #tpu.memory_space<vmem>>, vector<16xf32>,
      tpu.enqueue_dma source(%arg14 : memref<16xf32, #tpu.memory_space<vmem>>) target(%arg7 : memref<16xf32, #tpu.memory_space<hbm>>) target_semaphore(%arg16 : memref<!tpu.dma_semaphore, #tpu.memory_space<semaphore_mem>>)
      tpu.enqueue_dma source(%arg15 : memref<16xf32, #tpu.memory_space<vmem>>) target(%arg8 : memref<16xf32, #tpu.memory_space<hbm>>) target_semaphore(%arg16 : memref<!tpu.dma_semaphore, #tpu.memory_space<semaphore_mem>>)
      tpu.wait_dma2 semaphore(%arg16 : memref<!tpu.dma_semaphore, #tpu.memory_space<semaphore_mem>>) src(%arg14 : memref<16xf32, #tpu.memory_space<vmem>>) dst(%arg7 : memref<16xf32, #tpu.memory_space<hbm>>)
      tpu.wait_dma2 semaphore(%arg16 : memref<!tpu.dma_semaphore, #tpu.memory_space<semaphore_mem>>) src(%arg15 : memref<16xf32, #tpu.memory_space<vmem>>) dst(%arg8 : memref<16xf32, #tpu.memory_space<hbm>>)
    } else {
    }
    return
  }
}

module attributes {stable_mosaic.version = 14 : i64} {
  func.func @_reduce_body(%arg0: i32, %arg1: i32, %arg2: i32, %arg3: memref<1x64x64x256xf32, #tpu.memory_space<vmem>>, %arg4: memref<1x64x64x256xf32, #tpu.memory_space<vmem>>, %arg5: memref<1x1x64x256xf32, #tpu.memory_space<vmem>>, %arg6: memref<1x1x1x64xf32, #tpu.memory_space<vmem>>, %arg7: memref<1x1x1x64xf32, #tpu.memory_space<vmem>>, %arg8: memref<1x1x1x64xf32, #tpu.memory_space<vmem>>) attributes {dimension_semantics = [#tpu.dimension_semantics<arbitrary>, #tpu.dimension_semantics<arbitrary>, #tpu.dimension_semantics<arbitrary>], iteration_bounds = array<i64: 4, 1, 4>, scalar_prefetch = 0 : i64, scratch_operands = 0 : i64, tpu.core_type = #tpu.core_type<tc>, window_params = [{transform_indices = @transform_0, window_bounds = array<i64: 1, 64, 64, 256>}, {transform_indices = @transform_1, window_bounds = array<i64: 1, 64, 64, 256>}, {transform_indices = @transform_2, window_bounds = array<i64: 1, 1, 64, 256>}, {transform_indices = @transform_3, window_bounds = array<i64: 1, 1, 1, 64>}, {transform_indices = @transform_4, window_bounds = array<i64: 1, 1, 1, 64>}, {transform_indices = @transform_5, window_bounds = array<i64: 1, 1, 1, 64>}]} {
    %get3A = arith.constant 0 : index
    %get3A_0 = arith.constant 0 : index
    %get3A_1 = arith.constant 0 : index
    %get3A_2 = arith.constant 0 : index
    %get3A_3 = vector.load %arg3[%get3A, %get3A_0, %get3A_1, %get3A_2] : memref<1x64x64x256xf32, #tpu.memory_space<vmem>>, vector<1x64x64x256xf32>
    %get3A_4 = vector.shape_cast %get3A_3 : vector<1x64x64x256xf32> to vector<64x64x256xf32>
    %get3A_5 = arith.constant 0 : index
    %get3A_6 = arith.constant 0 : index
    %get3A_7 = arith.constant 0 : index
    %get3A_8 = arith.constant 0 : index
    %get3A_9 = vector.load %arg4[%get3A_5, %get3A_6, %get3A_7, %get3A_8] : memref<1x64x64x256xf32, #tpu.memory_space<vmem>>, vector<1x64x64x256xf32>
    %get3A_10 = vector.shape_cast %get3A_9 : vector<1x64x64x256xf32> to vector<64x64x256xf32>
    %get3A_11 = arith.constant 0 : index
    %get3A_12 = arith.constant 0 : index
    %get3A_13 = arith.constant 0 : index
    %get3A_14 = arith.constant 0 : index
    %get3A_15 = vector.load %arg5[%get3A_11, %get3A_12, %get3A_13, %get3A_14] : memref<1x1x64x256xf32, #tpu.memory_space<vmem>>, vector<1x1x64x256xf32>
    %get3A_16 = vector.shape_cast %get3A_15 : vector<1x1x64x256xf32> to vector<1x64x256xf32>
    %mul3A = arith.mulf %get3A_4, %get3A_10 : vector<64x64x256xf32>
    %add3A = arith.addf %get3A_4, %get3A_10 : vector<64x64x256xf32>
    %mul3A_17 = vector.broadcast %get3A_16 : vector<1x64x256xf32> to vector<64x64x256xf32>
    %mul3A_18 = arith.mulf %mul3A, %mul3A_17 : vector<64x64x256xf32>
    %reduce_sum3A = arith.constant dense<0.000000e+00> : vector<64xf32>
    %reduce_sum3A_19 = vector.multi_reduction <add>, %mul3A_18, %reduce_sum3A [1, 2] : vector<64x64x256xf32> to vector<64xf32>
    %mul3A_20 = vector.broadcast %get3A_16 : vector<1x64x256xf32> to vector<64x64x256xf32>
    %mul3A_21 = arith.mulf %add3A, %mul3A_20 : vector<64x64x256xf32>
    %reduce_sum3A_22 = arith.constant dense<0.000000e+00> : vector<64xf32>
    %reduce_sum3A_23 = vector.multi_reduction <add>, %mul3A_21, %reduce_sum3A_22 [1, 2] : vector<64x64x256xf32> to vector<64xf32>
    %sub3A = arith.subf %reduce_sum3A_23, %reduce_sum3A_19 : vector<64xf32>
    %reduce_max3A = arith.constant dense<0xFF800000> : vector<64xf32>
    %reduce_max3A_24 = vector.multi_reduction <maximumf>, %get3A_10, %reduce_max3A [1, 2] : vector<64x64x256xf32> to vector<64xf32>
    %eq3A = arith.constant 0 : i32
    %eq3A_25 = arith.cmpi eq, %arg2, %eq3A : i32
    %convert_element_type3A = arith.extui %eq3A_25 : i1 to i32
    %cond3A = arith.constant 0 : i32
    %cond3A_26 = arith.cmpi ne, %convert_element_type3A, %cond3A : i32
    scf.if %cond3A_26 {
      %swap3A = arith.constant 0 : index
      %swap3A_31 = arith.constant 0 : index
      %swap3A_32 = arith.constant 0 : index
      %swap3A_33 = arith.constant 0 : index
      %swap3A_34 = vector.load %arg6[%swap3A, %swap3A_31, %swap3A_32, %swap3A_33] : memref<1x1x1x64xf32, #tpu.memory_space<vmem>>, vector<1x1x1x64xf32>
      %swap3A_35 = vector.shape_cast %swap3A_34 : vector<1x1x1x64xf32> to vector<64xf32>
      %swap3A_36 = vector.shape_cast %reduce_sum3A_19 : vector<64xf32> to vector<1x1x1x64xf32>
      tpu.vector_store %arg6[%swap3A, %swap3A_31, %swap3A_32, %swap3A_33], %swap3A_36 {strides = array<i32>} : memref<1x1x1x64xf32, #tpu.memory_space<vmem>>, vector<1x1x1x64xf32>,
      %swap3A_37 = arith.constant 0 : index
      %swap3A_38 = arith.constant 0 : index
      %swap3A_39 = arith.constant 0 : index
      %swap3A_40 = arith.constant 0 : index
      %swap3A_41 = vector.load %arg7[%swap3A_37, %swap3A_38, %swap3A_39, %swap3A_40] : memref<1x1x1x64xf32, #tpu.memory_space<vmem>>, vector<1x1x1x64xf32>
      %swap3A_42 = vector.shape_cast %swap3A_41 : vector<1x1x1x64xf32> to vector<64xf32>
      %swap3A_43 = vector.shape_cast %sub3A : vector<64xf32> to vector<1x1x1x64xf32>
      tpu.vector_store %arg7[%swap3A_37, %swap3A_38, %swap3A_39, %swap3A_40], %swap3A_43 {strides = array<i32>} : memref<1x1x1x64xf32, #tpu.memory_space<vmem>>, vector<1x1x1x64xf32>,
      %swap3A_44 = arith.constant 0 : index
      %swap3A_45 = arith.constant 0 : index
      %swap3A_46 = arith.constant 0 : index
      %swap3A_47 = arith.constant 0 : index
      %swap3A_48 = vector.load %arg8[%swap3A_44, %swap3A_45, %swap3A_46, %swap3A_47] : memref<1x1x1x64xf32, #tpu.memory_space<vmem>>, vector<1x1x1x64xf32>
      %swap3A_49 = vector.shape_cast %swap3A_48 : vector<1x1x1x64xf32> to vector<64xf32>
      %swap3A_50 = vector.shape_cast %reduce_max3A_24 : vector<64xf32> to vector<1x1x1x64xf32>
      tpu.vector_store %arg8[%swap3A_44, %swap3A_45, %swap3A_46, %swap3A_47], %swap3A_50 {strides = array<i32>} : memref<1x1x1x64xf32, #tpu.memory_space<vmem>>, vector<1x1x1x64xf32>,
    } else {
    }
    %ne3A = arith.constant 0 : i32
    %ne3A_27 = arith.cmpi ne, %arg2, %ne3A : i32
    %convert_element_type3A_28 = arith.extui %ne3A_27 : i1 to i32
    %cond3A_29 = arith.constant 0 : i32
    %cond3A_30 = arith.cmpi ne, %convert_element_type3A_28, %cond3A_29 : i32
    scf.if %cond3A_30 {
      %get3A_31 = arith.constant 0 : index
      %get3A_32 = arith.constant 0 : index
      %get3A_33 = arith.constant 0 : index
      %get3A_34 = arith.constant 0 : index
      %get3A_35 = vector.load %arg6[%get3A_31, %get3A_32, %get3A_33, %get3A_34] : memref<1x1x1x64xf32, #tpu.memory_space<vmem>>, vector<1x1x1x64xf32>
      %get3A_36 = vector.shape_cast %get3A_35 : vector<1x1x1x64xf32> to vector<64xf32>
      %add3A_37 = arith.addf %get3A_36, %reduce_sum3A_19 : vector<64xf32>
      %swap3A = arith.constant 0 : index
      %swap3A_38 = arith.constant 0 : index
      %swap3A_39 = arith.constant 0 : index
      %swap3A_40 = arith.constant 0 : index
      %swap3A_41 = vector.load %arg6[%swap3A, %swap3A_38, %swap3A_39, %swap3A_40] : memref<1x1x1x64xf32, #tpu.memory_space<vmem>>, vector<1x1x1x64xf32>
      %swap3A_42 = vector.shape_cast %swap3A_41 : vector<1x1x1x64xf32> to vector<64xf32>
      %swap3A_43 = vector.shape_cast %add3A_37 : vector<64xf32> to vector<1x1x1x64xf32>
      tpu.vector_store %arg6[%swap3A, %swap3A_38, %swap3A_39, %swap3A_40], %swap3A_43 {strides = array<i32>} : memref<1x1x1x64xf32, #tpu.memory_space<vmem>>, vector<1x1x1x64xf32>,
      %get3A_44 = arith.constant 0 : index
      %get3A_45 = arith.constant 0 : index
      %get3A_46 = arith.constant 0 : index
      %get3A_47 = arith.constant 0 : index
      %get3A_48 = vector.load %arg7[%get3A_44, %get3A_45, %get3A_46, %get3A_47] : memref<1x1x1x64xf32, #tpu.memory_space<vmem>>, vector<1x1x1x64xf32>
      %get3A_49 = vector.shape_cast %get3A_48 : vector<1x1x1x64xf32> to vector<64xf32>
      %add3A_50 = arith.addf %get3A_49, %sub3A : vector<64xf32>
      %swap3A_51 = arith.constant 0 : index
      %swap3A_52 = arith.constant 0 : index
      %swap3A_53 = arith.constant 0 : index
      %swap3A_54 = arith.constant 0 : index
      %swap3A_55 = vector.load %arg7[%swap3A_51, %swap3A_52, %swap3A_53, %swap3A_54] : memref<1x1x1x64xf32, #tpu.memory_space<vmem>>, vector<1x1x1x64xf32>
      %swap3A_56 = vector.shape_cast %swap3A_55 : vector<1x1x1x64xf32> to vector<64xf32>
      %swap3A_57 = vector.shape_cast %add3A_50 : vector<64xf32> to vector<1x1x1x64xf32>
      tpu.vector_store %arg7[%swap3A_51, %swap3A_52, %swap3A_53, %swap3A_54], %swap3A_57 {strides = array<i32>} : memref<1x1x1x64xf32, #tpu.memory_space<vmem>>, vector<1x1x1x64xf32>,
      %get3A_58 = arith.constant 0 : index
      %get3A_59 = arith.constant 0 : index
      %get3A_60 = arith.constant 0 : index
      %get3A_61 = arith.constant 0 : index
      %get3A_62 = vector.load %arg8[%get3A_58, %get3A_59, %get3A_60, %get3A_61] : memref<1x1x1x64xf32, #tpu.memory_space<vmem>>, vector<1x1x1x64xf32>
      %get3A_63 = vector.shape_cast %get3A_62 : vector<1x1x1x64xf32> to vector<64xf32>
      %max3A = arith.maximumf %get3A_63, %reduce_max3A_24 : vector<64xf32>
      %swap3A_64 = arith.constant 0 : index
      %swap3A_65 = arith.constant 0 : index
      %swap3A_66 = arith.constant 0 : index
      %swap3A_67 = arith.constant 0 : index
      %swap3A_68 = vector.load %arg8[%swap3A_64, %swap3A_65, %swap3A_66, %swap3A_67] : memref<1x1x1x64xf32, #tpu.memory_space<vmem>>, vector<1x1x1x64xf32>
      %swap3A_69 = vector.shape_cast %swap3A_68 : vector<1x1x1x64xf32> to vector<64xf32>
      %swap3A_70 = vector.shape_cast %max3A : vector<64xf32> to vector<1x1x1x64xf32>
      tpu.vector_store %arg8[%swap3A_64, %swap3A_65, %swap3A_66, %swap3A_67], %swap3A_70 {strides = array<i32>} : memref<1x1x1x64xf32, #tpu.memory_space<vmem>>, vector<1x1x1x64xf32>,
    } else {
    }
    return
  }
  func.func @transform_0(%arg0: i32, %arg1: i32, %arg2: i32) -> (i32, i32, i32, i32) {
    %c0_i32 = arith.constant 0 : i32
    %c0_i32_0 = arith.constant 0 : i32
    return %arg0, %arg1, %arg2, %c0_i32 : i32, i32, i32, i32
  }
  func.func @transform_1(%arg0: i32, %arg1: i32, %arg2: i32) -> (i32, i32, i32, i32) {
    %c0_i32 = arith.constant 0 : i32
    %c0_i32_0 = arith.constant 0 : i32
    return %arg0, %arg1, %arg2, %c0_i32 : i32, i32, i32, i32
  }
  func.func @transform_2(%arg0: i32, %arg1: i32, %arg2: i32) -> (i32, i32, i32, i32) {
    %c0_i32 = arith.constant 0 : i32
    %c0_i32_0 = arith.constant 0 : i32
    %c0_i32_1 = arith.constant 0 : i32
    return %arg0, %c0_i32, %arg2, %c0_i32_0 : i32, i32, i32, i32
  }
  func.func @transform_3(%arg0: i32, %arg1: i32, %arg2: i32) -> (i32, i32, i32, i32) {
    %c0_i32 = arith.constant 0 : i32
    %c0_i32_0 = arith.constant 0 : i32
    %c0_i32_1 = arith.constant 0 : i32
    return %arg0, %arg1, %c0_i32, %c0_i32_0 : i32, i32, i32, i32
  }
  func.func @transform_4(%arg0: i32, %arg1: i32, %arg2: i32) -> (i32, i32, i32, i32) {
    %c0_i32 = arith.constant 0 : i32
    %c0_i32_0 = arith.constant 0 : i32
    %c0_i32_1 = arith.constant 0 : i32
    return %arg0, %arg1, %c0_i32, %c0_i32_0 : i32, i32, i32, i32
  }
  func.func @transform_5(%arg0: i32, %arg1: i32, %arg2: i32) -> (i32, i32, i32, i32) {
    %c0_i32 = arith.constant 0 : i32
    %c0_i32_0 = arith.constant 0 : i32
    %c0_i32_1 = arith.constant 0 : i32
    return %arg0, %arg1, %c0_i32, %c0_i32_0 : i32, i32, i32, i32
  }
}

</mosaic_0001>

<sc_bundles>
// kernel: kernel.4.cloned.1.call-start
scs
__scs_entry_jumppad:
0x0: {  	(pc) =	sbr.rel $0x88, $3  }
0x1: {  	(tag) =	ssettag $0x0;
	lr =	simm.s32 $0x1  }
0x2: {  	[smem:$0x3F9C] =	sst lr;
	_ =	strace $0xD0000000  }
0x3: {  	_ = 	snop  }
0x4: {  	_ = 	snop  }
0x5: {  	_ = 	snop  }
0x6: {  	_ = 	snop  }
0x7: {  	_ = 	snop  }
__scs_overlays_trampoline_lowered:
0x8: {  	[smem:$0x3FAB] =	sst s0  }
0x9: {  	[smem:$0x3FAC] =	sst s1  }
0xa: {  	[smem:$0x3FAD] =	sst s2  }
0xb: {  	[smem:$0x3FAE] =	sst s3  }
0xc: {  	[smem:$0x3FAF] =	sst s4  }
0xd: {  	[smem:$0x3FB0] =	sst s5  }
0xe: {  	[smem:$0x3FB1] =	sst s6  }
0xf: {  	[smem:$0x3FB2] =	sst s7  }
0x10: {  	[smem:$0x3FB3] =	sst s8  }
0x11: {  	[smem:$0x3FB4] =	sst s9;
	s0 =	simm.s32 @!p0 $0x0  }
0x12: {  	s1 =	sld [smem:$0x3F9A];
	s0 =	simm.s32 @p0 $0x1  }
0x13: {  	[smem:$0x3FB5] =	sst s0;
	s0 =	simm.s32 @!p1 $0x0  }
0x14: {  	s2 =	sld [smem:$0x3F99];
	s0 =	simm.s32 @p1 $0x1  }
0x15: {  	[smem:$0x3FB6] =	sst s0;
	s0 =	simm.s32 @!p2 $0x0  }
0x16: {  	s3 =	sld [smem:$0x3FDB];
	s0 =	simm.s32 @p2 $0x1  }
0x17: {  	s4 =	simm.s32 $0x1BF5;
	[smem:$0x3FB8] =	sst s0  }
0x18: {  	s0 =	sld [smem:$0x3F9B];
	_ =	swait.ge [sflag:s4], $0x0  }
0x19: {  	s7 =	sld [smem:$0x3F9C]  }
0x1a: {  	s8 =	sadd.s32 $0xFFFFE003, lr  }
0x1b: {  	s9 =	sadd.s32 $0xFFFFFEF7, lr;
	s5 =	simm.s32 $0xFFFFFFFF;
	p2 =	slt.u32 s8, $0xFFFFF086  }
0x1c: {  	p1 =	slt.u32 s9, $0xF7A;
	s5 =	simm.s32 @!p2 $0x0  }
0x1d: {  	s5 =	simm.s32 @p1 $0x1;
	p0 =	seq.s32 s7, s2  }
0x1e: {  	s7 =	smul.u32 @!p0 $0xF7A, s2;
	p2 =	seq.s32 @!p0 s5, $0x0  }
0x1f: {  	s9 =	smul.u32 $0xF7A, s1;
	s8 =	simm.s32 @!p0 $0x1BF5;
	p2 =	por !p2, p0  }
0x20: {  	[sflag:s8] =	ssyncset.s32 @!p0 $0xFFFFF086;
	s6 =	sadd.s32 @!p0 s3, s7;
	s7 =	simm.s32 @!p0 $0x108  }
0x21: {  	s3 =	sadd.s32 s3, s9;
	s6 =	sadd.s32 @!p0 $0x88, s6;
	s7 =	simm.s32 @p2 $0x1082  }
0x22: {  	[simem:s7], [sflag:s8] =	dma.local @!p0 [hbm:s6], $0xF7A  }
0x23: {  	s9 =	sor.u32 $0xD0000000, s2;
	s6 =	simm.s32 $0x108;
	_ =	swait.ge @!p0 [sflag:s8], $0x0  }
0x24: {  	s3 =	sadd.s32 $0x88, s3;
	s6 =	simm.s32 @!p1 $0x1082;
	[sflag:s4] =	ssyncset.s32 $0xFFFFF086  }
0x25: {  	[simem:s6], [sflag:s4] =	dma.local [hbm:s3], $0xF7A  }
0x26: {  	[smem:$0x3F9C] =	sst s1;
	(tag) =	ssettag s2;
	_ =	strace s9  }
0x27: {  	s1 =	sld [smem:$0x3FAC]  }
0x28: {  	s2 =	sld [smem:$0x3FAD]  }
0x29: {  	s4 =	sld [smem:$0x3FAF]  }
0x2a: {  	p0 =	seq.s32 s5, $0x0;
	s5 =	sld [smem:$0x3FB0]  }
0x2b: {  	s6 =	sld [smem:$0x3FB1]  }
0x2c: {  	s7 =	sld [smem:$0x3FB2]  }
0x2d: {  	s3 =	simm.s32 $0x108;
	s8 =	sld [smem:$0x3FB3]  }
0x2e: {  	s3 =	simm.s32 @!p0 $0x1082;
	s9 =	sld [smem:$0x3FB4]  }
0x2f: {  	lr =	sadd.s32 s0, s3;
	s0 =	sld [smem:$0x3FAB]  }
0x30: {  	s3 =	sld [smem:$0x3FAE]  }
0x31: {  	[smem:$0x3FB7] =	sst s10  }
0x32: {  	s10 =	sld [smem:$0x3FB5];
	_ =	sdelay $0x3  }
0x33: {  	p0 =	seq.s32 s10, $0x1;
	s10 =	sld [smem:$0x3FB7];
	_ =	sdelay $0x3  }
0x34: {  	[smem:$0x3FB7] =	sst s10  }
0x35: {  	s10 =	sld [smem:$0x3FB6];
	_ =	sdelay $0x3  }
0x36: {  	p1 =	seq.s32 s10, $0x1;
	s10 =	sld [smem:$0x3FB7];
	_ =	sdelay $0x3  }
0x37: {  	[smem:$0x3FB7] =	sst s10  }
0x38: {  	s10 =	sld [smem:$0x3FB8]  }
0x39: {  	_ = 	snop;
	(pc) =	sbr.ind lr, $3  }
0x3a: {  	_ = 	snop  }
0x3b: {  	_ = 	snop  }
0x3c: {  	p2 =	seq.s32 s10, $0x1;
	s10 =	sld [smem:$0x3FB7]  }
0x3d: {  	_ =	shalt  }
0x3e: {  	_ =	shalt  }
0x3f: {  	_ =	shalt  }
0x40: {  	_ =	shalt  }
0x41: {  	_ =	shalt  }
0x42: {  	_ =	shalt  }
0x43: {  	_ =	shalt  }
0x44: {  	_ =	shalt  }
0x45: {  	_ =	shalt  }
0x46: {  	_ =	shalt  }
0x47: {  	_ =	shalt  }
0x48: {  	_ =	shalt  }
0x49: {  	_ =	shalt  }
0x4a: {  	_ =	shalt  }
0x4b: {  	_ =	shalt  }
0x4c: {  	_ =	shalt  }
0x4d: {  	_ =	shalt  }
0x4e: {  	_ =	shalt  }
0x4f: {  	_ =	shalt  }
0x50: {  	_ =	shalt  }
0x51: {  	_ =	shalt  }
0x52: {  	_ =	shalt  }
0x53: {  	_ =	shalt  }
0x54: {  	_ =	shalt  }
0x55: {  	_ =	shalt  }
0x56: {  	_ =	shalt  }
0x57: {  	_ =	shalt  }
0x58: {  	_ =	shalt  }
0x59: {  	_ =	shalt  }
0x5a: {  	_ =	shalt  }
0x5b: {  	_ =	shalt  }
0x5c: {  	_ =	shalt  }
0x5d: {  	_ =	shalt  }
0x5e: {  	_ =	shalt  }
0x5f: {  	_ =	shalt  }
0x60: {  	_ =	shalt  }
0x61: {  	_ =	shalt  }
0x62: {  	_ =	shalt  }
0x63: {  	_ =	shalt  }
0x64: {  	_ =	shalt  }
0x65: {  	_ =	shalt  }
0x66: {  	_ =	shalt  }
0x67: {  	_ =	shalt  }
0x68: {  	_ =	shalt  }
0x69: {  	_ =	shalt  }
0x6a: {  	_ =	shalt  }
0x6b: {  	_ =	shalt  }
0x6c: {  	_ =	shalt  }
0x6d: {  	_ =	shalt  }
0x6e: {  	_ =	shalt  }
0x6f: {  	_ =	shalt  }
0x70: {  	_ =	shalt  }
0x71: {  	_ =	shalt  }
0x72: {  	_ =	shalt  }
0x73: {  	_ =	shalt  }
0x74: {  	_ =	shalt  }
0x75: {  	_ =	shalt  }
0x76: {  	_ =	shalt  }
0x77: {  	_ =	shalt  }
0x78: {  	_ =	shalt  }
0x79: {  	_ =	shalt  }
0x7a: {  	_ =	shalt  }
0x7b: {  	_ =	shalt  }
0x7c: {  	_ =	shalt  }
0x7d: {  	_ =	shalt  }
0x7e: {  	_ =	shalt  }
0x7f: {  	_ =	shalt  }
0x80: {  	_ =	shalt  }
0x81: {  	_ =	shalt  }
0x82: {  	_ =	shalt  }
0x83: {  	_ =	shalt  }
0x84: {  	_ =	shalt  }
0x85: {  	_ =	shalt  }
0x86: {  	_ =	shalt  }
0x87: {  	_ =	shalt  }
.Lfunc_end0:
.L_simem_size_0:
called_computation_lowered:
.L_overlay_start_0:
0x88: {  	s2 =	sld [smem:$0x3FD9]  }
0x89: {  	s3 =	sld [smem:$0x3FFE];
	_ =	sdelay $0x1  }
0x8a: {  	s1 =	srdreg.scid  }
0x8b: {  	s0 =	sand.u32 $0x1, s1  }
0x8c: {  	s14 =	sshll.u32 s0, $0xA;
	s2 =	sadd.s32 s3, s2  }
0x8d: {  	s2 =	sadd.s32 s2, s14  }
0x8e: {  	[smem:$0x3FC3] =	sst s2  }
0x8f: {  	_ = 	snop  }
0x90: {  	s2 =	sld [smem:$0x3FD0];
	_ =	sdelay $0x1  }
0x91: {  	s15 =	sld [smem:$0x3FC6]  }
0x92: {  	s5 =	simm.s32 $0xA;
	s6 =	simm.s32 $0x10;
	s4 =	sld [smem:$0x3FC5]  }
0x93: {  	[smem:s6], [sflag:s5] =	dma.local [hbm:s2], $0x1  }
0x94: {  	_ =	swait.eq [sflag:s5], $0x1  }
0x95: {  	[sflag:s5] =	ssyncset.done $0x0  }
0x96: {  	s16 =	sld [smem:$0x10];
	[sflag:s5] =	ssyncadd.s32 $0xFFFFFFFF  }
0x97: {  	s17 =	sld [smem:$0x11];
	(tm) =	ssettm $0x1  }
0x98: {  	s18 =	sld [smem:$0x3FFB];
	_ =	sdelay $0x3  }
0x99: {  	_ =	strace s18  }
0x9a: {  	s6 =	sld [smem:$0x3FFC];
	_ =	sdelay $0x3  }
0x9b: {  	_ =	strace s6  }
0x9c: {  	s6 =	sld [smem:$0x3FFD];
	_ =	sdelay $0x3  }
0x9d: {  	_ =	strace s6  }
0x9e: {  	_ =	strace $0x8FFFFFFF  }
0x9f: {  	s19 =	sld [smem:$0x3FDB];
	_ =	sdelay $0x1  }
0xa0: {  	s7 =	simm.s32 $_scs_section_size  }
0xa1: {  	s8 =	simm.s32 $_size__tile_overlayer_lowered;
	s9 =	simm.s32 $_tile_overlayer_lowered  }
0xa2: {  	s22 =	simm.s32 $0x1BFF;
	s21 =	sshll.u32 s9, $0x1;
	s6 =	sadd.s32 s7, s19  }
0xa3: {  	s10 =	simm.s32 $0x0;
	s20 =	sshll.u32 s8, $0x1;
	s8 =	sadd.s32 s21, s6  }
0xa4: {  	[timem:s10], [sflag:s22] =	dma.local [hbm:s8], s20  }
0xa5: {  	_ =	swait.ge [sflag:s22], s20  }
0xa6: {  	s7 =	ssub.s32 $0x0, s20;
	[sflag:s22] =	ssyncset.done $0x0  }
0xa7: {  	[sflag:s22] =	ssyncadd.s32 s7;
	_ =	sdelay $0x1  }
0xa8: {  	s23 =	simm.s32 $0x1B8B  }
0xa9: {  	_ =	swait.ge [sflag:s23], $0x1  }
0xaa: {  	[sflag:s23] =	ssyncset.done $0x0  }
0xab: {  	s25 =	simm.s32 $0x1B8E;
	s24 =	sld [smem:$0x3FFE];
	[sflag:s23] =	ssyncadd.s32 $0xFFFFFFFF  }
0xac: {  	s26 =	simm.s32 $execute0_lowered;
	[smem:$0x3FD2] =	sst s25  }
0xad: {  	s8 =	sshll.u32 s26, $0x1;
	_ =	strace $0x80000046;
	[dreg:$0x1] =	wrdreg $0xFFFFFFFF  }
0xae: {  	s28 =	simm.s32 $_size_execute0_lowered;
	s6 =	sadd.s32 s6, s8;
	[dreg:$0x0] =	wrdreg $0x0  }
0xaf: {  	s8 =	sshll.u32 s28, $0x1;
	[dreg:$0x2] =	wrdreg s6  }
0xb0: {  	[dreg:$0x3] =	wrdreg s8  }
0xb1: {  	[dreg:$0x4] =	wrdreg $0xC0  }
0xb2: {  	_ =	task [dreg:s10], $0x5FFFF  }
0xb3: {  	[dreg:$0x1] =	wrdreg $0xFFFFFFFF  }
0xb4: {  	[dreg:$0x0] =	wrdreg $0x60  }
0xb5: {  	[dreg:$0x2] =	wrdreg s24  }
0xb6: {  	[dreg:$0x3] =	wrdreg s15  }
0xb7: {  	[dreg:$0x4] =	wrdreg s4  }
0xb8: {  	[dreg:$0x5] =	wrdreg s16  }
0xb9: {  	[dreg:$0x6] =	wrdreg s17  }
0xba: {  	[dreg:$0x7] =	wrdreg $0x9  }
0xbb: {  	_ =	task.clear_ibuf [dreg:s10], $0x8FFFF;
	_ =	strace $0x90000046  }
0xbc: {  	s29 =	simm.s32 $0x9;
	_ =	strace $0x80000048  }
0xbd: {  	_ =	swait.ge [sflag:s29], $0x1  }
0xbe: {  	[sflag:s29] =	ssyncadd.s32 $0xFFFFFFFF  }
0xbf: {  	_ =	strace $0x90000048  }
0xc0: {  	_ =	sfence  }
0xc1: {  	s30 =	sld [smem:$0x0];
	_ =	sdelay $0x2  }
0xc2: {  	s31 =	sshll.u32 s1, $0xD;
	s1 =	sshrl.u32 s1, $0x2  }
0xc3: {  	s3 =	sand.u32 $0x4000, s31;
	s1 =	sadd.s32 s1, s30  }
0xc4: {  	s0 =	sor.u32 s3, s0;
	s1 =	sshll.u32 s1, $0x11  }
0xc5: {  	s0 =	sor.u32 s1, s0  }
0xc6: {  	s0 =	sadd.s32 $0x8F2B, s0  }
0xc7: {  	[sflag:s0] =	ssyncadd.remote.s32 $0x1  }
0xc8: {  	_ =	sfence.sel $0xFFFF  }
0xc9: {  	[dreg:$0x0] =	wrdreg $0xFFFFFFFF;
	(pc) =	sbr.abs _section_cstart, $3  }
0xca: {  	[dreg:$0x1] =	wrdreg $0xFFFFFFFF  }
0xcb: {  	_ =	task.clear_ibuf [dreg:s10], $0x2FFFF;
	_ =	strace $0x9FFFFFFF  }
0xcc: {  	(tm) =	ssettm $0x7FFFFFFF  }
0xcd: {  	_ =	shalt  }
tec
execute0_lowered:
.L_overlay_start_1:
0x0: {  	(tag) =	ssettag $0x1  }
0x1: {  	s1 =	srdreg.scid  }
0x2: {  	s7 =	sand.u32 $0x1, s1;
	s1 =	stileid.u32  }
0x3: {  	s6 =	sor.u32 s1, s7  }
0x4: {  	s8 =	rddreg [dreg:$0x0];
	p0 =	sne.s32 s6, $0x0  }
.Ltmp0:
0x5: {  	s0 =	rddreg [dreg:$0x1];
	(pc) =	sbr.rel @p0 .LBB2_3-.Ltmp0, $4  }
0x6: {  	s2 =	rddreg [dreg:$0x2]  }
0x7: {  	s4 =	rddreg [dreg:$0x3]  }
0x8: {  	s5 =	rddreg [dreg:$0x4]  }
0x9: {  	s3 =	rddreg [dreg:$0x5];
	_ =	strace $0x80000047  }
0xa: {  	v0 =	vimm.s32 $0xFEDCBA98;
	v1 =	vimm.s32 $0x76543210  }
0xb: {  	v2 =	vimm.s32 $0x3210FEDC;
	v3 =	vimm.s32 $0xBA987654;
	v4 =	vimm.s32 $0x10FEDCBA  }
0xc: {  	v5 =	vimm.s32 $0x98765432;
	v6 =	vimm.s32 $0xFEDCBA9;
	v7 =	vimm.s32 $0x87654321  }
0xd: {  	vm0 =	vmmov $0x1;
	vm3 =	vcmask $0xB10;
	vm4 =	vcmask $0xF14  }
0xe: {  	vm5 =	vcmask $0x1318;
	vm6 =	vcmask $0x171C;
	vm7 =	vcmask $0x1B20  }
0xf: {  	vm8 =	vcmask $0x1F24;
	vm9 =	vcmask $0x2328;
	vm10 =	vcmask $0x272C  }
0x10: {  	vm11 =	vcmask $0x2B30;
	vm12 =	vcmask $0x2F34;
	vm13 =	vcmask $0x3338  }
0x11: {  	v0 =	vunpack.c.l.s4.s8 v0;
	v1 =	vunpack.c.l.s4.s8 v1;
	v2 =	vunpack.c.l.s4.s8 v2  }
0x12: {  	v3 =	vunpack.c.l.s4.s8 v3;
	v4 =	vunpack.c.l.s4.s8 v4;
	v5 =	vunpack.c.l.s4.s8 v5  }
0x13: {  	v6 =	vunpack.c.l.s4.s8 v6;
	v7 =	vunpack.c.l.s4.s8 v7;
	v0 =	vunpack.c.0.s8.s32 v0  }
0x14: {  	v2 =	vunpack.c.0.s8.s32 v2;
	v3 =	vunpack.c.0.s8.s32 v3;
	v4 =	vunpack.c.0.s8.s32 v4  }
0x15: {  	s6 =	sadd.s32 $0x1400, s8;
	s9 =	ssub.s32 $0x2, s7;
	v5 =	vunpack.c.0.s8.s32 v5;
	v6 =	vunpack.c.0.s8.s32 v6;
	v7 =	vunpack.c.0.s8.s32 v7  }
0x16: {  	s7 =	sadd.s32 $0x1600, s8;
	s8 =	sadd.s32 $0x1200, s8;
	s11 =	simm.s32 $0x200;
	vm14 =	vcmask $0x373C;
	v1 =	vunpack.c.0.s8.s32 v1;
	v2 =	vcombine.low v3, v2  }
0x17: {  	s12 =	simm.s32 $0x400;
	s13 =	simm.s32 $0x600;
	s14 =	simm.s32 $0x800;
	v3 =	vcombine.low v5, v4;
	v4 =	vand.u32 $0xF, v0;
	v5 =	vcombine.low v7, v6  }
0x18: {  	s15 =	simm.s32 $0x1;
	vm15 =	vmmov $0x7fff;
	s16 =	simm.s32 $0xA00;
	s10 =	sshrl.u32 s9, $0x1;
	v0 =	vimm.f32 $0.0e+00;
	v1 =	vcombine.low v4, v1  }
0x19: {  	s17 =	simm.s32 $0xA80;
	s9 =	ssub.s32 s9, s10;
	s10 =	simm.s32 $0x0;
	v2 =	vand.u32 $0xF, v2;
	v3 =	vand.u32 $0xF, v3;
	v4 =	vand.u32 $0xF, v5  }
.LBB2_2:
0x1a: {  	[tilespmem:s10], [sflag:$0x1] =	stream.linear.gather [hbm4b:s6+s10], $0x200, $0x38;
	[tilespmem:$0xB00] =	vst v63  }
0x1b: {  	_ = 	snop  }
0x1c: {  	[tilespmem:s11], [sflag:$0x1] =	stream.linear.gather [hbm4b:s7+s10], $0x200, $0x38;
	[tilespmem:$0xB00] =	vst v63  }
0x1d: {  	_ = 	snop  }
0x1e: {  	[tilespmem:s12], [sflag:$0x1] =	stream.linear.gather [hbm4b:s8+s10], $0x200, $0x38;
	[tilespmem:$0xB00] =	vst v63  }
0x1f: {  	_ = 	snop  }
0x20: {  	[tilespmem:s13], [sflag:$0x1] =	stream.linear.gather [hbm4b:s0+s10], $0x200, $0x38;
	[tilespmem:$0xB00] =	vst v63  }
0x21: {  	_ = 	snop  }
0x22: {  	[tilespmem:s14], [sflag:$0x1] =	stream.linear.gather [hbm4b:s2+s10], $0x200, $0x38;
	[tilespmem:$0xB00] =	vst v63  }
0x23: {  	_ =	swait.ge [sflag:s15], $0x200  }
0x24: {  	[sflag:s15] =	ssyncset.done $0x0  }
0x25: {  	[sflag:s15] =	ssyncadd.s32 $0xFFFFFE00  }
0x26: {  	_ =	swait.ge [sflag:s15], $0x200  }
0x27: {  	[sflag:s15] =	ssyncset.done $0x0  }
0x28: {  	[sflag:s15] =	ssyncadd.s32 $0xFFFFFE00  }
0x29: {  	_ =	swait.ge [sflag:s15], $0x200  }
0x2a: {  	[sflag:s15] =	ssyncset.done $0x0  }
0x2b: {  	[sflag:s15] =	ssyncadd.s32 $0xFFFFFE00  }
0x2c: {  	_ =	swait.ge [sflag:s15], $0x200  }
0x2d: {  	[sflag:s15] =	ssyncset.done $0x0  }
0x2e: {  	[sflag:s15] =	ssyncadd.s32 $0xFFFFFE00  }
0x2f: {  	_ =	swait.ge [sflag:s15], $0x200  }
0x30: {  	[sflag:s15] =	ssyncset.done $0x0  }
0x31: {  	[sflag:s15] =	ssyncadd.s32 $0xFFFFFE00  }
0x32: {  	v5 =	vld [tilespmem:$0x200];
	_ =	sdelay $0x4  }
0x33: {  	v5 =	vadd.f32 $9.999999970e-07, v5;
	_ =	sdelay $0x1  }
0x34: {  	(erf) = vrcp.f32 v5;
	_ =	sdelay $0x4  }
0x35: {  	v5 =	vld [tilespmem:$0x0];
	_ =	sdelay $0x3  }
0x36: {  	v6 =	vpop (erf)  }
0x37: {  	v5 =	vmul.f32 v6, v5;
	_ =	sdelay $0x1  }
0x38: {  	v6 =	vsub.f32 $1.000000000e+00, v5;
	_ =	sdelay $0x1  }
0x39: {  	v7 =	vmul.f32 v5, v5;
	v6 =	vmul.f32 v6, v6;
	_ =	sdelay $0x1  }
0x3a: {  	v8 =	vld [tilespmem:$0x210];
	v7 =	vmul.f32 v7, v7;
	v6 =	vmul.f32 v6, v6;
	_ =	sdelay $0x1  }
0x3b: {  	v6 =	vadd.f32 v6, v7;
	_ =	sdelay $0x1  }
0x3c: {  	(erf) = vrcp.f32 v6  }
0x3d: {  	v6 =	vadd.f32 $9.999999970e-07, v8;
	_ =	sdelay $0x1  }
0x3e: {  	(erf) = vrcp.f32 v6;
	_ =	sdelay $0x1  }
0x3f: {  	v6 =	vld [tilespmem:$0x400];
	_ =	sdelay $0x1  }
0x40: {  	v58 =	vld [tilespmem:$0x600]  }
0x41: {  	v9 =	vld [tilespmem:$0x10]  }
0x42: {  	v10 =	vpop (erf)  }
0x43: {  	vm1 =	vgt.f32 v6, $0.0e+00;
	v7 =	vmul.f32 v10, v7  }
0x44: {  	v6 =	vsel vm1, $0x3F800000, v0  }
0x45: {  	v11 =	vsub.f32 $1.000000000e+00, v6;
	v12 =	vpop (erf);
	v10 =	vsub.f32 $1.000000000e+00, v7  }
0x46: {  	v7 =	vmul.f32 v7, v58;
	v9 =	vmul.f32 v12, v9  }
0x47: {  	v59 =	vmul.f32 v10, v6;
	v10 =	vmul.f32 v10, v11  }
0x48: {  	v6 =	vmul.f32 v7, v6;
	v7 =	vsub.f32 $1.000000000e+00, v9;
	v61 =	vmul.f32 v9, v9  }
0x49: {  	v62 =	vld [tilespmem:$0x800];
	v60 =	vmul.f32 $5.000000000e-01, v59;
	v8 =	vmul.f32 v10, v58  }
0x4a: {  	v27 =	vld [tilespmem:$0x220];
	v7 =	vmul.f32 v7, v7  }
0x4b: {  	v10 =	vmul.f32 v61, v61;
	v11 =	vadd.f32 v60, v6;
	v8 =	vmul.f32 $5.000000000e-01, v8  }
0x4c: {  	v5 =	vmul.f32 v6, v5;
	v7 =	vmul.f32 v7, v7  }
0x4d: {  	v6 =	vadd.f32 v8, v11  }
0x4e: {  	v5 =	vadd.f32 $0.0e+00, v5;
	v7 =	vadd.f32 v7, v10  }
0x4f: {  	vm2 =	veq.s32 v62, $0x1;
	v27 =	vadd.f32 $9.999999970e-07, v27;
	v6 =	vadd.f32 $0.0e+00, v6  }
0x50: {  	vm1 =	veq.s32 v62, $0x0;
	v45 =	vnsel vm2, $0x0, v5;
	(erf) = vrcp.f32 v7  }
0x51: {  	v7 =	vnsel vm1, $0x0, v5;
	v63 =	vnsel vm1, $0x0, v6;
	vm1 =	veq.s32 v62, $0x2  }
0x52: {  	v13 =	vnsel vm2, $0x0, v6;
	vm2 =	veq.s32 v62, $0x3;
	v14 =	vnsel vm1, $0x0, v5  }
0x53: {  	v15 =	vnsel vm1, $0x0, v6;
	v16 =	vnsel vm2, $0x0, v5;
	vm1 =	veq.s32 v62, $0x4  }
0x54: {  	v17 =	vnsel vm2, $0x0, v6;
	vm2 =	veq.s32 v62, $0x5;
	v18 =	vnsel vm1, $0x0, v5  }
0x55: {  	v19 =	vnsel vm1, $0x0, v6;
	v20 =	vnsel vm2, $0x0, v5;
	vm1 =	veq.s32 v62, $0x6  }
0x56: {  	v22 =	vld [tilespmem:$0x410];
	v21 =	vnsel vm2, $0x0, v6;
	vm2 =	veq.s32 v62, $0x7;
	v23 =	vnsel vm1, $0x0, v5  }
0x57: {  	v24 =	vnsel vm1, $0x0, v6;
	v25 =	vnsel vm2, $0x0, v5;
	vm1 =	veq.s32 v62, $0x8  }
0x58: {  	v31 =	vld [tilespmem:$0x610];
	v26 =	vnsel vm2, $0x0, v6;
	vm2 =	veq.s32 v62, $0x9;
	v28 =	vnsel vm1, $0x0, v5  }
0x59: {  	v40 =	vld [tilespmem:$0x810];
	v29 =	vnsel vm1, $0x0, v6;
	v30 =	vnsel vm2, $0x0, v5;
	vm1 =	veq.s32 v62, $0xA  }
0x5a: {  	v33 =	vnsel vm2, $0x0, v6;
	vm2 =	veq.s32 v62, $0xB;
	v34 =	vnsel vm1, $0x0, v6;
	v32 =	vpop (erf)  }
0x5b: {  	v10 =	vmul.f32 v32, v10;
	v32 =	vnsel vm1, $0x0, v5;
	vm1 =	vgt.f32 v22, $0.0e+00  }
0x5c: {  	v36 =	vnsel vm2, $0x0, v5;
	(erf) = vrcp.f32 v27;
	v35 =	vsel vm1, $0x3F800000, v0  }
0x5d: {  	v38 =	vnsel vm2, $0x0, v6;
	v46 =	vsub.f32 $1.000000000e+00, v10;
	v37 =	vsub.f32 $1.000000000e+00, v35  }
0x5e: {  	vm2 =	veq.s32 v40, $0x0;
	vm1 =	veq.s32 v62, $0xC;
	v10 =	vmul.f32 v10, v31  }
0x5f: {  	v27 =	vnsel vm1, $0x0, v5;
	v39 =	vmul.f32 v46, v35;
	v22 =	vmul.f32 v46, v37  }
0x60: {  	v37 =	vnsel vm1, $0x0, v6;
	v10 =	vmul.f32 v10, v35;
	vm1 =	veq.s32 v62, $0xD  }
0x61: {  	v48 =	vld [tilespmem:$0x20];
	v47 =	vmul.f32 $5.000000000e-01, v39;
	v22 =	vmul.f32 v22, v31;
	v31 =	vnsel vm1, $0x0, v5  }
0x62: {  	v39 =	vnsel vm1, $0x0, v6;
	vm1 =	veq.s32 v62, $0xE;
	v9 =	vmul.f32 v10, v9  }
0x63: {  	v41 =	vnsel vm1, $0x0, v5;
	v42 =	vnsel vm1, $0x0, v6;
	vm1 =	veq.s32 v62, $0xF  }
0x64: {  	v35 =	vadd.f32 v47, v10;
	v22 =	vmul.f32 $5.000000000e-01, v22;
	v5 =	vnsel vm1, $0x0, v5  }
0x65: {  	v6 =	vnsel vm1, $0x0, v6;
	v49 =	vnsel vm2, $0x0, v9;
	vm1 =	veq.s32 v40, $0x1;
	v52 =	vpop (erf)  }
0x66: {  	v51 =	vnsel vm1, $0x0, v9;
	v10 =	vmul.f32 v52, v48;
	v12 =	vadd.f32 v22, v35  }
0x67: {  	v7 =	vadd.f32 v49, v7;
	v11 =	vadd.f32 v51, v45  }
0x68: {  	v56 =	vsub.f32 $1.000000000e+00, v10;
	v58 =	vmul.f32 v10, v10;
	v50 =	vnsel vm2, $0x0, v12  }
0x69: {  	vm2 =	veq.s32 v40, $0x2;
	v53 =	vnsel vm1, $0x0, v12;
	vm1 =	veq.s32 v40, $0x3  }
0x6a: {  	v8 =	vadd.f32 v50, v63;
	v43 =	vnsel vm2, $0x0, v9;
	v13 =	vadd.f32 v53, v13  }
0x6b: {  	v54 =	vnsel vm2, $0x0, v12;
	v55 =	vnsel vm1, $0x0, v9;
	v57 =	vnsel vm1, $0x0, v12  }
0x6c: {  	vm1 =	veq.s32 v40, $0x4;
	v35 =	vmul.f32 v58, v58;
	v14 =	vadd.f32 v43, v14  }
0x6d: {  	vm2 =	veq.s32 v40, $0xD;
	v15 =	vadd.f32 v54, v15;
	v16 =	vadd.f32 v55, v16  }
0x6e: {  	v43 =	vmul.f32 v56, v56;
	v17 =	vadd.f32 v57, v17;
	v59 =	vnsel vm1, $0x0, v9  }
0x6f: {  	v44 =	vnsel vm1, $0x0, v12;
	vm1 =	veq.s32 v40, $0x5;
	v58 =	vnsel vm2, $0x0, v9  }
0x70: {  	v18 =	vadd.f32 v59, v18;
	v19 =	vadd.f32 v44, v19;
	v60 =	vnsel vm1, $0x0, v9  }
0x71: {  	v61 =	vnsel vm1, $0x0, v12;
	v31 =	vadd.f32 v58, v31;
	v43 =	vmul.f32 v43, v43  }
0x72: {  	vm1 =	veq.s32 v40, $0x6;
	v20 =	vadd.f32 v60, v20;
	v21 =	vadd.f32 v61, v21  }
0x73: {  	v62 =	vnsel vm1, $0x0, v9;
	v63 =	vnsel vm1, $0x0, v12;
	v43 =	vadd.f32 v43, v35  }
0x74: {  	vm1 =	veq.s32 v40, $0x7;
	v22 =	vadd.f32 v62, v23;
	v23 =	vadd.f32 v63, v24  }
0x75: {  	v44 =	vnsel vm1, $0x0, v12;
	(erf) = vrcp.f32 v43;
	v43 =	vnsel vm1, $0x0, v9  }
0x76: {  	vm1 =	veq.s32 v40, $0x8;
	v24 =	vadd.f32 v43, v25;
	v25 =	vadd.f32 v44, v26  }
0x77: {  	v45 =	vnsel vm1, $0x0, v9;
	v46 =	vnsel vm1, $0x0, v12;
	vm1 =	veq.s32 v40, $0x9  }
0x78: {  	v26 =	vadd.f32 v45, v28;
	v28 =	vadd.f32 v46, v29;
	v47 =	vnsel vm1, $0x0, v9  }
0x79: {  	v48 =	vnsel vm1, $0x0, v12;
	vm1 =	veq.s32 v40, $0xA;
	v29 =	vadd.f32 v47, v30  }
0x7a: {  	v50 =	vld [tilespmem:$0x420];
	v30 =	vadd.f32 v48, v33;
	v49 =	vnsel vm1, $0x0, v9;
	v51 =	vnsel vm1, $0x0, v12  }
0x7b: {  	v45 =	vld [tilespmem:$0x230];
	vm1 =	veq.s32 v40, $0xB;
	v48 =	vnsel vm2, $0x0, v12;
	v32 =	vadd.f32 v49, v32  }
0x7c: {  	v33 =	vadd.f32 v51, v34;
	v52 =	vnsel vm1, $0x0, v9;
	v53 =	vnsel vm1, $0x0, v12  }
0x7d: {  	v54 =	vld [tilespmem:$0x620];
	vm1 =	veq.s32 v40, $0xC;
	v39 =	vadd.f32 v48, v39;
	v34 =	vadd.f32 v52, v36  }
0x7e: {  	v36 =	vadd.f32 v53, v38;
	v46 =	vnsel vm1, $0x0, v9;
	v47 =	vnsel vm1, $0x0, v12;
	v55 =	vpop (erf)  }
0x7f: {  	vm1 =	vgt.f32 v50, $0.0e+00;
	v27 =	vadd.f32 v46, v27;
	v35 =	vmul.f32 v55, v35  }
0x80: {  	v37 =	vadd.f32 v47, v37;
	v57 =	vsel vm1, $0x3F800000, v0;
	v45 =	vadd.f32 $9.999999970e-07, v45  }
0x81: {  	vm1 =	veq.s32 v40, $0xE;
	v59 =	vsub.f32 $1.000000000e+00, v57;
	v56 =	vsub.f32 $1.000000000e+00, v35  }
0x82: {  	v61 =	vnsel vm1, $0x0, v9;
	(erf) = vrcp.f32 v45;
	v35 =	vmul.f32 v35, v54  }
0x83: {  	v62 =	vnsel vm1, $0x0, v12;
	v45 =	vld [tilespmem:$0x820];
	v60 =	vmul.f32 v56, v57;
	v43 =	vmul.f32 v56, v59  }
0x84: {  	vm1 =	veq.s32 v40, $0xF;
	v41 =	vadd.f32 v61, v41;
	v35 =	vmul.f32 v35, v57  }
0x85: {  	v9 =	vnsel vm1, $0x0, v9;
	v46 =	vmul.f32 $5.000000000e-01, v60;
	v38 =	vmul.f32 v43, v54  }
0x86: {  	v42 =	vadd.f32 v62, v42;
	v12 =	vnsel vm1, $0x0, v12;
	v5 =	vadd.f32 v9, v5  }
0x87: {  	v9 =	vmul.f32 v35, v10;
	v63 =	vadd.f32 v46, v35;
	v38 =	vmul.f32 $5.000000000e-01, v38  }
0x88: {  	v6 =	vadd.f32 v12, v6;
	vm1 =	veq.s32 v45, $0x0;
	vm2 =	veq.s32 v45, $0x1;
	v46 =	vld [tilespmem:$0x30]  }
0x89: {  	v47 =	vnsel vm1, $0x0, v9;
	v49 =	vnsel vm2, $0x0, v9;
	v35 =	vadd.f32 v38, v63  }
0x8a: {  	v7 =	vadd.f32 v47, v7;
	v11 =	vadd.f32 v49, v11  }
0x8b: {  	v48 =	vnsel vm1, $0x0, v35;
	vm1 =	veq.s32 v45, $0x2;
	v51 =	vnsel vm2, $0x0, v35  }
0x8c: {  	v50 =	vpop (erf);
	vm2 =	veq.s32 v45, $0x3;
	v8 =	vadd.f32 v48, v8;
	v52 =	vnsel vm1, $0x0, v9  }
0x8d: {  	v10 =	vmul.f32 v50, v46;
	v12 =	vadd.f32 v51, v13;
	v53 =	vnsel vm1, $0x0, v35  }
0x8e: {  	v54 =	vnsel vm2, $0x0, v9;
	v56 =	vnsel vm2, $0x0, v35;
	vm1 =	veq.s32 v45, $0x4  }
0x8f: {  	vm2 =	veq.s32 v45, $0xD;
	v13 =	vadd.f32 v52, v14;
	v14 =	vadd.f32 v53, v15  }
0x90: {  	v15 =	vadd.f32 v54, v16;
	v16 =	vadd.f32 v56, v17;
	v58 =	vnsel vm1, $0x0, v9  }
0x91: {  	v59 =	vnsel vm1, $0x0, v35;
	vm1 =	veq.s32 v45, $0x5;
	v55 =	vsub.f32 $1.000000000e+00, v10  }
0x92: {  	v57 =	vmul.f32 v10, v10;
	v17 =	vadd.f32 v58, v18;
	v18 =	vadd.f32 v59, v19  }
0x93: {  	v60 =	vnsel vm1, $0x0, v9;
	v61 =	vnsel vm1, $0x0, v35;
	v40 =	vmul.f32 v55, v55  }
0x94: {  	vm1 =	veq.s32 v45, $0x6;
	v19 =	vadd.f32 v60, v20;
	v20 =	vadd.f32 v61, v21  }
0x95: {  	v62 =	vnsel vm1, $0x0, v9;
	v38 =	vmul.f32 v57, v57;
	v40 =	vmul.f32 v40, v40  }
0x96: {  	v63 =	vnsel vm1, $0x0, v35;
	vm1 =	veq.s32 v45, $0x7;
	v21 =	vadd.f32 v62, v22  }
0x97: {  	v22 =	vadd.f32 v63, v23;
	v46 =	vnsel vm1, $0x0, v9;
	v40 =	vadd.f32 v40, v38  }
0x98: {  	v47 =	vnsel vm1, $0x0, v35;
	vm1 =	veq.s32 v45, $0x8;
	v23 =	vadd.f32 v46, v24  }
0x99: {  	v24 =	vadd.f32 v47, v25;
	v48 =	vnsel vm1, $0x0, v9;
	(erf) = vrcp.f32 v40  }
0x9a: {  	v49 =	vnsel vm1, $0x0, v35;
	vm1 =	veq.s32 v45, $0x9;
	v25 =	vadd.f32 v48, v26  }
0x9b: {  	v57 =	vld [tilespmem:$0x280];
	v26 =	vadd.f32 v49, v28;
	v50 =	vnsel vm1, $0x0, v9;
	v51 =	vnsel vm1, $0x0, v35  }
0x9c: {  	v53 =	vld [tilespmem:$0x430];
	vm1 =	veq.s32 v45, $0xA;
	v28 =	vadd.f32 v50, v29;
	v29 =	vadd.f32 v51, v30  }
0x9d: {  	v52 =	vnsel vm1, $0x0, v9;
	v54 =	vnsel vm1, $0x0, v35;
	vm1 =	veq.s32 v45, $0xB  }
0x9e: {  	v30 =	vadd.f32 v52, v32;
	v32 =	vadd.f32 v54, v33;
	v55 =	vnsel vm1, $0x0, v9  }
0x9f: {  	v56 =	vnsel vm1, $0x0, v35;
	vm1 =	veq.s32 v45, $0xC;
	v33 =	vadd.f32 v55, v34  }
0xa0: {  	v52 =	vnsel vm2, $0x0, v9;
	v34 =	vadd.f32 v56, v36;
	v44 =	vadd.f32 $9.999999970e-07, v57  }
0xa1: {  	v58 =	vld [tilespmem:$0x630];
	v60 =	vnsel vm1, $0x0, v9;
	v61 =	vnsel vm1, $0x0, v35;
	vm1 =	vgt.f32 v53, $0.0e+00  }
0xa2: {  	v31 =	vadd.f32 v52, v31;
	v55 =	vnsel vm2, $0x0, v35;
	v59 =	vpop (erf);
	(erf) = vrcp.f32 v44  }
0xa3: {  	v27 =	vadd.f32 v60, v27;
	v37 =	vadd.f32 v61, v37;
	v38 =	vmul.f32 v59, v38  }
0xa4: {  	v63 =	vsel vm1, $0x3F800000, v0;
	v39 =	vadd.f32 v55, v39;
	vm1 =	veq.s32 v45, $0xE  }
0xa5: {  	v53 =	vsub.f32 $1.000000000e+00, v63;
	v56 =	vnsel vm1, $0x0, v9;
	v44 =	vld [tilespmem:$0x830];
	v62 =	vsub.f32 $1.000000000e+00, v38  }
0xa6: {  	v57 =	vnsel vm1, $0x0, v35;
	vm1 =	veq.s32 v45, $0xF;
	v38 =	vmul.f32 v38, v58  }
0xa7: {  	v9 =	vnsel vm1, $0x0, v9;
	v59 =	vld [tilespmem:$0x80];
	v54 =	vmul.f32 v62, v63;
	v40 =	vmul.f32 v62, v53  }
0xa8: {  	v35 =	vnsel vm1, $0x0, v35;
	v5 =	vadd.f32 v9, v5;
	v38 =	vmul.f32 v38, v63  }
0xa9: {  	v6 =	vadd.f32 v35, v6;
	v46 =	vmul.f32 $5.000000000e-01, v54;
	v36 =	vmul.f32 v40, v58  }
0xaa: {  	vm1 =	veq.s32 v44, $0x0;
	vm2 =	veq.s32 v44, $0x1;
	v9 =	vmul.f32 v38, v10  }
0xab: {  	v40 =	vadd.f32 v56, v41;
	v58 =	vadd.f32 v46, v38;
	v36 =	vmul.f32 $5.000000000e-01, v36;
	v62 =	vpop (erf)  }
0xac: {  	v41 =	vadd.f32 v57, v42;
	v60 =	vnsel vm1, $0x0, v9;
	v10 =	vmul.f32 v62, v59  }
0xad: {  	v38 =	vnsel vm2, $0x0, v9;
	v7 =	vadd.f32 v60, v7;
	v36 =	vadd.f32 v36, v58  }
0xae: {  	v11 =	vadd.f32 v38, v11;
	v48 =	vsub.f32 $1.000000000e+00, v10;
	v50 =	vmul.f32 v10, v10  }
0xaf: {  	v61 =	vnsel vm1, $0x0, v36;
	vm1 =	veq.s32 v44, $0x2;
	v63 =	vnsel vm2, $0x0, v36  }
0xb0: {  	vm2 =	veq.s32 v44, $0x3;
	v8 =	vadd.f32 v61, v8;
	v45 =	vnsel vm1, $0x0, v9  }
0xb1: {  	v12 =	vadd.f32 v63, v12;
	v46 =	vnsel vm1, $0x0, v36;
	v47 =	vnsel vm2, $0x0, v9  }
0xb2: {  	v49 =	vnsel vm2, $0x0, v36;
	vm1 =	veq.s32 v44, $0x4;
	v42 =	vmul.f32 v48, v48  }
0xb3: {  	v38 =	vmul.f32 v50, v50;
	v13 =	vadd.f32 v45, v13;
	v14 =	vadd.f32 v46, v14  }
0xb4: {  	vm2 =	veq.s32 v44, $0xD;
	v15 =	vadd.f32 v47, v15;
	v16 =	vadd.f32 v49, v16  }
0xb5: {  	v51 =	vnsel vm1, $0x0, v9;
	v43 =	vnsel vm1, $0x0, v36;
	vm1 =	veq.s32 v44, $0x5  }
0xb6: {  	v42 =	vmul.f32 v42, v42;
	v17 =	vadd.f32 v51, v17;
	v18 =	vadd.f32 v43, v18  }
0xb7: {  	v52 =	vnsel vm1, $0x0, v9;
	v53 =	vnsel vm1, $0x0, v36;
	vm1 =	veq.s32 v44, $0x6  }
0xb8: {  	v19 =	vadd.f32 v52, v19;
	v20 =	vadd.f32 v53, v20;
	v54 =	vnsel vm1, $0x0, v9  }
0xb9: {  	v55 =	vnsel vm1, $0x0, v36;
	vm1 =	veq.s32 v44, $0x7;
	v42 =	vadd.f32 v42, v38  }
0xba: {  	v21 =	vadd.f32 v54, v21;
	v22 =	vadd.f32 v55, v22;
	v56 =	vnsel vm1, $0x0, v9  }
0xbb: {  	v57 =	vnsel vm1, $0x0, v36;
	vm1 =	veq.s32 v44, $0x8;
	v23 =	vadd.f32 v56, v23  }
0xbc: {  	v51 =	vld [tilespmem:$0x290];
	v24 =	vadd.f32 v57, v24;
	v58 =	vnsel vm1, $0x0, v9;
	(erf) = vrcp.f32 v42  }
0xbd: {  	v59 =	vnsel vm1, $0x0, v36;
	vm1 =	veq.s32 v44, $0x9;
	v25 =	vadd.f32 v58, v25  }
0xbe: {  	v26 =	vadd.f32 v59, v26;
	v60 =	vnsel vm1, $0x0, v9;
	v61 =	vnsel vm1, $0x0, v36  }
0xbf: {  	vm1 =	veq.s32 v44, $0xA;
	v58 =	vnsel vm2, $0x0, v9;
	v28 =	vadd.f32 v60, v28  }
0xc0: {  	v29 =	vadd.f32 v61, v29;
	v62 =	vnsel vm1, $0x0, v9;
	v48 =	vnsel vm1, $0x0, v36  }
0xc1: {  	v63 =	vld [tilespmem:$0x480];
	vm1 =	veq.s32 v44, $0xB;
	v45 =	vadd.f32 $9.999999970e-07, v51;
	v31 =	vadd.f32 v58, v31  }
0xc2: {  	v61 =	vnsel vm2, $0x0, v36;
	v30 =	vadd.f32 v62, v30;
	v32 =	vadd.f32 v48, v32  }
0xc3: {  	v49 =	vnsel vm1, $0x0, v9;
	v50 =	vnsel vm1, $0x0, v36;
	v39 =	vadd.f32 v61, v39  }
0xc4: {  	v52 =	vld [tilespmem:$0x680];
	vm1 =	veq.s32 v44, $0xC;
	v33 =	vadd.f32 v49, v33;
	v34 =	vadd.f32 v50, v34  }
0xc5: {  	v54 =	vnsel vm1, $0x0, v9;
	v55 =	vnsel vm1, $0x0, v36;
	v53 =	vpop (erf);
	(erf) = vrcp.f32 v45  }
0xc6: {  	vm1 =	vgt.f32 v63, $0.0e+00;
	v27 =	vadd.f32 v54, v27;
	v38 =	vmul.f32 v53, v38  }
0xc7: {  	v37 =	vadd.f32 v55, v37;
	v57 =	vsel vm1, $0x3F800000, v0;
	vm1 =	veq.s32 v44, $0xE  }
0xc8: {  	v59 =	vsub.f32 $1.000000000e+00, v57;
	v62 =	vnsel vm1, $0x0, v9;
	v56 =	vsub.f32 $1.000000000e+00, v38  }
0xc9: {  	v63 =	vnsel vm1, $0x0, v36;
	vm1 =	veq.s32 v44, $0xF;
	v45 =	vld [tilespmem:$0x880];
	v38 =	vmul.f32 v38, v52  }
0xca: {  	v48 =	vld [tilespmem:$0x90];
	v40 =	vadd.f32 v62, v40;
	v60 =	vmul.f32 v56, v57;
	v42 =	vmul.f32 v56, v59  }
0xcb: {  	v9 =	vnsel vm1, $0x0, v9;
	v41 =	vadd.f32 v63, v41;
	v38 =	vmul.f32 v38, v57  }
0xcc: {  	v36 =	vnsel vm1, $0x0, v36;
	v46 =	vmul.f32 $5.000000000e-01, v60;
	v35 =	vmul.f32 v42, v52  }
0xcd: {  	v5 =	vadd.f32 v9, v5;
	v6 =	vadd.f32 v36, v6;
	v9 =	vmul.f32 v38, v10  }
0xce: {  	vm1 =	veq.s32 v45, $0x0;
	v47 =	vadd.f32 v46, v38;
	v35 =	vmul.f32 $5.000000000e-01, v35;
	v51 =	vpop (erf)  }
0xcf: {  	vm2 =	veq.s32 v45, $0x1;
	v49 =	vnsel vm1, $0x0, v9;
	v10 =	vmul.f32 v51, v48  }
0xd0: {  	v38 =	vnsel vm2, $0x0, v9;
	v7 =	vadd.f32 v49, v7;
	v35 =	vadd.f32 v35, v47  }
0xd1: {  	v11 =	vadd.f32 v38, v11;
	v56 =	vsub.f32 $1.000000000e+00, v10;
	v58 =	vmul.f32 v10, v10  }
0xd2: {  	v50 =	vnsel vm1, $0x0, v35;
	vm1 =	veq.s32 v45, $0x2;
	v52 =	vnsel vm2, $0x0, v35  }
0xd3: {  	vm2 =	veq.s32 v45, $0x3;
	v8 =	vadd.f32 v50, v8;
	v53 =	vnsel vm1, $0x0, v9  }
0xd4: {  	v12 =	vadd.f32 v52, v12;
	v54 =	vnsel vm1, $0x0, v35;
	v55 =	vnsel vm2, $0x0, v9  }
0xd5: {  	v57 =	vnsel vm2, $0x0, v35;
	vm1 =	veq.s32 v45, $0x4;
	v42 =	vmul.f32 v56, v56  }
0xd6: {  	v38 =	vmul.f32 v58, v58;
	v13 =	vadd.f32 v53, v13;
	v14 =	vadd.f32 v54, v14  }
0xd7: {  	vm2 =	veq.s32 v45, $0xD;
	v15 =	vadd.f32 v55, v15;
	v16 =	vadd.f32 v57, v16  }
0xd8: {  	v59 =	vnsel vm1, $0x0, v9;
	v43 =	vnsel vm1, $0x0, v35;
	vm1 =	veq.s32 v45, $0x5  }
0xd9: {  	v42 =	vmul.f32 v42, v42;
	v17 =	vadd.f32 v59, v17;
	v18 =	vadd.f32 v43, v18  }
0xda: {  	v60 =	vnsel vm1, $0x0, v9;
	v61 =	vnsel vm1, $0x0, v35;
	vm1 =	veq.s32 v45, $0x6  }
0xdb: {  	v19 =	vadd.f32 v60, v19;
	v20 =	vadd.f32 v61, v20;
	v62 =	vnsel vm1, $0x0, v9  }
0xdc: {  	v63 =	vnsel vm1, $0x0, v35;
	vm1 =	veq.s32 v45, $0x7;
	v42 =	vadd.f32 v42, v38  }
0xdd: {  	v57 =	vld [tilespmem:$0x2A0];
	v21 =	vadd.f32 v62, v21;
	v22 =	vadd.f32 v63, v22;
	v46 =	vnsel vm1, $0x0, v9  }
0xde: {  	v47 =	vnsel vm1, $0x0, v35;
	vm1 =	veq.s32 v45, $0x8;
	v23 =	vadd.f32 v46, v23  }
0xdf: {  	v24 =	vadd.f32 v47, v24;
	v48 =	vnsel vm1, $0x0, v9;
	(erf) = vrcp.f32 v42  }
0xe0: {  	v49 =	vnsel vm1, $0x0, v35;
	vm1 =	veq.s32 v45, $0x9;
	v25 =	vadd.f32 v48, v25  }
0xe1: {  	v26 =	vadd.f32 v49, v26;
	v50 =	vnsel vm1, $0x0, v9;
	v51 =	vnsel vm1, $0x0, v35  }
0xe2: {  	v53 =	vld [tilespmem:$0x490];
	vm1 =	veq.s32 v45, $0xA;
	v44 =	vadd.f32 $9.999999970e-07, v57;
	v28 =	vadd.f32 v50, v28  }
0xe3: {  	v29 =	vadd.f32 v51, v29;
	v52 =	vnsel vm1, $0x0, v9;
	v54 =	vnsel vm1, $0x0, v35  }
0xe4: {  	vm1 =	veq.s32 v45, $0xB;
	v30 =	vadd.f32 v52, v30;
	v32 =	vadd.f32 v54, v32  }
0xe5: {  	v55 =	vnsel vm1, $0x0, v9;
	v56 =	vnsel vm1, $0x0, v35;
	vm1 =	veq.s32 v45, $0xC  }
0xe6: {  	v52 =	vnsel vm2, $0x0, v9;
	v33 =	vadd.f32 v55, v33;
	v34 =	vadd.f32 v56, v34  }
0xe7: {  	v58 =	vld [tilespmem:$0x690];
	v60 =	vnsel vm1, $0x0, v9;
	v61 =	vnsel vm1, $0x0, v35;
	vm1 =	vgt.f32 v53, $0.0e+00  }
0xe8: {  	v31 =	vadd.f32 v52, v31;
	v55 =	vnsel vm2, $0x0, v35;
	v59 =	vpop (erf);
	(erf) = vrcp.f32 v44  }
0xe9: {  	v27 =	vadd.f32 v60, v27;
	v37 =	vadd.f32 v61, v37;
	v38 =	vmul.f32 v59, v38  }
0xea: {  	v63 =	vsel vm1, $0x3F800000, v0;
	v39 =	vadd.f32 v55, v39;
	vm1 =	veq.s32 v45, $0xE  }
0xeb: {  	v53 =	vsub.f32 $1.000000000e+00, v63;
	v56 =	vnsel vm1, $0x0, v9;
	v62 =	vsub.f32 $1.000000000e+00, v38  }
0xec: {  	v57 =	vnsel vm1, $0x0, v35;
	vm1 =	veq.s32 v45, $0xF;
	v44 =	vld [tilespmem:$0x890];
	v38 =	vmul.f32 v38, v58  }
0xed: {  	v40 =	vadd.f32 v56, v40;
	v59 =	vld [tilespmem:$0xA0];
	v54 =	vmul.f32 v62, v63;
	v42 =	vmul.f32 v62, v53  }
0xee: {  	v9 =	vnsel vm1, $0x0, v9;
	v41 =	vadd.f32 v57, v41;
	v38 =	vmul.f32 v38, v63  }
0xef: {  	v35 =	vnsel vm1, $0x0, v35;
	v46 =	vmul.f32 $5.000000000e-01, v54;
	v36 =	vmul.f32 v42, v58  }
0xf0: {  	v5 =	vadd.f32 v9, v5;
	v6 =	vadd.f32 v35, v6;
	v9 =	vmul.f32 v38, v10  }
0xf1: {  	vm1 =	veq.s32 v44, $0x0;
	v58 =	vadd.f32 v46, v38;
	v36 =	vmul.f32 $5.000000000e-01, v36;
	v62 =	vpop (erf)  }
0xf2: {  	vm2 =	veq.s32 v44, $0x1;
	v60 =	vnsel vm1, $0x0, v9;
	v10 =	vmul.f32 v62, v59  }
0xf3: {  	v38 =	vnsel vm2, $0x0, v9;
	v7 =	vadd.f32 v60, v7;
	v36 =	vadd.f32 v36, v58  }
0xf4: {  	v11 =	vadd.f32 v38, v11;
	v48 =	vsub.f32 $1.000000000e+00, v10;
	v50 =	vmul.f32 v10, v10  }
0xf5: {  	v61 =	vnsel vm1, $0x0, v36;
	vm1 =	veq.s32 v44, $0x2;
	v63 =	vnsel vm2, $0x0, v36  }
0xf6: {  	vm2 =	veq.s32 v44, $0x3;
	v8 =	vadd.f32 v61, v8;
	v45 =	vnsel vm1, $0x0, v9  }
0xf7: {  	v12 =	vadd.f32 v63, v12;
	v46 =	vnsel vm1, $0x0, v36;
	v47 =	vnsel vm2, $0x0, v9  }
0xf8: {  	v49 =	vnsel vm2, $0x0, v36;
	vm1 =	veq.s32 v44, $0x4;
	v42 =	vmul.f32 v48, v48  }
0xf9: {  	v38 =	vmul.f32 v50, v50;
	v13 =	vadd.f32 v45, v13;
	v14 =	vadd.f32 v46, v14  }
0xfa: {  	vm2 =	veq.s32 v44, $0xD;
	v15 =	vadd.f32 v47, v15;
	v16 =	vadd.f32 v49, v16  }
0xfb: {  	v51 =	vnsel vm1, $0x0, v9;
	v43 =	vnsel vm1, $0x0, v36;
	vm1 =	veq.s32 v44, $0x5  }
0xfc: {  	v42 =	vmul.f32 v42, v42;
	v17 =	vadd.f32 v51, v17;
	v18 =	vadd.f32 v43, v18  }
0xfd: {  	v52 =	vnsel vm1, $0x0, v9;
	v53 =	vnsel vm1, $0x0, v36;
	vm1 =	veq.s32 v44, $0x6  }
0xfe: {  	v19 =	vadd.f32 v52, v19;
	v20 =	vadd.f32 v53, v20;
	v54 =	vnsel vm1, $0x0, v9  }
0xff: {  	v55 =	vnsel vm1, $0x0, v36;
	vm1 =	veq.s32 v44, $0x7;
	v42 =	vadd.f32 v42, v38  }
0x100: {  	v21 =	vadd.f32 v54, v21;
	v22 =	vadd.f32 v55, v22;
	v56 =	vnsel vm1, $0x0, v9  }
0x101: {  	v57 =	vnsel vm1, $0x0, v36;
	vm1 =	veq.s32 v44, $0x8;
	v23 =	vadd.f32 v56, v23  }
0x102: {  	v51 =	vld [tilespmem:$0x2B0];
	v24 =	vadd.f32 v57, v24;
	v58 =	vnsel vm1, $0x0, v9;
	(erf) = vrcp.f32 v42  }
0x103: {  	v59 =	vnsel vm1, $0x0, v36;
	vm1 =	veq.s32 v44, $0x9;
	v25 =	vadd.f32 v58, v25  }
0x104: {  	v26 =	vadd.f32 v59, v26;
	v60 =	vnsel vm1, $0x0, v9;
	v61 =	vnsel vm1, $0x0, v36  }
0x105: {  	vm1 =	veq.s32 v44, $0xA;
	v58 =	vnsel vm2, $0x0, v9;
	v28 =	vadd.f32 v60, v28  }
0x106: {  	v29 =	vadd.f32 v61, v29;
	v62 =	vnsel vm1, $0x0, v9;
	v48 =	vnsel vm1, $0x0, v36  }
0x107: {  	v63 =	vld [tilespmem:$0x4A0];
	vm1 =	veq.s32 v44, $0xB;
	v45 =	vadd.f32 $9.999999970e-07, v51;
	v31 =	vadd.f32 v58, v31  }
0x108: {  	v61 =	vnsel vm2, $0x0, v36;
	v30 =	vadd.f32 v62, v30;
	v32 =	vadd.f32 v48, v32  }
0x109: {  	v49 =	vnsel vm1, $0x0, v9;
	v50 =	vnsel vm1, $0x0, v36;
	v39 =	vadd.f32 v61, v39  }
0x10a: {  	v52 =	vld [tilespmem:$0x6A0];
	vm1 =	veq.s32 v44, $0xC;
	v33 =	vadd.f32 v49, v33;
	v34 =	vadd.f32 v50, v34  }
0x10b: {  	v54 =	vnsel vm1, $0x0, v9;
	v55 =	vnsel vm1, $0x0, v36;
	v53 =	vpop (erf);
	(erf) = vrcp.f32 v45  }
0x10c: {  	vm1 =	vgt.f32 v63, $0.0e+00;
	v27 =	vadd.f32 v54, v27;
	v38 =	vmul.f32 v53, v38  }
0x10d: {  	v37 =	vadd.f32 v55, v37;
	v57 =	vsel vm1, $0x3F800000, v0;
	vm1 =	veq.s32 v44, $0xE  }
0x10e: {  	v59 =	vsub.f32 $1.000000000e+00, v57;
	v62 =	vnsel vm1, $0x0, v9;
	v56 =	vsub.f32 $1.000000000e+00, v38  }
0x10f: {  	v63 =	vnsel vm1, $0x0, v36;
	vm1 =	veq.s32 v44, $0xF;
	v45 =	vld [tilespmem:$0x8A0];
	v38 =	vmul.f32 v38, v52  }
0x110: {  	v48 =	vld [tilespmem:$0xB0];
	v40 =	vadd.f32 v62, v40;
	v60 =	vmul.f32 v56, v57;
	v42 =	vmul.f32 v56, v59  }
0x111: {  	v9 =	vnsel vm1, $0x0, v9;
	v41 =	vadd.f32 v63, v41;
	v38 =	vmul.f32 v38, v57  }
0x112: {  	v36 =	vnsel vm1, $0x0, v36;
	v46 =	vmul.f32 $5.000000000e-01, v60;
	v35 =	vmul.f32 v42, v52  }
0x113: {  	v5 =	vadd.f32 v9, v5;
	v6 =	vadd.f32 v36, v6;
	v9 =	vmul.f32 v38, v10  }
0x114: {  	vm1 =	veq.s32 v45, $0x0;
	v47 =	vadd.f32 v46, v38;
	v35 =	vmul.f32 $5.000000000e-01, v35;
	v51 =	vpop (erf)  }
0x115: {  	vm2 =	veq.s32 v45, $0x1;
	v49 =	vnsel vm1, $0x0, v9;
	v10 =	vmul.f32 v51, v48  }
0x116: {  	v38 =	vnsel vm2, $0x0, v9;
	v7 =	vadd.f32 v49, v7;
	v35 =	vadd.f32 v35, v47  }
0x117: {  	v11 =	vadd.f32 v38, v11;
	v56 =	vsub.f32 $1.000000000e+00, v10;
	v58 =	vmul.f32 v10, v10  }
0x118: {  	v50 =	vnsel vm1, $0x0, v35;
	vm1 =	veq.s32 v45, $0x2;
	v52 =	vnsel vm2, $0x0, v35  }
0x119: {  	vm2 =	veq.s32 v45, $0x3;
	v8 =	vadd.f32 v50, v8;
	v53 =	vnsel vm1, $0x0, v9  }
0x11a: {  	v12 =	vadd.f32 v52, v12;
	v54 =	vnsel vm1, $0x0, v35;
	v55 =	vnsel vm2, $0x0, v9  }
0x11b: {  	v57 =	vnsel vm2, $0x0, v35;
	vm1 =	veq.s32 v45, $0x4;
	v42 =	vmul.f32 v56, v56  }
0x11c: {  	v38 =	vmul.f32 v58, v58;
	v13 =	vadd.f32 v53, v13;
	v14 =	vadd.f32 v54, v14  }
0x11d: {  	vm2 =	veq.s32 v45, $0xD;
	v15 =	vadd.f32 v55, v15;
	v16 =	vadd.f32 v57, v16  }
0x11e: {  	v59 =	vnsel vm1, $0x0, v9;
	v43 =	vnsel vm1, $0x0, v35;
	vm1 =	veq.s32 v45, $0x5  }
0x11f: {  	v42 =	vmul.f32 v42, v42;
	v17 =	vadd.f32 v59, v17;
	v18 =	vadd.f32 v43, v18  }
0x120: {  	v60 =	vnsel vm1, $0x0, v9;
	v61 =	vnsel vm1, $0x0, v35;
	vm1 =	veq.s32 v45, $0x6  }
0x121: {  	v19 =	vadd.f32 v60, v19;
	v20 =	vadd.f32 v61, v20;
	v62 =	vnsel vm1, $0x0, v9  }
0x122: {  	v63 =	vnsel vm1, $0x0, v35;
	vm1 =	veq.s32 v45, $0x7;
	v42 =	vadd.f32 v42, v38  }
0x123: {  	v57 =	vld [tilespmem:$0x300];
	v21 =	vadd.f32 v62, v21;
	v22 =	vadd.f32 v63, v22;
	v46 =	vnsel vm1, $0x0, v9  }
0x124: {  	v47 =	vnsel vm1, $0x0, v35;
	vm1 =	veq.s32 v45, $0x8;
	v23 =	vadd.f32 v46, v23  }
0x125: {  	v24 =	vadd.f32 v47, v24;
	v48 =	vnsel vm1, $0x0, v9;
	(erf) = vrcp.f32 v42  }
0x126: {  	v49 =	vnsel vm1, $0x0, v35;
	vm1 =	veq.s32 v45, $0x9;
	v25 =	vadd.f32 v48, v25  }
0x127: {  	v26 =	vadd.f32 v49, v26;
	v50 =	vnsel vm1, $0x0, v9;
	v51 =	vnsel vm1, $0x0, v35  }
0x128: {  	v53 =	vld [tilespmem:$0x4B0];
	vm1 =	veq.s32 v45, $0xA;
	v44 =	vadd.f32 $9.999999970e-07, v57;
	v28 =	vadd.f32 v50, v28  }
0x129: {  	v29 =	vadd.f32 v51, v29;
	v52 =	vnsel vm1, $0x0, v9;
	v54 =	vnsel vm1, $0x0, v35  }
0x12a: {  	vm1 =	veq.s32 v45, $0xB;
	v30 =	vadd.f32 v52, v30;
	v32 =	vadd.f32 v54, v32  }
0x12b: {  	v55 =	vnsel vm1, $0x0, v9;
	v56 =	vnsel vm1, $0x0, v35;
	vm1 =	veq.s32 v45, $0xC  }
0x12c: {  	v52 =	vnsel vm2, $0x0, v9;
	v33 =	vadd.f32 v55, v33;
	v34 =	vadd.f32 v56, v34  }
0x12d: {  	v58 =	vld [tilespmem:$0x6B0];
	v60 =	vnsel vm1, $0x0, v9;
	v61 =	vnsel vm1, $0x0, v35;
	vm1 =	vgt.f32 v53, $0.0e+00  }
0x12e: {  	v31 =	vadd.f32 v52, v31;
	v55 =	vnsel vm2, $0x0, v35;
	v59 =	vpop (erf);
	(erf) = vrcp.f32 v44  }
0x12f: {  	v27 =	vadd.f32 v60, v27;
	v37 =	vadd.f32 v61, v37;
	v38 =	vmul.f32 v59, v38  }
0x130: {  	v63 =	vsel vm1, $0x3F800000, v0;
	v39 =	vadd.f32 v55, v39;
	vm1 =	veq.s32 v45, $0xE  }
0x131: {  	v53 =	vsub.f32 $1.000000000e+00, v63;
	v56 =	vnsel vm1, $0x0, v9;
	v62 =	vsub.f32 $1.000000000e+00, v38  }
0x132: {  	v57 =	vnsel vm1, $0x0, v35;
	vm1 =	veq.s32 v45, $0xF;
	v44 =	vld [tilespmem:$0x8B0];
	v38 =	vmul.f32 v38, v58  }
0x133: {  	v40 =	vadd.f32 v56, v40;
	v59 =	vld [tilespmem:$0x100];
	v54 =	vmul.f32 v62, v63;
	v42 =	vmul.f32 v62, v53  }
0x134: {  	v9 =	vnsel vm1, $0x0, v9;
	v41 =	vadd.f32 v57, v41;
	v38 =	vmul.f32 v38, v63  }
0x135: {  	v35 =	vnsel vm1, $0x0, v35;
	v46 =	vmul.f32 $5.000000000e-01, v54;
	v36 =	vmul.f32 v42, v58  }
0x136: {  	v5 =	vadd.f32 v9, v5;
	v6 =	vadd.f32 v35, v6;
	v9 =	vmul.f32 v38, v10  }
0x137: {  	vm1 =	veq.s32 v44, $0x0;
	v58 =	vadd.f32 v46, v38;
	v36 =	vmul.f32 $5.000000000e-01, v36;
	v62 =	vpop (erf)  }
0x138: {  	vm2 =	veq.s32 v44, $0x1;
	v60 =	vnsel vm1, $0x0, v9;
	v10 =	vmul.f32 v62, v59  }
0x139: {  	v38 =	vnsel vm2, $0x0, v9;
	v7 =	vadd.f32 v60, v7;
	v36 =	vadd.f32 v36, v58  }
0x13a: {  	v11 =	vadd.f32 v38, v11;
	v48 =	vsub.f32 $1.000000000e+00, v10;
	v50 =	vmul.f32 v10, v10  }
0x13b: {  	v61 =	vnsel vm1, $0x0, v36;
	vm1 =	veq.s32 v44, $0x2;
	v63 =	vnsel vm2, $0x0, v36  }
0x13c: {  	vm2 =	veq.s32 v44, $0x3;
	v8 =	vadd.f32 v61, v8;
	v45 =	vnsel vm1, $0x0, v9  }
0x13d: {  	v12 =	vadd.f32 v63, v12;
	v46 =	vnsel vm1, $0x0, v36;
	v47 =	vnsel vm2, $0x0, v9  }
0x13e: {  	v49 =	vnsel vm2, $0x0, v36;
	vm1 =	veq.s32 v44, $0x4;
	v42 =	vmul.f32 v48, v48  }
0x13f: {  	v38 =	vmul.f32 v50, v50;
	v13 =	vadd.f32 v45, v13;
	v14 =	vadd.f32 v46, v14  }
0x140: {  	vm2 =	veq.s32 v44, $0xD;
	v15 =	vadd.f32 v47, v15;
	v16 =	vadd.f32 v49, v16  }
0x141: {  	v51 =	vnsel vm1, $0x0, v9;
	v43 =	vnsel vm1, $0x0, v36;
	vm1 =	veq.s32 v44, $0x5  }
0x142: {  	v42 =	vmul.f32 v42, v42;
	v17 =	vadd.f32 v51, v17;
	v18 =	vadd.f32 v43, v18  }
0x143: {  	v52 =	vnsel vm1, $0x0, v9;
	v53 =	vnsel vm1, $0x0, v36;
	vm1 =	veq.s32 v44, $0x6  }
0x144: {  	v19 =	vadd.f32 v52, v19;
	v20 =	vadd.f32 v53, v20;
	v54 =	vnsel vm1, $0x0, v9  }
0x145: {  	v55 =	vnsel vm1, $0x0, v36;
	vm1 =	veq.s32 v44, $0x7;
	v42 =	vadd.f32 v42, v38  }
0x146: {  	v21 =	vadd.f32 v54, v21;
	v22 =	vadd.f32 v55, v22;
	v56 =	vnsel vm1, $0x0, v9  }
0x147: {  	v57 =	vnsel vm1, $0x0, v36;
	vm1 =	veq.s32 v44, $0x8;
	v23 =	vadd.f32 v56, v23  }
0x148: {  	v51 =	vld [tilespmem:$0x310];
	v24 =	vadd.f32 v57, v24;
	v58 =	vnsel vm1, $0x0, v9;
	(erf) = vrcp.f32 v42  }
0x149: {  	v59 =	vnsel vm1, $0x0, v36;
	vm1 =	veq.s32 v44, $0x9;
	v25 =	vadd.f32 v58, v25  }
0x14a: {  	v26 =	vadd.f32 v59, v26;
	v60 =	vnsel vm1, $0x0, v9;
	v61 =	vnsel vm1, $0x0, v36  }
0x14b: {  	vm1 =	veq.s32 v44, $0xA;
	v58 =	vnsel vm2, $0x0, v9;
	v28 =	vadd.f32 v60, v28  }
0x14c: {  	v29 =	vadd.f32 v61, v29;
	v62 =	vnsel vm1, $0x0, v9;
	v48 =	vnsel vm1, $0x0, v36  }
0x14d: {  	v63 =	vld [tilespmem:$0x500];
	vm1 =	veq.s32 v44, $0xB;
	v45 =	vadd.f32 $9.999999970e-07, v51;
	v31 =	vadd.f32 v58, v31  }
0x14e: {  	v61 =	vnsel vm2, $0x0, v36;
	v30 =	vadd.f32 v62, v30;
	v32 =	vadd.f32 v48, v32  }
0x14f: {  	v49 =	vnsel vm1, $0x0, v9;
	v50 =	vnsel vm1, $0x0, v36;
	v39 =	vadd.f32 v61, v39  }
0x150: {  	v52 =	vld [tilespmem:$0x700];
	vm1 =	veq.s32 v44, $0xC;
	v33 =	vadd.f32 v49, v33;
	v34 =	vadd.f32 v50, v34  }
0x151: {  	v54 =	vnsel vm1, $0x0, v9;
	v55 =	vnsel vm1, $0x0, v36;
	v53 =	vpop (erf);
	(erf) = vrcp.f32 v45  }
0x152: {  	vm1 =	vgt.f32 v63, $0.0e+00;
	v27 =	vadd.f32 v54, v27;
	v38 =	vmul.f32 v53, v38  }
0x153: {  	v37 =	vadd.f32 v55, v37;
	v57 =	vsel vm1, $0x3F800000, v0;
	vm1 =	veq.s32 v44, $0xE  }
0x154: {  	v59 =	vsub.f32 $1.000000000e+00, v57;
	v62 =	vnsel vm1, $0x0, v9;
	v56 =	vsub.f32 $1.000000000e+00, v38  }
0x155: {  	v63 =	vnsel vm1, $0x0, v36;
	vm1 =	veq.s32 v44, $0xF;
	v45 =	vld [tilespmem:$0x900];
	v38 =	vmul.f32 v38, v52  }
0x156: {  	v48 =	vld [tilespmem:$0x110];
	v40 =	vadd.f32 v62, v40;
	v60 =	vmul.f32 v56, v57;
	v42 =	vmul.f32 v56, v59  }
0x157: {  	v9 =	vnsel vm1, $0x0, v9;
	v41 =	vadd.f32 v63, v41;
	v38 =	vmul.f32 v38, v57  }
0x158: {  	v36 =	vnsel vm1, $0x0, v36;
	v46 =	vmul.f32 $5.000000000e-01, v60;
	v35 =	vmul.f32 v42, v52  }
0x159: {  	v5 =	vadd.f32 v9, v5;
	v6 =	vadd.f32 v36, v6;
	v9 =	vmul.f32 v38, v10  }
0x15a: {  	vm1 =	veq.s32 v45, $0x0;
	v47 =	vadd.f32 v46, v38;
	v35 =	vmul.f32 $5.000000000e-01, v35;
	v51 =	vpop (erf)  }
0x15b: {  	vm2 =	veq.s32 v45, $0x1;
	v49 =	vnsel vm1, $0x0, v9;
	v10 =	vmul.f32 v51, v48  }
0x15c: {  	v38 =	vnsel vm2, $0x0, v9;
	v7 =	vadd.f32 v49, v7;
	v35 =	vadd.f32 v35, v47  }
0x15d: {  	v11 =	vadd.f32 v38, v11;
	v56 =	vsub.f32 $1.000000000e+00, v10;
	v58 =	vmul.f32 v10, v10  }
0x15e: {  	v50 =	vnsel vm1, $0x0, v35;
	vm1 =	veq.s32 v45, $0x2;
	v52 =	vnsel vm2, $0x0, v35  }
0x15f: {  	vm2 =	veq.s32 v45, $0x3;
	v8 =	vadd.f32 v50, v8;
	v53 =	vnsel vm1, $0x0, v9  }
0x160: {  	v12 =	vadd.f32 v52, v12;
	v54 =	vnsel vm1, $0x0, v35;
	v55 =	vnsel vm2, $0x0, v9  }
0x161: {  	v57 =	vnsel vm2, $0x0, v35;
	vm1 =	veq.s32 v45, $0x4;
	v42 =	vmul.f32 v56, v56  }
0x162: {  	v38 =	vmul.f32 v58, v58;
	v13 =	vadd.f32 v53, v13;
	v14 =	vadd.f32 v54, v14  }
0x163: {  	vm2 =	veq.s32 v45, $0xD;
	v15 =	vadd.f32 v55, v15;
	v16 =	vadd.f32 v57, v16  }
0x164: {  	v59 =	vnsel vm1, $0x0, v9;
	v43 =	vnsel vm1, $0x0, v35;
	vm1 =	veq.s32 v45, $0x5  }
0x165: {  	v42 =	vmul.f32 v42, v42;
	v17 =	vadd.f32 v59, v17;
	v18 =	vadd.f32 v43, v18  }
0x166: {  	v60 =	vnsel vm1, $0x0, v9;
	v61 =	vnsel vm1, $0x0, v35;
	vm1 =	veq.s32 v45, $0x6  }
0x167: {  	v19 =	vadd.f32 v60, v19;
	v20 =	vadd.f32 v61, v20;
	v62 =	vnsel vm1, $0x0, v9  }
0x168: {  	v63 =	vnsel vm1, $0x0, v35;
	vm1 =	veq.s32 v45, $0x7;
	v42 =	vadd.f32 v42, v38  }
0x169: {  	v57 =	vld [tilespmem:$0x320];
	v21 =	vadd.f32 v62, v21;
	v22 =	vadd.f32 v63, v22;
	v46 =	vnsel vm1, $0x0, v9  }
0x16a: {  	v47 =	vnsel vm1, $0x0, v35;
	vm1 =	veq.s32 v45, $0x8;
	v23 =	vadd.f32 v46, v23  }
0x16b: {  	v24 =	vadd.f32 v47, v24;
	v48 =	vnsel vm1, $0x0, v9;
	(erf) = vrcp.f32 v42  }
0x16c: {  	v49 =	vnsel vm1, $0x0, v35;
	vm1 =	veq.s32 v45, $0x9;
	v25 =	vadd.f32 v48, v25  }
0x16d: {  	v26 =	vadd.f32 v49, v26;
	v50 =	vnsel vm1, $0x0, v9;
	v51 =	vnsel vm1, $0x0, v35  }
0x16e: {  	v53 =	vld [tilespmem:$0x510];
	vm1 =	veq.s32 v45, $0xA;
	v44 =	vadd.f32 $9.999999970e-07, v57;
	v28 =	vadd.f32 v50, v28  }
0x16f: {  	v29 =	vadd.f32 v51, v29;
	v52 =	vnsel vm1, $0x0, v9;
	v54 =	vnsel vm1, $0x0, v35  }
0x170: {  	vm1 =	veq.s32 v45, $0xB;
	v30 =	vadd.f32 v52, v30;
	v32 =	vadd.f32 v54, v32  }
0x171: {  	v55 =	vnsel vm1, $0x0, v9;
	v56 =	vnsel vm1, $0x0, v35;
	vm1 =	veq.s32 v45, $0xC  }
0x172: {  	v52 =	vnsel vm2, $0x0, v9;
	v33 =	vadd.f32 v55, v33;
	v34 =	vadd.f32 v56, v34  }
0x173: {  	v58 =	vld [tilespmem:$0x710];
	v60 =	vnsel vm1, $0x0, v9;
	v61 =	vnsel vm1, $0x0, v35;
	vm1 =	vgt.f32 v53, $0.0e+00  }
0x174: {  	v31 =	vadd.f32 v52, v31;
	v55 =	vnsel vm2, $0x0, v35;
	v59 =	vpop (erf);
	(erf) = vrcp.f32 v44  }
0x175: {  	v27 =	vadd.f32 v60, v27;
	v37 =	vadd.f32 v61, v37;
	v38 =	vmul.f32 v59, v38  }
0x176: {  	v63 =	vsel vm1, $0x3F800000, v0;
	v39 =	vadd.f32 v55, v39;
	vm1 =	veq.s32 v45, $0xE  }
0x177: {  	v53 =	vsub.f32 $1.000000000e+00, v63;
	v56 =	vnsel vm1, $0x0, v9;
	v62 =	vsub.f32 $1.000000000e+00, v38  }
0x178: {  	v57 =	vnsel vm1, $0x0, v35;
	vm1 =	veq.s32 v45, $0xF;
	v44 =	vld [tilespmem:$0x910];
	v38 =	vmul.f32 v38, v58  }
0x179: {  	v40 =	vadd.f32 v56, v40;
	v59 =	vld [tilespmem:$0x120];
	v54 =	vmul.f32 v62, v63;
	v42 =	vmul.f32 v62, v53  }
0x17a: {  	v9 =	vnsel vm1, $0x0, v9;
	v41 =	vadd.f32 v57, v41;
	v38 =	vmul.f32 v38, v63  }
0x17b: {  	v35 =	vnsel vm1, $0x0, v35;
	v46 =	vmul.f32 $5.000000000e-01, v54;
	v36 =	vmul.f32 v42, v58  }
0x17c: {  	v5 =	vadd.f32 v9, v5;
	v6 =	vadd.f32 v35, v6;
	v9 =	vmul.f32 v38, v10  }
0x17d: {  	vm1 =	veq.s32 v44, $0x0;
	v58 =	vadd.f32 v46, v38;
	v36 =	vmul.f32 $5.000000000e-01, v36;
	v62 =	vpop (erf)  }
0x17e: {  	vm2 =	veq.s32 v44, $0x1;
	v60 =	vnsel vm1, $0x0, v9;
	v10 =	vmul.f32 v62, v59  }
0x17f: {  	v38 =	vnsel vm2, $0x0, v9;
	v7 =	vadd.f32 v60, v7;
	v36 =	vadd.f32 v36, v58  }
0x180: {  	v11 =	vadd.f32 v38, v11;
	v48 =	vsub.f32 $1.000000000e+00, v10;
	v50 =	vmul.f32 v10, v10  }
0x181: {  	v61 =	vnsel vm1, $0x0, v36;
	vm1 =	veq.s32 v44, $0x2;
	v63 =	vnsel vm2, $0x0, v36  }
0x182: {  	vm2 =	veq.s32 v44, $0x3;
	v8 =	vadd.f32 v61, v8;
	v45 =	vnsel vm1, $0x0, v9  }
0x183: {  	v12 =	vadd.f32 v63, v12;
	v46 =	vnsel vm1, $0x0, v36;
	v47 =	vnsel vm2, $0x0, v9  }
0x184: {  	v49 =	vnsel vm2, $0x0, v36;
	vm1 =	veq.s32 v44, $0x4;
	v42 =	vmul.f32 v48, v48  }
0x185: {  	v38 =	vmul.f32 v50, v50;
	v13 =	vadd.f32 v45, v13;
	v14 =	vadd.f32 v46, v14  }
0x186: {  	vm2 =	veq.s32 v44, $0xD;
	v15 =	vadd.f32 v47, v15;
	v16 =	vadd.f32 v49, v16  }
0x187: {  	v51 =	vnsel vm1, $0x0, v9;
	v43 =	vnsel vm1, $0x0, v36;
	vm1 =	veq.s32 v44, $0x5  }
0x188: {  	v42 =	vmul.f32 v42, v42;
	v17 =	vadd.f32 v51, v17;
	v18 =	vadd.f32 v43, v18  }
0x189: {  	v52 =	vnsel vm1, $0x0, v9;
	v53 =	vnsel vm1, $0x0, v36;
	vm1 =	veq.s32 v44, $0x6  }
0x18a: {  	v19 =	vadd.f32 v52, v19;
	v20 =	vadd.f32 v53, v20;
	v54 =	vnsel vm1, $0x0, v9  }
0x18b: {  	v55 =	vnsel vm1, $0x0, v36;
	vm1 =	veq.s32 v44, $0x7;
	v42 =	vadd.f32 v42, v38  }
0x18c: {  	v21 =	vadd.f32 v54, v21;
	v22 =	vadd.f32 v55, v22;
	v56 =	vnsel vm1, $0x0, v9  }
0x18d: {  	v57 =	vnsel vm1, $0x0, v36;
	vm1 =	veq.s32 v44, $0x8;
	v23 =	vadd.f32 v56, v23  }
0x18e: {  	v51 =	vld [tilespmem:$0x330];
	v24 =	vadd.f32 v57, v24;
	v58 =	vnsel vm1, $0x0, v9;
	(erf) = vrcp.f32 v42  }
0x18f: {  	v59 =	vnsel vm1, $0x0, v36;
	vm1 =	veq.s32 v44, $0x9;
	v25 =	vadd.f32 v58, v25  }
0x190: {  	v26 =	vadd.f32 v59, v26;
	v60 =	vnsel vm1, $0x0, v9;
	v61 =	vnsel vm1, $0x0, v36  }
0x191: {  	vm1 =	veq.s32 v44, $0xA;
	v58 =	vnsel vm2, $0x0, v9;
	v28 =	vadd.f32 v60, v28  }
0x192: {  	v29 =	vadd.f32 v61, v29;
	v62 =	vnsel vm1, $0x0, v9;
	v48 =	vnsel vm1, $0x0, v36  }
0x193: {  	v63 =	vld [tilespmem:$0x520];
	vm1 =	veq.s32 v44, $0xB;
	v45 =	vadd.f32 $9.999999970e-07, v51;
	v31 =	vadd.f32 v58, v31  }
0x194: {  	v61 =	vnsel vm2, $0x0, v36;
	v30 =	vadd.f32 v62, v30;
	v32 =	vadd.f32 v48, v32  }
0x195: {  	v49 =	vnsel vm1, $0x0, v9;
	v50 =	vnsel vm1, $0x0, v36;
	v39 =	vadd.f32 v61, v39  }
0x196: {  	v52 =	vld [tilespmem:$0x720];
	vm1 =	veq.s32 v44, $0xC;
	v33 =	vadd.f32 v49, v33;
	v34 =	vadd.f32 v50, v34  }
0x197: {  	v54 =	vnsel vm1, $0x0, v9;
	v55 =	vnsel vm1, $0x0, v36;
	v53 =	vpop (erf);
	(erf) = vrcp.f32 v45  }
0x198: {  	vm1 =	vgt.f32 v63, $0.0e+00;
	v27 =	vadd.f32 v54, v27;
	v38 =	vmul.f32 v53, v38  }
0x199: {  	v37 =	vadd.f32 v55, v37;
	v57 =	vsel vm1, $0x3F800000, v0;
	vm1 =	veq.s32 v44, $0xE  }
0x19a: {  	v59 =	vsub.f32 $1.000000000e+00, v57;
	v62 =	vnsel vm1, $0x0, v9;
	v56 =	vsub.f32 $1.000000000e+00, v38  }
0x19b: {  	v63 =	vnsel vm1, $0x0, v36;
	vm1 =	veq.s32 v44, $0xF;
	v45 =	vld [tilespmem:$0x920];
	v38 =	vmul.f32 v38, v52  }
0x19c: {  	v48 =	vld [tilespmem:$0x130];
	v40 =	vadd.f32 v62, v40;
	v60 =	vmul.f32 v56, v57;
	v42 =	vmul.f32 v56, v59  }
0x19d: {  	v9 =	vnsel vm1, $0x0, v9;
	v41 =	vadd.f32 v63, v41;
	v38 =	vmul.f32 v38, v57  }
0x19e: {  	v36 =	vnsel vm1, $0x0, v36;
	v46 =	vmul.f32 $5.000000000e-01, v60;
	v35 =	vmul.f32 v42, v52  }
0x19f: {  	v5 =	vadd.f32 v9, v5;
	v6 =	vadd.f32 v36, v6;
	v9 =	vmul.f32 v38, v10  }
0x1a0: {  	vm1 =	veq.s32 v45, $0x0;
	v47 =	vadd.f32 v46, v38;
	v35 =	vmul.f32 $5.000000000e-01, v35;
	v51 =	vpop (erf)  }
0x1a1: {  	vm2 =	veq.s32 v45, $0x1;
	v49 =	vnsel vm1, $0x0, v9;
	v10 =	vmul.f32 v51, v48  }
0x1a2: {  	v38 =	vnsel vm2, $0x0, v9;
	v7 =	vadd.f32 v49, v7;
	v35 =	vadd.f32 v35, v47  }
0x1a3: {  	v11 =	vadd.f32 v38, v11;
	v56 =	vsub.f32 $1.000000000e+00, v10;
	v58 =	vmul.f32 v10, v10  }
0x1a4: {  	v50 =	vnsel vm1, $0x0, v35;
	vm1 =	veq.s32 v45, $0x2;
	v52 =	vnsel vm2, $0x0, v35  }
0x1a5: {  	vm2 =	veq.s32 v45, $0x3;
	v8 =	vadd.f32 v50, v8;
	v53 =	vnsel vm1, $0x0, v9  }
0x1a6: {  	v12 =	vadd.f32 v52, v12;
	v54 =	vnsel vm1, $0x0, v35;
	v55 =	vnsel vm2, $0x0, v9  }
0x1a7: {  	v57 =	vnsel vm2, $0x0, v35;
	vm1 =	veq.s32 v45, $0x4;
	v42 =	vmul.f32 v56, v56  }
0x1a8: {  	v38 =	vmul.f32 v58, v58;
	v13 =	vadd.f32 v53, v13;
	v14 =	vadd.f32 v54, v14  }
0x1a9: {  	vm2 =	veq.s32 v45, $0xD;
	v15 =	vadd.f32 v55, v15;
	v16 =	vadd.f32 v57, v16  }
0x1aa: {  	v59 =	vnsel vm1, $0x0, v9;
	v43 =	vnsel vm1, $0x0, v35;
	vm1 =	veq.s32 v45, $0x5  }
0x1ab: {  	v42 =	vmul.f32 v42, v42;
	v17 =	vadd.f32 v59, v17;
	v18 =	vadd.f32 v43, v18  }
0x1ac: {  	v60 =	vnsel vm1, $0x0, v9;
	v61 =	vnsel vm1, $0x0, v35;
	vm1 =	veq.s32 v45, $0x6  }
0x1ad: {  	v19 =	vadd.f32 v60, v19;
	v20 =	vadd.f32 v61, v20;
	v62 =	vnsel vm1, $0x0, v9  }
0x1ae: {  	v63 =	vnsel vm1, $0x0, v35;
	vm1 =	veq.s32 v45, $0x7;
	v42 =	vadd.f32 v42, v38  }
0x1af: {  	v57 =	vld [tilespmem:$0x380];
	v21 =	vadd.f32 v62, v21;
	v22 =	vadd.f32 v63, v22;
	v46 =	vnsel vm1, $0x0, v9  }
0x1b0: {  	v47 =	vnsel vm1, $0x0, v35;
	vm1 =	veq.s32 v45, $0x8;
	v23 =	vadd.f32 v46, v23  }
0x1b1: {  	v24 =	vadd.f32 v47, v24;
	v48 =	vnsel vm1, $0x0, v9;
	(erf) = vrcp.f32 v42  }
0x1b2: {  	v49 =	vnsel vm1, $0x0, v35;
	vm1 =	veq.s32 v45, $0x9;
	v25 =	vadd.f32 v48, v25  }
0x1b3: {  	v26 =	vadd.f32 v49, v26;
	v50 =	vnsel vm1, $0x0, v9;
	v51 =	vnsel vm1, $0x0, v35  }
0x1b4: {  	v53 =	vld [tilespmem:$0x530];
	vm1 =	veq.s32 v45, $0xA;
	v44 =	vadd.f32 $9.999999970e-07, v57;
	v28 =	vadd.f32 v50, v28  }
0x1b5: {  	v29 =	vadd.f32 v51, v29;
	v52 =	vnsel vm1, $0x0, v9;
	v54 =	vnsel vm1, $0x0, v35  }
0x1b6: {  	vm1 =	veq.s32 v45, $0xB;
	v30 =	vadd.f32 v52, v30;
	v32 =	vadd.f32 v54, v32  }
0x1b7: {  	v55 =	vnsel vm1, $0x0, v9;
	v56 =	vnsel vm1, $0x0, v35;
	vm1 =	veq.s32 v45, $0xC  }
0x1b8: {  	v52 =	vnsel vm2, $0x0, v9;
	v33 =	vadd.f32 v55, v33;
	v34 =	vadd.f32 v56, v34  }
0x1b9: {  	v58 =	vld [tilespmem:$0x730];
	v60 =	vnsel vm1, $0x0, v9;
	v61 =	vnsel vm1, $0x0, v35;
	vm1 =	vgt.f32 v53, $0.0e+00  }
0x1ba: {  	v31 =	vadd.f32 v52, v31;
	v55 =	vnsel vm2, $0x0, v35;
	v59 =	vpop (erf);
	(erf) = vrcp.f32 v44  }
0x1bb: {  	v27 =	vadd.f32 v60, v27;
	v37 =	vadd.f32 v61, v37;
	v38 =	vmul.f32 v59, v38  }
0x1bc: {  	v63 =	vsel vm1, $0x3F800000, v0;
	v39 =	vadd.f32 v55, v39;
	vm1 =	veq.s32 v45, $0xE  }
0x1bd: {  	v53 =	vsub.f32 $1.000000000e+00, v63;
	v56 =	vnsel vm1, $0x0, v9;
	v62 =	vsub.f32 $1.000000000e+00, v38  }
0x1be: {  	v57 =	vnsel vm1, $0x0, v35;
	vm1 =	veq.s32 v45, $0xF;
	v44 =	vld [tilespmem:$0x930];
	v38 =	vmul.f32 v38, v58  }
0x1bf: {  	v40 =	vadd.f32 v56, v40;
	v59 =	vld [tilespmem:$0x180];
	v54 =	vmul.f32 v62, v63;
	v42 =	vmul.f32 v62, v53  }
0x1c0: {  	v9 =	vnsel vm1, $0x0, v9;
	v41 =	vadd.f32 v57, v41;
	v38 =	vmul.f32 v38, v63  }
0x1c1: {  	v35 =	vnsel vm1, $0x0, v35;
	v46 =	vmul.f32 $5.000000000e-01, v54;
	v36 =	vmul.f32 v42, v58  }
0x1c2: {  	v5 =	vadd.f32 v9, v5;
	v6 =	vadd.f32 v35, v6;
	v9 =	vmul.f32 v38, v10  }
0x1c3: {  	vm1 =	veq.s32 v44, $0x0;
	v58 =	vadd.f32 v46, v38;
	v36 =	vmul.f32 $5.000000000e-01, v36;
	v62 =	vpop (erf)  }
0x1c4: {  	vm2 =	veq.s32 v44, $0x1;
	v60 =	vnsel vm1, $0x0, v9;
	v10 =	vmul.f32 v62, v59  }
0x1c5: {  	v38 =	vnsel vm2, $0x0, v9;
	v7 =	vadd.f32 v60, v7;
	v36 =	vadd.f32 v36, v58  }
0x1c6: {  	v11 =	vadd.f32 v38, v11;
	v47 =	vsub.f32 $1.000000000e+00, v10;
	v50 =	vmul.f32 v10, v10  }
0x1c7: {  	v61 =	vnsel vm1, $0x0, v36;
	vm1 =	veq.s32 v44, $0x2;
	v63 =	vnsel vm2, $0x0, v36  }
0x1c8: {  	v8 =	vadd.f32 v61, v8;
	v45 =	vnsel vm1, $0x0, v9;
	v12 =	vadd.f32 v63, v12  }
0x1c9: {  	v46 =	vnsel vm1, $0x0, v36;
	vm1 =	veq.s32 v44, $0x3;
	v38 =	vmul.f32 v47, v47  }
0x1ca: {  	v43 =	vmul.f32 v50, v50;
	v13 =	vadd.f32 v45, v13;
	v14 =	vadd.f32 v46, v14  }
0x1cb: {  	v48 =	vnsel vm1, $0x0, v9;
	v49 =	vnsel vm1, $0x0, v36;
	vm1 =	veq.s32 v44, $0x4  }
0x1cc: {  	v15 =	vadd.f32 v48, v15;
	v16 =	vadd.f32 v49, v16;
	v51 =	vnsel vm1, $0x0, v9  }
0x1cd: {  	v52 =	vnsel vm1, $0x0, v36;
	v38 =	vmul.f32 v38, v38;
	vm1 =	veq.s32 v44, $0x5  }
0x1ce: {  	v63 =	vld [tilespmem:$0x580];
	v17 =	vadd.f32 v51, v17;
	v18 =	vadd.f32 v52, v18;
	v53 =	vnsel vm1, $0x0, v9  }
0x1cf: {  	v54 =	vnsel vm1, $0x0, v36;
	vm1 =	veq.s32 v44, $0x6;
	v38 =	vadd.f32 v38, v43  }
0x1d0: {  	v19 =	vadd.f32 v53, v19;
	v20 =	vadd.f32 v54, v20;
	v55 =	vnsel vm1, $0x0, v9  }
0x1d1: {  	v56 =	vnsel vm1, $0x0, v36;
	vm1 =	veq.s32 v44, $0x7;
	v21 =	vadd.f32 v55, v21  }
0x1d2: {  	v49 =	vld [tilespmem:$0x390];
	v22 =	vadd.f32 v56, v22;
	v57 =	vnsel vm1, $0x0, v9;
	v58 =	vnsel vm1, $0x0, v36  }
0x1d3: {  	vm1 =	veq.s32 v44, $0x8;
	vm2 =	vgt.f32 v63, $0.0e+00;
	(erf) = vrcp.f32 v38  }
0x1d4: {  	v23 =	vadd.f32 v57, v23;
	v24 =	vadd.f32 v58, v24;
	v59 =	vnsel vm1, $0x0, v9  }
0x1d5: {  	v60 =	vnsel vm1, $0x0, v36;
	vm1 =	veq.s32 v44, $0x9;
	v54 =	vsel vm2, $0x3F800000, v0  }
0x1d6: {  	v25 =	vadd.f32 v59, v25;
	v26 =	vadd.f32 v60, v26;
	v61 =	vnsel vm1, $0x0, v9  }
0x1d7: {  	v62 =	vnsel vm1, $0x0, v36;
	v56 =	vsub.f32 $1.000000000e+00, v54;
	v38 =	vadd.f32 $9.999999970e-07, v49  }
0x1d8: {  	vm1 =	veq.s32 v44, $0xA;
	v28 =	vadd.f32 v61, v28;
	v29 =	vadd.f32 v62, v29  }
0x1d9: {  	v46 =	vnsel vm1, $0x0, v9;
	v47 =	vnsel vm1, $0x0, v36;
	vm1 =	veq.s32 v44, $0xB  }
0x1da: {  	v30 =	vadd.f32 v46, v30;
	v32 =	vadd.f32 v47, v32;
	v48 =	vnsel vm1, $0x0, v9  }
0x1db: {  	v51 =	vld [tilespmem:$0x780];
	v50 =	vnsel vm1, $0x0, v36;
	vm1 =	veq.s32 v44, $0xC;
	v33 =	vadd.f32 v48, v33  }
0x1dc: {  	v53 =	vnsel vm1, $0x0, v9;
	v34 =	vadd.f32 v50, v34;
	v52 =	vpop (erf);
	(erf) = vrcp.f32 v38  }
0x1dd: {  	v55 =	vnsel vm1, $0x0, v36;
	vm1 =	veq.s32 v44, $0xD;
	v43 =	vmul.f32 v52, v43  }
0x1de: {  	v27 =	vadd.f32 v53, v27;
	v37 =	vadd.f32 v55, v37;
	v59 =	vnsel vm1, $0x0, v9  }
0x1df: {  	v42 =	vld [tilespmem:$0x980];
	v60 =	vnsel vm1, $0x0, v36;
	vm1 =	veq.s32 v44, $0xE;
	v46 =	vsub.f32 $1.000000000e+00, v43  }
0x1e0: {  	v61 =	vnsel vm1, $0x0, v9;
	v62 =	vnsel vm1, $0x0, v36;
	v57 =	vmul.f32 v43, v51  }
0x1e1: {  	v45 =	vld [tilespmem:$0x190];
	vm1 =	veq.s32 v44, $0xF;
	v58 =	vmul.f32 v46, v56;
	v46 =	vmul.f32 v46, v54  }
0x1e2: {  	v31 =	vadd.f32 v59, v31;
	v9 =	vnsel vm1, $0x0, v9;
	v35 =	vmul.f32 v57, v54  }
0x1e3: {  	v36 =	vnsel vm1, $0x0, v36;
	v46 =	vmul.f32 $5.000000000e-01, v46;
	v43 =	vmul.f32 v58, v51  }
0x1e4: {  	vm1 =	veq.s32 v42, $0x0;
	v5 =	vadd.f32 v9, v5;
	v6 =	vadd.f32 v36, v6  }
0x1e5: {  	v10 =	vmul.f32 v35, v10;
	v63 =	vadd.f32 v46, v35;
	v43 =	vmul.f32 $5.000000000e-01, v43;
	v49 =	vpop (erf)  }
0x1e6: {  	v38 =	vadd.f32 v60, v39;
	v39 =	vadd.f32 v61, v40;
	v36 =	vmul.f32 v49, v45  }
0x1e7: {  	v40 =	vadd.f32 v62, v41;
	v46 =	vnsel vm1, $0x0, v10;
	v35 =	vadd.f32 v43, v63  }
0x1e8: {  	vm2 =	veq.s32 v42, $0xB;
	v7 =	vadd.f32 v46, v7;
	v52 =	vsub.f32 $1.000000000e+00, v36  }
0x1e9: {  	v55 =	vmul.f32 v36, v36;
	v47 =	vnsel vm1, $0x0, v35;
	vm1 =	veq.s32 v42, $0x1  }
0x1ea: {  	v8 =	vadd.f32 v47, v8;
	v48 =	vnsel vm1, $0x0, v10;
	v43 =	vnsel vm1, $0x0, v35  }
0x1eb: {  	vm1 =	veq.s32 v42, $0x2;
	v57 =	vmul.f32 v55, v55;
	v9 =	vadd.f32 v48, v11  }
0x1ec: {  	v11 =	vadd.f32 v43, v12;
	v50 =	vnsel vm1, $0x0, v10;
	v51 =	vnsel vm1, $0x0, v35  }
0x1ed: {  	v49 =	vld [tilespmem:$0x590];
	vm1 =	veq.s32 v42, $0x3;
	v43 =	vmul.f32 v52, v52;
	v12 =	vadd.f32 v50, v13  }
0x1ee: {  	v13 =	vadd.f32 v51, v14;
	v53 =	vnsel vm1, $0x0, v10;
	v54 =	vnsel vm1, $0x0, v35  }
0x1ef: {  	vm1 =	veq.s32 v42, $0x4;
	v14 =	vadd.f32 v53, v15;
	v15 =	vadd.f32 v54, v16  }
0x1f0: {  	v56 =	vnsel vm1, $0x0, v10;
	v43 =	vmul.f32 v43, v43;
	v58 =	vnsel vm1, $0x0, v35  }
0x1f1: {  	v44 =	vld [tilespmem:$0x990];
	vm1 =	veq.s32 v42, $0x5;
	v53 =	vnsel vm2, $0x0, v10;
	v54 =	vnsel vm2, $0x0, v35  }
0x1f2: {  	vm2 =	vgt.f32 v49, $0.0e+00;
	v16 =	vadd.f32 v56, v17;
	v17 =	vadd.f32 v58, v18  }
0x1f3: {  	v59 =	vnsel vm1, $0x0, v10;
	v60 =	vnsel vm1, $0x0, v35;
	v43 =	vadd.f32 v43, v57  }
0x1f4: {  	vm1 =	veq.s32 v42, $0x6;
	v18 =	vadd.f32 v59, v19;
	v19 =	vadd.f32 v60, v20  }
0x1f5: {  	v61 =	vnsel vm1, $0x0, v10;
	v62 =	vnsel vm1, $0x0, v35;
	(erf) = vrcp.f32 v43  }
0x1f6: {  	vm1 =	veq.s32 v42, $0x7;
	v59 =	vsel vm2, $0x3F800000, v0;
	vm2 =	veq.s32 v44, $0xC  }
0x1f7: {  	v20 =	vadd.f32 v61, v21;
	v21 =	vadd.f32 v62, v22;
	v63 =	vnsel vm1, $0x0, v10  }
0x1f8: {  	v45 =	vnsel vm1, $0x0, v35;
	vm1 =	veq.s32 v42, $0x8;
	v62 =	vsub.f32 $1.000000000e+00, v59  }
0x1f9: {  	v22 =	vadd.f32 v63, v23;
	v23 =	vadd.f32 v45, v24;
	v46 =	vnsel vm1, $0x0, v10  }
0x1fa: {  	v47 =	vnsel vm1, $0x0, v35;
	vm1 =	veq.s32 v42, $0x9;
	v24 =	vadd.f32 v46, v25  }
0x1fb: {  	v48 =	vnsel vm1, $0x0, v10;
	v50 =	vnsel vm1, $0x0, v35;
	vm1 =	veq.s32 v42, $0xA  }
0x1fc: {  	v25 =	vadd.f32 v47, v26;
	v26 =	vadd.f32 v48, v28;
	v51 =	vnsel vm1, $0x0, v10  }
0x1fd: {  	v55 =	vld [tilespmem:$0x790];
	v28 =	vadd.f32 v50, v29;
	v52 =	vnsel vm1, $0x0, v35;
	v29 =	vadd.f32 v51, v30  }
0x1fe: {  	vm1 =	veq.s32 v42, $0xC;
	v30 =	vadd.f32 v52, v32;
	v32 =	vadd.f32 v53, v33;
	v56 =	vpop (erf)  }
0x1ff: {  	v33 =	vadd.f32 v54, v34;
	v58 =	vnsel vm1, $0x0, v10;
	v41 =	vmul.f32 v56, v57;
	v57 =	vld [tilespmem:$0x3A0]  }
0x200: {  	v60 =	vnsel vm1, $0x0, v35;
	vm1 =	veq.s32 v42, $0xD;
	v27 =	vadd.f32 v58, v27  }
0x201: {  	v34 =	vadd.f32 v60, v37;
	v50 =	vnsel vm1, $0x0, v10;
	v61 =	vsub.f32 $1.000000000e+00, v41  }
0x202: {  	v51 =	vnsel vm1, $0x0, v35;
	vm1 =	veq.s32 v42, $0xE;
	v63 =	vmul.f32 v41, v55  }
0x203: {  	v31 =	vadd.f32 v50, v31;
	v49 =	vmul.f32 v61, v62;
	v47 =	vmul.f32 v61, v59  }
0x204: {  	v38 =	vadd.f32 v51, v38;
	v37 =	vmul.f32 v63, v59;
	v43 =	vadd.f32 $9.999999970e-07, v57  }
0x205: {  	v52 =	vnsel vm1, $0x0, v10;
	v41 =	vmul.f32 v49, v55;
	v47 =	vmul.f32 $5.000000000e-01, v47  }
0x206: {  	v53 =	vnsel vm1, $0x0, v35;
	vm1 =	veq.s32 v42, $0xF;
	(erf) = vrcp.f32 v43  }
0x207: {  	v39 =	vadd.f32 v52, v39;
	v54 =	vadd.f32 v47, v37;
	v41 =	vmul.f32 $5.000000000e-01, v41  }
0x208: {  	v40 =	vadd.f32 v53, v40;
	v10 =	vnsel vm1, $0x0, v10;
	v36 =	vmul.f32 v37, v36  }
0x209: {  	v55 =	vnsel vm1, $0x0, v35;
	vm1 =	veq.s32 v44, $0x0;
	v37 =	vadd.f32 v41, v54  }
0x20a: {  	v5 =	vadd.f32 v10, v5;
	v6 =	vadd.f32 v55, v6;
	v57 =	vnsel vm1, $0x0, v36  }
0x20b: {  	v56 =	vld [tilespmem:$0x1A0];
	v7 =	vadd.f32 v57, v7;
	v41 =	vnsel vm1, $0x0, v37;
	vm1 =	veq.s32 v44, $0x1  }
0x20c: {  	v8 =	vadd.f32 v41, v8;
	v58 =	vnsel vm1, $0x0, v36;
	v59 =	vnsel vm1, $0x0, v37  }
0x20d: {  	vm1 =	veq.s32 v44, $0x2;
	v9 =	vadd.f32 v58, v9;
	v10 =	vadd.f32 v59, v11  }
0x20e: {  	v60 =	vnsel vm1, $0x0, v36;
	v62 =	vnsel vm1, $0x0, v37;
	vm1 =	veq.s32 v44, $0x3  }
0x20f: {  	v11 =	vadd.f32 v60, v12;
	v12 =	vadd.f32 v62, v13;
	v63 =	vnsel vm1, $0x0, v36;
	v61 =	vpop (erf)  }
0x210: {  	v45 =	vnsel vm1, $0x0, v37;
	vm1 =	veq.s32 v44, $0x4;
	v35 =	vmul.f32 v61, v56  }
0x211: {  	v13 =	vadd.f32 v63, v14;
	v14 =	vadd.f32 v45, v15;
	v47 =	vnsel vm1, $0x0, v36  }
0x212: {  	v48 =	vnsel vm1, $0x0, v37;
	vm1 =	veq.s32 v44, $0x5;
	v46 =	vsub.f32 $1.000000000e+00, v35  }
0x213: {  	v15 =	vadd.f32 v47, v16;
	v16 =	vadd.f32 v48, v17;
	v50 =	vnsel vm1, $0x0, v36  }
0x214: {  	v51 =	vnsel vm1, $0x0, v37;
	v49 =	vmul.f32 v35, v35;
	v42 =	vmul.f32 v46, v46  }
0x215: {  	vm1 =	veq.s32 v44, $0x6;
	v17 =	vadd.f32 v50, v18;
	v18 =	vadd.f32 v51, v19  }
0x216: {  	v52 =	vnsel vm1, $0x0, v36;
	v41 =	vmul.f32 v49, v49;
	v42 =	vmul.f32 v42, v42  }
0x217: {  	v53 =	vnsel vm1, $0x0, v37;
	vm1 =	veq.s32 v44, $0x7;
	v19 =	vadd.f32 v52, v20  }
0x218: {  	v50 =	vnsel vm2, $0x0, v36;
	v20 =	vadd.f32 v53, v21;
	v42 =	vadd.f32 v42, v41  }
0x219: {  	v63 =	vld [tilespmem:$0x3B0];
	v54 =	vnsel vm1, $0x0, v36;
	v55 =	vnsel vm1, $0x0, v37;
	vm1 =	veq.s32 v44, $0x8  }
0x21a: {  	v27 =	vadd.f32 v50, v27;
	v52 =	vnsel vm2, $0x0, v37;
	(erf) = vrcp.f32 v42  }
0x21b: {  	vm2 =	veq.s32 v44, $0xD;
	v21 =	vadd.f32 v54, v22;
	v22 =	vadd.f32 v55, v23  }
0x21c: {  	v56 =	vnsel vm1, $0x0, v36;
	v57 =	vnsel vm1, $0x0, v37;
	vm1 =	veq.s32 v44, $0x9  }
0x21d: {  	v23 =	vadd.f32 v56, v24;
	v24 =	vadd.f32 v57, v25;
	v58 =	vnsel vm1, $0x0, v36  }
0x21e: {  	v61 =	vld [tilespmem:$0x5A0];
	v59 =	vnsel vm1, $0x0, v37;
	vm1 =	veq.s32 v44, $0xA;
	v56 =	vadd.f32 $9.999999970e-07, v63  }
0x21f: {  	v57 =	vnsel vm2, $0x0, v36;
	v25 =	vadd.f32 v58, v26;
	v26 =	vadd.f32 v59, v28  }
0x220: {  	v60 =	vnsel vm1, $0x0, v36;
	v62 =	vnsel vm1, $0x0, v37;
	vm1 =	veq.s32 v44, $0xB  }
0x221: {  	v31 =	vadd.f32 v57, v31;
	v59 =	vnsel vm2, $0x0, v37;
	v28 =	vadd.f32 v60, v29  }
0x222: {  	v51 =	vld [tilespmem:$0x7A0];
	v29 =	vadd.f32 v62, v30;
	v48 =	vnsel vm1, $0x0, v36;
	v49 =	vnsel vm1, $0x0, v37  }
0x223: {  	vm1 =	vgt.f32 v61, $0.0e+00;
	v38 =	vadd.f32 v59, v38;
	v53 =	vpop (erf);
	(erf) = vrcp.f32 v56  }
0x224: {  	v30 =	vadd.f32 v48, v32;
	v32 =	vadd.f32 v49, v33;
	v54 =	vmul.f32 v53, v41  }
0x225: {  	v33 =	vadd.f32 v52, v34;
	v55 =	vsel vm1, $0x3F800000, v0;
	vm1 =	veq.s32 v44, $0xE  }
0x226: {  	v58 =	vsub.f32 $1.000000000e+00, v55;
	v61 =	vnsel vm1, $0x0, v36;
	v45 =	vsub.f32 $1.000000000e+00, v54  }
0x227: {  	v46 =	vld [tilespmem:$0x1B0];
	v62 =	vnsel vm1, $0x0, v37;
	vm1 =	veq.s32 v44, $0xF;
	v34 =	vmul.f32 v54, v51  }
0x228: {  	v39 =	vadd.f32 v61, v39;
	v42 =	vld [tilespmem:$0x9A0];
	v60 =	vmul.f32 v45, v58;
	v45 =	vmul.f32 v45, v55  }
0x229: {  	v36 =	vnsel vm1, $0x0, v36;
	v40 =	vadd.f32 v62, v40;
	v34 =	vmul.f32 v34, v55  }
0x22a: {  	v47 =	vnsel vm1, $0x0, v37;
	v45 =	vmul.f32 $5.000000000e-01, v45;
	v43 =	vmul.f32 v60, v51  }
0x22b: {  	v5 =	vadd.f32 v36, v5;
	v6 =	vadd.f32 v47, v6  }
0x22c: {  	v63 =	vadd.f32 v45, v34;
	v43 =	vmul.f32 $5.000000000e-01, v43;
	v34 =	vmul.f32 v34, v35;
	v51 =	vpop (erf)  }
0x22d: {  	vm1 =	veq.s32 v42, $0x0;
	vm2 =	veq.s32 v42, $0x1;
	v35 =	vmul.f32 v51, v46  }
0x22e: {  	v37 =	vadd.f32 v43, v63;
	v48 =	vnsel vm1, $0x0, v34;
	v50 =	vnsel vm2, $0x0, v34  }
0x22f: {  	v7 =	vadd.f32 v48, v7;
	v9 =	vadd.f32 v50, v9  }
0x230: {  	v55 =	vsub.f32 $1.000000000e+00, v35;
	v58 =	vmul.f32 v35, v35;
	v49 =	vnsel vm1, $0x0, v37  }
0x231: {  	vm1 =	veq.s32 v42, $0x2;
	v52 =	vnsel vm2, $0x0, v37;
	v8 =	vadd.f32 v49, v8  }
0x232: {  	v53 =	vnsel vm1, $0x0, v34;
	v10 =	vadd.f32 v52, v10;
	v54 =	vnsel vm1, $0x0, v37  }
0x233: {  	vm1 =	veq.s32 v42, $0x3;
	v41 =	vmul.f32 v55, v55;
	v44 =	vmul.f32 v58, v58  }
0x234: {  	v11 =	vadd.f32 v53, v11;
	v12 =	vadd.f32 v54, v12;
	v56 =	vnsel vm1, $0x0, v34  }
0x235: {  	v57 =	vnsel vm1, $0x0, v37;
	vm1 =	veq.s32 v42, $0x4;
	v13 =	vadd.f32 v56, v13  }
0x236: {  	v14 =	vadd.f32 v57, v14;
	v59 =	vnsel vm1, $0x0, v34;
	v41 =	vmul.f32 v41, v41  }
0x237: {  	v60 =	vnsel vm1, $0x0, v37;
	vm1 =	veq.s32 v42, $0x5;
	v15 =	vadd.f32 v59, v15  }
0x238: {  	v52 =	vld [tilespmem:$0x5B0];
	v16 =	vadd.f32 v60, v16;
	v61 =	vnsel vm1, $0x0, v34;
	v41 =	vadd.f32 v41, v44  }
0x239: {  	v62 =	vnsel vm1, $0x0, v37;
	vm1 =	veq.s32 v42, $0x6;
	v17 =	vadd.f32 v61, v17  }
0x23a: {  	v18 =	vadd.f32 v62, v18;
	v63 =	vnsel vm1, $0x0, v34;
	(erf) = vrcp.f32 v41  }
0x23b: {  	v45 =	vnsel vm1, $0x0, v37;
	vm1 =	veq.s32 v42, $0x7;
	v19 =	vadd.f32 v63, v19  }
0x23c: {  	v20 =	vadd.f32 v45, v20;
	v46 =	vnsel vm1, $0x0, v34;
	v47 =	vnsel vm1, $0x0, v37  }
0x23d: {  	vm1 =	veq.s32 v42, $0x8;
	vm2 =	vgt.f32 v52, $0.0e+00;
	v21 =	vadd.f32 v46, v21  }
0x23e: {  	v36 =	vadd.f32 v47, v22;
	v48 =	vnsel vm1, $0x0, v34;
	v49 =	vnsel vm1, $0x0, v37  }
0x23f: {  	vm1 =	veq.s32 v42, $0x9;
	v41 =	vadd.f32 v48, v23;
	v43 =	vadd.f32 v49, v24  }
0x240: {  	v50 =	vnsel vm1, $0x0, v34;
	v51 =	vnsel vm1, $0x0, v37;
	vm1 =	veq.s32 v42, $0xA  }
0x241: {  	v24 =	vsel vm2, $0x3F800000, v0;
	v45 =	vadd.f32 v50, v25;
	v46 =	vadd.f32 v51, v26  }
0x242: {  	v56 =	vld [tilespmem:$0x7B0];
	v53 =	vnsel vm1, $0x0, v34;
	v54 =	vnsel vm1, $0x0, v37;
	vm1 =	veq.s32 v42, $0xB  }
0x243: {  	v62 =	vsub.f32 $1.000000000e+00, v24;
	v28 =	vadd.f32 v53, v28;
	v55 =	vnsel vm1, $0x0, v34;
	v58 =	vpop (erf)  }
0x244: {  	v57 =	vnsel vm1, $0x0, v37;
	vm1 =	veq.s32 v42, $0xC;
	v25 =	vmul.f32 v58, v44  }
0x245: {  	v29 =	vadd.f32 v54, v29;
	v30 =	vadd.f32 v55, v30;
	v59 =	vnsel vm1, $0x0, v34  }
0x246: {  	v32 =	vadd.f32 v57, v32;
	v60 =	vnsel vm1, $0x0, v37;
	v61 =	vsub.f32 $1.000000000e+00, v25  }
0x247: {  	vm1 =	veq.s32 v42, $0xD;
	v27 =	vadd.f32 v59, v27;
	v63 =	vmul.f32 v25, v56  }
0x248: {  	v33 =	vadd.f32 v60, v33;
	v44 =	vmul.f32 v61, v62;
	v26 =	vmul.f32 v61, v24  }
0x249: {  	v48 =	vnsel vm1, $0x0, v34;
	v49 =	vnsel vm1, $0x0, v37;
	v22 =	vmul.f32 v63, v24  }
0x24a: {  	vm1 =	veq.s32 v42, $0xE;
	v23 =	vmul.f32 v44, v56;
	v44 =	vld [tilespmem:$0x9B0];
	v50 =	vmul.f32 $5.000000000e-01, v26  }
0x24b: {  	v31 =	vadd.f32 v48, v31;
	v51 =	vnsel vm1, $0x0, v34;
	v52 =	vnsel vm1, $0x0, v37  }
0x24c: {  	vm1 =	veq.s32 v42, $0xF;
	v24 =	vadd.f32 v50, v22;
	v23 =	vmul.f32 $5.000000000e-01, v23  }
0x24d: {  	v38 =	vadd.f32 v49, v38;
	v39 =	vadd.f32 v51, v39;
	v53 =	vnsel vm1, $0x0, v34  }
0x24e: {  	v54 =	vnsel vm1, $0x0, v37;
	v34 =	vmul.f32 v22, v35;
	v35 =	vadd.f32 v23, v24  }
0x24f: {  	v37 =	vadd.f32 v53, v5;
	v42 =	vadd.f32 v54, v6;
	vm1 =	veq.s32 v44, $0x0  }
0x250: {  	v5 =	vnsel vm1, $0x0, v34;
	v6 =	vnsel vm1, $0x0, v35;
	vm1 =	veq.s32 v44, $0x1  }
0x251: {  	v5 =	vadd.f32 v5, v7;
	v7 =	vadd.f32 v6, v8;
	v6 =	vnsel vm1, $0x0, v34  }
0x252: {  	v47 =	vadd.f32 v6, v9;
	v6 =	vnsel vm1, $0x0, v35;
	vm1 =	veq.s32 v44, $0x2  }
0x253: {  	v40 =	vadd.f32 v52, v40;
	v48 =	vadd.f32 v6, v10;
	v6 =	vnsel vm1, $0x0, v34  }
0x254: {  	v55 =	vnsel vm1, $0x0, v35;
	vm1 =	veq.s32 v44, $0x3;
	v11 =	vadd.f32 v6, v11  }
0x255: {  	v6 =	vnsel vm1, $0x0, v34;
	v56 =	vnsel vm1, $0x0, v35;
	vm1 =	veq.s32 v44, $0x4  }
0x256: {  	v49 =	vadd.f32 v55, v12;
	v50 =	vadd.f32 v6, v13;
	v6 =	vnsel vm1, $0x0, v34  }
0x257: {  	v52 =	vadd.f32 v6, v15;
	v6 =	vnsel vm1, $0x0, v35;
	vm1 =	veq.s32 v44, $0x5  }
0x258: {  	v51 =	vadd.f32 v56, v14;
	v53 =	vadd.f32 v6, v16;
	v6 =	vnsel vm1, $0x0, v34  }
0x259: {  	v57 =	vnsel vm1, $0x0, v35;
	vm1 =	veq.s32 v44, $0x6;
	v26 =	vadd.f32 v6, v17  }
0x25a: {  	v6 =	vnsel vm1, $0x0, v34;
	v58 =	vnsel vm1, $0x0, v35;
	vm1 =	veq.s32 v44, $0x7  }
0x25b: {  	v56 =	vperm.xlane v48, v1;
	v24 =	vadd.f32 v6, v19;
	v6 =	vnsel vm1, $0x0, v34  }
0x25c: {  	v25 =	vadd.f32 v57, v18;
	v23 =	vadd.f32 v6, v21;
	v6 =	vnsel vm1, $0x0, v35  }
0x25d: {  	v22 =	vadd.f32 v58, v20;
	vm1 =	veq.s32 v44, $0x8;
	v21 =	vadd.f32 v6, v36  }
0x25e: {  	v6 =	vnsel vm1, $0x0, v34;
	v59 =	vnsel vm1, $0x0, v35;
	vm1 =	veq.s32 v44, $0x9  }
0x25f: {  	v20 =	vadd.f32 v6, v41;
	v19 =	vadd.f32 v59, v43;
	v6 =	vnsel vm1, $0x0, v34  }
0x260: {  	v60 =	vnsel vm1, $0x0, v35;
	vm1 =	veq.s32 v44, $0xA;
	v59 =	vadd.f32 v56, v48  }
0x261: {  	v43 =	vperm.xlane v7, v1;
	v18 =	vadd.f32 v6, v45;
	v16 =	vadd.f32 v60, v46  }
0x262: {  	v6 =	vnsel vm1, $0x0, v34;
	v45 =	vperm.xlane v47, v1;
	v60 =	vperm.xlane v11, v1  }
0x263: {  	v17 =	vadd.f32 v6, v28;
	v6 =	vnsel vm1, $0x0, v35;
	vm1 =	veq.s32 v44, $0xB  }
0x264: {  	v46 =	vadd.f32 v7, v43;
	v61 =	vnsel vm1, $0x0, v34;
	v62 =	vnsel vm1, $0x0, v35  }
0x265: {  	vm1 =	veq.s32 v44, $0xC;
	v15 =	vadd.f32 v6, v29;
	v54 =	vadd.f32 v47, v45  }
0x266: {  	v45 =	vperm.xlane v50, v1;
	v13 =	vadd.f32 v61, v30;
	v6 =	vnsel vm1, $0x0, v34  }
0x267: {  	v63 =	vnsel vm1, $0x0, v35;
	vm1 =	veq.s32 v44, $0xD;
	v30 =	vperm.xlane v5, v1  }
0x268: {  	v14 =	vadd.f32 v62, v32;
	v57 =	vperm.xlane v46, v2;
	v8 =	vadd.f32 v6, v27  }
0x269: {  	v6 =	vnsel vm1, $0x0, v34;
	v32 =	vnsel vm1, $0x0, v35;
	vm1 =	veq.s32 v44, $0xE  }
0x26a: {  	v12 =	vadd.f32 v63, v33;
	v58 =	vperm.xlane v54, v2;
	v63 =	vperm.xlane v59, v2  }
0x26b: {  	v36 =	vadd.f32 v5, v30;
	v6 =	vadd.f32 v6, v31;
	v5 =	vnsel vm1, $0x0, v34  }
0x26c: {  	v10 =	vadd.f32 v32, v38;
	v41 =	vnsel vm1, $0x0, v35;
	v28 =	vadd.f32 v46, v57  }
0x26d: {  	vm1 =	veq.s32 v44, $0xF;
	v31 =	vadd.f32 v60, v11;
	v5 =	vadd.f32 v5, v39  }
0x26e: {  	v9 =	vadd.f32 v41, v40;
	v7 =	vnsel vm1, $0x0, v34;
	v61 =	vnsel vm1, $0x0, v35  }
0x26f: {  	v29 =	vadd.f32 v54, v58;
	v30 =	vadd.f32 v63, v59;
	vm1 =	vcmask $0x308  }
0x270: {  	v34 =	vadd.f32 v45, v50;
	v50 =	vperm.xlane v52, v1;
	v59 =	vperm.xlane v53, v1  }
0x271: {  	v63 =	vperm.xlane v26, v1;
	v39 =	vperm.xlane v36, v2;
	v7 =	vadd.f32 v7, v37  }
0x272: {  	v11 =	vadd.f32 v61, v42;
	v38 =	vperm.xlane v31, v2;
	v37 =	vperm.xlane v29, v3  }
0x273: {  	v40 =	vperm.xlane v30, v3;
	v48 =	vperm.xlane v34, v2;
	v57 =	vadd.f32 v50, v52  }
0x274: {  	v26 =	vadd.f32 v63, v26;
	v27 =	vadd.f32 v36, v39;
	v36 =	vperm.xlane v28, v3  }
0x275: {  	v39 =	vperm.xlane v49, v1;
	v31 =	vadd.f32 v38, v31;
	v29 =	vadd.f32 v29, v37  }
0x276: {  	v30 =	vadd.f32 v40, v30;
	v61 =	vperm.xlane v57, v2;
	v45 =	vperm.xlane v26, v2  }
0x277: {  	v55 =	vperm.xlane v27, v3;
	v28 =	vadd.f32 v28, v36;
	v42 =	vperm.xlane v31, v3  }
0x278: {  	v33 =	vadd.f32 v39, v49;
	v49 =	vperm.xlane v51, v1;
	v39 =	vperm.xlane v19, v1  }
0x279: {  	v35 =	vperm.xlane v29, v4;
	v44 =	vperm.xlane v30, v4;
	v40 =	vadd.f32 v61, v57  }
0x27a: {  	v26 =	vadd.f32 v45, v26;
	v57 =	vperm.xlane v22, v1;
	v61 =	vperm.xlane v21, v1  }
0x27b: {  	v27 =	vadd.f32 v27, v55;
	v41 =	vperm.xlane v28, v4;
	v31 =	vadd.f32 v42, v31  }
0x27c: {  	v43 =	vperm.xlane v33, v2;
	v55 =	vadd.f32 v48, v34;
	v19 =	vadd.f32 v39, v19  }
0x27d: {  	v29 =	vadd.f32 v29, v35;
	v30 =	vadd.f32 v44, v30;
	v44 =	vperm.xlane v40, v3  }
0x27e: {  	v52 =	vperm.xlane v26, v3;
	v22 =	vadd.f32 v57, v22;
	v21 =	vadd.f32 v61, v21  }
0x27f: {  	v62 =	vperm.xlane v27, v4;
	v28 =	vadd.f32 v28, v41;
	v32 =	vadd.f32 v43, v33  }
0x280: {  	v46 =	vperm.xlane v31, v4;
	v58 =	vperm.xlane v55, v3;
	v29 =	vsel vm1, $0x0, v29  }
0x281: {  	v30 =	vsel vm1, $0x0, v30;
	vm1 =	vcmask $0x70C;
	v26 =	vadd.f32 v52, v26  }
0x282: {  	v35 =	vperm.xlane v21, v2;
	v52 =	vperm.xlane v15, v1;
	v27 =	vadd.f32 v27, v62  }
0x283: {  	v28 =	vnsel vm0, $0x0, v28;
	v31 =	vadd.f32 v46, v31;
	v62 =	vadd.f32 v59, v53  }
0x284: {  	v47 =	vperm.xlane v32, v3;
	v46 =	vadd.f32 v44, v40;
	v28 =	vadd.f32 $0.0e+00, v28  }
0x285: {  	v44 =	vperm.xlane v18, v1;
	v21 =	vadd.f32 v35, v21;
	v15 =	vadd.f32 v52, v15  }
0x286: {  	v35 =	vperm.xlane v11, v1;
	v27 =	vnsel vm0, $0x0, v27;
	v54 =	vsel vm1, $0x0, v31  }
0x287: {  	v42 =	vperm.xlane v62, v2;
	v50 =	vperm.xlane v46, v4;
	v18 =	vadd.f32 v44, v18  }
0x288: {  	v44 =	vperm.xlane v5, v1;
	v27 =	vadd.f32 $0.0e+00, v27;
	v28 =	vadd.f32 v28, v30  }
0x289: {  	v30 =	vadd.f32 v58, v55;
	v55 =	vperm.xlane v26, v4;
	v58 =	vperm.xlane v23, v1  }
0x28a: {  	v40 =	vperm.xlane v21, v3;
	v11 =	vadd.f32 v35, v11;
	v31 =	vadd.f32 v42, v62  }
0x28b: {  	v62 =	vperm.xlane v22, v2;
	v5 =	vadd.f32 v44, v5;
	v27 =	vadd.f32 v27, v29  }
0x28c: {  	v29 =	vadd.f32 v47, v32;
	v32 =	vadd.f32 v49, v51;
	v41 =	vperm.xlane v30, v4  }
0x28d: {  	v47 =	vperm.xlane v25, v1;
	v26 =	vadd.f32 v55, v26;
	v23 =	vadd.f32 v58, v23  }
0x28e: {  	v21 =	vadd.f32 v40, v21;
	v40 =	vperm.xlane v11, v2;
	v48 =	vperm.xlane v31, v3  }
0x28f: {  	v22 =	vadd.f32 v62, v22;
	v56 =	vperm.xlane v29, v4;
	v27 =	vadd.f32 v54, v27  }
0x290: {  	v60 =	vperm.xlane v32, v2;
	v30 =	vadd.f32 v41, v30;
	v25 =	vadd.f32 v47, v25  }
0x291: {  	v54 =	vperm.xlane v24, v1;
	v26 =	vsel vm5, $0x0, v26;
	v63 =	vperm.xlane v23, v2  }
0x292: {  	v47 =	vperm.xlane v18, v2;
	v11 =	vadd.f32 v40, v11;
	v51 =	vadd.f32 v48, v31  }
0x293: {  	v36 =	vperm.xlane v22, v3;
	v48 =	vperm.xlane v16, v1;
	v29 =	vadd.f32 v56, v29  }
0x294: {  	v32 =	vadd.f32 v60, v32;
	v30 =	vsel vm3, $0x0, v30;
	v24 =	vadd.f32 v54, v24  }
0x295: {  	v33 =	vperm.xlane v25, v2;
	v23 =	vadd.f32 v63, v23;
	v18 =	vadd.f32 v47, v18  }
0x296: {  	v27 =	vadd.f32 v30, v27;
	v53 =	vperm.xlane v51, v4;
	v22 =	vadd.f32 v36, v22  }
0x297: {  	v16 =	vadd.f32 v48, v16;
	v48 =	vperm.xlane v7, v1;
	v29 =	vsel vm1, $0x0, v29  }
0x298: {  	v43 =	vperm.xlane v32, v3;
	v25 =	vadd.f32 v33, v25;
	v31 =	vperm.xlane v24, v2  }
0x299: {  	v33 =	vperm.xlane v20, v1;
	v37 =	vperm.xlane v23, v3;
	v28 =	vadd.f32 v29, v28  }
0x29a: {  	v30 =	vadd.f32 v53, v51;
	v41 =	vperm.xlane v22, v4;
	v51 =	vperm.xlane v18, v3  }
0x29b: {  	v53 =	vperm.xlane v16, v2;
	v7 =	vadd.f32 v48, v7;
	v29 =	vadd.f32 v43, v32  }
0x29c: {  	v32 =	vadd.f32 v50, v46;
	v56 =	vperm.xlane v25, v3;
	v24 =	vadd.f32 v31, v24  }
0x29d: {  	v20 =	vadd.f32 v33, v20;
	v23 =	vadd.f32 v37, v23;
	v33 =	vperm.xlane v9, v1  }
0x29e: {  	v30 =	vsel vm4, $0x0, v30;
	v22 =	vadd.f32 v41, v22;
	v18 =	vadd.f32 v51, v18  }
0x29f: {  	v16 =	vadd.f32 v53, v16;
	v41 =	vperm.xlane v6, v1;
	v51 =	vperm.xlane v7, v2  }
0x2a0: {  	v49 =	vperm.xlane v29, v4;
	v32 =	vsel vm4, $0x0, v32;
	v60 =	vperm.xlane v24, v3  }
0x2a1: {  	v25 =	vadd.f32 v56, v25;
	v38 =	vperm.xlane v20, v2;
	v42 =	vperm.xlane v23, v4  }
0x2a2: {  	v56 =	vperm.xlane v15, v2;
	v9 =	vadd.f32 v33, v9;
	v27 =	vadd.f32 v32, v27  }
0x2a3: {  	v22 =	vsel vm6, $0x0, v22;
	v55 =	vperm.xlane v18, v4;
	v6 =	vadd.f32 v41, v6  }
0x2a4: {  	v57 =	vperm.xlane v16, v3;
	v7 =	vadd.f32 v51, v7;
	v29 =	vadd.f32 v49, v29  }
0x2a5: {  	v59 =	vperm.xlane v25, v4;
	v24 =	vadd.f32 v60, v24;
	v20 =	vadd.f32 v38, v20  }
0x2a6: {  	v23 =	vadd.f32 v42, v23;
	v49 =	vperm.xlane v17, v1;
	v15 =	vadd.f32 v56, v15  }
0x2a7: {  	v60 =	vperm.xlane v14, v1;
	v37 =	vperm.xlane v9, v2;
	v26 =	vadd.f32 v26, v27  }
0x2a8: {  	v27 =	vperm.xlane v19, v2;
	v18 =	vadd.f32 v55, v18;
	v16 =	vadd.f32 v57, v16  }
0x2a9: {  	v56 =	vperm.xlane v7, v3;
	v29 =	vsel vm3, $0x0, v29;
	v25 =	vadd.f32 v59, v25  }
0x2aa: {  	v34 =	vperm.xlane v24, v4;
	v43 =	vperm.xlane v20, v3;
	v23 =	vsel vm7, $0x0, v23  }
0x2ab: {  	v17 =	vadd.f32 v49, v17;
	v59 =	vperm.xlane v13, v1;
	v14 =	vadd.f32 v60, v14  }
0x2ac: {  	v9 =	vadd.f32 v37, v9;
	v49 =	vperm.xlane v5, v2;
	v28 =	vadd.f32 v29, v28  }
0x2ad: {  	v19 =	vadd.f32 v27, v19;
	v18 =	vsel vm9, $0x0, v18;
	v61 =	vperm.xlane v16, v4  }
0x2ae: {  	v29 =	vperm.xlane v10, v1;
	v7 =	vadd.f32 v56, v7;
	v25 =	vsel vm5, $0x0, v25  }
0x2af: {  	v24 =	vadd.f32 v34, v24;
	v20 =	vadd.f32 v43, v20;
	v54 =	vperm.xlane v17, v2  }
0x2b0: {  	v13 =	vadd.f32 v59, v13;
	v42 =	vperm.xlane v9, v3;
	v5 =	vadd.f32 v49, v5  }
0x2b1: {  	v28 =	vadd.f32 v30, v28;
	v46 =	vperm.xlane v19, v3;
	v17 =	vadd.f32 v54, v17  }
0x2b2: {  	v16 =	vadd.f32 v61, v16;
	v10 =	vadd.f32 v29, v10;
	v24 =	vsel vm6, $0x0, v24  }
0x2b3: {  	v45 =	vperm.xlane v20, v4;
	v9 =	vadd.f32 v42, v9;
	v58 =	vperm.xlane v17, v3  }
0x2b4: {  	v25 =	vadd.f32 v25, v28;
	v28 =	vperm.xlane v21, v4;
	v19 =	vadd.f32 v46, v19  }
0x2b5: {  	v62 =	vperm.xlane v13, v2;
	v24 =	vadd.f32 v24, v26;
	v17 =	vadd.f32 v58, v17  }
0x2b6: {  	v53 =	vperm.xlane v5, v3;
	v21 =	vadd.f32 v28, v21;
	v50 =	vperm.xlane v19, v4  }
0x2b7: {  	v22 =	vadd.f32 v22, v25;
	v23 =	vadd.f32 v23, v24;
	v24 =	vperm.xlane v17, v4  }
0x2b8: {  	v20 =	vadd.f32 v45, v20;
	v21 =	vsel vm7, $0x0, v21;
	v19 =	vadd.f32 v50, v19  }
0x2b9: {  	v21 =	vadd.f32 v21, v22;
	v17 =	vadd.f32 v24, v17;
	v24 =	vperm.xlane v12, v1  }
0x2ba: {  	v16 =	vsel vm9, $0x0, v16;
	v20 =	vsel vm8, $0x0, v20;
	v19 =	vsel vm8, $0x0, v19  }
0x2bb: {  	v19 =	vadd.f32 v19, v21;
	v21 =	vperm.xlane v14, v2;
	v12 =	vadd.f32 v24, v12  }
0x2bc: {  	v46 =	vperm.xlane v6, v2;
	v20 =	vadd.f32 v20, v23;
	v23 =	vperm.xlane v15, v3  }
0x2bd: {  	v13 =	vadd.f32 v62, v13;
	v14 =	vadd.f32 v21, v14;
	v27 =	vperm.xlane v12, v2  }
0x2be: {  	v45 =	vperm.xlane v11, v3;
	v18 =	vadd.f32 v18, v20;
	v15 =	vadd.f32 v23, v15  }
0x2bf: {  	v20 =	vperm.xlane v10, v2;
	v26 =	vperm.xlane v14, v3;
	v12 =	vadd.f32 v27, v12  }
0x2c0: {  	v47 =	vperm.xlane v9, v4;
	v5 =	vadd.f32 v53, v5;
	v63 =	vperm.xlane v15, v4  }
0x2c1: {  	v10 =	vadd.f32 v20, v10;
	v14 =	vadd.f32 v26, v14;
	v32 =	vperm.xlane v12, v3  }
0x2c2: {  	v28 =	vperm.xlane v8, v1;
	v6 =	vadd.f32 v46, v6;
	v15 =	vadd.f32 v63, v15  }
0x2c3: {  	v39 =	vperm.xlane v10, v3;
	v31 =	vperm.xlane v14, v4;
	v12 =	vadd.f32 v32, v12  }
0x2c4: {  	v8 =	vadd.f32 v28, v8;
	v16 =	vadd.f32 v16, v19;
	v15 =	vsel vm10, $0x0, v15  }
0x2c5: {  	v10 =	vadd.f32 v39, v10;
	v14 =	vadd.f32 v31, v14;
	v36 =	vperm.xlane v12, v4  }
0x2c6: {  	v11 =	vadd.f32 v45, v11;
	v34 =	vperm.xlane v8, v2;
	v15 =	vadd.f32 v15, v16  }
0x2c7: {  	v43 =	vperm.xlane v10, v4;
	v14 =	vsel vm11, $0x0, v14;
	v12 =	vadd.f32 v36, v12  }
0x2c8: {  	v25 =	vperm.xlane v13, v3;
	v9 =	vadd.f32 v47, v9;
	v14 =	vadd.f32 v14, v15  }
0x2c9: {  	v8 =	vadd.f32 v34, v8;
	v10 =	vadd.f32 v43, v10;
	v12 =	vsel vm12, $0x0, v12  }
0x2ca: {  	v13 =	vadd.f32 v25, v13;
	v12 =	vadd.f32 v12, v14  }
0x2cb: {  	v50 =	vperm.xlane v11, v4;
	v38 =	vperm.xlane v8, v3;
	v10 =	vsel vm13, $0x0, v10  }
0x2cc: {  	v9 =	vsel vm14, $0x0, v9;
	v30 =	vperm.xlane v13, v4;
	v10 =	vadd.f32 v10, v12  }
0x2cd: {  	v11 =	vadd.f32 v50, v11;
	v8 =	vadd.f32 v38, v8;
	v16 =	vperm.xlane v6, v3  }
0x2ce: {  	v17 =	vsel vm10, $0x0, v17;
	v13 =	vadd.f32 v30, v13;
	v9 =	vadd.f32 v9, v10  }
0x2cf: {  	v11 =	vsel vm15, $0x0, v11;
	v52 =	vperm.xlane v8, v4;
	v6 =	vadd.f32 v16, v6  }
0x2d0: {  	v17 =	vadd.f32 v17, v18;
	v9 =	vadd.f32 v11, v9  }
0x2d1: {  	v54 =	vsel vm11, $0x0, v13;
	v8 =	vadd.f32 v52, v8;
	v55 =	vperm.xlane v6, v4  }
0x2d2: {  	v12 =	vadd.f32 v54, v17;
	v57 =	vadd.f32 $1.000000010e-01, v9  }
0x2d3: {  	v58 =	vperm.xlane v5, v4;
	v8 =	vsel vm12, $0x0, v8;
	v6 =	vadd.f32 v55, v6  }
0x2d4: {  	v8 =	vadd.f32 v8, v12;
	(erf) = vrcp.f32 v57  }
0x2d5: {  	v5 =	vadd.f32 v58, v5;
	v6 =	vsel vm13, $0x0, v6;
	v10 =	vperm.xlane v7, v4  }
0x2d6: {  	v6 =	vadd.f32 v6, v8;
	vm1 =	vgt.f32 v9, $0.0e+00  }
0x2d7: {  	v5 =	vsel vm14, $0x0, v5;
	v7 =	vadd.f32 v10, v7;
	v59 =	vsel vm1, $0x3F800000, v0  }
0x2d8: {  	v5 =	vadd.f32 v5, v6;
	v6 =	vperm.xlane v59, v1  }
0x2d9: {  	v7 =	vsel vm15, $0x0, v7  }
0x2da: {  	v5 =	vadd.f32 v7, v5;
	v6 =	vadd.f32 v59, v6;
	_ =	sdelay $0x1  }
0x2db: {  	v5 =	vadd.f32 $1.000000010e-01, v5;
	v7 =	vperm.xlane v6, v2  }
0x2dc: {  	v60 =	vpop (erf)  }
0x2dd: {  	v6 =	vadd.f32 v6, v7;
	v5 =	vmul.f32 v60, v5;
	_ =	sdelay $0x1  }
0x2de: {  	v7 =	vperm.xlane v6, v3;
	v5 =	vmul.f32 v5, v59;
	_ =	sdelay $0x1  }
0x2df: {  	v6 =	vadd.f32 v6, v7;
	v7 =	vperm.xlane v5, v1;
	_ =	sdelay $0x1  }
0x2e0: {  	v61 =	vperm.xlane v6, v4;
	v7 =	vadd.f32 v5, v7;
	_ =	sdelay $0x1  }
0x2e1: {  	v6 =	vadd.f32 v6, v61;
	v62 =	vperm.xlane v7, v2;
	_ =	sdelay $0x1  }
0x2e2: {  	(erf) = vrcp.f32 v6;
	v7 =	vadd.f32 v7, v62;
	_ =	sdelay $0x1  }
0x2e3: {  	v8 =	vperm.xlane v7, v3;
	_ =	sdelay $0x1  }
0x2e4: {  	v7 =	vadd.f32 v7, v8;
	_ =	sdelay $0x1  }
0x2e5: {  	v8 =	vperm.xlane v7, v4;
	_ =	sdelay $0x1  }
0x2e6: {  	v7 =	vadd.f32 v7, v8  }
0x2e7: {  	v63 =	vpop (erf)  }
0x2e8: {  	v7 =	vmul.f32 v7, v63;
	_ =	sdelay $0x1  }
0x2e9: {  	v6 =	vmul.f32 v7, v6;
	_ =	sdelay $0x1  }
0x2ea: {  	v6 =	vadd.f32 $9.999999970e-07, v6;
	_ =	sdelay $0x1  }
0x2eb: {  	(erf) = vrcp.f32 v6;
	_ =	sdelay $0x8  }
0x2ec: {  	v6 =	vsub.f32 $1.000000000e+00, v7;
	v7 =	vpop (erf)  }
0x2ed: {  	v5 =	vmul.f32 v7, v5  }
0x2ee: {  	[tilespmem:$0xA00] =	vst v6  }
0x2ef: {  	[tilespmem:$0xA80] =	vst v5  }
0x2f0: {  	[hbm4b:s4+s10] =	stream.linear.scatter [tilespmem:s16], [sflag:$0x1], $0x80, $0x38;
	[tilespmem:$0xB00] =	vst v63  }
0x2f1: {  	_ = 	snop  }
0x2f2: {  	[hbm4b:s5+s10] =	stream.linear.scatter [tilespmem:s17], [sflag:$0x1], $0x80, $0x38;
	[tilespmem:$0xB00] =	vst v63  }
0x2f3: {  	p0 =	sne.s32 s9, $0x1;
	_ =	swait.ge [sflag:s15], $0x80  }
.Ltmp1:
0x2f4: {  	[sflag:s15] =	ssyncset.done $0x0;
	(pc) =	sbr.rel @p0 .LBB2_2-.Ltmp1, $4  }
0x2f5: {  	[sflag:s15] =	ssyncadd.s32 $0xFFFFFF80  }
0x2f6: {  	_ =	swait.ge [sflag:s15], $0x80  }
0x2f7: {  	[sflag:s15] =	ssyncset.done $0x0  }
0x2f8: {  	s9 =	sadd.s32 $0xFFFFFFFF, s9;
	[sflag:s15] =	ssyncadd.s32 $0xFFFFFF80  }
.LBB2_3:
0x2f9: {  	_ =	sfence.sel $0x180000  }
0x2fa: {  	[bflag:$0x0] =	sbarrier.arrive $0xFFFF  }
0x2fb: {  	p0 =	sne.s32 s1, $0x0;
	_ =	strace $0x90000047  }
0x2fc: {  	s0 =	sadd.s32 @!p0 $0x100000, s3;
	[bflag:$0x2] =	sbarrier.arrive $0xFFFF  }
0x2fd: {  	[sflag:s0] =	ssyncadd.tile.s32 @!p0 $0x1;
	_ =	shalt  }
.Lfunc_end2:
_tile_overlayer_lowered:
.L_overlay_start_2:
0x2fe: {  	(tag) =	ssettag $0x2  }
0x2ff: {  	s0 =	rddreg [dreg:$0x0];
	s2 =	stileid.u32  }
0x300: {  	s1 =	rddreg [dreg:$0x1];
	p0 =	sne.s32 s2, $0x0  }
0x301: {  	s3 =	rddreg [dreg:$0x2];
	[bflag:$0x3] =	sbarrier.arrive $0xFFFF;
	s2 =	simm.s32 @!p0 $0x1C02  }
0x302: {  	[timem:s3], [sflag:s2] =	dma.local @!p0 [hbm:s0], s1  }
0x303: {  	s0 =	simm.s32 @!p0 $0x2  }
0x304: {  	_ =	swait.ge @!p0 [sflag:s0], s1  }
0x305: {  	s1 =	ssub.s32 @!p0 $0x0, s1;
	[sflag:s0] =	ssyncset.done @!p0 $0x0  }
0x306: {  	[sflag:s0] =	ssyncadd.s32 @!p0 s1  }
0x307: {  	[bflag:$0x3] =	sbarrier.arrive $0xFFFF  }
0x308: {  	_ =	shalt  }

</sc_bundles>
